<compile_context>
chip_gen: v7x
topology: tpu7x:2x2x1
jax: 0.10.2.dev20260603
libtpu: 0.0.44.dev20260713+nightly
codegen_flags: <defaults>
</compile_context>

<pallas_src>
import functools

import jax
import jax.numpy as jnp
from jax import lax
from jax.experimental import pallas as pl
from jax.experimental.pallas import tpu as pltpu
from jax.experimental.pallas import tpu_sc as plsc

N_USER = 100000
N_ITEM = 1000000
EMBED = 32
REGS = 0.01
MARGIN = 1.0
BATCH = 16384
N_NEGS = 20

NBLK = N_ITEM // 128
NTAIL = N_ITEM - NBLK * 128
FMT_ROWS = N_ITEM * EMBED // 128

NC = 2
NS = 16
NW = NC * NS
PER_W = BATCH // NW
CHUNK = 128
NCHUNK = PER_W // CHUNK
GROUPS = CHUNK // 16


def _sc_body(user1d, pos1d, neg1d, negs3, uemb, iemb,
             pos_out, neg_out, rg_out, negs_out,
             uidx_v, pidx_v, nidx_v, gidx_v,
             urows, prows, nrows, grows,
             opos, oneg, org, onegs, sem):
    wid = lax.axis_index("s") * NC + lax.axis_index("c")

    iota = lax.iota(jnp.int32, 16)

    def chunk_body(c, carry):
        off = wid * PER_W + c * CHUNK
        crow = wid * NCHUNK + c
        pltpu.sync_copy(user1d.at[pl.ds(off, CHUNK)], uidx_v)
        pltpu.sync_copy(pos1d.at[pl.ds(off, CHUNK)], pidx_v)
        pltpu.sync_copy(neg1d.at[pl.ds(off, CHUNK)], nidx_v)
        pltpu.sync_copy(negs3.at[:, crow], gidx_v)

        h0 = pltpu.async_copy(uemb.at[uidx_v], urows, sem)
        h1 = pltpu.async_copy(iemb.at[pidx_v], prows, sem)
        h2 = pltpu.async_copy(iemb.at[nidx_v], nrows, sem)
        hs = []
        for t in range(N_NEGS):
            hs.append(pltpu.async_copy(
                iemb.at[gidx_v.at[t]],
                grows.at[pl.ds(t * CHUNK, CHUNK)], sem))
        h0.wait()
        h1.wait()
        h2.wait()
        for h in hs:
            h.wait()

        def group_body(g, carry2):
            rb = iota + g * 16
            rows_g = [rb + k * CHUNK for k in range(N_NEGS)]
            z = jnp.zeros((16,), jnp.float32)

            def jbody(jj, acc):
                rpos, rneg, rgs, accs = acc
                for u in range(8):
                    cj = jnp.full((16,), jj * 8 + u, jnp.int32)
                    uj = plsc.load_gather(urows, [rb, cj])
                    pj = plsc.load_gather(prows, [rb, cj])
                    nj = plsc.load_gather(nrows, [rb, cj])
                    dp = uj - pj
                    dn = uj - nj
                    rpos = rpos + dp * dp
                    rneg = rneg + dn * dn
                    rgs = rgs + uj * uj + pj * pj + nj * nj
                    new_accs = []
                    for k in range(N_NEGS):
                        xk = plsc.load_gather(grows, [rows_g[k], cj])
                        dk = uj - xk
                        new_accs.append(accs[k] + dk * dk)
                        rgs = rgs + xk * xk
                    accs = tuple(new_accs)
                return (rpos, rneg, rgs, accs)

            init = (z, z, z, (z,) * N_NEGS)
            rpos, rneg, rgs, accs = lax.fori_loop(0, EMBED // 8, jbody, init)

            goff = c * CHUNK + g * 16
            opos[pl.ds(goff, 16)] = rpos
            oneg[pl.ds(goff, 16)] = rneg
            org[pl.ds(goff, 16)] = rgs
            for k in range(N_NEGS):
                onegs[pl.ds(k * PER_W + goff, 16)] = accs[k]
            return carry2

        return lax.fori_loop(0, GROUPS, group_body, carry)

    lax.fori_loop(0, NCHUNK, chunk_body, 0)

    base = wid * PER_W
    pltpu.sync_copy(opos, pos_out.at[pl.ds(base, PER_W)])
    pltpu.sync_copy(oneg, neg_out.at[pl.ds(base, PER_W)])
    pltpu.sync_copy(org, rg_out.at[pl.ds(base, PER_W)])
    for k in range(N_NEGS):
        pltpu.sync_copy(onegs.at[pl.ds(k * PER_W, PER_W)],
                        negs_out.at[k, pl.ds(base, PER_W)])


@functools.partial(
    pl.kernel,
    out_type=(
        jax.ShapeDtypeStruct((BATCH,), jnp.float32),
        jax.ShapeDtypeStruct((BATCH,), jnp.float32),
        jax.ShapeDtypeStruct((BATCH,), jnp.float32),
        jax.ShapeDtypeStruct((N_NEGS, BATCH), jnp.float32),
    ),
    mesh=plsc.VectorSubcoreMesh(core_axis_name="c", subcore_axis_name="s",
                                num_cores=NC, num_subcores=NS),
    compiler_params=pltpu.CompilerParams(
        use_tc_tiling_on_sc=False, needs_layout_passes=False),
    scratch_types=[
        pltpu.VMEM((CHUNK,), jnp.int32),
        pltpu.VMEM((CHUNK,), jnp.int32),
        pltpu.VMEM((CHUNK,), jnp.int32),
        pltpu.VMEM((N_NEGS, CHUNK), jnp.int32),
        pltpu.VMEM((CHUNK, EMBED), jnp.float32),
        pltpu.VMEM((CHUNK, EMBED), jnp.float32),
        pltpu.VMEM((CHUNK, EMBED), jnp.float32),
        pltpu.VMEM((CHUNK * N_NEGS, EMBED), jnp.float32),
        pltpu.VMEM((PER_W,), jnp.float32),
        pltpu.VMEM((PER_W,), jnp.float32),
        pltpu.VMEM((PER_W,), jnp.float32),
        pltpu.VMEM((PER_W * N_NEGS,), jnp.float32),
        pltpu.SemaphoreType.DMA,
    ],
)
def _sc_kernel(user1d, pos1d, neg1d, negs3, uemb, iemb,
               pos_out, neg_out, rg_out, negs_out,
               *scratch):
    _sc_body(user1d, pos1d, neg1d, negs3, uemb, iemb,
             pos_out, neg_out, rg_out, negs_out, *scratch)


def _tc_body(pos_ref, neg_ref, rg_ref, negs_ref, h_ref, r_ref):
    pos_d = jnp.sqrt(pos_ref[...] + 1e-12)
    neg_d = jnp.sqrt(neg_ref[...] + 1e-12)
    s = jnp.sqrt(negs_ref[0] + 1e-12)
    for k in range(1, N_NEGS):
        s = s + jnp.sqrt(negs_ref[k] + 1e-12)
    rank = (pos_d + MARGIN - s * (1.0 / N_NEGS)) * N_USER
    hinge = jnp.sum(jnp.log(rank + 1.0)
                    * jnp.maximum(MARGIN + pos_d - neg_d, 0.0))
    h_ref[...] = jnp.reshape(hinge, (1, 1))
    r_ref[...] = jnp.reshape(REGS * 0.5 * jnp.sum(rg_ref[...]), (1, 1))


_tc_kernel = pl.pallas_call(
    _tc_body,
    out_shape=(
        jax.ShapeDtypeStruct((1, 1), jnp.float32),
        jax.ShapeDtypeStruct((1, 1), jnp.float32),
    ),
)


def kernel(user, pos, neg, negs, user_embedding, item_embedding):
    negs3 = negs.astype(jnp.int32).T.reshape(N_NEGS, BATCH // 128, 128)
    pos_ss, neg_ss, rg, negs_ss = _sc_kernel(
        user.astype(jnp.int32), pos.astype(jnp.int32), neg.astype(jnp.int32),
        negs3, user_embedding, item_embedding)
    h, r = _tc_kernel(
        pos_ss.reshape(128, 128),
        neg_ss.reshape(128, 128),
        rg.reshape(128, 128),
        negs_ss.reshape(N_NEGS, 128, 128),
    )
    return (h[0, 0], r[0, 0])

# --- scband reference (transcript-rebuilt; emitter-appended) ---
"""Pipeline reference for scband-discriminator-55078660604244 (READ-ONLY COPY).

The authoritative reference and input builder live on the scoring server;
editing this copy changes nothing except your own understanding.
"""

import jax, jax.numpy as jnp
import numpy as np

N_USER = 100000
N_ITEM = 1000000
EMBED = 32
REGS = 0.01
MARGIN = 1.0
BATCH = 16384
N_NEGS = 20


def l2_loss(*tensors):
    return 0.5 * sum(jnp.sum(t ** 2) for t in tensors)


def euclidean_distance(a, b=None):
    diff = a if b is None else a - b
    return jnp.sqrt(jnp.sum(diff ** 2, axis=-1) + 1e-12)


def setup_inputs(seed: int = 0) -> dict:
    key = jax.random.key(seed)
    k1, k2, k3, k4, k5, k6 = jax.random.split(key, 6)
    user = jax.random.randint(k1, (BATCH,), 0, N_USER, dtype=jnp.int64 if jax.config.jax_enable_x64 else jnp.int32)
    pos = jax.random.randint(k2, (BATCH,), 0, N_ITEM)
    neg = jax.random.randint(k3, (BATCH,), 0, N_ITEM)
    negs = jax.random.randint(k4, (BATCH, N_NEGS), 0, N_ITEM)
    # learned parameters (xavier-uniform-ish scale -> small values)
    user_embedding = 0.1 * jax.random.normal(k5, (N_USER, EMBED), dtype=jnp.float32)
    item_embedding = 0.1 * jax.random.normal(k6, (N_ITEM, EMBED), dtype=jnp.float32)
    return {
        "user": user,
        "pos": pos,
        "neg": neg,
        "negs": negs,
        "user_embedding": user_embedding,
        "item_embedding": item_embedding,
    }


def reference(user, pos, neg, negs, user_embedding, item_embedding):
    u_e = user_embedding[user]                     # [B, D] gather
    pos_e = item_embedding[pos]                    # [B, D] gather
    neg_e = item_embedding[neg]                    # [B, D] gather
    negs_e = item_embedding[negs]                  # [B, K, D] gather
    reg_loss = REGS * l2_loss(u_e, pos_e, neg_e, negs_e)
    pos_d = euclidean_distance(u_e, pos_e)         # [B]
    neg_d = euclidean_distance(u_e, neg_e)         # [B]
    negs_d = euclidean_distance(u_e[:, None, :] - negs_e)  # [B, K]
    impostor = pos_d[:, None] - negs_d + MARGIN    # [B, K]
    rank = jnp.mean(impostor, axis=1) * N_USER     # [B]
    hinge_loss = jnp.sum(jnp.log(rank + 1.0) * jnp.clip(MARGIN + pos_d - neg_d, 0.0))
    return (hinge_loss, reg_loss)

if __name__ == "__main__":
    import jax
    _d = setup_inputs()
    print(jax.jit(kernel)(*tuple(_d.values())))

</pallas_src>

<mosaic_0001>
#map = affine_map<(d0, d1) -> (0)>
#map1 = affine_map<(d0, d1) -> (0, 0, 0)>
#map2 = affine_map<(d0, d1) -> (0, 0)>
module attributes {stable_mosaic.version = 14 : i64} {
  func.func @_sc_kernel(%arg0: i32, %arg1: i32, %arg2: memref<16384xi32, #tpu.memory_space<hbm>>, %arg3: memref<16384xi32, #tpu.memory_space<hbm>>, %arg4: memref<16384xi32, #tpu.memory_space<hbm>>, %arg5: memref<20x128x128xi32, #tpu.memory_space<hbm>>, %arg6: memref<100000x32xf32, #tpu.memory_space<hbm>>, %arg7: memref<1000000x32xf32, #tpu.memory_space<hbm>>, %arg8: memref<16384xf32, #tpu.memory_space<hbm>>, %arg9: memref<16384xf32, #tpu.memory_space<hbm>>, %arg10: memref<16384xf32, #tpu.memory_space<hbm>>, %arg11: memref<20x16384xf32, #tpu.memory_space<hbm>>, %arg12: memref<128xi32, #tpu.memory_space<vmem>>, %arg13: memref<128xi32, #tpu.memory_space<vmem>>, %arg14: memref<128xi32, #tpu.memory_space<vmem>>, %arg15: memref<20x128xi32, #tpu.memory_space<vmem>>, %arg16: memref<128x32xf32, #tpu.memory_space<vmem>>, %arg17: memref<128x32xf32, #tpu.memory_space<vmem>>, %arg18: memref<128x32xf32, #tpu.memory_space<vmem>>, %arg19: memref<2560x32xf32, #tpu.memory_space<vmem>>, %arg20: memref<512xf32, #tpu.memory_space<vmem>>, %arg21: memref<512xf32, #tpu.memory_space<vmem>>, %arg22: memref<512xf32, #tpu.memory_space<vmem>>, %arg23: memref<10240xf32, #tpu.memory_space<vmem>>, %arg24: memref<!tpu.dma_semaphore, #tpu.memory_space<semaphore_mem>>) attributes {dimension_semantics = [#tpu.dimension_semantics<core_parallel>, #tpu.dimension_semantics<subcore_parallel>], iteration_bounds = array<i64: 2, 16>, scalar_prefetch = 0 : i64, scratch_operands = 13 : i64, tpu.core_type = #tpu.core_type<sc_vector_subcore>, window_params = [{transform_indices = #map}, {transform_indices = #map}, {transform_indices = #map}, {transform_indices = #map1}, {transform_indices = #map2}, {transform_indices = #map2}, {transform_indices = #map}, {transform_indices = #map}, {transform_indices = #map}, {transform_indices = #map2}]} {
    %mul3A = arith.constant 2 : i32
    %mul3A_0 = arith.muli %arg1, %mul3A : i32
    %add3A = arith.addi %mul3A_0, %arg0 : i32
    %iota3A = tpu.iota {dimensions = array<i32: 0>} : vector<16xi32>
    %scan3A = arith.constant 0 : i32
    %scan3A_1 = arith.constant 0 : i32
    %scan3A_2 = arith.constant 4 : i32
    %scan3A_3 = arith.addi %scan3A_1, %scan3A_2 : i32
    %scan3A_4 = arith.constant 1 : i32
    scf.for %scan3A_27 = %scan3A_1 to %scan3A_3 step %scan3A_4  : i32 {
      %mul3A_28 = arith.constant 512 : i32
      %mul3A_29 = arith.muli %add3A, %mul3A_28 : i32
      %mul3A_30 = arith.constant 128 : i32
      %mul3A_31 = arith.muli %scan3A_27, %mul3A_30 : i32
      %add3A_32 = arith.addi %mul3A_29, %mul3A_31 : i32
      %mul3A_33 = arith.constant 4 : i32
      %mul3A_34 = arith.muli %add3A, %mul3A_33 : i32
      %add3A_35 = arith.addi %mul3A_34, %scan3A_27 : i32
      "tpu.region"() ({
        %run_scoped3A_457 = tpu.sem_alloc : memref<!tpu.dma_semaphore, #tpu.memory_space<semaphore_mem>>
        %dma_start3A_458 = tpu.memref_slice %arg2[%add3A_32] : memref<16384xi32, #tpu.memory_space<hbm>> -> memref<128xi32, #tpu.memory_space<hbm>>
        %dma_start3A_459 = tpu.memref_slice %arg2[%add3A_32] : memref<16384xi32, #tpu.memory_space<hbm>> -> memref<128xi32, #tpu.memory_space<hbm>>
        tpu.enqueue_dma source(%dma_start3A_459 : memref<128xi32, #tpu.memory_space<hbm>>) target(%arg12 : memref<128xi32, #tpu.memory_space<vmem>>) target_semaphore(%run_scoped3A_457 : memref<!tpu.dma_semaphore, #tpu.memory_space<semaphore_mem>>)
        %dma_wait3A_460 = tpu.memref_slice %arg2[%add3A_32] : memref<16384xi32, #tpu.memory_space<hbm>> -> memref<128xi32, #tpu.memory_space<hbm>>
        %dma_wait3A_461 = tpu.memref_slice %arg2[%add3A_32] : memref<16384xi32, #tpu.memory_space<hbm>> -> memref<128xi32, #tpu.memory_space<hbm>>
        tpu.wait_dma2 semaphore(%run_scoped3A_457 : memref<!tpu.dma_semaphore, #tpu.memory_space<semaphore_mem>>) src(%dma_wait3A_461 : memref<128xi32, #tpu.memory_space<hbm>>) dst(%arg12 : memref<128xi32, #tpu.memory_space<vmem>>)
        tpu.yield
      }) : () -> ()
      "tpu.region"() ({
        %run_scoped3A_457 = tpu.sem_alloc : memref<!tpu.dma_semaphore, #tpu.memory_space<semaphore_mem>>
        %dma_start3A_458 = tpu.memref_slice %arg3[%add3A_32] : memref<16384xi32, #tpu.memory_space<hbm>> -> memref<128xi32, #tpu.memory_space<hbm>>
        %dma_start3A_459 = tpu.memref_slice %arg3[%add3A_32] : memref<16384xi32, #tpu.memory_space<hbm>> -> memref<128xi32, #tpu.memory_space<hbm>>
        tpu.enqueue_dma source(%dma_start3A_459 : memref<128xi32, #tpu.memory_space<hbm>>) target(%arg13 : memref<128xi32, #tpu.memory_space<vmem>>) target_semaphore(%run_scoped3A_457 : memref<!tpu.dma_semaphore, #tpu.memory_space<semaphore_mem>>)
        %dma_wait3A_460 = tpu.memref_slice %arg3[%add3A_32] : memref<16384xi32, #tpu.memory_space<hbm>> -> memref<128xi32, #tpu.memory_space<hbm>>
        %dma_wait3A_461 = tpu.memref_slice %arg3[%add3A_32] : memref<16384xi32, #tpu.memory_space<hbm>> -> memref<128xi32, #tpu.memory_space<hbm>>
        tpu.wait_dma2 semaphore(%run_scoped3A_457 : memref<!tpu.dma_semaphore, #tpu.memory_space<semaphore_mem>>) src(%dma_wait3A_461 : memref<128xi32, #tpu.memory_space<hbm>>) dst(%arg13 : memref<128xi32, #tpu.memory_space<vmem>>)
        tpu.yield
      }) : () -> ()
      "tpu.region"() ({
        %run_scoped3A_457 = tpu.sem_alloc : memref<!tpu.dma_semaphore, #tpu.memory_space<semaphore_mem>>
        %dma_start3A_458 = tpu.memref_slice %arg4[%add3A_32] : memref<16384xi32, #tpu.memory_space<hbm>> -> memref<128xi32, #tpu.memory_space<hbm>>
        %dma_start3A_459 = tpu.memref_slice %arg4[%add3A_32] : memref<16384xi32, #tpu.memory_space<hbm>> -> memref<128xi32, #tpu.memory_space<hbm>>
        tpu.enqueue_dma source(%dma_start3A_459 : memref<128xi32, #tpu.memory_space<hbm>>) target(%arg14 : memref<128xi32, #tpu.memory_space<vmem>>) target_semaphore(%run_scoped3A_457 : memref<!tpu.dma_semaphore, #tpu.memory_space<semaphore_mem>>)
        %dma_wait3A_460 = tpu.memref_slice %arg4[%add3A_32] : memref<16384xi32, #tpu.memory_space<hbm>> -> memref<128xi32, #tpu.memory_space<hbm>>
        %dma_wait3A_461 = tpu.memref_slice %arg4[%add3A_32] : memref<16384xi32, #tpu.memory_space<hbm>> -> memref<128xi32, #tpu.memory_space<hbm>>
        tpu.wait_dma2 semaphore(%run_scoped3A_457 : memref<!tpu.dma_semaphore, #tpu.memory_space<semaphore_mem>>) src(%dma_wait3A_461 : memref<128xi32, #tpu.memory_space<hbm>>) dst(%arg14 : memref<128xi32, #tpu.memory_space<vmem>>)
        tpu.yield
      }) : () -> ()
      "tpu.region"() ({
        %run_scoped3A_457 = tpu.sem_alloc : memref<!tpu.dma_semaphore, #tpu.memory_space<semaphore_mem>>
        %dma_start3A_458 = arith.constant 0 : i32
        %dma_start3A_459 = arith.constant 0 : i32
        %dma_start3A_460 = tpu.memref_slice %arg5[%dma_start3A_458, %add3A_35, %dma_start3A_459] : memref<20x128x128xi32, #tpu.memory_space<hbm>> -> memref<20x1x128xi32, #tpu.memory_space<hbm>>
        %dma_start3A_461 = tpu.memref_squeeze %dma_start3A_460 : memref<20x1x128xi32, #tpu.memory_space<hbm>> -> memref<20x128xi32, #tpu.memory_space<hbm>>
        %dma_start3A_462 = arith.constant 0 : i32
        %dma_start3A_463 = arith.constant 0 : i32
        %dma_start3A_464 = tpu.memref_slice %arg5[%dma_start3A_462, %add3A_35, %dma_start3A_463] : memref<20x128x128xi32, #tpu.memory_space<hbm>> -> memref<20x1x128xi32, #tpu.memory_space<hbm>>
        %dma_start3A_465 = tpu.memref_squeeze %dma_start3A_464 : memref<20x1x128xi32, #tpu.memory_space<hbm>> -> memref<20x128xi32, #tpu.memory_space<hbm>>
        tpu.enqueue_dma source(%dma_start3A_465 : memref<20x128xi32, #tpu.memory_space<hbm>>) target(%arg15 : memref<20x128xi32, #tpu.memory_space<vmem>>) target_semaphore(%run_scoped3A_457 : memref<!tpu.dma_semaphore, #tpu.memory_space<semaphore_mem>>)
        %dma_wait3A_466 = arith.constant 0 : i32
        %dma_wait3A_467 = arith.constant 0 : i32
        %dma_wait3A_468 = tpu.memref_slice %arg5[%dma_wait3A_466, %add3A_35, %dma_wait3A_467] : memref<20x128x128xi32, #tpu.memory_space<hbm>> -> memref<20x1x128xi32, #tpu.memory_space<hbm>>
        %dma_wait3A_469 = tpu.memref_squeeze %dma_wait3A_468 : memref<20x1x128xi32, #tpu.memory_space<hbm>> -> memref<20x128xi32, #tpu.memory_space<hbm>>
        %dma_wait3A_470 = arith.constant 0 : i32
        %dma_wait3A_471 = arith.constant 0 : i32
        %dma_wait3A_472 = tpu.memref_slice %arg5[%dma_wait3A_470, %add3A_35, %dma_wait3A_471] : memref<20x128x128xi32, #tpu.memory_space<hbm>> -> memref<20x1x128xi32, #tpu.memory_space<hbm>>
        %dma_wait3A_473 = tpu.memref_squeeze %dma_wait3A_472 : memref<20x1x128xi32, #tpu.memory_space<hbm>> -> memref<20x128xi32, #tpu.memory_space<hbm>>
        tpu.wait_dma2 semaphore(%run_scoped3A_457 : memref<!tpu.dma_semaphore, #tpu.memory_space<semaphore_mem>>) src(%dma_wait3A_473 : memref<20x128xi32, #tpu.memory_space<hbm>>) dst(%arg15 : memref<20x128xi32, #tpu.memory_space<vmem>>)
        tpu.yield
      }) : () -> ()
      %dma_start3A = arith.constant 0 : i32
      %dma_start3A_36 = arith.constant 0 : i32
      %dma_start3A_37 = tpu.memref_slice %arg6[%dma_start3A, %dma_start3A_36] : memref<100000x32xf32, #tpu.memory_space<hbm>> -> memref<100000x32xf32, #tpu.memory_space<hbm>>
      tpu.enqueue_indirect_dma source(%dma_start3A_37 : memref<100000x32xf32, #tpu.memory_space<hbm>>) target(%arg16 : memref<128x32xf32, #tpu.memory_space<vmem>>) offsets(%arg12 : memref<128xi32, #tpu.memory_space<vmem>>) semaphore(%arg24 : memref<!tpu.dma_semaphore, #tpu.memory_space<semaphore_mem>>)
      %dma_start3A_38 = arith.constant 0 : i32
      %dma_start3A_39 = arith.constant 0 : i32
      %dma_start3A_40 = tpu.memref_slice %arg7[%dma_start3A_38, %dma_start3A_39] : memref<1000000x32xf32, #tpu.memory_space<hbm>> -> memref<1000000x32xf32, #tpu.memory_space<hbm>>
      tpu.enqueue_indirect_dma source(%dma_start3A_40 : memref<1000000x32xf32, #tpu.memory_space<hbm>>) target(%arg17 : memref<128x32xf32, #tpu.memory_space<vmem>>) offsets(%arg13 : memref<128xi32, #tpu.memory_space<vmem>>) semaphore(%arg24 : memref<!tpu.dma_semaphore, #tpu.memory_space<semaphore_mem>>)
      %dma_start3A_41 = arith.constant 0 : i32
      %dma_start3A_42 = arith.constant 0 : i32
      %dma_start3A_43 = tpu.memref_slice %arg7[%dma_start3A_41, %dma_start3A_42] : memref<1000000x32xf32, #tpu.memory_space<hbm>> -> memref<1000000x32xf32, #tpu.memory_space<hbm>>
      tpu.enqueue_indirect_dma source(%dma_start3A_43 : memref<1000000x32xf32, #tpu.memory_space<hbm>>) target(%arg18 : memref<128x32xf32, #tpu.memory_space<vmem>>) offsets(%arg14 : memref<128xi32, #tpu.memory_space<vmem>>) semaphore(%arg24 : memref<!tpu.dma_semaphore, #tpu.memory_space<semaphore_mem>>)
      %dma_start3A_44 = arith.constant 0 : i32
      %dma_start3A_45 = arith.constant 0 : i32
      %dma_start3A_46 = arith.constant 0 : i32
      %dma_start3A_47 = tpu.memref_slice %arg19[%dma_start3A_45, %dma_start3A_46] : memref<2560x32xf32, #tpu.memory_space<vmem>> -> memref<128x32xf32, #tpu.memory_space<vmem>>
      %dma_start3A_48 = arith.constant 0 : i32
      %dma_start3A_49 = tpu.memref_slice %arg15[%dma_start3A_44, %dma_start3A_48] : memref<20x128xi32, #tpu.memory_space<vmem>> -> memref<1x128xi32, #tpu.memory_space<vmem>>
      %dma_start3A_50 = tpu.memref_squeeze %dma_start3A_49 : memref<1x128xi32, #tpu.memory_space<vmem>> -> memref<128xi32, #tpu.memory_space<vmem>>
      %dma_start3A_51 = arith.constant 0 : i32
      %dma_start3A_52 = arith.constant 0 : i32
      %dma_start3A_53 = tpu.memref_slice %arg7[%dma_start3A_51, %dma_start3A_52] : memref<1000000x32xf32, #tpu.memory_space<hbm>> -> memref<1000000x32xf32, #tpu.memory_space<hbm>>
      tpu.enqueue_indirect_dma source(%dma_start3A_53 : memref<1000000x32xf32, #tpu.memory_space<hbm>>) target(%dma_start3A_47 : memref<128x32xf32, #tpu.memory_space<vmem>>) offsets(%dma_start3A_50 : memref<128xi32, #tpu.memory_space<vmem>>) semaphore(%arg24 : memref<!tpu.dma_semaphore, #tpu.memory_space<semaphore_mem>>)
      %dma_start3A_54 = arith.constant 1 : i32
      %dma_start3A_55 = arith.constant 128 : i32
      %dma_start3A_56 = arith.constant 0 : i32
      %dma_start3A_57 = tpu.memref_slice %arg19[%dma_start3A_55, %dma_start3A_56] : memref<2560x32xf32, #tpu.memory_space<vmem>> -> memref<128x32xf32, #tpu.memory_space<vmem>>
      %dma_start3A_58 = arith.constant 0 : i32
      %dma_start3A_59 = tpu.memref_slice %arg15[%dma_start3A_54, %dma_start3A_58] : memref<20x128xi32, #tpu.memory_space<vmem>> -> memref<1x128xi32, #tpu.memory_space<vmem>>
      %dma_start3A_60 = tpu.memref_squeeze %dma_start3A_59 : memref<1x128xi32, #tpu.memory_space<vmem>> -> memref<128xi32, #tpu.memory_space<vmem>>
      %dma_start3A_61 = arith.constant 0 : i32
      %dma_start3A_62 = arith.constant 0 : i32
      %dma_start3A_63 = tpu.memref_slice %arg7[%dma_start3A_61, %dma_start3A_62] : memref<1000000x32xf32, #tpu.memory_space<hbm>> -> memref<1000000x32xf32, #tpu.memory_space<hbm>>
      tpu.enqueue_indirect_dma source(%dma_start3A_63 : memref<1000000x32xf32, #tpu.memory_space<hbm>>) target(%dma_start3A_57 : memref<128x32xf32, #tpu.memory_space<vmem>>) offsets(%dma_start3A_60 : memref<128xi32, #tpu.memory_space<vmem>>) semaphore(%arg24 : memref<!tpu.dma_semaphore, #tpu.memory_space<semaphore_mem>>)
      %dma_start3A_64 = arith.constant 2 : i32
      %dma_start3A_65 = arith.constant 256 : i32
      %dma_start3A_66 = arith.constant 0 : i32
      %dma_start3A_67 = tpu.memref_slice %arg19[%dma_start3A_65, %dma_start3A_66] : memref<2560x32xf32, #tpu.memory_space<vmem>> -> memref<128x32xf32, #tpu.memory_space<vmem>>
      %dma_start3A_68 = arith.constant 0 : i32
      %dma_start3A_69 = tpu.memref_slice %arg15[%dma_start3A_64, %dma_start3A_68] : memref<20x128xi32, #tpu.memory_space<vmem>> -> memref<1x128xi32, #tpu.memory_space<vmem>>
      %dma_start3A_70 = tpu.memref_squeeze %dma_start3A_69 : memref<1x128xi32, #tpu.memory_space<vmem>> -> memref<128xi32, #tpu.memory_space<vmem>>
      %dma_start3A_71 = arith.constant 0 : i32
      %dma_start3A_72 = arith.constant 0 : i32
      %dma_start3A_73 = tpu.memref_slice %arg7[%dma_start3A_71, %dma_start3A_72] : memref<1000000x32xf32, #tpu.memory_space<hbm>> -> memref<1000000x32xf32, #tpu.memory_space<hbm>>
      tpu.enqueue_indirect_dma source(%dma_start3A_73 : memref<1000000x32xf32, #tpu.memory_space<hbm>>) target(%dma_start3A_67 : memref<128x32xf32, #tpu.memory_space<vmem>>) offsets(%dma_start3A_70 : memref<128xi32, #tpu.memory_space<vmem>>) semaphore(%arg24 : memref<!tpu.dma_semaphore, #tpu.memory_space<semaphore_mem>>)
      %dma_start3A_74 = arith.constant 3 : i32
      %dma_start3A_75 = arith.constant 384 : i32
      %dma_start3A_76 = arith.constant 0 : i32
      %dma_start3A_77 = tpu.memref_slice %arg19[%dma_start3A_75, %dma_start3A_76] : memref<2560x32xf32, #tpu.memory_space<vmem>> -> memref<128x32xf32, #tpu.memory_space<vmem>>
      %dma_start3A_78 = arith.constant 0 : i32
      %dma_start3A_79 = tpu.memref_slice %arg15[%dma_start3A_74, %dma_start3A_78] : memref<20x128xi32, #tpu.memory_space<vmem>> -> memref<1x128xi32, #tpu.memory_space<vmem>>
      %dma_start3A_80 = tpu.memref_squeeze %dma_start3A_79 : memref<1x128xi32, #tpu.memory_space<vmem>> -> memref<128xi32, #tpu.memory_space<vmem>>
      %dma_start3A_81 = arith.constant 0 : i32
      %dma_start3A_82 = arith.constant 0 : i32
      %dma_start3A_83 = tpu.memref_slice %arg7[%dma_start3A_81, %dma_start3A_82] : memref<1000000x32xf32, #tpu.memory_space<hbm>> -> memref<1000000x32xf32, #tpu.memory_space<hbm>>
      tpu.enqueue_indirect_dma source(%dma_start3A_83 : memref<1000000x32xf32, #tpu.memory_space<hbm>>) target(%dma_start3A_77 : memref<128x32xf32, #tpu.memory_space<vmem>>) offsets(%dma_start3A_80 : memref<128xi32, #tpu.memory_space<vmem>>) semaphore(%arg24 : memref<!tpu.dma_semaphore, #tpu.memory_space<semaphore_mem>>)
      %dma_start3A_84 = arith.constant 4 : i32
      %dma_start3A_85 = arith.constant 512 : i32
      %dma_start3A_86 = arith.constant 0 : i32
      %dma_start3A_87 = tpu.memref_slice %arg19[%dma_start3A_85, %dma_start3A_86] : memref<2560x32xf32, #tpu.memory_space<vmem>> -> memref<128x32xf32, #tpu.memory_space<vmem>>
      %dma_start3A_88 = arith.constant 0 : i32
      %dma_start3A_89 = tpu.memref_slice %arg15[%dma_start3A_84, %dma_start3A_88] : memref<20x128xi32, #tpu.memory_space<vmem>> -> memref<1x128xi32, #tpu.memory_space<vmem>>
      %dma_start3A_90 = tpu.memref_squeeze %dma_start3A_89 : memref<1x128xi32, #tpu.memory_space<vmem>> -> memref<128xi32, #tpu.memory_space<vmem>>
      %dma_start3A_91 = arith.constant 0 : i32
      %dma_start3A_92 = arith.constant 0 : i32
      %dma_start3A_93 = tpu.memref_slice %arg7[%dma_start3A_91, %dma_start3A_92] : memref<1000000x32xf32, #tpu.memory_space<hbm>> -> memref<1000000x32xf32, #tpu.memory_space<hbm>>
      tpu.enqueue_indirect_dma source(%dma_start3A_93 : memref<1000000x32xf32, #tpu.memory_space<hbm>>) target(%dma_start3A_87 : memref<128x32xf32, #tpu.memory_space<vmem>>) offsets(%dma_start3A_90 : memref<128xi32, #tpu.memory_space<vmem>>) semaphore(%arg24 : memref<!tpu.dma_semaphore, #tpu.memory_space<semaphore_mem>>)
      %dma_start3A_94 = arith.constant 5 : i32
      %dma_start3A_95 = arith.constant 640 : i32
      %dma_start3A_96 = arith.constant 0 : i32
      %dma_start3A_97 = tpu.memref_slice %arg19[%dma_start3A_95, %dma_start3A_96] : memref<2560x32xf32, #tpu.memory_space<vmem>> -> memref<128x32xf32, #tpu.memory_space<vmem>>
      %dma_start3A_98 = arith.constant 0 : i32
      %dma_start3A_99 = tpu.memref_slice %arg15[%dma_start3A_94, %dma_start3A_98] : memref<20x128xi32, #tpu.memory_space<vmem>> -> memref<1x128xi32, #tpu.memory_space<vmem>>
      %dma_start3A_100 = tpu.memref_squeeze %dma_start3A_99 : memref<1x128xi32, #tpu.memory_space<vmem>> -> memref<128xi32, #tpu.memory_space<vmem>>
      %dma_start3A_101 = arith.constant 0 : i32
      %dma_start3A_102 = arith.constant 0 : i32
      %dma_start3A_103 = tpu.memref_slice %arg7[%dma_start3A_101, %dma_start3A_102] : memref<1000000x32xf32, #tpu.memory_space<hbm>> -> memref<1000000x32xf32, #tpu.memory_space<hbm>>
      tpu.enqueue_indirect_dma source(%dma_start3A_103 : memref<1000000x32xf32, #tpu.memory_space<hbm>>) target(%dma_start3A_97 : memref<128x32xf32, #tpu.memory_space<vmem>>) offsets(%dma_start3A_100 : memref<128xi32, #tpu.memory_space<vmem>>) semaphore(%arg24 : memref<!tpu.dma_semaphore, #tpu.memory_space<semaphore_mem>>)
      %dma_start3A_104 = arith.constant 6 : i32
      %dma_start3A_105 = arith.constant 768 : i32
      %dma_start3A_106 = arith.constant 0 : i32
      %dma_start3A_107 = tpu.memref_slice %arg19[%dma_start3A_105, %dma_start3A_106] : memref<2560x32xf32, #tpu.memory_space<vmem>> -> memref<128x32xf32, #tpu.memory_space<vmem>>
      %dma_start3A_108 = arith.constant 0 : i32
      %dma_start3A_109 = tpu.memref_slice %arg15[%dma_start3A_104, %dma_start3A_108] : memref<20x128xi32, #tpu.memory_space<vmem>> -> memref<1x128xi32, #tpu.memory_space<vmem>>
      %dma_start3A_110 = tpu.memref_squeeze %dma_start3A_109 : memref<1x128xi32, #tpu.memory_space<vmem>> -> memref<128xi32, #tpu.memory_space<vmem>>
      %dma_start3A_111 = arith.constant 0 : i32
      %dma_start3A_112 = arith.constant 0 : i32
      %dma_start3A_113 = tpu.memref_slice %arg7[%dma_start3A_111, %dma_start3A_112] : memref<1000000x32xf32, #tpu.memory_space<hbm>> -> memref<1000000x32xf32, #tpu.memory_space<hbm>>
      tpu.enqueue_indirect_dma source(%dma_start3A_113 : memref<1000000x32xf32, #tpu.memory_space<hbm>>) target(%dma_start3A_107 : memref<128x32xf32, #tpu.memory_space<vmem>>) offsets(%dma_start3A_110 : memref<128xi32, #tpu.memory_space<vmem>>) semaphore(%arg24 : memref<!tpu.dma_semaphore, #tpu.memory_space<semaphore_mem>>)
      %dma_start3A_114 = arith.constant 7 : i32
      %dma_start3A_115 = arith.constant 896 : i32
      %dma_start3A_116 = arith.constant 0 : i32
      %dma_start3A_117 = tpu.memref_slice %arg19[%dma_start3A_115, %dma_start3A_116] : memref<2560x32xf32, #tpu.memory_space<vmem>> -> memref<128x32xf32, #tpu.memory_space<vmem>>
      %dma_start3A_118 = arith.constant 0 : i32
      %dma_start3A_119 = tpu.memref_slice %arg15[%dma_start3A_114, %dma_start3A_118] : memref<20x128xi32, #tpu.memory_space<vmem>> -> memref<1x128xi32, #tpu.memory_space<vmem>>
      %dma_start3A_120 = tpu.memref_squeeze %dma_start3A_119 : memref<1x128xi32, #tpu.memory_space<vmem>> -> memref<128xi32, #tpu.memory_space<vmem>>
      %dma_start3A_121 = arith.constant 0 : i32
      %dma_start3A_122 = arith.constant 0 : i32
      %dma_start3A_123 = tpu.memref_slice %arg7[%dma_start3A_121, %dma_start3A_122] : memref<1000000x32xf32, #tpu.memory_space<hbm>> -> memref<1000000x32xf32, #tpu.memory_space<hbm>>
      tpu.enqueue_indirect_dma source(%dma_start3A_123 : memref<1000000x32xf32, #tpu.memory_space<hbm>>) target(%dma_start3A_117 : memref<128x32xf32, #tpu.memory_space<vmem>>) offsets(%dma_start3A_120 : memref<128xi32, #tpu.memory_space<vmem>>) semaphore(%arg24 : memref<!tpu.dma_semaphore, #tpu.memory_space<semaphore_mem>>)
      %dma_start3A_124 = arith.constant 8 : i32
      %dma_start3A_125 = arith.constant 1024 : i32
      %dma_start3A_126 = arith.constant 0 : i32
      %dma_start3A_127 = tpu.memref_slice %arg19[%dma_start3A_125, %dma_start3A_126] : memref<2560x32xf32, #tpu.memory_space<vmem>> -> memref<128x32xf32, #tpu.memory_space<vmem>>
      %dma_start3A_128 = arith.constant 0 : i32
      %dma_start3A_129 = tpu.memref_slice %arg15[%dma_start3A_124, %dma_start3A_128] : memref<20x128xi32, #tpu.memory_space<vmem>> -> memref<1x128xi32, #tpu.memory_space<vmem>>
      %dma_start3A_130 = tpu.memref_squeeze %dma_start3A_129 : memref<1x128xi32, #tpu.memory_space<vmem>> -> memref<128xi32, #tpu.memory_space<vmem>>
      %dma_start3A_131 = arith.constant 0 : i32
      %dma_start3A_132 = arith.constant 0 : i32
      %dma_start3A_133 = tpu.memref_slice %arg7[%dma_start3A_131, %dma_start3A_132] : memref<1000000x32xf32, #tpu.memory_space<hbm>> -> memref<1000000x32xf32, #tpu.memory_space<hbm>>
      tpu.enqueue_indirect_dma source(%dma_start3A_133 : memref<1000000x32xf32, #tpu.memory_space<hbm>>) target(%dma_start3A_127 : memref<128x32xf32, #tpu.memory_space<vmem>>) offsets(%dma_start3A_130 : memref<128xi32, #tpu.memory_space<vmem>>) semaphore(%arg24 : memref<!tpu.dma_semaphore, #tpu.memory_space<semaphore_mem>>)
      %dma_start3A_134 = arith.constant 9 : i32
      %dma_start3A_135 = arith.constant 1152 : i32
      %dma_start3A_136 = arith.constant 0 : i32
      %dma_start3A_137 = tpu.memref_slice %arg19[%dma_start3A_135, %dma_start3A_136] : memref<2560x32xf32, #tpu.memory_space<vmem>> -> memref<128x32xf32, #tpu.memory_space<vmem>>
      %dma_start3A_138 = arith.constant 0 : i32
      %dma_start3A_139 = tpu.memref_slice %arg15[%dma_start3A_134, %dma_start3A_138] : memref<20x128xi32, #tpu.memory_space<vmem>> -> memref<1x128xi32, #tpu.memory_space<vmem>>
      %dma_start3A_140 = tpu.memref_squeeze %dma_start3A_139 : memref<1x128xi32, #tpu.memory_space<vmem>> -> memref<128xi32, #tpu.memory_space<vmem>>
      %dma_start3A_141 = arith.constant 0 : i32
      %dma_start3A_142 = arith.constant 0 : i32
      %dma_start3A_143 = tpu.memref_slice %arg7[%dma_start3A_141, %dma_start3A_142] : memref<1000000x32xf32, #tpu.memory_space<hbm>> -> memref<1000000x32xf32, #tpu.memory_space<hbm>>
      tpu.enqueue_indirect_dma source(%dma_start3A_143 : memref<1000000x32xf32, #tpu.memory_space<hbm>>) target(%dma_start3A_137 : memref<128x32xf32, #tpu.memory_space<vmem>>) offsets(%dma_start3A_140 : memref<128xi32, #tpu.memory_space<vmem>>) semaphore(%arg24 : memref<!tpu.dma_semaphore, #tpu.memory_space<semaphore_mem>>)
      %dma_start3A_144 = arith.constant 10 : i32
      %dma_start3A_145 = arith.constant 1280 : i32
      %dma_start3A_146 = arith.constant 0 : i32
      %dma_start3A_147 = tpu.memref_slice %arg19[%dma_start3A_145, %dma_start3A_146] : memref<2560x32xf32, #tpu.memory_space<vmem>> -> memref<128x32xf32, #tpu.memory_space<vmem>>
      %dma_start3A_148 = arith.constant 0 : i32
      %dma_start3A_149 = tpu.memref_slice %arg15[%dma_start3A_144, %dma_start3A_148] : memref<20x128xi32, #tpu.memory_space<vmem>> -> memref<1x128xi32, #tpu.memory_space<vmem>>
      %dma_start3A_150 = tpu.memref_squeeze %dma_start3A_149 : memref<1x128xi32, #tpu.memory_space<vmem>> -> memref<128xi32, #tpu.memory_space<vmem>>
      %dma_start3A_151 = arith.constant 0 : i32
      %dma_start3A_152 = arith.constant 0 : i32
      %dma_start3A_153 = tpu.memref_slice %arg7[%dma_start3A_151, %dma_start3A_152] : memref<1000000x32xf32, #tpu.memory_space<hbm>> -> memref<1000000x32xf32, #tpu.memory_space<hbm>>
      tpu.enqueue_indirect_dma source(%dma_start3A_153 : memref<1000000x32xf32, #tpu.memory_space<hbm>>) target(%dma_start3A_147 : memref<128x32xf32, #tpu.memory_space<vmem>>) offsets(%dma_start3A_150 : memref<128xi32, #tpu.memory_space<vmem>>) semaphore(%arg24 : memref<!tpu.dma_semaphore, #tpu.memory_space<semaphore_mem>>)
      %dma_start3A_154 = arith.constant 11 : i32
      %dma_start3A_155 = arith.constant 1408 : i32
      %dma_start3A_156 = arith.constant 0 : i32
      %dma_start3A_157 = tpu.memref_slice %arg19[%dma_start3A_155, %dma_start3A_156] : memref<2560x32xf32, #tpu.memory_space<vmem>> -> memref<128x32xf32, #tpu.memory_space<vmem>>
      %dma_start3A_158 = arith.constant 0 : i32
      %dma_start3A_159 = tpu.memref_slice %arg15[%dma_start3A_154, %dma_start3A_158] : memref<20x128xi32, #tpu.memory_space<vmem>> -> memref<1x128xi32, #tpu.memory_space<vmem>>
      %dma_start3A_160 = tpu.memref_squeeze %dma_start3A_159 : memref<1x128xi32, #tpu.memory_space<vmem>> -> memref<128xi32, #tpu.memory_space<vmem>>
      %dma_start3A_161 = arith.constant 0 : i32
      %dma_start3A_162 = arith.constant 0 : i32
      %dma_start3A_163 = tpu.memref_slice %arg7[%dma_start3A_161, %dma_start3A_162] : memref<1000000x32xf32, #tpu.memory_space<hbm>> -> memref<1000000x32xf32, #tpu.memory_space<hbm>>
      tpu.enqueue_indirect_dma source(%dma_start3A_163 : memref<1000000x32xf32, #tpu.memory_space<hbm>>) target(%dma_start3A_157 : memref<128x32xf32, #tpu.memory_space<vmem>>) offsets(%dma_start3A_160 : memref<128xi32, #tpu.memory_space<vmem>>) semaphore(%arg24 : memref<!tpu.dma_semaphore, #tpu.memory_space<semaphore_mem>>)
      %dma_start3A_164 = arith.constant 12 : i32
      %dma_start3A_165 = arith.constant 1536 : i32
      %dma_start3A_166 = arith.constant 0 : i32
      %dma_start3A_167 = tpu.memref_slice %arg19[%dma_start3A_165, %dma_start3A_166] : memref<2560x32xf32, #tpu.memory_space<vmem>> -> memref<128x32xf32, #tpu.memory_space<vmem>>
      %dma_start3A_168 = arith.constant 0 : i32
      %dma_start3A_169 = tpu.memref_slice %arg15[%dma_start3A_164, %dma_start3A_168] : memref<20x128xi32, #tpu.memory_space<vmem>> -> memref<1x128xi32, #tpu.memory_space<vmem>>
      %dma_start3A_170 = tpu.memref_squeeze %dma_start3A_169 : memref<1x128xi32, #tpu.memory_space<vmem>> -> memref<128xi32, #tpu.memory_space<vmem>>
      %dma_start3A_171 = arith.constant 0 : i32
      %dma_start3A_172 = arith.constant 0 : i32
      %dma_start3A_173 = tpu.memref_slice %arg7[%dma_start3A_171, %dma_start3A_172] : memref<1000000x32xf32, #tpu.memory_space<hbm>> -> memref<1000000x32xf32, #tpu.memory_space<hbm>>
      tpu.enqueue_indirect_dma source(%dma_start3A_173 : memref<1000000x32xf32, #tpu.memory_space<hbm>>) target(%dma_start3A_167 : memref<128x32xf32, #tpu.memory_space<vmem>>) offsets(%dma_start3A_170 : memref<128xi32, #tpu.memory_space<vmem>>) semaphore(%arg24 : memref<!tpu.dma_semaphore, #tpu.memory_space<semaphore_mem>>)
      %dma_start3A_174 = arith.constant 13 : i32
      %dma_start3A_175 = arith.constant 1664 : i32
      %dma_start3A_176 = arith.constant 0 : i32
      %dma_start3A_177 = tpu.memref_slice %arg19[%dma_start3A_175, %dma_start3A_176] : memref<2560x32xf32, #tpu.memory_space<vmem>> -> memref<128x32xf32, #tpu.memory_space<vmem>>
      %dma_start3A_178 = arith.constant 0 : i32
      %dma_start3A_179 = tpu.memref_slice %arg15[%dma_start3A_174, %dma_start3A_178] : memref<20x128xi32, #tpu.memory_space<vmem>> -> memref<1x128xi32, #tpu.memory_space<vmem>>
      %dma_start3A_180 = tpu.memref_squeeze %dma_start3A_179 : memref<1x128xi32, #tpu.memory_space<vmem>> -> memref<128xi32, #tpu.memory_space<vmem>>
      %dma_start3A_181 = arith.constant 0 : i32
      %dma_start3A_182 = arith.constant 0 : i32
      %dma_start3A_183 = tpu.memref_slice %arg7[%dma_start3A_181, %dma_start3A_182] : memref<1000000x32xf32, #tpu.memory_space<hbm>> -> memref<1000000x32xf32, #tpu.memory_space<hbm>>
      tpu.enqueue_indirect_dma source(%dma_start3A_183 : memref<1000000x32xf32, #tpu.memory_space<hbm>>) target(%dma_start3A_177 : memref<128x32xf32, #tpu.memory_space<vmem>>) offsets(%dma_start3A_180 : memref<128xi32, #tpu.memory_space<vmem>>) semaphore(%arg24 : memref<!tpu.dma_semaphore, #tpu.memory_space<semaphore_mem>>)
      %dma_start3A_184 = arith.constant 14 : i32
      %dma_start3A_185 = arith.constant 1792 : i32
      %dma_start3A_186 = arith.constant 0 : i32
      %dma_start3A_187 = tpu.memref_slice %arg19[%dma_start3A_185, %dma_start3A_186] : memref<2560x32xf32, #tpu.memory_space<vmem>> -> memref<128x32xf32, #tpu.memory_space<vmem>>
      %dma_start3A_188 = arith.constant 0 : i32
      %dma_start3A_189 = tpu.memref_slice %arg15[%dma_start3A_184, %dma_start3A_188] : memref<20x128xi32, #tpu.memory_space<vmem>> -> memref<1x128xi32, #tpu.memory_space<vmem>>
      %dma_start3A_190 = tpu.memref_squeeze %dma_start3A_189 : memref<1x128xi32, #tpu.memory_space<vmem>> -> memref<128xi32, #tpu.memory_space<vmem>>
      %dma_start3A_191 = arith.constant 0 : i32
      %dma_start3A_192 = arith.constant 0 : i32
      %dma_start3A_193 = tpu.memref_slice %arg7[%dma_start3A_191, %dma_start3A_192] : memref<1000000x32xf32, #tpu.memory_space<hbm>> -> memref<1000000x32xf32, #tpu.memory_space<hbm>>
      tpu.enqueue_indirect_dma source(%dma_start3A_193 : memref<1000000x32xf32, #tpu.memory_space<hbm>>) target(%dma_start3A_187 : memref<128x32xf32, #tpu.memory_space<vmem>>) offsets(%dma_start3A_190 : memref<128xi32, #tpu.memory_space<vmem>>) semaphore(%arg24 : memref<!tpu.dma_semaphore, #tpu.memory_space<semaphore_mem>>)
      %dma_start3A_194 = arith.constant 15 : i32
      %dma_start3A_195 = arith.constant 1920 : i32
      %dma_start3A_196 = arith.constant 0 : i32
      %dma_start3A_197 = tpu.memref_slice %arg19[%dma_start3A_195, %dma_start3A_196] : memref<2560x32xf32, #tpu.memory_space<vmem>> -> memref<128x32xf32, #tpu.memory_space<vmem>>
      %dma_start3A_198 = arith.constant 0 : i32
      %dma_start3A_199 = tpu.memref_slice %arg15[%dma_start3A_194, %dma_start3A_198] : memref<20x128xi32, #tpu.memory_space<vmem>> -> memref<1x128xi32, #tpu.memory_space<vmem>>
      %dma_start3A_200 = tpu.memref_squeeze %dma_start3A_199 : memref<1x128xi32, #tpu.memory_space<vmem>> -> memref<128xi32, #tpu.memory_space<vmem>>
      %dma_start3A_201 = arith.constant 0 : i32
      %dma_start3A_202 = arith.constant 0 : i32
      %dma_start3A_203 = tpu.memref_slice %arg7[%dma_start3A_201, %dma_start3A_202] : memref<1000000x32xf32, #tpu.memory_space<hbm>> -> memref<1000000x32xf32, #tpu.memory_space<hbm>>
      tpu.enqueue_indirect_dma source(%dma_start3A_203 : memref<1000000x32xf32, #tpu.memory_space<hbm>>) target(%dma_start3A_197 : memref<128x32xf32, #tpu.memory_space<vmem>>) offsets(%dma_start3A_200 : memref<128xi32, #tpu.memory_space<vmem>>) semaphore(%arg24 : memref<!tpu.dma_semaphore, #tpu.memory_space<semaphore_mem>>)
      %dma_start3A_204 = arith.constant 16 : i32
      %dma_start3A_205 = arith.constant 2048 : i32
      %dma_start3A_206 = arith.constant 0 : i32
      %dma_start3A_207 = tpu.memref_slice %arg19[%dma_start3A_205, %dma_start3A_206] : memref<2560x32xf32, #tpu.memory_space<vmem>> -> memref<128x32xf32, #tpu.memory_space<vmem>>
      %dma_start3A_208 = arith.constant 0 : i32
      %dma_start3A_209 = tpu.memref_slice %arg15[%dma_start3A_204, %dma_start3A_208] : memref<20x128xi32, #tpu.memory_space<vmem>> -> memref<1x128xi32, #tpu.memory_space<vmem>>
      %dma_start3A_210 = tpu.memref_squeeze %dma_start3A_209 : memref<1x128xi32, #tpu.memory_space<vmem>> -> memref<128xi32, #tpu.memory_space<vmem>>
      %dma_start3A_211 = arith.constant 0 : i32
      %dma_start3A_212 = arith.constant 0 : i32
      %dma_start3A_213 = tpu.memref_slice %arg7[%dma_start3A_211, %dma_start3A_212] : memref<1000000x32xf32, #tpu.memory_space<hbm>> -> memref<1000000x32xf32, #tpu.memory_space<hbm>>
      tpu.enqueue_indirect_dma source(%dma_start3A_213 : memref<1000000x32xf32, #tpu.memory_space<hbm>>) target(%dma_start3A_207 : memref<128x32xf32, #tpu.memory_space<vmem>>) offsets(%dma_start3A_210 : memref<128xi32, #tpu.memory_space<vmem>>) semaphore(%arg24 : memref<!tpu.dma_semaphore, #tpu.memory_space<semaphore_mem>>)
      %dma_start3A_214 = arith.constant 17 : i32
      %dma_start3A_215 = arith.constant 2176 : i32
      %dma_start3A_216 = arith.constant 0 : i32
      %dma_start3A_217 = tpu.memref_slice %arg19[%dma_start3A_215, %dma_start3A_216] : memref<2560x32xf32, #tpu.memory_space<vmem>> -> memref<128x32xf32, #tpu.memory_space<vmem>>
      %dma_start3A_218 = arith.constant 0 : i32
      %dma_start3A_219 = tpu.memref_slice %arg15[%dma_start3A_214, %dma_start3A_218] : memref<20x128xi32, #tpu.memory_space<vmem>> -> memref<1x128xi32, #tpu.memory_space<vmem>>
      %dma_start3A_220 = tpu.memref_squeeze %dma_start3A_219 : memref<1x128xi32, #tpu.memory_space<vmem>> -> memref<128xi32, #tpu.memory_space<vmem>>
      %dma_start3A_221 = arith.constant 0 : i32
      %dma_start3A_222 = arith.constant 0 : i32
      %dma_start3A_223 = tpu.memref_slice %arg7[%dma_start3A_221, %dma_start3A_222] : memref<1000000x32xf32, #tpu.memory_space<hbm>> -> memref<1000000x32xf32, #tpu.memory_space<hbm>>
      tpu.enqueue_indirect_dma source(%dma_start3A_223 : memref<1000000x32xf32, #tpu.memory_space<hbm>>) target(%dma_start3A_217 : memref<128x32xf32, #tpu.memory_space<vmem>>) offsets(%dma_start3A_220 : memref<128xi32, #tpu.memory_space<vmem>>) semaphore(%arg24 : memref<!tpu.dma_semaphore, #tpu.memory_space<semaphore_mem>>)
      %dma_start3A_224 = arith.constant 18 : i32
      %dma_start3A_225 = arith.constant 2304 : i32
      %dma_start3A_226 = arith.constant 0 : i32
      %dma_start3A_227 = tpu.memref_slice %arg19[%dma_start3A_225, %dma_start3A_226] : memref<2560x32xf32, #tpu.memory_space<vmem>> -> memref<128x32xf32, #tpu.memory_space<vmem>>
      %dma_start3A_228 = arith.constant 0 : i32
      %dma_start3A_229 = tpu.memref_slice %arg15[%dma_start3A_224, %dma_start3A_228] : memref<20x128xi32, #tpu.memory_space<vmem>> -> memref<1x128xi32, #tpu.memory_space<vmem>>
      %dma_start3A_230 = tpu.memref_squeeze %dma_start3A_229 : memref<1x128xi32, #tpu.memory_space<vmem>> -> memref<128xi32, #tpu.memory_space<vmem>>
      %dma_start3A_231 = arith.constant 0 : i32
      %dma_start3A_232 = arith.constant 0 : i32
      %dma_start3A_233 = tpu.memref_slice %arg7[%dma_start3A_231, %dma_start3A_232] : memref<1000000x32xf32, #tpu.memory_space<hbm>> -> memref<1000000x32xf32, #tpu.memory_space<hbm>>
      tpu.enqueue_indirect_dma source(%dma_start3A_233 : memref<1000000x32xf32, #tpu.memory_space<hbm>>) target(%dma_start3A_227 : memref<128x32xf32, #tpu.memory_space<vmem>>) offsets(%dma_start3A_230 : memref<128xi32, #tpu.memory_space<vmem>>) semaphore(%arg24 : memref<!tpu.dma_semaphore, #tpu.memory_space<semaphore_mem>>)
      %dma_start3A_234 = arith.constant 19 : i32
      %dma_start3A_235 = arith.constant 2432 : i32
      %dma_start3A_236 = arith.constant 0 : i32
      %dma_start3A_237 = tpu.memref_slice %arg19[%dma_start3A_235, %dma_start3A_236] : memref<2560x32xf32, #tpu.memory_space<vmem>> -> memref<128x32xf32, #tpu.memory_space<vmem>>
      %dma_start3A_238 = arith.constant 0 : i32
      %dma_start3A_239 = tpu.memref_slice %arg15[%dma_start3A_234, %dma_start3A_238] : memref<20x128xi32, #tpu.memory_space<vmem>> -> memref<1x128xi32, #tpu.memory_space<vmem>>
      %dma_start3A_240 = tpu.memref_squeeze %dma_start3A_239 : memref<1x128xi32, #tpu.memory_space<vmem>> -> memref<128xi32, #tpu.memory_space<vmem>>
      %dma_start3A_241 = arith.constant 0 : i32
      %dma_start3A_242 = arith.constant 0 : i32
      %dma_start3A_243 = tpu.memref_slice %arg7[%dma_start3A_241, %dma_start3A_242] : memref<1000000x32xf32, #tpu.memory_space<hbm>> -> memref<1000000x32xf32, #tpu.memory_space<hbm>>
      tpu.enqueue_indirect_dma source(%dma_start3A_243 : memref<1000000x32xf32, #tpu.memory_space<hbm>>) target(%dma_start3A_237 : memref<128x32xf32, #tpu.memory_space<vmem>>) offsets(%dma_start3A_240 : memref<128xi32, #tpu.memory_space<vmem>>) semaphore(%arg24 : memref<!tpu.dma_semaphore, #tpu.memory_space<semaphore_mem>>)
      %dma_wait3A = arith.constant 0 : i32
      %dma_wait3A_244 = arith.constant 0 : i32
      %dma_wait3A_245 = tpu.memref_slice %arg6[%dma_wait3A, %dma_wait3A_244] : memref<100000x32xf32, #tpu.memory_space<hbm>> -> memref<100000x32xf32, #tpu.memory_space<hbm>>
      tpu.wait_indirect_dma semaphore(%arg24 : memref<!tpu.dma_semaphore, #tpu.memory_space<semaphore_mem>>) src(%dma_wait3A_245 : memref<100000x32xf32, #tpu.memory_space<hbm>>) dst(%arg16 : memref<128x32xf32, #tpu.memory_space<vmem>>)
      %dma_wait3A_246 = arith.constant 0 : i32
      %dma_wait3A_247 = arith.constant 0 : i32
      %dma_wait3A_248 = tpu.memref_slice %arg7[%dma_wait3A_246, %dma_wait3A_247] : memref<1000000x32xf32, #tpu.memory_space<hbm>> -> memref<1000000x32xf32, #tpu.memory_space<hbm>>
      tpu.wait_indirect_dma semaphore(%arg24 : memref<!tpu.dma_semaphore, #tpu.memory_space<semaphore_mem>>) src(%dma_wait3A_248 : memref<1000000x32xf32, #tpu.memory_space<hbm>>) dst(%arg17 : memref<128x32xf32, #tpu.memory_space<vmem>>)
      %dma_wait3A_249 = arith.constant 0 : i32
      %dma_wait3A_250 = arith.constant 0 : i32
      %dma_wait3A_251 = tpu.memref_slice %arg7[%dma_wait3A_249, %dma_wait3A_250] : memref<1000000x32xf32, #tpu.memory_space<hbm>> -> memref<1000000x32xf32, #tpu.memory_space<hbm>>
      tpu.wait_indirect_dma semaphore(%arg24 : memref<!tpu.dma_semaphore, #tpu.memory_space<semaphore_mem>>) src(%dma_wait3A_251 : memref<1000000x32xf32, #tpu.memory_space<hbm>>) dst(%arg18 : memref<128x32xf32, #tpu.memory_space<vmem>>)
      %dma_wait3A_252 = arith.constant 0 : i32
      %dma_wait3A_253 = arith.constant 0 : i32
      %dma_wait3A_254 = arith.constant 0 : i32
      %dma_wait3A_255 = tpu.memref_slice %arg19[%dma_wait3A_253, %dma_wait3A_254] : memref<2560x32xf32, #tpu.memory_space<vmem>> -> memref<128x32xf32, #tpu.memory_space<vmem>>
      %dma_wait3A_256 = arith.constant 0 : i32
      %dma_wait3A_257 = tpu.memref_slice %arg15[%dma_wait3A_252, %dma_wait3A_256] : memref<20x128xi32, #tpu.memory_space<vmem>> -> memref<1x128xi32, #tpu.memory_space<vmem>>
      %dma_wait3A_258 = tpu.memref_squeeze %dma_wait3A_257 : memref<1x128xi32, #tpu.memory_space<vmem>> -> memref<128xi32, #tpu.memory_space<vmem>>
      %dma_wait3A_259 = arith.constant 0 : i32
      %dma_wait3A_260 = arith.constant 0 : i32
      %dma_wait3A_261 = tpu.memref_slice %arg7[%dma_wait3A_259, %dma_wait3A_260] : memref<1000000x32xf32, #tpu.memory_space<hbm>> -> memref<1000000x32xf32, #tpu.memory_space<hbm>>
      tpu.wait_indirect_dma semaphore(%arg24 : memref<!tpu.dma_semaphore, #tpu.memory_space<semaphore_mem>>) src(%dma_wait3A_261 : memref<1000000x32xf32, #tpu.memory_space<hbm>>) dst(%dma_wait3A_255 : memref<128x32xf32, #tpu.memory_space<vmem>>)
      %dma_wait3A_262 = arith.constant 1 : i32
      %dma_wait3A_263 = arith.constant 128 : i32
      %dma_wait3A_264 = arith.constant 0 : i32
      %dma_wait3A_265 = tpu.memref_slice %arg19[%dma_wait3A_263, %dma_wait3A_264] : memref<2560x32xf32, #tpu.memory_space<vmem>> -> memref<128x32xf32, #tpu.memory_space<vmem>>
      %dma_wait3A_266 = arith.constant 0 : i32
      %dma_wait3A_267 = tpu.memref_slice %arg15[%dma_wait3A_262, %dma_wait3A_266] : memref<20x128xi32, #tpu.memory_space<vmem>> -> memref<1x128xi32, #tpu.memory_space<vmem>>
      %dma_wait3A_268 = tpu.memref_squeeze %dma_wait3A_267 : memref<1x128xi32, #tpu.memory_space<vmem>> -> memref<128xi32, #tpu.memory_space<vmem>>
      %dma_wait3A_269 = arith.constant 0 : i32
      %dma_wait3A_270 = arith.constant 0 : i32
      %dma_wait3A_271 = tpu.memref_slice %arg7[%dma_wait3A_269, %dma_wait3A_270] : memref<1000000x32xf32, #tpu.memory_space<hbm>> -> memref<1000000x32xf32, #tpu.memory_space<hbm>>
      tpu.wait_indirect_dma semaphore(%arg24 : memref<!tpu.dma_semaphore, #tpu.memory_space<semaphore_mem>>) src(%dma_wait3A_271 : memref<1000000x32xf32, #tpu.memory_space<hbm>>) dst(%dma_wait3A_265 : memref<128x32xf32, #tpu.memory_space<vmem>>)
      %dma_wait3A_272 = arith.constant 2 : i32
      %dma_wait3A_273 = arith.constant 256 : i32
      %dma_wait3A_274 = arith.constant 0 : i32
      %dma_wait3A_275 = tpu.memref_slice %arg19[%dma_wait3A_273, %dma_wait3A_274] : memref<2560x32xf32, #tpu.memory_space<vmem>> -> memref<128x32xf32, #tpu.memory_space<vmem>>
      %dma_wait3A_276 = arith.constant 0 : i32
      %dma_wait3A_277 = tpu.memref_slice %arg15[%dma_wait3A_272, %dma_wait3A_276] : memref<20x128xi32, #tpu.memory_space<vmem>> -> memref<1x128xi32, #tpu.memory_space<vmem>>
      %dma_wait3A_278 = tpu.memref_squeeze %dma_wait3A_277 : memref<1x128xi32, #tpu.memory_space<vmem>> -> memref<128xi32, #tpu.memory_space<vmem>>
      %dma_wait3A_279 = arith.constant 0 : i32
      %dma_wait3A_280 = arith.constant 0 : i32
      %dma_wait3A_281 = tpu.memref_slice %arg7[%dma_wait3A_279, %dma_wait3A_280] : memref<1000000x32xf32, #tpu.memory_space<hbm>> -> memref<1000000x32xf32, #tpu.memory_space<hbm>>
      tpu.wait_indirect_dma semaphore(%arg24 : memref<!tpu.dma_semaphore, #tpu.memory_space<semaphore_mem>>) src(%dma_wait3A_281 : memref<1000000x32xf32, #tpu.memory_space<hbm>>) dst(%dma_wait3A_275 : memref<128x32xf32, #tpu.memory_space<vmem>>)
      %dma_wait3A_282 = arith.constant 3 : i32
      %dma_wait3A_283 = arith.constant 384 : i32
      %dma_wait3A_284 = arith.constant 0 : i32
      %dma_wait3A_285 = tpu.memref_slice %arg19[%dma_wait3A_283, %dma_wait3A_284] : memref<2560x32xf32, #tpu.memory_space<vmem>> -> memref<128x32xf32, #tpu.memory_space<vmem>>
      %dma_wait3A_286 = arith.constant 0 : i32
      %dma_wait3A_287 = tpu.memref_slice %arg15[%dma_wait3A_282, %dma_wait3A_286] : memref<20x128xi32, #tpu.memory_space<vmem>> -> memref<1x128xi32, #tpu.memory_space<vmem>>
      %dma_wait3A_288 = tpu.memref_squeeze %dma_wait3A_287 : memref<1x128xi32, #tpu.memory_space<vmem>> -> memref<128xi32, #tpu.memory_space<vmem>>
      %dma_wait3A_289 = arith.constant 0 : i32
      %dma_wait3A_290 = arith.constant 0 : i32
      %dma_wait3A_291 = tpu.memref_slice %arg7[%dma_wait3A_289, %dma_wait3A_290] : memref<1000000x32xf32, #tpu.memory_space<hbm>> -> memref<1000000x32xf32, #tpu.memory_space<hbm>>
      tpu.wait_indirect_dma semaphore(%arg24 : memref<!tpu.dma_semaphore, #tpu.memory_space<semaphore_mem>>) src(%dma_wait3A_291 : memref<1000000x32xf32, #tpu.memory_space<hbm>>) dst(%dma_wait3A_285 : memref<128x32xf32, #tpu.memory_space<vmem>>)
      %dma_wait3A_292 = arith.constant 4 : i32
      %dma_wait3A_293 = arith.constant 512 : i32
      %dma_wait3A_294 = arith.constant 0 : i32
      %dma_wait3A_295 = tpu.memref_slice %arg19[%dma_wait3A_293, %dma_wait3A_294] : memref<2560x32xf32, #tpu.memory_space<vmem>> -> memref<128x32xf32, #tpu.memory_space<vmem>>
      %dma_wait3A_296 = arith.constant 0 : i32
      %dma_wait3A_297 = tpu.memref_slice %arg15[%dma_wait3A_292, %dma_wait3A_296] : memref<20x128xi32, #tpu.memory_space<vmem>> -> memref<1x128xi32, #tpu.memory_space<vmem>>
      %dma_wait3A_298 = tpu.memref_squeeze %dma_wait3A_297 : memref<1x128xi32, #tpu.memory_space<vmem>> -> memref<128xi32, #tpu.memory_space<vmem>>
      %dma_wait3A_299 = arith.constant 0 : i32
      %dma_wait3A_300 = arith.constant 0 : i32
      %dma_wait3A_301 = tpu.memref_slice %arg7[%dma_wait3A_299, %dma_wait3A_300] : memref<1000000x32xf32, #tpu.memory_space<hbm>> -> memref<1000000x32xf32, #tpu.memory_space<hbm>>
      tpu.wait_indirect_dma semaphore(%arg24 : memref<!tpu.dma_semaphore, #tpu.memory_space<semaphore_mem>>) src(%dma_wait3A_301 : memref<1000000x32xf32, #tpu.memory_space<hbm>>) dst(%dma_wait3A_295 : memref<128x32xf32, #tpu.memory_space<vmem>>)
      %dma_wait3A_302 = arith.constant 5 : i32
      %dma_wait3A_303 = arith.constant 640 : i32
      %dma_wait3A_304 = arith.constant 0 : i32
      %dma_wait3A_305 = tpu.memref_slice %arg19[%dma_wait3A_303, %dma_wait3A_304] : memref<2560x32xf32, #tpu.memory_space<vmem>> -> memref<128x32xf32, #tpu.memory_space<vmem>>
      %dma_wait3A_306 = arith.constant 0 : i32
      %dma_wait3A_307 = tpu.memref_slice %arg15[%dma_wait3A_302, %dma_wait3A_306] : memref<20x128xi32, #tpu.memory_space<vmem>> -> memref<1x128xi32, #tpu.memory_space<vmem>>
      %dma_wait3A_308 = tpu.memref_squeeze %dma_wait3A_307 : memref<1x128xi32, #tpu.memory_space<vmem>> -> memref<128xi32, #tpu.memory_space<vmem>>
      %dma_wait3A_309 = arith.constant 0 : i32
      %dma_wait3A_310 = arith.constant 0 : i32
      %dma_wait3A_311 = tpu.memref_slice %arg7[%dma_wait3A_309, %dma_wait3A_310] : memref<1000000x32xf32, #tpu.memory_space<hbm>> -> memref<1000000x32xf32, #tpu.memory_space<hbm>>
      tpu.wait_indirect_dma semaphore(%arg24 : memref<!tpu.dma_semaphore, #tpu.memory_space<semaphore_mem>>) src(%dma_wait3A_311 : memref<1000000x32xf32, #tpu.memory_space<hbm>>) dst(%dma_wait3A_305 : memref<128x32xf32, #tpu.memory_space<vmem>>)
      %dma_wait3A_312 = arith.constant 6 : i32
      %dma_wait3A_313 = arith.constant 768 : i32
      %dma_wait3A_314 = arith.constant 0 : i32
      %dma_wait3A_315 = tpu.memref_slice %arg19[%dma_wait3A_313, %dma_wait3A_314] : memref<2560x32xf32, #tpu.memory_space<vmem>> -> memref<128x32xf32, #tpu.memory_space<vmem>>
      %dma_wait3A_316 = arith.constant 0 : i32
      %dma_wait3A_317 = tpu.memref_slice %arg15[%dma_wait3A_312, %dma_wait3A_316] : memref<20x128xi32, #tpu.memory_space<vmem>> -> memref<1x128xi32, #tpu.memory_space<vmem>>
      %dma_wait3A_318 = tpu.memref_squeeze %dma_wait3A_317 : memref<1x128xi32, #tpu.memory_space<vmem>> -> memref<128xi32, #tpu.memory_space<vmem>>
      %dma_wait3A_319 = arith.constant 0 : i32
      %dma_wait3A_320 = arith.constant 0 : i32
      %dma_wait3A_321 = tpu.memref_slice %arg7[%dma_wait3A_319, %dma_wait3A_320] : memref<1000000x32xf32, #tpu.memory_space<hbm>> -> memref<1000000x32xf32, #tpu.memory_space<hbm>>
      tpu.wait_indirect_dma semaphore(%arg24 : memref<!tpu.dma_semaphore, #tpu.memory_space<semaphore_mem>>) src(%dma_wait3A_321 : memref<1000000x32xf32, #tpu.memory_space<hbm>>) dst(%dma_wait3A_315 : memref<128x32xf32, #tpu.memory_space<vmem>>)
      %dma_wait3A_322 = arith.constant 7 : i32
      %dma_wait3A_323 = arith.constant 896 : i32
      %dma_wait3A_324 = arith.constant 0 : i32
      %dma_wait3A_325 = tpu.memref_slice %arg19[%dma_wait3A_323, %dma_wait3A_324] : memref<2560x32xf32, #tpu.memory_space<vmem>> -> memref<128x32xf32, #tpu.memory_space<vmem>>
      %dma_wait3A_326 = arith.constant 0 : i32
      %dma_wait3A_327 = tpu.memref_slice %arg15[%dma_wait3A_322, %dma_wait3A_326] : memref<20x128xi32, #tpu.memory_space<vmem>> -> memref<1x128xi32, #tpu.memory_space<vmem>>
      %dma_wait3A_328 = tpu.memref_squeeze %dma_wait3A_327 : memref<1x128xi32, #tpu.memory_space<vmem>> -> memref<128xi32, #tpu.memory_space<vmem>>
      %dma_wait3A_329 = arith.constant 0 : i32
      %dma_wait3A_330 = arith.constant 0 : i32
      %dma_wait3A_331 = tpu.memref_slice %arg7[%dma_wait3A_329, %dma_wait3A_330] : memref<1000000x32xf32, #tpu.memory_space<hbm>> -> memref<1000000x32xf32, #tpu.memory_space<hbm>>
      tpu.wait_indirect_dma semaphore(%arg24 : memref<!tpu.dma_semaphore, #tpu.memory_space<semaphore_mem>>) src(%dma_wait3A_331 : memref<1000000x32xf32, #tpu.memory_space<hbm>>) dst(%dma_wait3A_325 : memref<128x32xf32, #tpu.memory_space<vmem>>)
      %dma_wait3A_332 = arith.constant 8 : i32
      %dma_wait3A_333 = arith.constant 1024 : i32
      %dma_wait3A_334 = arith.constant 0 : i32
      %dma_wait3A_335 = tpu.memref_slice %arg19[%dma_wait3A_333, %dma_wait3A_334] : memref<2560x32xf32, #tpu.memory_space<vmem>> -> memref<128x32xf32, #tpu.memory_space<vmem>>
      %dma_wait3A_336 = arith.constant 0 : i32
      %dma_wait3A_337 = tpu.memref_slice %arg15[%dma_wait3A_332, %dma_wait3A_336] : memref<20x128xi32, #tpu.memory_space<vmem>> -> memref<1x128xi32, #tpu.memory_space<vmem>>
      %dma_wait3A_338 = tpu.memref_squeeze %dma_wait3A_337 : memref<1x128xi32, #tpu.memory_space<vmem>> -> memref<128xi32, #tpu.memory_space<vmem>>
      %dma_wait3A_339 = arith.constant 0 : i32
      %dma_wait3A_340 = arith.constant 0 : i32
      %dma_wait3A_341 = tpu.memref_slice %arg7[%dma_wait3A_339, %dma_wait3A_340] : memref<1000000x32xf32, #tpu.memory_space<hbm>> -> memref<1000000x32xf32, #tpu.memory_space<hbm>>
      tpu.wait_indirect_dma semaphore(%arg24 : memref<!tpu.dma_semaphore, #tpu.memory_space<semaphore_mem>>) src(%dma_wait3A_341 : memref<1000000x32xf32, #tpu.memory_space<hbm>>) dst(%dma_wait3A_335 : memref<128x32xf32, #tpu.memory_space<vmem>>)
      %dma_wait3A_342 = arith.constant 9 : i32
      %dma_wait3A_343 = arith.constant 1152 : i32
      %dma_wait3A_344 = arith.constant 0 : i32
      %dma_wait3A_345 = tpu.memref_slice %arg19[%dma_wait3A_343, %dma_wait3A_344] : memref<2560x32xf32, #tpu.memory_space<vmem>> -> memref<128x32xf32, #tpu.memory_space<vmem>>
      %dma_wait3A_346 = arith.constant 0 : i32
      %dma_wait3A_347 = tpu.memref_slice %arg15[%dma_wait3A_342, %dma_wait3A_346] : memref<20x128xi32, #tpu.memory_space<vmem>> -> memref<1x128xi32, #tpu.memory_space<vmem>>
      %dma_wait3A_348 = tpu.memref_squeeze %dma_wait3A_347 : memref<1x128xi32, #tpu.memory_space<vmem>> -> memref<128xi32, #tpu.memory_space<vmem>>
      %dma_wait3A_349 = arith.constant 0 : i32
      %dma_wait3A_350 = arith.constant 0 : i32
      %dma_wait3A_351 = tpu.memref_slice %arg7[%dma_wait3A_349, %dma_wait3A_350] : memref<1000000x32xf32, #tpu.memory_space<hbm>> -> memref<1000000x32xf32, #tpu.memory_space<hbm>>
      tpu.wait_indirect_dma semaphore(%arg24 : memref<!tpu.dma_semaphore, #tpu.memory_space<semaphore_mem>>) src(%dma_wait3A_351 : memref<1000000x32xf32, #tpu.memory_space<hbm>>) dst(%dma_wait3A_345 : memref<128x32xf32, #tpu.memory_space<vmem>>)
      %dma_wait3A_352 = arith.constant 10 : i32
      %dma_wait3A_353 = arith.constant 1280 : i32
      %dma_wait3A_354 = arith.constant 0 : i32
      %dma_wait3A_355 = tpu.memref_slice %arg19[%dma_wait3A_353, %dma_wait3A_354] : memref<2560x32xf32, #tpu.memory_space<vmem>> -> memref<128x32xf32, #tpu.memory_space<vmem>>
      %dma_wait3A_356 = arith.constant 0 : i32
      %dma_wait3A_357 = tpu.memref_slice %arg15[%dma_wait3A_352, %dma_wait3A_356] : memref<20x128xi32, #tpu.memory_space<vmem>> -> memref<1x128xi32, #tpu.memory_space<vmem>>
      %dma_wait3A_358 = tpu.memref_squeeze %dma_wait3A_357 : memref<1x128xi32, #tpu.memory_space<vmem>> -> memref<128xi32, #tpu.memory_space<vmem>>
      %dma_wait3A_359 = arith.constant 0 : i32
      %dma_wait3A_360 = arith.constant 0 : i32
      %dma_wait3A_361 = tpu.memref_slice %arg7[%dma_wait3A_359, %dma_wait3A_360] : memref<1000000x32xf32, #tpu.memory_space<hbm>> -> memref<1000000x32xf32, #tpu.memory_space<hbm>>
      tpu.wait_indirect_dma semaphore(%arg24 : memref<!tpu.dma_semaphore, #tpu.memory_space<semaphore_mem>>) src(%dma_wait3A_361 : memref<1000000x32xf32, #tpu.memory_space<hbm>>) dst(%dma_wait3A_355 : memref<128x32xf32, #tpu.memory_space<vmem>>)
      %dma_wait3A_362 = arith.constant 11 : i32
      %dma_wait3A_363 = arith.constant 1408 : i32
      %dma_wait3A_364 = arith.constant 0 : i32
      %dma_wait3A_365 = tpu.memref_slice %arg19[%dma_wait3A_363, %dma_wait3A_364] : memref<2560x32xf32, #tpu.memory_space<vmem>> -> memref<128x32xf32, #tpu.memory_space<vmem>>
      %dma_wait3A_366 = arith.constant 0 : i32
      %dma_wait3A_367 = tpu.memref_slice %arg15[%dma_wait3A_362, %dma_wait3A_366] : memref<20x128xi32, #tpu.memory_space<vmem>> -> memref<1x128xi32, #tpu.memory_space<vmem>>
      %dma_wait3A_368 = tpu.memref_squeeze %dma_wait3A_367 : memref<1x128xi32, #tpu.memory_space<vmem>> -> memref<128xi32, #tpu.memory_space<vmem>>
      %dma_wait3A_369 = arith.constant 0 : i32
      %dma_wait3A_370 = arith.constant 0 : i32
      %dma_wait3A_371 = tpu.memref_slice %arg7[%dma_wait3A_369, %dma_wait3A_370] : memref<1000000x32xf32, #tpu.memory_space<hbm>> -> memref<1000000x32xf32, #tpu.memory_space<hbm>>
      tpu.wait_indirect_dma semaphore(%arg24 : memref<!tpu.dma_semaphore, #tpu.memory_space<semaphore_mem>>) src(%dma_wait3A_371 : memref<1000000x32xf32, #tpu.memory_space<hbm>>) dst(%dma_wait3A_365 : memref<128x32xf32, #tpu.memory_space<vmem>>)
      %dma_wait3A_372 = arith.constant 12 : i32
      %dma_wait3A_373 = arith.constant 1536 : i32
      %dma_wait3A_374 = arith.constant 0 : i32
      %dma_wait3A_375 = tpu.memref_slice %arg19[%dma_wait3A_373, %dma_wait3A_374] : memref<2560x32xf32, #tpu.memory_space<vmem>> -> memref<128x32xf32, #tpu.memory_space<vmem>>
      %dma_wait3A_376 = arith.constant 0 : i32
      %dma_wait3A_377 = tpu.memref_slice %arg15[%dma_wait3A_372, %dma_wait3A_376] : memref<20x128xi32, #tpu.memory_space<vmem>> -> memref<1x128xi32, #tpu.memory_space<vmem>>
      %dma_wait3A_378 = tpu.memref_squeeze %dma_wait3A_377 : memref<1x128xi32, #tpu.memory_space<vmem>> -> memref<128xi32, #tpu.memory_space<vmem>>
      %dma_wait3A_379 = arith.constant 0 : i32
      %dma_wait3A_380 = arith.constant 0 : i32
      %dma_wait3A_381 = tpu.memref_slice %arg7[%dma_wait3A_379, %dma_wait3A_380] : memref<1000000x32xf32, #tpu.memory_space<hbm>> -> memref<1000000x32xf32, #tpu.memory_space<hbm>>
      tpu.wait_indirect_dma semaphore(%arg24 : memref<!tpu.dma_semaphore, #tpu.memory_space<semaphore_mem>>) src(%dma_wait3A_381 : memref<1000000x32xf32, #tpu.memory_space<hbm>>) dst(%dma_wait3A_375 : memref<128x32xf32, #tpu.memory_space<vmem>>)
      %dma_wait3A_382 = arith.constant 13 : i32
      %dma_wait3A_383 = arith.constant 1664 : i32
      %dma_wait3A_384 = arith.constant 0 : i32
      %dma_wait3A_385 = tpu.memref_slice %arg19[%dma_wait3A_383, %dma_wait3A_384] : memref<2560x32xf32, #tpu.memory_space<vmem>> -> memref<128x32xf32, #tpu.memory_space<vmem>>
      %dma_wait3A_386 = arith.constant 0 : i32
      %dma_wait3A_387 = tpu.memref_slice %arg15[%dma_wait3A_382, %dma_wait3A_386] : memref<20x128xi32, #tpu.memory_space<vmem>> -> memref<1x128xi32, #tpu.memory_space<vmem>>
      %dma_wait3A_388 = tpu.memref_squeeze %dma_wait3A_387 : memref<1x128xi32, #tpu.memory_space<vmem>> -> memref<128xi32, #tpu.memory_space<vmem>>
      %dma_wait3A_389 = arith.constant 0 : i32
      %dma_wait3A_390 = arith.constant 0 : i32
      %dma_wait3A_391 = tpu.memref_slice %arg7[%dma_wait3A_389, %dma_wait3A_390] : memref<1000000x32xf32, #tpu.memory_space<hbm>> -> memref<1000000x32xf32, #tpu.memory_space<hbm>>
      tpu.wait_indirect_dma semaphore(%arg24 : memref<!tpu.dma_semaphore, #tpu.memory_space<semaphore_mem>>) src(%dma_wait3A_391 : memref<1000000x32xf32, #tpu.memory_space<hbm>>) dst(%dma_wait3A_385 : memref<128x32xf32, #tpu.memory_space<vmem>>)
      %dma_wait3A_392 = arith.constant 14 : i32
      %dma_wait3A_393 = arith.constant 1792 : i32
      %dma_wait3A_394 = arith.constant 0 : i32
      %dma_wait3A_395 = tpu.memref_slice %arg19[%dma_wait3A_393, %dma_wait3A_394] : memref<2560x32xf32, #tpu.memory_space<vmem>> -> memref<128x32xf32, #tpu.memory_space<vmem>>
      %dma_wait3A_396 = arith.constant 0 : i32
      %dma_wait3A_397 = tpu.memref_slice %arg15[%dma_wait3A_392, %dma_wait3A_396] : memref<20x128xi32, #tpu.memory_space<vmem>> -> memref<1x128xi32, #tpu.memory_space<vmem>>
      %dma_wait3A_398 = tpu.memref_squeeze %dma_wait3A_397 : memref<1x128xi32, #tpu.memory_space<vmem>> -> memref<128xi32, #tpu.memory_space<vmem>>
      %dma_wait3A_399 = arith.constant 0 : i32
      %dma_wait3A_400 = arith.constant 0 : i32
      %dma_wait3A_401 = tpu.memref_slice %arg7[%dma_wait3A_399, %dma_wait3A_400] : memref<1000000x32xf32, #tpu.memory_space<hbm>> -> memref<1000000x32xf32, #tpu.memory_space<hbm>>
      tpu.wait_indirect_dma semaphore(%arg24 : memref<!tpu.dma_semaphore, #tpu.memory_space<semaphore_mem>>) src(%dma_wait3A_401 : memref<1000000x32xf32, #tpu.memory_space<hbm>>) dst(%dma_wait3A_395 : memref<128x32xf32, #tpu.memory_space<vmem>>)
      %dma_wait3A_402 = arith.constant 15 : i32
      %dma_wait3A_403 = arith.constant 1920 : i32
      %dma_wait3A_404 = arith.constant 0 : i32
      %dma_wait3A_405 = tpu.memref_slice %arg19[%dma_wait3A_403, %dma_wait3A_404] : memref<2560x32xf32, #tpu.memory_space<vmem>> -> memref<128x32xf32, #tpu.memory_space<vmem>>
      %dma_wait3A_406 = arith.constant 0 : i32
      %dma_wait3A_407 = tpu.memref_slice %arg15[%dma_wait3A_402, %dma_wait3A_406] : memref<20x128xi32, #tpu.memory_space<vmem>> -> memref<1x128xi32, #tpu.memory_space<vmem>>
      %dma_wait3A_408 = tpu.memref_squeeze %dma_wait3A_407 : memref<1x128xi32, #tpu.memory_space<vmem>> -> memref<128xi32, #tpu.memory_space<vmem>>
      %dma_wait3A_409 = arith.constant 0 : i32
      %dma_wait3A_410 = arith.constant 0 : i32
      %dma_wait3A_411 = tpu.memref_slice %arg7[%dma_wait3A_409, %dma_wait3A_410] : memref<1000000x32xf32, #tpu.memory_space<hbm>> -> memref<1000000x32xf32, #tpu.memory_space<hbm>>
      tpu.wait_indirect_dma semaphore(%arg24 : memref<!tpu.dma_semaphore, #tpu.memory_space<semaphore_mem>>) src(%dma_wait3A_411 : memref<1000000x32xf32, #tpu.memory_space<hbm>>) dst(%dma_wait3A_405 : memref<128x32xf32, #tpu.memory_space<vmem>>)
      %dma_wait3A_412 = arith.constant 16 : i32
      %dma_wait3A_413 = arith.constant 2048 : i32
      %dma_wait3A_414 = arith.constant 0 : i32
      %dma_wait3A_415 = tpu.memref_slice %arg19[%dma_wait3A_413, %dma_wait3A_414] : memref<2560x32xf32, #tpu.memory_space<vmem>> -> memref<128x32xf32, #tpu.memory_space<vmem>>
      %dma_wait3A_416 = arith.constant 0 : i32
      %dma_wait3A_417 = tpu.memref_slice %arg15[%dma_wait3A_412, %dma_wait3A_416] : memref<20x128xi32, #tpu.memory_space<vmem>> -> memref<1x128xi32, #tpu.memory_space<vmem>>
      %dma_wait3A_418 = tpu.memref_squeeze %dma_wait3A_417 : memref<1x128xi32, #tpu.memory_space<vmem>> -> memref<128xi32, #tpu.memory_space<vmem>>
      %dma_wait3A_419 = arith.constant 0 : i32
      %dma_wait3A_420 = arith.constant 0 : i32
      %dma_wait3A_421 = tpu.memref_slice %arg7[%dma_wait3A_419, %dma_wait3A_420] : memref<1000000x32xf32, #tpu.memory_space<hbm>> -> memref<1000000x32xf32, #tpu.memory_space<hbm>>
      tpu.wait_indirect_dma semaphore(%arg24 : memref<!tpu.dma_semaphore, #tpu.memory_space<semaphore_mem>>) src(%dma_wait3A_421 : memref<1000000x32xf32, #tpu.memory_space<hbm>>) dst(%dma_wait3A_415 : memref<128x32xf32, #tpu.memory_space<vmem>>)
      %dma_wait3A_422 = arith.constant 17 : i32
      %dma_wait3A_423 = arith.constant 2176 : i32
      %dma_wait3A_424 = arith.constant 0 : i32
      %dma_wait3A_425 = tpu.memref_slice %arg19[%dma_wait3A_423, %dma_wait3A_424] : memref<2560x32xf32, #tpu.memory_space<vmem>> -> memref<128x32xf32, #tpu.memory_space<vmem>>
      %dma_wait3A_426 = arith.constant 0 : i32
      %dma_wait3A_427 = tpu.memref_slice %arg15[%dma_wait3A_422, %dma_wait3A_426] : memref<20x128xi32, #tpu.memory_space<vmem>> -> memref<1x128xi32, #tpu.memory_space<vmem>>
      %dma_wait3A_428 = tpu.memref_squeeze %dma_wait3A_427 : memref<1x128xi32, #tpu.memory_space<vmem>> -> memref<128xi32, #tpu.memory_space<vmem>>
      %dma_wait3A_429 = arith.constant 0 : i32
      %dma_wait3A_430 = arith.constant 0 : i32
      %dma_wait3A_431 = tpu.memref_slice %arg7[%dma_wait3A_429, %dma_wait3A_430] : memref<1000000x32xf32, #tpu.memory_space<hbm>> -> memref<1000000x32xf32, #tpu.memory_space<hbm>>
      tpu.wait_indirect_dma semaphore(%arg24 : memref<!tpu.dma_semaphore, #tpu.memory_space<semaphore_mem>>) src(%dma_wait3A_431 : memref<1000000x32xf32, #tpu.memory_space<hbm>>) dst(%dma_wait3A_425 : memref<128x32xf32, #tpu.memory_space<vmem>>)
      %dma_wait3A_432 = arith.constant 18 : i32
      %dma_wait3A_433 = arith.constant 2304 : i32
      %dma_wait3A_434 = arith.constant 0 : i32
      %dma_wait3A_435 = tpu.memref_slice %arg19[%dma_wait3A_433, %dma_wait3A_434] : memref<2560x32xf32, #tpu.memory_space<vmem>> -> memref<128x32xf32, #tpu.memory_space<vmem>>
      %dma_wait3A_436 = arith.constant 0 : i32
      %dma_wait3A_437 = tpu.memref_slice %arg15[%dma_wait3A_432, %dma_wait3A_436] : memref<20x128xi32, #tpu.memory_space<vmem>> -> memref<1x128xi32, #tpu.memory_space<vmem>>
      %dma_wait3A_438 = tpu.memref_squeeze %dma_wait3A_437 : memref<1x128xi32, #tpu.memory_space<vmem>> -> memref<128xi32, #tpu.memory_space<vmem>>
      %dma_wait3A_439 = arith.constant 0 : i32
      %dma_wait3A_440 = arith.constant 0 : i32
      %dma_wait3A_441 = tpu.memref_slice %arg7[%dma_wait3A_439, %dma_wait3A_440] : memref<1000000x32xf32, #tpu.memory_space<hbm>> -> memref<1000000x32xf32, #tpu.memory_space<hbm>>
      tpu.wait_indirect_dma semaphore(%arg24 : memref<!tpu.dma_semaphore, #tpu.memory_space<semaphore_mem>>) src(%dma_wait3A_441 : memref<1000000x32xf32, #tpu.memory_space<hbm>>) dst(%dma_wait3A_435 : memref<128x32xf32, #tpu.memory_space<vmem>>)
      %dma_wait3A_442 = arith.constant 19 : i32
      %dma_wait3A_443 = arith.constant 2432 : i32
      %dma_wait3A_444 = arith.constant 0 : i32
      %dma_wait3A_445 = tpu.memref_slice %arg19[%dma_wait3A_443, %dma_wait3A_444] : memref<2560x32xf32, #tpu.memory_space<vmem>> -> memref<128x32xf32, #tpu.memory_space<vmem>>
      %dma_wait3A_446 = arith.constant 0 : i32
      %dma_wait3A_447 = tpu.memref_slice %arg15[%dma_wait3A_442, %dma_wait3A_446] : memref<20x128xi32, #tpu.memory_space<vmem>> -> memref<1x128xi32, #tpu.memory_space<vmem>>
      %dma_wait3A_448 = tpu.memref_squeeze %dma_wait3A_447 : memref<1x128xi32, #tpu.memory_space<vmem>> -> memref<128xi32, #tpu.memory_space<vmem>>
      %dma_wait3A_449 = arith.constant 0 : i32
      %dma_wait3A_450 = arith.constant 0 : i32
      %dma_wait3A_451 = tpu.memref_slice %arg7[%dma_wait3A_449, %dma_wait3A_450] : memref<1000000x32xf32, #tpu.memory_space<hbm>> -> memref<1000000x32xf32, #tpu.memory_space<hbm>>
      tpu.wait_indirect_dma semaphore(%arg24 : memref<!tpu.dma_semaphore, #tpu.memory_space<semaphore_mem>>) src(%dma_wait3A_451 : memref<1000000x32xf32, #tpu.memory_space<hbm>>) dst(%dma_wait3A_445 : memref<128x32xf32, #tpu.memory_space<vmem>>)
      %scan3A_452 = arith.constant 0 : i32
      %scan3A_453 = arith.constant 8 : i32
      %scan3A_454 = arith.addi %scan3A_452, %scan3A_453 : i32
      %scan3A_455 = arith.constant 1 : i32
      scf.for %scan3A_457 = %scan3A_452 to %scan3A_454 step %scan3A_455  : i32 {
        %mul3A_458 = arith.constant 16 : i32
        %mul3A_459 = arith.muli %scan3A_457, %mul3A_458 : i32
        %add3A_460 = vector.broadcast %mul3A_459 : i32 to vector<16xi32>
        %add3A_461 = arith.addi %iota3A, %add3A_460 : vector<16xi32>
        %add3A_462 = arith.constant 0 : i32
        %add3A_463 = vector.broadcast %add3A_462 : i32 to vector<16xi32>
        %add3A_464 = arith.addi %add3A_461, %add3A_463 : vector<16xi32>
        %add3A_465 = arith.constant 128 : i32
        %add3A_466 = vector.broadcast %add3A_465 : i32 to vector<16xi32>
        %add3A_467 = arith.addi %add3A_461, %add3A_466 : vector<16xi32>
        %add3A_468 = arith.constant 256 : i32
        %add3A_469 = vector.broadcast %add3A_468 : i32 to vector<16xi32>
        %add3A_470 = arith.addi %add3A_461, %add3A_469 : vector<16xi32>
        %add3A_471 = arith.constant 384 : i32
        %add3A_472 = vector.broadcast %add3A_471 : i32 to vector<16xi32>
        %add3A_473 = arith.addi %add3A_461, %add3A_472 : vector<16xi32>
        %add3A_474 = arith.constant 512 : i32
        %add3A_475 = vector.broadcast %add3A_474 : i32 to vector<16xi32>
        %add3A_476 = arith.addi %add3A_461, %add3A_475 : vector<16xi32>
        %add3A_477 = arith.constant 640 : i32
        %add3A_478 = vector.broadcast %add3A_477 : i32 to vector<16xi32>
        %add3A_479 = arith.addi %add3A_461, %add3A_478 : vector<16xi32>
        %add3A_480 = arith.constant 768 : i32
        %add3A_481 = vector.broadcast %add3A_480 : i32 to vector<16xi32>
        %add3A_482 = arith.addi %add3A_461, %add3A_481 : vector<16xi32>
        %add3A_483 = arith.constant 896 : i32
        %add3A_484 = vector.broadcast %add3A_483 : i32 to vector<16xi32>
        %add3A_485 = arith.addi %add3A_461, %add3A_484 : vector<16xi32>
        %add3A_486 = arith.constant 1024 : i32
        %add3A_487 = vector.broadcast %add3A_486 : i32 to vector<16xi32>
        %add3A_488 = arith.addi %add3A_461, %add3A_487 : vector<16xi32>
        %add3A_489 = arith.constant 1152 : i32
        %add3A_490 = vector.broadcast %add3A_489 : i32 to vector<16xi32>
        %add3A_491 = arith.addi %add3A_461, %add3A_490 : vector<16xi32>
        %add3A_492 = arith.constant 1280 : i32
        %add3A_493 = vector.broadcast %add3A_492 : i32 to vector<16xi32>
        %add3A_494 = arith.addi %add3A_461, %add3A_493 : vector<16xi32>
        %add3A_495 = arith.constant 1408 : i32
        %add3A_496 = vector.broadcast %add3A_495 : i32 to vector<16xi32>
        %add3A_497 = arith.addi %add3A_461, %add3A_496 : vector<16xi32>
        %add3A_498 = arith.constant 1536 : i32
        %add3A_499 = vector.broadcast %add3A_498 : i32 to vector<16xi32>
        %add3A_500 = arith.addi %add3A_461, %add3A_499 : vector<16xi32>
        %add3A_501 = arith.constant 1664 : i32
        %add3A_502 = vector.broadcast %add3A_501 : i32 to vector<16xi32>
        %add3A_503 = arith.addi %add3A_461, %add3A_502 : vector<16xi32>
        %add3A_504 = arith.constant 1792 : i32
        %add3A_505 = vector.broadcast %add3A_504 : i32 to vector<16xi32>
        %add3A_506 = arith.addi %add3A_461, %add3A_505 : vector<16xi32>
        %add3A_507 = arith.constant 1920 : i32
        %add3A_508 = vector.broadcast %add3A_507 : i32 to vector<16xi32>
        %add3A_509 = arith.addi %add3A_461, %add3A_508 : vector<16xi32>
        %add3A_510 = arith.constant 2048 : i32
        %add3A_511 = vector.broadcast %add3A_510 : i32 to vector<16xi32>
        %add3A_512 = arith.addi %add3A_461, %add3A_511 : vector<16xi32>
        %add3A_513 = arith.constant 2176 : i32
        %add3A_514 = vector.broadcast %add3A_513 : i32 to vector<16xi32>
        %add3A_515 = arith.addi %add3A_461, %add3A_514 : vector<16xi32>
        %add3A_516 = arith.constant 2304 : i32
        %add3A_517 = vector.broadcast %add3A_516 : i32 to vector<16xi32>
        %add3A_518 = arith.addi %add3A_461, %add3A_517 : vector<16xi32>
        %add3A_519 = arith.constant 2432 : i32
        %add3A_520 = vector.broadcast %add3A_519 : i32 to vector<16xi32>
        %add3A_521 = arith.addi %add3A_461, %add3A_520 : vector<16xi32>
        %broadcast_in_dim3A = arith.constant 0.000000e+00 : f32
        %broadcast_in_dim3A_522 = vector.broadcast %broadcast_in_dim3A : f32 to vector<16xf32>
        %scan3A_523 = arith.constant 0 : i32
        %scan3A_524 = arith.constant 4 : i32
        %scan3A_525 = arith.addi %scan3A_523, %scan3A_524 : i32
        %scan3A_526 = arith.constant 1 : i32
        %scan3A_527:23 = scf.for %scan3A_619 = %scan3A_523 to %scan3A_525 step %scan3A_526 iter_args(%scan3A_620 = %broadcast_in_dim3A_522, %scan3A_621 = %broadcast_in_dim3A_522, %scan3A_622 = %broadcast_in_dim3A_522, %scan3A_623 = %broadcast_in_dim3A_522, %scan3A_624 = %broadcast_in_dim3A_522, %scan3A_625 = %broadcast_in_dim3A_522, %scan3A_626 = %broadcast_in_dim3A_522, %scan3A_627 = %broadcast_in_dim3A_522, %scan3A_628 = %broadcast_in_dim3A_522, %scan3A_629 = %broadcast_in_dim3A_522, %scan3A_630 = %broadcast_in_dim3A_522, %scan3A_631 = %broadcast_in_dim3A_522, %scan3A_632 = %broadcast_in_dim3A_522, %scan3A_633 = %broadcast_in_dim3A_522, %scan3A_634 = %broadcast_in_dim3A_522, %scan3A_635 = %broadcast_in_dim3A_522, %scan3A_636 = %broadcast_in_dim3A_522, %scan3A_637 = %broadcast_in_dim3A_522, %scan3A_638 = %broadcast_in_dim3A_522, %scan3A_639 = %broadcast_in_dim3A_522, %scan3A_640 = %broadcast_in_dim3A_522, %scan3A_641 = %broadcast_in_dim3A_522, %scan3A_642 = %broadcast_in_dim3A_522) -> (vector<16xf32>, vector<16xf32>, vector<16xf32>, vector<16xf32>, vector<16xf32>, vector<16xf32>, vector<16xf32>, vector<16xf32>, vector<16xf32>, vector<16xf32>, vector<16xf32>, vector<16xf32>, vector<16xf32>, vector<16xf32>, vector<16xf32>, vector<16xf32>, vector<16xf32>, vector<16xf32>, vector<16xf32>, vector<16xf32>, vector<16xf32>, vector<16xf32>, vector<16xf32>)  : i32 {
          %mul3A_643 = arith.constant 8 : i32
          %mul3A_644 = arith.muli %scan3A_619, %mul3A_643 : i32
          %add3A_645 = arith.constant 0 : i32
          %add3A_646 = arith.addi %mul3A_644, %add3A_645 : i32
          %broadcast_in_dim3A_647 = vector.broadcast %add3A_646 : i32 to vector<16xi32>
          %gather3A = tpu.vector_load_idx %arg16[%add3A_461, %broadcast_in_dim3A_647] : memref<128x32xf32, #tpu.memory_space<vmem>>[vector<16xi32>, vector<16xi32>], vector<16xf32>,
          %gather3A_648 = tpu.vector_load_idx %arg17[%add3A_461, %broadcast_in_dim3A_647] : memref<128x32xf32, #tpu.memory_space<vmem>>[vector<16xi32>, vector<16xi32>], vector<16xf32>,
          %gather3A_649 = tpu.vector_load_idx %arg18[%add3A_461, %broadcast_in_dim3A_647] : memref<128x32xf32, #tpu.memory_space<vmem>>[vector<16xi32>, vector<16xi32>], vector<16xf32>,
          %sub3A = arith.subf %gather3A, %gather3A_648 : vector<16xf32>
          %sub3A_650 = arith.subf %gather3A, %gather3A_649 : vector<16xf32>
          %mul3A_651 = arith.mulf %sub3A, %sub3A : vector<16xf32>
          %add3A_652 = arith.addf %scan3A_620, %mul3A_651 : vector<16xf32>
          %mul3A_653 = arith.mulf %sub3A_650, %sub3A_650 : vector<16xf32>
          %add3A_654 = arith.addf %scan3A_621, %mul3A_653 : vector<16xf32>
          %mul3A_655 = arith.mulf %gather3A, %gather3A : vector<16xf32>
          %add3A_656 = arith.addf %scan3A_622, %mul3A_655 : vector<16xf32>
          %mul3A_657 = arith.mulf %gather3A_648, %gather3A_648 : vector<16xf32>
          %add3A_658 = arith.addf %add3A_656, %mul3A_657 : vector<16xf32>
          %mul3A_659 = arith.mulf %gather3A_649, %gather3A_649 : vector<16xf32>
          %add3A_660 = arith.addf %add3A_658, %mul3A_659 : vector<16xf32>
          %gather3A_661 = tpu.vector_load_idx %arg19[%add3A_464, %broadcast_in_dim3A_647] : memref<2560x32xf32, #tpu.memory_space<vmem>>[vector<16xi32>, vector<16xi32>], vector<16xf32>,
          %sub3A_662 = arith.subf %gather3A, %gather3A_661 : vector<16xf32>
          %mul3A_663 = arith.mulf %sub3A_662, %sub3A_662 : vector<16xf32>
          %add3A_664 = arith.addf %scan3A_623, %mul3A_663 : vector<16xf32>
          %mul3A_665 = arith.mulf %gather3A_661, %gather3A_661 : vector<16xf32>
          %add3A_666 = arith.addf %add3A_660, %mul3A_665 : vector<16xf32>
          %gather3A_667 = tpu.vector_load_idx %arg19[%add3A_467, %broadcast_in_dim3A_647] : memref<2560x32xf32, #tpu.memory_space<vmem>>[vector<16xi32>, vector<16xi32>], vector<16xf32>,
          %sub3A_668 = arith.subf %gather3A, %gather3A_667 : vector<16xf32>
          %mul3A_669 = arith.mulf %sub3A_668, %sub3A_668 : vector<16xf32>
          %add3A_670 = arith.addf %scan3A_624, %mul3A_669 : vector<16xf32>
          %mul3A_671 = arith.mulf %gather3A_667, %gather3A_667 : vector<16xf32>
          %add3A_672 = arith.addf %add3A_666, %mul3A_671 : vector<16xf32>
          %gather3A_673 = tpu.vector_load_idx %arg19[%add3A_470, %broadcast_in_dim3A_647] : memref<2560x32xf32, #tpu.memory_space<vmem>>[vector<16xi32>, vector<16xi32>], vector<16xf32>,
          %sub3A_674 = arith.subf %gather3A, %gather3A_673 : vector<16xf32>
          %mul3A_675 = arith.mulf %sub3A_674, %sub3A_674 : vector<16xf32>
          %add3A_676 = arith.addf %scan3A_625, %mul3A_675 : vector<16xf32>
          %mul3A_677 = arith.mulf %gather3A_673, %gather3A_673 : vector<16xf32>
          %add3A_678 = arith.addf %add3A_672, %mul3A_677 : vector<16xf32>
          %gather3A_679 = tpu.vector_load_idx %arg19[%add3A_473, %broadcast_in_dim3A_647] : memref<2560x32xf32, #tpu.memory_space<vmem>>[vector<16xi32>, vector<16xi32>], vector<16xf32>,
          %sub3A_680 = arith.subf %gather3A, %gather3A_679 : vector<16xf32>
          %mul3A_681 = arith.mulf %sub3A_680, %sub3A_680 : vector<16xf32>
          %add3A_682 = arith.addf %scan3A_626, %mul3A_681 : vector<16xf32>
          %mul3A_683 = arith.mulf %gather3A_679, %gather3A_679 : vector<16xf32>
          %add3A_684 = arith.addf %add3A_678, %mul3A_683 : vector<16xf32>
          %gather3A_685 = tpu.vector_load_idx %arg19[%add3A_476, %broadcast_in_dim3A_647] : memref<2560x32xf32, #tpu.memory_space<vmem>>[vector<16xi32>, vector<16xi32>], vector<16xf32>,
          %sub3A_686 = arith.subf %gather3A, %gather3A_685 : vector<16xf32>
          %mul3A_687 = arith.mulf %sub3A_686, %sub3A_686 : vector<16xf32>
          %add3A_688 = arith.addf %scan3A_627, %mul3A_687 : vector<16xf32>
          %mul3A_689 = arith.mulf %gather3A_685, %gather3A_685 : vector<16xf32>
          %add3A_690 = arith.addf %add3A_684, %mul3A_689 : vector<16xf32>
          %gather3A_691 = tpu.vector_load_idx %arg19[%add3A_479, %broadcast_in_dim3A_647] : memref<2560x32xf32, #tpu.memory_space<vmem>>[vector<16xi32>, vector<16xi32>], vector<16xf32>,
          %sub3A_692 = arith.subf %gather3A, %gather3A_691 : vector<16xf32>
          %mul3A_693 = arith.mulf %sub3A_692, %sub3A_692 : vector<16xf32>
          %add3A_694 = arith.addf %scan3A_628, %mul3A_693 : vector<16xf32>
          %mul3A_695 = arith.mulf %gather3A_691, %gather3A_691 : vector<16xf32>
          %add3A_696 = arith.addf %add3A_690, %mul3A_695 : vector<16xf32>
          %gather3A_697 = tpu.vector_load_idx %arg19[%add3A_482, %broadcast_in_dim3A_647] : memref<2560x32xf32, #tpu.memory_space<vmem>>[vector<16xi32>, vector<16xi32>], vector<16xf32>,
          %sub3A_698 = arith.subf %gather3A, %gather3A_697 : vector<16xf32>
          %mul3A_699 = arith.mulf %sub3A_698, %sub3A_698 : vector<16xf32>
          %add3A_700 = arith.addf %scan3A_629, %mul3A_699 : vector<16xf32>
          %mul3A_701 = arith.mulf %gather3A_697, %gather3A_697 : vector<16xf32>
          %add3A_702 = arith.addf %add3A_696, %mul3A_701 : vector<16xf32>
          %gather3A_703 = tpu.vector_load_idx %arg19[%add3A_485, %broadcast_in_dim3A_647] : memref<2560x32xf32, #tpu.memory_space<vmem>>[vector<16xi32>, vector<16xi32>], vector<16xf32>,
          %sub3A_704 = arith.subf %gather3A, %gather3A_703 : vector<16xf32>
          %mul3A_705 = arith.mulf %sub3A_704, %sub3A_704 : vector<16xf32>
          %add3A_706 = arith.addf %scan3A_630, %mul3A_705 : vector<16xf32>
          %mul3A_707 = arith.mulf %gather3A_703, %gather3A_703 : vector<16xf32>
          %add3A_708 = arith.addf %add3A_702, %mul3A_707 : vector<16xf32>
          %gather3A_709 = tpu.vector_load_idx %arg19[%add3A_488, %broadcast_in_dim3A_647] : memref<2560x32xf32, #tpu.memory_space<vmem>>[vector<16xi32>, vector<16xi32>], vector<16xf32>,
          %sub3A_710 = arith.subf %gather3A, %gather3A_709 : vector<16xf32>
          %mul3A_711 = arith.mulf %sub3A_710, %sub3A_710 : vector<16xf32>
          %add3A_712 = arith.addf %scan3A_631, %mul3A_711 : vector<16xf32>
          %mul3A_713 = arith.mulf %gather3A_709, %gather3A_709 : vector<16xf32>
          %add3A_714 = arith.addf %add3A_708, %mul3A_713 : vector<16xf32>
          %gather3A_715 = tpu.vector_load_idx %arg19[%add3A_491, %broadcast_in_dim3A_647] : memref<2560x32xf32, #tpu.memory_space<vmem>>[vector<16xi32>, vector<16xi32>], vector<16xf32>,
          %sub3A_716 = arith.subf %gather3A, %gather3A_715 : vector<16xf32>
          %mul3A_717 = arith.mulf %sub3A_716, %sub3A_716 : vector<16xf32>
          %add3A_718 = arith.addf %scan3A_632, %mul3A_717 : vector<16xf32>
          %mul3A_719 = arith.mulf %gather3A_715, %gather3A_715 : vector<16xf32>
          %add3A_720 = arith.addf %add3A_714, %mul3A_719 : vector<16xf32>
          %gather3A_721 = tpu.vector_load_idx %arg19[%add3A_494, %broadcast_in_dim3A_647] : memref<2560x32xf32, #tpu.memory_space<vmem>>[vector<16xi32>, vector<16xi32>], vector<16xf32>,
          %sub3A_722 = arith.subf %gather3A, %gather3A_721 : vector<16xf32>
          %mul3A_723 = arith.mulf %sub3A_722, %sub3A_722 : vector<16xf32>
          %add3A_724 = arith.addf %scan3A_633, %mul3A_723 : vector<16xf32>
          %mul3A_725 = arith.mulf %gather3A_721, %gather3A_721 : vector<16xf32>
          %add3A_726 = arith.addf %add3A_720, %mul3A_725 : vector<16xf32>
          %gather3A_727 = tpu.vector_load_idx %arg19[%add3A_497, %broadcast_in_dim3A_647] : memref<2560x32xf32, #tpu.memory_space<vmem>>[vector<16xi32>, vector<16xi32>], vector<16xf32>,
          %sub3A_728 = arith.subf %gather3A, %gather3A_727 : vector<16xf32>
          %mul3A_729 = arith.mulf %sub3A_728, %sub3A_728 : vector<16xf32>
          %add3A_730 = arith.addf %scan3A_634, %mul3A_729 : vector<16xf32>
          %mul3A_731 = arith.mulf %gather3A_727, %gather3A_727 : vector<16xf32>
          %add3A_732 = arith.addf %add3A_726, %mul3A_731 : vector<16xf32>
          %gather3A_733 = tpu.vector_load_idx %arg19[%add3A_500, %broadcast_in_dim3A_647] : memref<2560x32xf32, #tpu.memory_space<vmem>>[vector<16xi32>, vector<16xi32>], vector<16xf32>,
          %sub3A_734 = arith.subf %gather3A, %gather3A_733 : vector<16xf32>
          %mul3A_735 = arith.mulf %sub3A_734, %sub3A_734 : vector<16xf32>
          %add3A_736 = arith.addf %scan3A_635, %mul3A_735 : vector<16xf32>
          %mul3A_737 = arith.mulf %gather3A_733, %gather3A_733 : vector<16xf32>
          %add3A_738 = arith.addf %add3A_732, %mul3A_737 : vector<16xf32>
          %gather3A_739 = tpu.vector_load_idx %arg19[%add3A_503, %broadcast_in_dim3A_647] : memref<2560x32xf32, #tpu.memory_space<vmem>>[vector<16xi32>, vector<16xi32>], vector<16xf32>,
          %sub3A_740 = arith.subf %gather3A, %gather3A_739 : vector<16xf32>
          %mul3A_741 = arith.mulf %sub3A_740, %sub3A_740 : vector<16xf32>
          %add3A_742 = arith.addf %scan3A_636, %mul3A_741 : vector<16xf32>
          %mul3A_743 = arith.mulf %gather3A_739, %gather3A_739 : vector<16xf32>
          %add3A_744 = arith.addf %add3A_738, %mul3A_743 : vector<16xf32>
          %gather3A_745 = tpu.vector_load_idx %arg19[%add3A_506, %broadcast_in_dim3A_647] : memref<2560x32xf32, #tpu.memory_space<vmem>>[vector<16xi32>, vector<16xi32>], vector<16xf32>,
          %sub3A_746 = arith.subf %gather3A, %gather3A_745 : vector<16xf32>
          %mul3A_747 = arith.mulf %sub3A_746, %sub3A_746 : vector<16xf32>
          %add3A_748 = arith.addf %scan3A_637, %mul3A_747 : vector<16xf32>
          %mul3A_749 = arith.mulf %gather3A_745, %gather3A_745 : vector<16xf32>
          %add3A_750 = arith.addf %add3A_744, %mul3A_749 : vector<16xf32>
          %gather3A_751 = tpu.vector_load_idx %arg19[%add3A_509, %broadcast_in_dim3A_647] : memref<2560x32xf32, #tpu.memory_space<vmem>>[vector<16xi32>, vector<16xi32>], vector<16xf32>,
          %sub3A_752 = arith.subf %gather3A, %gather3A_751 : vector<16xf32>
          %mul3A_753 = arith.mulf %sub3A_752, %sub3A_752 : vector<16xf32>
          %add3A_754 = arith.addf %scan3A_638, %mul3A_753 : vector<16xf32>
          %mul3A_755 = arith.mulf %gather3A_751, %gather3A_751 : vector<16xf32>
          %add3A_756 = arith.addf %add3A_750, %mul3A_755 : vector<16xf32>
          %gather3A_757 = tpu.vector_load_idx %arg19[%add3A_512, %broadcast_in_dim3A_647] : memref<2560x32xf32, #tpu.memory_space<vmem>>[vector<16xi32>, vector<16xi32>], vector<16xf32>,
          %sub3A_758 = arith.subf %gather3A, %gather3A_757 : vector<16xf32>
          %mul3A_759 = arith.mulf %sub3A_758, %sub3A_758 : vector<16xf32>
          %add3A_760 = arith.addf %scan3A_639, %mul3A_759 : vector<16xf32>
          %mul3A_761 = arith.mulf %gather3A_757, %gather3A_757 : vector<16xf32>
          %add3A_762 = arith.addf %add3A_756, %mul3A_761 : vector<16xf32>
          %gather3A_763 = tpu.vector_load_idx %arg19[%add3A_515, %broadcast_in_dim3A_647] : memref<2560x32xf32, #tpu.memory_space<vmem>>[vector<16xi32>, vector<16xi32>], vector<16xf32>,
          %sub3A_764 = arith.subf %gather3A, %gather3A_763 : vector<16xf32>
          %mul3A_765 = arith.mulf %sub3A_764, %sub3A_764 : vector<16xf32>
          %add3A_766 = arith.addf %scan3A_640, %mul3A_765 : vector<16xf32>
          %mul3A_767 = arith.mulf %gather3A_763, %gather3A_763 : vector<16xf32>
          %add3A_768 = arith.addf %add3A_762, %mul3A_767 : vector<16xf32>
          %gather3A_769 = tpu.vector_load_idx %arg19[%add3A_518, %broadcast_in_dim3A_647] : memref<2560x32xf32, #tpu.memory_space<vmem>>[vector<16xi32>, vector<16xi32>], vector<16xf32>,
          %sub3A_770 = arith.subf %gather3A, %gather3A_769 : vector<16xf32>
          %mul3A_771 = arith.mulf %sub3A_770, %sub3A_770 : vector<16xf32>
          %add3A_772 = arith.addf %scan3A_641, %mul3A_771 : vector<16xf32>
          %mul3A_773 = arith.mulf %gather3A_769, %gather3A_769 : vector<16xf32>
          %add3A_774 = arith.addf %add3A_768, %mul3A_773 : vector<16xf32>
          %gather3A_775 = tpu.vector_load_idx %arg19[%add3A_521, %broadcast_in_dim3A_647] : memref<2560x32xf32, #tpu.memory_space<vmem>>[vector<16xi32>, vector<16xi32>], vector<16xf32>,
          %sub3A_776 = arith.subf %gather3A, %gather3A_775 : vector<16xf32>
          %mul3A_777 = arith.mulf %sub3A_776, %sub3A_776 : vector<16xf32>
          %add3A_778 = arith.addf %scan3A_642, %mul3A_777 : vector<16xf32>
          %mul3A_779 = arith.mulf %gather3A_775, %gather3A_775 : vector<16xf32>
          %add3A_780 = arith.addf %add3A_774, %mul3A_779 : vector<16xf32>
          %mul3A_781 = arith.constant 8 : i32
          %mul3A_782 = arith.muli %scan3A_619, %mul3A_781 : i32
          %add3A_783 = arith.constant 1 : i32
          %add3A_784 = arith.addi %mul3A_782, %add3A_783 : i32
          %broadcast_in_dim3A_785 = vector.broadcast %add3A_784 : i32 to vector<16xi32>
          %gather3A_786 = tpu.vector_load_idx %arg16[%add3A_461, %broadcast_in_dim3A_785] : memref<128x32xf32, #tpu.memory_space<vmem>>[vector<16xi32>, vector<16xi32>], vector<16xf32>,
          %gather3A_787 = tpu.vector_load_idx %arg17[%add3A_461, %broadcast_in_dim3A_785] : memref<128x32xf32, #tpu.memory_space<vmem>>[vector<16xi32>, vector<16xi32>], vector<16xf32>,
          %gather3A_788 = tpu.vector_load_idx %arg18[%add3A_461, %broadcast_in_dim3A_785] : memref<128x32xf32, #tpu.memory_space<vmem>>[vector<16xi32>, vector<16xi32>], vector<16xf32>,
          %sub3A_789 = arith.subf %gather3A_786, %gather3A_787 : vector<16xf32>
          %sub3A_790 = arith.subf %gather3A_786, %gather3A_788 : vector<16xf32>
          %mul3A_791 = arith.mulf %sub3A_789, %sub3A_789 : vector<16xf32>
          %add3A_792 = arith.addf %add3A_652, %mul3A_791 : vector<16xf32>
          %mul3A_793 = arith.mulf %sub3A_790, %sub3A_790 : vector<16xf32>
          %add3A_794 = arith.addf %add3A_654, %mul3A_793 : vector<16xf32>
          %mul3A_795 = arith.mulf %gather3A_786, %gather3A_786 : vector<16xf32>
          %add3A_796 = arith.addf %add3A_780, %mul3A_795 : vector<16xf32>
          %mul3A_797 = arith.mulf %gather3A_787, %gather3A_787 : vector<16xf32>
          %add3A_798 = arith.addf %add3A_796, %mul3A_797 : vector<16xf32>
          %mul3A_799 = arith.mulf %gather3A_788, %gather3A_788 : vector<16xf32>
          %add3A_800 = arith.addf %add3A_798, %mul3A_799 : vector<16xf32>
          %gather3A_801 = tpu.vector_load_idx %arg19[%add3A_464, %broadcast_in_dim3A_785] : memref<2560x32xf32, #tpu.memory_space<vmem>>[vector<16xi32>, vector<16xi32>], vector<16xf32>,
          %sub3A_802 = arith.subf %gather3A_786, %gather3A_801 : vector<16xf32>
          %mul3A_803 = arith.mulf %sub3A_802, %sub3A_802 : vector<16xf32>
          %add3A_804 = arith.addf %add3A_664, %mul3A_803 : vector<16xf32>
          %mul3A_805 = arith.mulf %gather3A_801, %gather3A_801 : vector<16xf32>
          %add3A_806 = arith.addf %add3A_800, %mul3A_805 : vector<16xf32>
          %gather3A_807 = tpu.vector_load_idx %arg19[%add3A_467, %broadcast_in_dim3A_785] : memref<2560x32xf32, #tpu.memory_space<vmem>>[vector<16xi32>, vector<16xi32>], vector<16xf32>,
          %sub3A_808 = arith.subf %gather3A_786, %gather3A_807 : vector<16xf32>
          %mul3A_809 = arith.mulf %sub3A_808, %sub3A_808 : vector<16xf32>
          %add3A_810 = arith.addf %add3A_670, %mul3A_809 : vector<16xf32>
          %mul3A_811 = arith.mulf %gather3A_807, %gather3A_807 : vector<16xf32>
          %add3A_812 = arith.addf %add3A_806, %mul3A_811 : vector<16xf32>
          %gather3A_813 = tpu.vector_load_idx %arg19[%add3A_470, %broadcast_in_dim3A_785] : memref<2560x32xf32, #tpu.memory_space<vmem>>[vector<16xi32>, vector<16xi32>], vector<16xf32>,
          %sub3A_814 = arith.subf %gather3A_786, %gather3A_813 : vector<16xf32>
          %mul3A_815 = arith.mulf %sub3A_814, %sub3A_814 : vector<16xf32>
          %add3A_816 = arith.addf %add3A_676, %mul3A_815 : vector<16xf32>
          %mul3A_817 = arith.mulf %gather3A_813, %gather3A_813 : vector<16xf32>
          %add3A_818 = arith.addf %add3A_812, %mul3A_817 : vector<16xf32>
          %gather3A_819 = tpu.vector_load_idx %arg19[%add3A_473, %broadcast_in_dim3A_785] : memref<2560x32xf32, #tpu.memory_space<vmem>>[vector<16xi32>, vector<16xi32>], vector<16xf32>,
          %sub3A_820 = arith.subf %gather3A_786, %gather3A_819 : vector<16xf32>
          %mul3A_821 = arith.mulf %sub3A_820, %sub3A_820 : vector<16xf32>
          %add3A_822 = arith.addf %add3A_682, %mul3A_821 : vector<16xf32>
          %mul3A_823 = arith.mulf %gather3A_819, %gather3A_819 : vector<16xf32>
          %add3A_824 = arith.addf %add3A_818, %mul3A_823 : vector<16xf32>
          %gather3A_825 = tpu.vector_load_idx %arg19[%add3A_476, %broadcast_in_dim3A_785] : memref<2560x32xf32, #tpu.memory_space<vmem>>[vector<16xi32>, vector<16xi32>], vector<16xf32>,
          %sub3A_826 = arith.subf %gather3A_786, %gather3A_825 : vector<16xf32>
          %mul3A_827 = arith.mulf %sub3A_826, %sub3A_826 : vector<16xf32>
          %add3A_828 = arith.addf %add3A_688, %mul3A_827 : vector<16xf32>
          %mul3A_829 = arith.mulf %gather3A_825, %gather3A_825 : vector<16xf32>
          %add3A_830 = arith.addf %add3A_824, %mul3A_829 : vector<16xf32>
          %gather3A_831 = tpu.vector_load_idx %arg19[%add3A_479, %broadcast_in_dim3A_785] : memref<2560x32xf32, #tpu.memory_space<vmem>>[vector<16xi32>, vector<16xi32>], vector<16xf32>,
          %sub3A_832 = arith.subf %gather3A_786, %gather3A_831 : vector<16xf32>
          %mul3A_833 = arith.mulf %sub3A_832, %sub3A_832 : vector<16xf32>
          %add3A_834 = arith.addf %add3A_694, %mul3A_833 : vector<16xf32>
          %mul3A_835 = arith.mulf %gather3A_831, %gather3A_831 : vector<16xf32>
          %add3A_836 = arith.addf %add3A_830, %mul3A_835 : vector<16xf32>
          %gather3A_837 = tpu.vector_load_idx %arg19[%add3A_482, %broadcast_in_dim3A_785] : memref<2560x32xf32, #tpu.memory_space<vmem>>[vector<16xi32>, vector<16xi32>], vector<16xf32>,
          %sub3A_838 = arith.subf %gather3A_786, %gather3A_837 : vector<16xf32>
          %mul3A_839 = arith.mulf %sub3A_838, %sub3A_838 : vector<16xf32>
          %add3A_840 = arith.addf %add3A_700, %mul3A_839 : vector<16xf32>
          %mul3A_841 = arith.mulf %gather3A_837, %gather3A_837 : vector<16xf32>
          %add3A_842 = arith.addf %add3A_836, %mul3A_841 : vector<16xf32>
          %gather3A_843 = tpu.vector_load_idx %arg19[%add3A_485, %broadcast_in_dim3A_785] : memref<2560x32xf32, #tpu.memory_space<vmem>>[vector<16xi32>, vector<16xi32>], vector<16xf32>,
          %sub3A_844 = arith.subf %gather3A_786, %gather3A_843 : vector<16xf32>
          %mul3A_845 = arith.mulf %sub3A_844, %sub3A_844 : vector<16xf32>
          %add3A_846 = arith.addf %add3A_706, %mul3A_845 : vector<16xf32>
          %mul3A_847 = arith.mulf %gather3A_843, %gather3A_843 : vector<16xf32>
          %add3A_848 = arith.addf %add3A_842, %mul3A_847 : vector<16xf32>
          %gather3A_849 = tpu.vector_load_idx %arg19[%add3A_488, %broadcast_in_dim3A_785] : memref<2560x32xf32, #tpu.memory_space<vmem>>[vector<16xi32>, vector<16xi32>], vector<16xf32>,
          %sub3A_850 = arith.subf %gather3A_786, %gather3A_849 : vector<16xf32>
          %mul3A_851 = arith.mulf %sub3A_850, %sub3A_850 : vector<16xf32>
          %add3A_852 = arith.addf %add3A_712, %mul3A_851 : vector<16xf32>
          %mul3A_853 = arith.mulf %gather3A_849, %gather3A_849 : vector<16xf32>
          %add3A_854 = arith.addf %add3A_848, %mul3A_853 : vector<16xf32>
          %gather3A_855 = tpu.vector_load_idx %arg19[%add3A_491, %broadcast_in_dim3A_785] : memref<2560x32xf32, #tpu.memory_space<vmem>>[vector<16xi32>, vector<16xi32>], vector<16xf32>,
          %sub3A_856 = arith.subf %gather3A_786, %gather3A_855 : vector<16xf32>
          %mul3A_857 = arith.mulf %sub3A_856, %sub3A_856 : vector<16xf32>
          %add3A_858 = arith.addf %add3A_718, %mul3A_857 : vector<16xf32>
          %mul3A_859 = arith.mulf %gather3A_855, %gather3A_855 : vector<16xf32>
          %add3A_860 = arith.addf %add3A_854, %mul3A_859 : vector<16xf32>
          %gather3A_861 = tpu.vector_load_idx %arg19[%add3A_494, %broadcast_in_dim3A_785] : memref<2560x32xf32, #tpu.memory_space<vmem>>[vector<16xi32>, vector<16xi32>], vector<16xf32>,
          %sub3A_862 = arith.subf %gather3A_786, %gather3A_861 : vector<16xf32>
          %mul3A_863 = arith.mulf %sub3A_862, %sub3A_862 : vector<16xf32>
          %add3A_864 = arith.addf %add3A_724, %mul3A_863 : vector<16xf32>
          %mul3A_865 = arith.mulf %gather3A_861, %gather3A_861 : vector<16xf32>
          %add3A_866 = arith.addf %add3A_860, %mul3A_865 : vector<16xf32>
          %gather3A_867 = tpu.vector_load_idx %arg19[%add3A_497, %broadcast_in_dim3A_785] : memref<2560x32xf32, #tpu.memory_space<vmem>>[vector<16xi32>, vector<16xi32>], vector<16xf32>,
          %sub3A_868 = arith.subf %gather3A_786, %gather3A_867 : vector<16xf32>
          %mul3A_869 = arith.mulf %sub3A_868, %sub3A_868 : vector<16xf32>
          %add3A_870 = arith.addf %add3A_730, %mul3A_869 : vector<16xf32>
          %mul3A_871 = arith.mulf %gather3A_867, %gather3A_867 : vector<16xf32>
          %add3A_872 = arith.addf %add3A_866, %mul3A_871 : vector<16xf32>
          %gather3A_873 = tpu.vector_load_idx %arg19[%add3A_500, %broadcast_in_dim3A_785] : memref<2560x32xf32, #tpu.memory_space<vmem>>[vector<16xi32>, vector<16xi32>], vector<16xf32>,
          %sub3A_874 = arith.subf %gather3A_786, %gather3A_873 : vector<16xf32>
          %mul3A_875 = arith.mulf %sub3A_874, %sub3A_874 : vector<16xf32>
          %add3A_876 = arith.addf %add3A_736, %mul3A_875 : vector<16xf32>
          %mul3A_877 = arith.mulf %gather3A_873, %gather3A_873 : vector<16xf32>
          %add3A_878 = arith.addf %add3A_872, %mul3A_877 : vector<16xf32>
          %gather3A_879 = tpu.vector_load_idx %arg19[%add3A_503, %broadcast_in_dim3A_785] : memref<2560x32xf32, #tpu.memory_space<vmem>>[vector<16xi32>, vector<16xi32>], vector<16xf32>,
          %sub3A_880 = arith.subf %gather3A_786, %gather3A_879 : vector<16xf32>
          %mul3A_881 = arith.mulf %sub3A_880, %sub3A_880 : vector<16xf32>
          %add3A_882 = arith.addf %add3A_742, %mul3A_881 : vector<16xf32>
          %mul3A_883 = arith.mulf %gather3A_879, %gather3A_879 : vector<16xf32>
          %add3A_884 = arith.addf %add3A_878, %mul3A_883 : vector<16xf32>
          %gather3A_885 = tpu.vector_load_idx %arg19[%add3A_506, %broadcast_in_dim3A_785] : memref<2560x32xf32, #tpu.memory_space<vmem>>[vector<16xi32>, vector<16xi32>], vector<16xf32>,
          %sub3A_886 = arith.subf %gather3A_786, %gather3A_885 : vector<16xf32>
          %mul3A_887 = arith.mulf %sub3A_886, %sub3A_886 : vector<16xf32>
          %add3A_888 = arith.addf %add3A_748, %mul3A_887 : vector<16xf32>
          %mul3A_889 = arith.mulf %gather3A_885, %gather3A_885 : vector<16xf32>
          %add3A_890 = arith.addf %add3A_884, %mul3A_889 : vector<16xf32>
          %gather3A_891 = tpu.vector_load_idx %arg19[%add3A_509, %broadcast_in_dim3A_785] : memref<2560x32xf32, #tpu.memory_space<vmem>>[vector<16xi32>, vector<16xi32>], vector<16xf32>,
          %sub3A_892 = arith.subf %gather3A_786, %gather3A_891 : vector<16xf32>
          %mul3A_893 = arith.mulf %sub3A_892, %sub3A_892 : vector<16xf32>
          %add3A_894 = arith.addf %add3A_754, %mul3A_893 : vector<16xf32>
          %mul3A_895 = arith.mulf %gather3A_891, %gather3A_891 : vector<16xf32>
          %add3A_896 = arith.addf %add3A_890, %mul3A_895 : vector<16xf32>
          %gather3A_897 = tpu.vector_load_idx %arg19[%add3A_512, %broadcast_in_dim3A_785] : memref<2560x32xf32, #tpu.memory_space<vmem>>[vector<16xi32>, vector<16xi32>], vector<16xf32>,
          %sub3A_898 = arith.subf %gather3A_786, %gather3A_897 : vector<16xf32>
          %mul3A_899 = arith.mulf %sub3A_898, %sub3A_898 : vector<16xf32>
          %add3A_900 = arith.addf %add3A_760, %mul3A_899 : vector<16xf32>
          %mul3A_901 = arith.mulf %gather3A_897, %gather3A_897 : vector<16xf32>
          %add3A_902 = arith.addf %add3A_896, %mul3A_901 : vector<16xf32>
          %gather3A_903 = tpu.vector_load_idx %arg19[%add3A_515, %broadcast_in_dim3A_785] : memref<2560x32xf32, #tpu.memory_space<vmem>>[vector<16xi32>, vector<16xi32>], vector<16xf32>,
          %sub3A_904 = arith.subf %gather3A_786, %gather3A_903 : vector<16xf32>
          %mul3A_905 = arith.mulf %sub3A_904, %sub3A_904 : vector<16xf32>
          %add3A_906 = arith.addf %add3A_766, %mul3A_905 : vector<16xf32>
          %mul3A_907 = arith.mulf %gather3A_903, %gather3A_903 : vector<16xf32>
          %add3A_908 = arith.addf %add3A_902, %mul3A_907 : vector<16xf32>
          %gather3A_909 = tpu.vector_load_idx %arg19[%add3A_518, %broadcast_in_dim3A_785] : memref<2560x32xf32, #tpu.memory_space<vmem>>[vector<16xi32>, vector<16xi32>], vector<16xf32>,
          %sub3A_910 = arith.subf %gather3A_786, %gather3A_909 : vector<16xf32>
          %mul3A_911 = arith.mulf %sub3A_910, %sub3A_910 : vector<16xf32>
          %add3A_912 = arith.addf %add3A_772, %mul3A_911 : vector<16xf32>
          %mul3A_913 = arith.mulf %gather3A_909, %gather3A_909 : vector<16xf32>
          %add3A_914 = arith.addf %add3A_908, %mul3A_913 : vector<16xf32>
          %gather3A_915 = tpu.vector_load_idx %arg19[%add3A_521, %broadcast_in_dim3A_785] : memref<2560x32xf32, #tpu.memory_space<vmem>>[vector<16xi32>, vector<16xi32>], vector<16xf32>,
          %sub3A_916 = arith.subf %gather3A_786, %gather3A_915 : vector<16xf32>
          %mul3A_917 = arith.mulf %sub3A_916, %sub3A_916 : vector<16xf32>
          %add3A_918 = arith.addf %add3A_778, %mul3A_917 : vector<16xf32>
          %mul3A_919 = arith.mulf %gather3A_915, %gather3A_915 : vector<16xf32>
          %add3A_920 = arith.addf %add3A_914, %mul3A_919 : vector<16xf32>
          %mul3A_921 = arith.constant 8 : i32
          %mul3A_922 = arith.muli %scan3A_619, %mul3A_921 : i32
          %add3A_923 = arith.constant 2 : i32
          %add3A_924 = arith.addi %mul3A_922, %add3A_923 : i32
          %broadcast_in_dim3A_925 = vector.broadcast %add3A_924 : i32 to vector<16xi32>
          %gather3A_926 = tpu.vector_load_idx %arg16[%add3A_461, %broadcast_in_dim3A_925] : memref<128x32xf32, #tpu.memory_space<vmem>>[vector<16xi32>, vector<16xi32>], vector<16xf32>,
          %gather3A_927 = tpu.vector_load_idx %arg17[%add3A_461, %broadcast_in_dim3A_925] : memref<128x32xf32, #tpu.memory_space<vmem>>[vector<16xi32>, vector<16xi32>], vector<16xf32>,
          %gather3A_928 = tpu.vector_load_idx %arg18[%add3A_461, %broadcast_in_dim3A_925] : memref<128x32xf32, #tpu.memory_space<vmem>>[vector<16xi32>, vector<16xi32>], vector<16xf32>,
          %sub3A_929 = arith.subf %gather3A_926, %gather3A_927 : vector<16xf32>
          %sub3A_930 = arith.subf %gather3A_926, %gather3A_928 : vector<16xf32>
          %mul3A_931 = arith.mulf %sub3A_929, %sub3A_929 : vector<16xf32>
          %add3A_932 = arith.addf %add3A_792, %mul3A_931 : vector<16xf32>
          %mul3A_933 = arith.mulf %sub3A_930, %sub3A_930 : vector<16xf32>
          %add3A_934 = arith.addf %add3A_794, %mul3A_933 : vector<16xf32>
          %mul3A_935 = arith.mulf %gather3A_926, %gather3A_926 : vector<16xf32>
          %add3A_936 = arith.addf %add3A_920, %mul3A_935 : vector<16xf32>
          %mul3A_937 = arith.mulf %gather3A_927, %gather3A_927 : vector<16xf32>
          %add3A_938 = arith.addf %add3A_936, %mul3A_937 : vector<16xf32>
          %mul3A_939 = arith.mulf %gather3A_928, %gather3A_928 : vector<16xf32>
          %add3A_940 = arith.addf %add3A_938, %mul3A_939 : vector<16xf32>
          %gather3A_941 = tpu.vector_load_idx %arg19[%add3A_464, %broadcast_in_dim3A_925] : memref<2560x32xf32, #tpu.memory_space<vmem>>[vector<16xi32>, vector<16xi32>], vector<16xf32>,
          %sub3A_942 = arith.subf %gather3A_926, %gather3A_941 : vector<16xf32>
          %mul3A_943 = arith.mulf %sub3A_942, %sub3A_942 : vector<16xf32>
          %add3A_944 = arith.addf %add3A_804, %mul3A_943 : vector<16xf32>
          %mul3A_945 = arith.mulf %gather3A_941, %gather3A_941 : vector<16xf32>
          %add3A_946 = arith.addf %add3A_940, %mul3A_945 : vector<16xf32>
          %gather3A_947 = tpu.vector_load_idx %arg19[%add3A_467, %broadcast_in_dim3A_925] : memref<2560x32xf32, #tpu.memory_space<vmem>>[vector<16xi32>, vector<16xi32>], vector<16xf32>,
          %sub3A_948 = arith.subf %gather3A_926, %gather3A_947 : vector<16xf32>
          %mul3A_949 = arith.mulf %sub3A_948, %sub3A_948 : vector<16xf32>
          %add3A_950 = arith.addf %add3A_810, %mul3A_949 : vector<16xf32>
          %mul3A_951 = arith.mulf %gather3A_947, %gather3A_947 : vector<16xf32>
          %add3A_952 = arith.addf %add3A_946, %mul3A_951 : vector<16xf32>
          %gather3A_953 = tpu.vector_load_idx %arg19[%add3A_470, %broadcast_in_dim3A_925] : memref<2560x32xf32, #tpu.memory_space<vmem>>[vector<16xi32>, vector<16xi32>], vector<16xf32>,
          %sub3A_954 = arith.subf %gather3A_926, %gather3A_953 : vector<16xf32>
          %mul3A_955 = arith.mulf %sub3A_954, %sub3A_954 : vector<16xf32>
          %add3A_956 = arith.addf %add3A_816, %mul3A_955 : vector<16xf32>
          %mul3A_957 = arith.mulf %gather3A_953, %gather3A_953 : vector<16xf32>
          %add3A_958 = arith.addf %add3A_952, %mul3A_957 : vector<16xf32>
          %gather3A_959 = tpu.vector_load_idx %arg19[%add3A_473, %broadcast_in_dim3A_925] : memref<2560x32xf32, #tpu.memory_space<vmem>>[vector<16xi32>, vector<16xi32>], vector<16xf32>,
          %sub3A_960 = arith.subf %gather3A_926, %gather3A_959 : vector<16xf32>
          %mul3A_961 = arith.mulf %sub3A_960, %sub3A_960 : vector<16xf32>
          %add3A_962 = arith.addf %add3A_822, %mul3A_961 : vector<16xf32>
          %mul3A_963 = arith.mulf %gather3A_959, %gather3A_959 : vector<16xf32>
          %add3A_964 = arith.addf %add3A_958, %mul3A_963 : vector<16xf32>
          %gather3A_965 = tpu.vector_load_idx %arg19[%add3A_476, %broadcast_in_dim3A_925] : memref<2560x32xf32, #tpu.memory_space<vmem>>[vector<16xi32>, vector<16xi32>], vector<16xf32>,
          %sub3A_966 = arith.subf %gather3A_926, %gather3A_965 : vector<16xf32>
          %mul3A_967 = arith.mulf %sub3A_966, %sub3A_966 : vector<16xf32>
          %add3A_968 = arith.addf %add3A_828, %mul3A_967 : vector<16xf32>
          %mul3A_969 = arith.mulf %gather3A_965, %gather3A_965 : vector<16xf32>
          %add3A_970 = arith.addf %add3A_964, %mul3A_969 : vector<16xf32>
          %gather3A_971 = tpu.vector_load_idx %arg19[%add3A_479, %broadcast_in_dim3A_925] : memref<2560x32xf32, #tpu.memory_space<vmem>>[vector<16xi32>, vector<16xi32>], vector<16xf32>,
          %sub3A_972 = arith.subf %gather3A_926, %gather3A_971 : vector<16xf32>
          %mul3A_973 = arith.mulf %sub3A_972, %sub3A_972 : vector<16xf32>
          %add3A_974 = arith.addf %add3A_834, %mul3A_973 : vector<16xf32>
          %mul3A_975 = arith.mulf %gather3A_971, %gather3A_971 : vector<16xf32>
          %add3A_976 = arith.addf %add3A_970, %mul3A_975 : vector<16xf32>
          %gather3A_977 = tpu.vector_load_idx %arg19[%add3A_482, %broadcast_in_dim3A_925] : memref<2560x32xf32, #tpu.memory_space<vmem>>[vector<16xi32>, vector<16xi32>], vector<16xf32>,
          %sub3A_978 = arith.subf %gather3A_926, %gather3A_977 : vector<16xf32>
          %mul3A_979 = arith.mulf %sub3A_978, %sub3A_978 : vector<16xf32>
          %add3A_980 = arith.addf %add3A_840, %mul3A_979 : vector<16xf32>
          %mul3A_981 = arith.mulf %gather3A_977, %gather3A_977 : vector<16xf32>
          %add3A_982 = arith.addf %add3A_976, %mul3A_981 : vector<16xf32>
          %gather3A_983 = tpu.vector_load_idx %arg19[%add3A_485, %broadcast_in_dim3A_925] : memref<2560x32xf32, #tpu.memory_space<vmem>>[vector<16xi32>, vector<16xi32>], vector<16xf32>,
          %sub3A_984 = arith.subf %gather3A_926, %gather3A_983 : vector<16xf32>
          %mul3A_985 = arith.mulf %sub3A_984, %sub3A_984 : vector<16xf32>
          %add3A_986 = arith.addf %add3A_846, %mul3A_985 : vector<16xf32>
          %mul3A_987 = arith.mulf %gather3A_983, %gather3A_983 : vector<16xf32>
          %add3A_988 = arith.addf %add3A_982, %mul3A_987 : vector<16xf32>
          %gather3A_989 = tpu.vector_load_idx %arg19[%add3A_488, %broadcast_in_dim3A_925] : memref<2560x32xf32, #tpu.memory_space<vmem>>[vector<16xi32>, vector<16xi32>], vector<16xf32>,
          %sub3A_990 = arith.subf %gather3A_926, %gather3A_989 : vector<16xf32>
          %mul3A_991 = arith.mulf %sub3A_990, %sub3A_990 : vector<16xf32>
          %add3A_992 = arith.addf %add3A_852, %mul3A_991 : vector<16xf32>
          %mul3A_993 = arith.mulf %gather3A_989, %gather3A_989 : vector<16xf32>
          %add3A_994 = arith.addf %add3A_988, %mul3A_993 : vector<16xf32>
          %gather3A_995 = tpu.vector_load_idx %arg19[%add3A_491, %broadcast_in_dim3A_925] : memref<2560x32xf32, #tpu.memory_space<vmem>>[vector<16xi32>, vector<16xi32>], vector<16xf32>,
          %sub3A_996 = arith.subf %gather3A_926, %gather3A_995 : vector<16xf32>
          %mul3A_997 = arith.mulf %sub3A_996, %sub3A_996 : vector<16xf32>
          %add3A_998 = arith.addf %add3A_858, %mul3A_997 : vector<16xf32>
          %mul3A_999 = arith.mulf %gather3A_995, %gather3A_995 : vector<16xf32>
          %add3A_1000 = arith.addf %add3A_994, %mul3A_999 : vector<16xf32>
          %gather3A_1001 = tpu.vector_load_idx %arg19[%add3A_494, %broadcast_in_dim3A_925] : memref<2560x32xf32, #tpu.memory_space<vmem>>[vector<16xi32>, vector<16xi32>], vector<16xf32>,
          %sub3A_1002 = arith.subf %gather3A_926, %gather3A_1001 : vector<16xf32>
          %mul3A_1003 = arith.mulf %sub3A_1002, %sub3A_1002 : vector<16xf32>
          %add3A_1004 = arith.addf %add3A_864, %mul3A_1003 : vector<16xf32>
          %mul3A_1005 = arith.mulf %gather3A_1001, %gather3A_1001 : vector<16xf32>
          %add3A_1006 = arith.addf %add3A_1000, %mul3A_1005 : vector<16xf32>
          %gather3A_1007 = tpu.vector_load_idx %arg19[%add3A_497, %broadcast_in_dim3A_925] : memref<2560x32xf32, #tpu.memory_space<vmem>>[vector<16xi32>, vector<16xi32>], vector<16xf32>,
          %sub3A_1008 = arith.subf %gather3A_926, %gather3A_1007 : vector<16xf32>
          %mul3A_1009 = arith.mulf %sub3A_1008, %sub3A_1008 : vector<16xf32>
          %add3A_1010 = arith.addf %add3A_870, %mul3A_1009 : vector<16xf32>
          %mul3A_1011 = arith.mulf %gather3A_1007, %gather3A_1007 : vector<16xf32>
          %add3A_1012 = arith.addf %add3A_1006, %mul3A_1011 : vector<16xf32>
          %gather3A_1013 = tpu.vector_load_idx %arg19[%add3A_500, %broadcast_in_dim3A_925] : memref<2560x32xf32, #tpu.memory_space<vmem>>[vector<16xi32>, vector<16xi32>], vector<16xf32>,
          %sub3A_1014 = arith.subf %gather3A_926, %gather3A_1013 : vector<16xf32>
          %mul3A_1015 = arith.mulf %sub3A_1014, %sub3A_1014 : vector<16xf32>
          %add3A_1016 = arith.addf %add3A_876, %mul3A_1015 : vector<16xf32>
          %mul3A_1017 = arith.mulf %gather3A_1013, %gather3A_1013 : vector<16xf32>
          %add3A_1018 = arith.addf %add3A_1012, %mul3A_1017 : vector<16xf32>
          %gather3A_1019 = tpu.vector_load_idx %arg19[%add3A_503, %broadcast_in_dim3A_925] : memref<2560x32xf32, #tpu.memory_space<vmem>>[vector<16xi32>, vector<16xi32>], vector<16xf32>,
          %sub3A_1020 = arith.subf %gather3A_926, %gather3A_1019 : vector<16xf32>
          %mul3A_1021 = arith.mulf %sub3A_1020, %sub3A_1020 : vector<16xf32>
          %add3A_1022 = arith.addf %add3A_882, %mul3A_1021 : vector<16xf32>
          %mul3A_1023 = arith.mulf %gather3A_1019, %gather3A_1019 : vector<16xf32>
          %add3A_1024 = arith.addf %add3A_1018, %mul3A_1023 : vector<16xf32>
          %gather3A_1025 = tpu.vector_load_idx %arg19[%add3A_506, %broadcast_in_dim3A_925] : memref<2560x32xf32, #tpu.memory_space<vmem>>[vector<16xi32>, vector<16xi32>], vector<16xf32>,
          %sub3A_1026 = arith.subf %gather3A_926, %gather3A_1025 : vector<16xf32>
          %mul3A_1027 = arith.mulf %sub3A_1026, %sub3A_1026 : vector<16xf32>
          %add3A_1028 = arith.addf %add3A_888, %mul3A_1027 : vector<16xf32>
          %mul3A_1029 = arith.mulf %gather3A_1025, %gather3A_1025 : vector<16xf32>
          %add3A_1030 = arith.addf %add3A_1024, %mul3A_1029 : vector<16xf32>
          %gather3A_1031 = tpu.vector_load_idx %arg19[%add3A_509, %broadcast_in_dim3A_925] : memref<2560x32xf32, #tpu.memory_space<vmem>>[vector<16xi32>, vector<16xi32>], vector<16xf32>,
          %sub3A_1032 = arith.subf %gather3A_926, %gather3A_1031 : vector<16xf32>
          %mul3A_1033 = arith.mulf %sub3A_1032, %sub3A_1032 : vector<16xf32>
          %add3A_1034 = arith.addf %add3A_894, %mul3A_1033 : vector<16xf32>
          %mul3A_1035 = arith.mulf %gather3A_1031, %gather3A_1031 : vector<16xf32>
          %add3A_1036 = arith.addf %add3A_1030, %mul3A_1035 : vector<16xf32>
          %gather3A_1037 = tpu.vector_load_idx %arg19[%add3A_512, %broadcast_in_dim3A_925] : memref<2560x32xf32, #tpu.memory_space<vmem>>[vector<16xi32>, vector<16xi32>], vector<16xf32>,
          %sub3A_1038 = arith.subf %gather3A_926, %gather3A_1037 : vector<16xf32>
          %mul3A_1039 = arith.mulf %sub3A_1038, %sub3A_1038 : vector<16xf32>
          %add3A_1040 = arith.addf %add3A_900, %mul3A_1039 : vector<16xf32>
          %mul3A_1041 = arith.mulf %gather3A_1037, %gather3A_1037 : vector<16xf32>
          %add3A_1042 = arith.addf %add3A_1036, %mul3A_1041 : vector<16xf32>
          %gather3A_1043 = tpu.vector_load_idx %arg19[%add3A_515, %broadcast_in_dim3A_925] : memref<2560x32xf32, #tpu.memory_space<vmem>>[vector<16xi32>, vector<16xi32>], vector<16xf32>,
          %sub3A_1044 = arith.subf %gather3A_926, %gather3A_1043 : vector<16xf32>
          %mul3A_1045 = arith.mulf %sub3A_1044, %sub3A_1044 : vector<16xf32>
          %add3A_1046 = arith.addf %add3A_906, %mul3A_1045 : vector<16xf32>
          %mul3A_1047 = arith.mulf %gather3A_1043, %gather3A_1043 : vector<16xf32>
          %add3A_1048 = arith.addf %add3A_1042, %mul3A_1047 : vector<16xf32>
          %gather3A_1049 = tpu.vector_load_idx %arg19[%add3A_518, %broadcast_in_dim3A_925] : memref<2560x32xf32, #tpu.memory_space<vmem>>[vector<16xi32>, vector<16xi32>], vector<16xf32>,
          %sub3A_1050 = arith.subf %gather3A_926, %gather3A_1049 : vector<16xf32>
          %mul3A_1051 = arith.mulf %sub3A_1050, %sub3A_1050 : vector<16xf32>
          %add3A_1052 = arith.addf %add3A_912, %mul3A_1051 : vector<16xf32>
          %mul3A_1053 = arith.mulf %gather3A_1049, %gather3A_1049 : vector<16xf32>
          %add3A_1054 = arith.addf %add3A_1048, %mul3A_1053 : vector<16xf32>
          %gather3A_1055 = tpu.vector_load_idx %arg19[%add3A_521, %broadcast_in_dim3A_925] : memref<2560x32xf32, #tpu.memory_space<vmem>>[vector<16xi32>, vector<16xi32>], vector<16xf32>,
          %sub3A_1056 = arith.subf %gather3A_926, %gather3A_1055 : vector<16xf32>
          %mul3A_1057 = arith.mulf %sub3A_1056, %sub3A_1056 : vector<16xf32>
          %add3A_1058 = arith.addf %add3A_918, %mul3A_1057 : vector<16xf32>
          %mul3A_1059 = arith.mulf %gather3A_1055, %gather3A_1055 : vector<16xf32>
          %add3A_1060 = arith.addf %add3A_1054, %mul3A_1059 : vector<16xf32>
          %mul3A_1061 = arith.constant 8 : i32
          %mul3A_1062 = arith.muli %scan3A_619, %mul3A_1061 : i32
          %add3A_1063 = arith.constant 3 : i32
          %add3A_1064 = arith.addi %mul3A_1062, %add3A_1063 : i32
          %broadcast_in_dim3A_1065 = vector.broadcast %add3A_1064 : i32 to vector<16xi32>
          %gather3A_1066 = tpu.vector_load_idx %arg16[%add3A_461, %broadcast_in_dim3A_1065] : memref<128x32xf32, #tpu.memory_space<vmem>>[vector<16xi32>, vector<16xi32>], vector<16xf32>,
          %gather3A_1067 = tpu.vector_load_idx %arg17[%add3A_461, %broadcast_in_dim3A_1065] : memref<128x32xf32, #tpu.memory_space<vmem>>[vector<16xi32>, vector<16xi32>], vector<16xf32>,
          %gather3A_1068 = tpu.vector_load_idx %arg18[%add3A_461, %broadcast_in_dim3A_1065] : memref<128x32xf32, #tpu.memory_space<vmem>>[vector<16xi32>, vector<16xi32>], vector<16xf32>,
          %sub3A_1069 = arith.subf %gather3A_1066, %gather3A_1067 : vector<16xf32>
          %sub3A_1070 = arith.subf %gather3A_1066, %gather3A_1068 : vector<16xf32>
          %mul3A_1071 = arith.mulf %sub3A_1069, %sub3A_1069 : vector<16xf32>
          %add3A_1072 = arith.addf %add3A_932, %mul3A_1071 : vector<16xf32>
          %mul3A_1073 = arith.mulf %sub3A_1070, %sub3A_1070 : vector<16xf32>
          %add3A_1074 = arith.addf %add3A_934, %mul3A_1073 : vector<16xf32>
          %mul3A_1075 = arith.mulf %gather3A_1066, %gather3A_1066 : vector<16xf32>
          %add3A_1076 = arith.addf %add3A_1060, %mul3A_1075 : vector<16xf32>
          %mul3A_1077 = arith.mulf %gather3A_1067, %gather3A_1067 : vector<16xf32>
          %add3A_1078 = arith.addf %add3A_1076, %mul3A_1077 : vector<16xf32>
          %mul3A_1079 = arith.mulf %gather3A_1068, %gather3A_1068 : vector<16xf32>
          %add3A_1080 = arith.addf %add3A_1078, %mul3A_1079 : vector<16xf32>
          %gather3A_1081 = tpu.vector_load_idx %arg19[%add3A_464, %broadcast_in_dim3A_1065] : memref<2560x32xf32, #tpu.memory_space<vmem>>[vector<16xi32>, vector<16xi32>], vector<16xf32>,
          %sub3A_1082 = arith.subf %gather3A_1066, %gather3A_1081 : vector<16xf32>
          %mul3A_1083 = arith.mulf %sub3A_1082, %sub3A_1082 : vector<16xf32>
          %add3A_1084 = arith.addf %add3A_944, %mul3A_1083 : vector<16xf32>
          %mul3A_1085 = arith.mulf %gather3A_1081, %gather3A_1081 : vector<16xf32>
          %add3A_1086 = arith.addf %add3A_1080, %mul3A_1085 : vector<16xf32>
          %gather3A_1087 = tpu.vector_load_idx %arg19[%add3A_467, %broadcast_in_dim3A_1065] : memref<2560x32xf32, #tpu.memory_space<vmem>>[vector<16xi32>, vector<16xi32>], vector<16xf32>,
          %sub3A_1088 = arith.subf %gather3A_1066, %gather3A_1087 : vector<16xf32>
          %mul3A_1089 = arith.mulf %sub3A_1088, %sub3A_1088 : vector<16xf32>
          %add3A_1090 = arith.addf %add3A_950, %mul3A_1089 : vector<16xf32>
          %mul3A_1091 = arith.mulf %gather3A_1087, %gather3A_1087 : vector<16xf32>
          %add3A_1092 = arith.addf %add3A_1086, %mul3A_1091 : vector<16xf32>
          %gather3A_1093 = tpu.vector_load_idx %arg19[%add3A_470, %broadcast_in_dim3A_1065] : memref<2560x32xf32, #tpu.memory_space<vmem>>[vector<16xi32>, vector<16xi32>], vector<16xf32>,
          %sub3A_1094 = arith.subf %gather3A_1066, %gather3A_1093 : vector<16xf32>
          %mul3A_1095 = arith.mulf %sub3A_1094, %sub3A_1094 : vector<16xf32>
          %add3A_1096 = arith.addf %add3A_956, %mul3A_1095 : vector<16xf32>
          %mul3A_1097 = arith.mulf %gather3A_1093, %gather3A_1093 : vector<16xf32>
          %add3A_1098 = arith.addf %add3A_1092, %mul3A_1097 : vector<16xf32>
          %gather3A_1099 = tpu.vector_load_idx %arg19[%add3A_473, %broadcast_in_dim3A_1065] : memref<2560x32xf32, #tpu.memory_space<vmem>>[vector<16xi32>, vector<16xi32>], vector<16xf32>,
          %sub3A_1100 = arith.subf %gather3A_1066, %gather3A_1099 : vector<16xf32>
          %mul3A_1101 = arith.mulf %sub3A_1100, %sub3A_1100 : vector<16xf32>
          %add3A_1102 = arith.addf %add3A_962, %mul3A_1101 : vector<16xf32>
          %mul3A_1103 = arith.mulf %gather3A_1099, %gather3A_1099 : vector<16xf32>
          %add3A_1104 = arith.addf %add3A_1098, %mul3A_1103 : vector<16xf32>
          %gather3A_1105 = tpu.vector_load_idx %arg19[%add3A_476, %broadcast_in_dim3A_1065] : memref<2560x32xf32, #tpu.memory_space<vmem>>[vector<16xi32>, vector<16xi32>], vector<16xf32>,
          %sub3A_1106 = arith.subf %gather3A_1066, %gather3A_1105 : vector<16xf32>
          %mul3A_1107 = arith.mulf %sub3A_1106, %sub3A_1106 : vector<16xf32>
          %add3A_1108 = arith.addf %add3A_968, %mul3A_1107 : vector<16xf32>
          %mul3A_1109 = arith.mulf %gather3A_1105, %gather3A_1105 : vector<16xf32>
          %add3A_1110 = arith.addf %add3A_1104, %mul3A_1109 : vector<16xf32>
          %gather3A_1111 = tpu.vector_load_idx %arg19[%add3A_479, %broadcast_in_dim3A_1065] : memref<2560x32xf32, #tpu.memory_space<vmem>>[vector<16xi32>, vector<16xi32>], vector<16xf32>,
          %sub3A_1112 = arith.subf %gather3A_1066, %gather3A_1111 : vector<16xf32>
          %mul3A_1113 = arith.mulf %sub3A_1112, %sub3A_1112 : vector<16xf32>
          %add3A_1114 = arith.addf %add3A_974, %mul3A_1113 : vector<16xf32>
          %mul3A_1115 = arith.mulf %gather3A_1111, %gather3A_1111 : vector<16xf32>
          %add3A_1116 = arith.addf %add3A_1110, %mul3A_1115 : vector<16xf32>
          %gather3A_1117 = tpu.vector_load_idx %arg19[%add3A_482, %broadcast_in_dim3A_1065] : memref<2560x32xf32, #tpu.memory_space<vmem>>[vector<16xi32>, vector<16xi32>], vector<16xf32>,
          %sub3A_1118 = arith.subf %gather3A_1066, %gather3A_1117 : vector<16xf32>
          %mul3A_1119 = arith.mulf %sub3A_1118, %sub3A_1118 : vector<16xf32>
          %add3A_1120 = arith.addf %add3A_980, %mul3A_1119 : vector<16xf32>
          %mul3A_1121 = arith.mulf %gather3A_1117, %gather3A_1117 : vector<16xf32>
          %add3A_1122 = arith.addf %add3A_1116, %mul3A_1121 : vector<16xf32>
          %gather3A_1123 = tpu.vector_load_idx %arg19[%add3A_485, %broadcast_in_dim3A_1065] : memref<2560x32xf32, #tpu.memory_space<vmem>>[vector<16xi32>, vector<16xi32>], vector<16xf32>,
          %sub3A_1124 = arith.subf %gather3A_1066, %gather3A_1123 : vector<16xf32>
          %mul3A_1125 = arith.mulf %sub3A_1124, %sub3A_1124 : vector<16xf32>
          %add3A_1126 = arith.addf %add3A_986, %mul3A_1125 : vector<16xf32>
          %mul3A_1127 = arith.mulf %gather3A_1123, %gather3A_1123 : vector<16xf32>
          %add3A_1128 = arith.addf %add3A_1122, %mul3A_1127 : vector<16xf32>
          %gather3A_1129 = tpu.vector_load_idx %arg19[%add3A_488, %broadcast_in_dim3A_1065] : memref<2560x32xf32, #tpu.memory_space<vmem>>[vector<16xi32>, vector<16xi32>], vector<16xf32>,
          %sub3A_1130 = arith.subf %gather3A_1066, %gather3A_1129 : vector<16xf32>
          %mul3A_1131 = arith.mulf %sub3A_1130, %sub3A_1130 : vector<16xf32>
          %add3A_1132 = arith.addf %add3A_992, %mul3A_1131 : vector<16xf32>
          %mul3A_1133 = arith.mulf %gather3A_1129, %gather3A_1129 : vector<16xf32>
          %add3A_1134 = arith.addf %add3A_1128, %mul3A_1133 : vector<16xf32>
          %gather3A_1135 = tpu.vector_load_idx %arg19[%add3A_491, %broadcast_in_dim3A_1065] : memref<2560x32xf32, #tpu.memory_space<vmem>>[vector<16xi32>, vector<16xi32>], vector<16xf32>,
          %sub3A_1136 = arith.subf %gather3A_1066, %gather3A_1135 : vector<16xf32>
          %mul3A_1137 = arith.mulf %sub3A_1136, %sub3A_1136 : vector<16xf32>
          %add3A_1138 = arith.addf %add3A_998, %mul3A_1137 : vector<16xf32>
          %mul3A_1139 = arith.mulf %gather3A_1135, %gather3A_1135 : vector<16xf32>
          %add3A_1140 = arith.addf %add3A_1134, %mul3A_1139 : vector<16xf32>
          %gather3A_1141 = tpu.vector_load_idx %arg19[%add3A_494, %broadcast_in_dim3A_1065] : memref<2560x32xf32, #tpu.memory_space<vmem>>[vector<16xi32>, vector<16xi32>], vector<16xf32>,
          %sub3A_1142 = arith.subf %gather3A_1066, %gather3A_1141 : vector<16xf32>
          %mul3A_1143 = arith.mulf %sub3A_1142, %sub3A_1142 : vector<16xf32>
          %add3A_1144 = arith.addf %add3A_1004, %mul3A_1143 : vector<16xf32>
          %mul3A_1145 = arith.mulf %gather3A_1141, %gather3A_1141 : vector<16xf32>
          %add3A_1146 = arith.addf %add3A_1140, %mul3A_1145 : vector<16xf32>
          %gather3A_1147 = tpu.vector_load_idx %arg19[%add3A_497, %broadcast_in_dim3A_1065] : memref<2560x32xf32, #tpu.memory_space<vmem>>[vector<16xi32>, vector<16xi32>], vector<16xf32>,
          %sub3A_1148 = arith.subf %gather3A_1066, %gather3A_1147 : vector<16xf32>
          %mul3A_1149 = arith.mulf %sub3A_1148, %sub3A_1148 : vector<16xf32>
          %add3A_1150 = arith.addf %add3A_1010, %mul3A_1149 : vector<16xf32>
          %mul3A_1151 = arith.mulf %gather3A_1147, %gather3A_1147 : vector<16xf32>
          %add3A_1152 = arith.addf %add3A_1146, %mul3A_1151 : vector<16xf32>
          %gather3A_1153 = tpu.vector_load_idx %arg19[%add3A_500, %broadcast_in_dim3A_1065] : memref<2560x32xf32, #tpu.memory_space<vmem>>[vector<16xi32>, vector<16xi32>], vector<16xf32>,
          %sub3A_1154 = arith.subf %gather3A_1066, %gather3A_1153 : vector<16xf32>
          %mul3A_1155 = arith.mulf %sub3A_1154, %sub3A_1154 : vector<16xf32>
          %add3A_1156 = arith.addf %add3A_1016, %mul3A_1155 : vector<16xf32>
          %mul3A_1157 = arith.mulf %gather3A_1153, %gather3A_1153 : vector<16xf32>
          %add3A_1158 = arith.addf %add3A_1152, %mul3A_1157 : vector<16xf32>
          %gather3A_1159 = tpu.vector_load_idx %arg19[%add3A_503, %broadcast_in_dim3A_1065] : memref<2560x32xf32, #tpu.memory_space<vmem>>[vector<16xi32>, vector<16xi32>], vector<16xf32>,
          %sub3A_1160 = arith.subf %gather3A_1066, %gather3A_1159 : vector<16xf32>
          %mul3A_1161 = arith.mulf %sub3A_1160, %sub3A_1160 : vector<16xf32>
          %add3A_1162 = arith.addf %add3A_1022, %mul3A_1161 : vector<16xf32>
          %mul3A_1163 = arith.mulf %gather3A_1159, %gather3A_1159 : vector<16xf32>
          %add3A_1164 = arith.addf %add3A_1158, %mul3A_1163 : vector<16xf32>
          %gather3A_1165 = tpu.vector_load_idx %arg19[%add3A_506, %broadcast_in_dim3A_1065] : memref<2560x32xf32, #tpu.memory_space<vmem>>[vector<16xi32>, vector<16xi32>], vector<16xf32>,
          %sub3A_1166 = arith.subf %gather3A_1066, %gather3A_1165 : vector<16xf32>
          %mul3A_1167 = arith.mulf %sub3A_1166, %sub3A_1166 : vector<16xf32>
          %add3A_1168 = arith.addf %add3A_1028, %mul3A_1167 : vector<16xf32>
          %mul3A_1169 = arith.mulf %gather3A_1165, %gather3A_1165 : vector<16xf32>
          %add3A_1170 = arith.addf %add3A_1164, %mul3A_1169 : vector<16xf32>
          %gather3A_1171 = tpu.vector_load_idx %arg19[%add3A_509, %broadcast_in_dim3A_1065] : memref<2560x32xf32, #tpu.memory_space<vmem>>[vector<16xi32>, vector<16xi32>], vector<16xf32>,
          %sub3A_1172 = arith.subf %gather3A_1066, %gather3A_1171 : vector<16xf32>
          %mul3A_1173 = arith.mulf %sub3A_1172, %sub3A_1172 : vector<16xf32>
          %add3A_1174 = arith.addf %add3A_1034, %mul3A_1173 : vector<16xf32>
          %mul3A_1175 = arith.mulf %gather3A_1171, %gather3A_1171 : vector<16xf32>
          %add3A_1176 = arith.addf %add3A_1170, %mul3A_1175 : vector<16xf32>
          %gather3A_1177 = tpu.vector_load_idx %arg19[%add3A_512, %broadcast_in_dim3A_1065] : memref<2560x32xf32, #tpu.memory_space<vmem>>[vector<16xi32>, vector<16xi32>], vector<16xf32>,
          %sub3A_1178 = arith.subf %gather3A_1066, %gather3A_1177 : vector<16xf32>
          %mul3A_1179 = arith.mulf %sub3A_1178, %sub3A_1178 : vector<16xf32>
          %add3A_1180 = arith.addf %add3A_1040, %mul3A_1179 : vector<16xf32>
          %mul3A_1181 = arith.mulf %gather3A_1177, %gather3A_1177 : vector<16xf32>
          %add3A_1182 = arith.addf %add3A_1176, %mul3A_1181 : vector<16xf32>
          %gather3A_1183 = tpu.vector_load_idx %arg19[%add3A_515, %broadcast_in_dim3A_1065] : memref<2560x32xf32, #tpu.memory_space<vmem>>[vector<16xi32>, vector<16xi32>], vector<16xf32>,
          %sub3A_1184 = arith.subf %gather3A_1066, %gather3A_1183 : vector<16xf32>
          %mul3A_1185 = arith.mulf %sub3A_1184, %sub3A_1184 : vector<16xf32>
          %add3A_1186 = arith.addf %add3A_1046, %mul3A_1185 : vector<16xf32>
          %mul3A_1187 = arith.mulf %gather3A_1183, %gather3A_1183 : vector<16xf32>
          %add3A_1188 = arith.addf %add3A_1182, %mul3A_1187 : vector<16xf32>
          %gather3A_1189 = tpu.vector_load_idx %arg19[%add3A_518, %broadcast_in_dim3A_1065] : memref<2560x32xf32, #tpu.memory_space<vmem>>[vector<16xi32>, vector<16xi32>], vector<16xf32>,
          %sub3A_1190 = arith.subf %gather3A_1066, %gather3A_1189 : vector<16xf32>
          %mul3A_1191 = arith.mulf %sub3A_1190, %sub3A_1190 : vector<16xf32>
          %add3A_1192 = arith.addf %add3A_1052, %mul3A_1191 : vector<16xf32>
          %mul3A_1193 = arith.mulf %gather3A_1189, %gather3A_1189 : vector<16xf32>
          %add3A_1194 = arith.addf %add3A_1188, %mul3A_1193 : vector<16xf32>
          %gather3A_1195 = tpu.vector_load_idx %arg19[%add3A_521, %broadcast_in_dim3A_1065] : memref<2560x32xf32, #tpu.memory_space<vmem>>[vector<16xi32>, vector<16xi32>], vector<16xf32>,
          %sub3A_1196 = arith.subf %gather3A_1066, %gather3A_1195 : vector<16xf32>
          %mul3A_1197 = arith.mulf %sub3A_1196, %sub3A_1196 : vector<16xf32>
          %add3A_1198 = arith.addf %add3A_1058, %mul3A_1197 : vector<16xf32>
          %mul3A_1199 = arith.mulf %gather3A_1195, %gather3A_1195 : vector<16xf32>
          %add3A_1200 = arith.addf %add3A_1194, %mul3A_1199 : vector<16xf32>
          %mul3A_1201 = arith.constant 8 : i32
          %mul3A_1202 = arith.muli %scan3A_619, %mul3A_1201 : i32
          %add3A_1203 = arith.constant 4 : i32
          %add3A_1204 = arith.addi %mul3A_1202, %add3A_1203 : i32
          %broadcast_in_dim3A_1205 = vector.broadcast %add3A_1204 : i32 to vector<16xi32>
          %gather3A_1206 = tpu.vector_load_idx %arg16[%add3A_461, %broadcast_in_dim3A_1205] : memref<128x32xf32, #tpu.memory_space<vmem>>[vector<16xi32>, vector<16xi32>], vector<16xf32>,
          %gather3A_1207 = tpu.vector_load_idx %arg17[%add3A_461, %broadcast_in_dim3A_1205] : memref<128x32xf32, #tpu.memory_space<vmem>>[vector<16xi32>, vector<16xi32>], vector<16xf32>,
          %gather3A_1208 = tpu.vector_load_idx %arg18[%add3A_461, %broadcast_in_dim3A_1205] : memref<128x32xf32, #tpu.memory_space<vmem>>[vector<16xi32>, vector<16xi32>], vector<16xf32>,
          %sub3A_1209 = arith.subf %gather3A_1206, %gather3A_1207 : vector<16xf32>
          %sub3A_1210 = arith.subf %gather3A_1206, %gather3A_1208 : vector<16xf32>
          %mul3A_1211 = arith.mulf %sub3A_1209, %sub3A_1209 : vector<16xf32>
          %add3A_1212 = arith.addf %add3A_1072, %mul3A_1211 : vector<16xf32>
          %mul3A_1213 = arith.mulf %sub3A_1210, %sub3A_1210 : vector<16xf32>
          %add3A_1214 = arith.addf %add3A_1074, %mul3A_1213 : vector<16xf32>
          %mul3A_1215 = arith.mulf %gather3A_1206, %gather3A_1206 : vector<16xf32>
          %add3A_1216 = arith.addf %add3A_1200, %mul3A_1215 : vector<16xf32>
          %mul3A_1217 = arith.mulf %gather3A_1207, %gather3A_1207 : vector<16xf32>
          %add3A_1218 = arith.addf %add3A_1216, %mul3A_1217 : vector<16xf32>
          %mul3A_1219 = arith.mulf %gather3A_1208, %gather3A_1208 : vector<16xf32>
          %add3A_1220 = arith.addf %add3A_1218, %mul3A_1219 : vector<16xf32>
          %gather3A_1221 = tpu.vector_load_idx %arg19[%add3A_464, %broadcast_in_dim3A_1205] : memref<2560x32xf32, #tpu.memory_space<vmem>>[vector<16xi32>, vector<16xi32>], vector<16xf32>,
          %sub3A_1222 = arith.subf %gather3A_1206, %gather3A_1221 : vector<16xf32>
          %mul3A_1223 = arith.mulf %sub3A_1222, %sub3A_1222 : vector<16xf32>
          %add3A_1224 = arith.addf %add3A_1084, %mul3A_1223 : vector<16xf32>
          %mul3A_1225 = arith.mulf %gather3A_1221, %gather3A_1221 : vector<16xf32>
          %add3A_1226 = arith.addf %add3A_1220, %mul3A_1225 : vector<16xf32>
          %gather3A_1227 = tpu.vector_load_idx %arg19[%add3A_467, %broadcast_in_dim3A_1205] : memref<2560x32xf32, #tpu.memory_space<vmem>>[vector<16xi32>, vector<16xi32>], vector<16xf32>,
          %sub3A_1228 = arith.subf %gather3A_1206, %gather3A_1227 : vector<16xf32>
          %mul3A_1229 = arith.mulf %sub3A_1228, %sub3A_1228 : vector<16xf32>
          %add3A_1230 = arith.addf %add3A_1090, %mul3A_1229 : vector<16xf32>
          %mul3A_1231 = arith.mulf %gather3A_1227, %gather3A_1227 : vector<16xf32>
          %add3A_1232 = arith.addf %add3A_1226, %mul3A_1231 : vector<16xf32>
          %gather3A_1233 = tpu.vector_load_idx %arg19[%add3A_470, %broadcast_in_dim3A_1205] : memref<2560x32xf32, #tpu.memory_space<vmem>>[vector<16xi32>, vector<16xi32>], vector<16xf32>,
          %sub3A_1234 = arith.subf %gather3A_1206, %gather3A_1233 : vector<16xf32>
          %mul3A_1235 = arith.mulf %sub3A_1234, %sub3A_1234 : vector<16xf32>
          %add3A_1236 = arith.addf %add3A_1096, %mul3A_1235 : vector<16xf32>
          %mul3A_1237 = arith.mulf %gather3A_1233, %gather3A_1233 : vector<16xf32>
          %add3A_1238 = arith.addf %add3A_1232, %mul3A_1237 : vector<16xf32>
          %gather3A_1239 = tpu.vector_load_idx %arg19[%add3A_473, %broadcast_in_dim3A_1205] : memref<2560x32xf32, #tpu.memory_space<vmem>>[vector<16xi32>, vector<16xi32>], vector<16xf32>,
          %sub3A_1240 = arith.subf %gather3A_1206, %gather3A_1239 : vector<16xf32>
          %mul3A_1241 = arith.mulf %sub3A_1240, %sub3A_1240 : vector<16xf32>
          %add3A_1242 = arith.addf %add3A_1102, %mul3A_1241 : vector<16xf32>
          %mul3A_1243 = arith.mulf %gather3A_1239, %gather3A_1239 : vector<16xf32>
          %add3A_1244 = arith.addf %add3A_1238, %mul3A_1243 : vector<16xf32>
          %gather3A_1245 = tpu.vector_load_idx %arg19[%add3A_476, %broadcast_in_dim3A_1205] : memref<2560x32xf32, #tpu.memory_space<vmem>>[vector<16xi32>, vector<16xi32>], vector<16xf32>,
          %sub3A_1246 = arith.subf %gather3A_1206, %gather3A_1245 : vector<16xf32>
          %mul3A_1247 = arith.mulf %sub3A_1246, %sub3A_1246 : vector<16xf32>
          %add3A_1248 = arith.addf %add3A_1108, %mul3A_1247 : vector<16xf32>
          %mul3A_1249 = arith.mulf %gather3A_1245, %gather3A_1245 : vector<16xf32>
          %add3A_1250 = arith.addf %add3A_1244, %mul3A_1249 : vector<16xf32>
          %gather3A_1251 = tpu.vector_load_idx %arg19[%add3A_479, %broadcast_in_dim3A_1205] : memref<2560x32xf32, #tpu.memory_space<vmem>>[vector<16xi32>, vector<16xi32>], vector<16xf32>,
          %sub3A_1252 = arith.subf %gather3A_1206, %gather3A_1251 : vector<16xf32>
          %mul3A_1253 = arith.mulf %sub3A_1252, %sub3A_1252 : vector<16xf32>
          %add3A_1254 = arith.addf %add3A_1114, %mul3A_1253 : vector<16xf32>
          %mul3A_1255 = arith.mulf %gather3A_1251, %gather3A_1251 : vector<16xf32>
          %add3A_1256 = arith.addf %add3A_1250, %mul3A_1255 : vector<16xf32>
          %gather3A_1257 = tpu.vector_load_idx %arg19[%add3A_482, %broadcast_in_dim3A_1205] : memref<2560x32xf32, #tpu.memory_space<vmem>>[vector<16xi32>, vector<16xi32>], vector<16xf32>,
          %sub3A_1258 = arith.subf %gather3A_1206, %gather3A_1257 : vector<16xf32>
          %mul3A_1259 = arith.mulf %sub3A_1258, %sub3A_1258 : vector<16xf32>
          %add3A_1260 = arith.addf %add3A_1120, %mul3A_1259 : vector<16xf32>
          %mul3A_1261 = arith.mulf %gather3A_1257, %gather3A_1257 : vector<16xf32>
          %add3A_1262 = arith.addf %add3A_1256, %mul3A_1261 : vector<16xf32>
          %gather3A_1263 = tpu.vector_load_idx %arg19[%add3A_485, %broadcast_in_dim3A_1205] : memref<2560x32xf32, #tpu.memory_space<vmem>>[vector<16xi32>, vector<16xi32>], vector<16xf32>,
          %sub3A_1264 = arith.subf %gather3A_1206, %gather3A_1263 : vector<16xf32>
          %mul3A_1265 = arith.mulf %sub3A_1264, %sub3A_1264 : vector<16xf32>
          %add3A_1266 = arith.addf %add3A_1126, %mul3A_1265 : vector<16xf32>
          %mul3A_1267 = arith.mulf %gather3A_1263, %gather3A_1263 : vector<16xf32>
          %add3A_1268 = arith.addf %add3A_1262, %mul3A_1267 : vector<16xf32>
          %gather3A_1269 = tpu.vector_load_idx %arg19[%add3A_488, %broadcast_in_dim3A_1205] : memref<2560x32xf32, #tpu.memory_space<vmem>>[vector<16xi32>, vector<16xi32>], vector<16xf32>,
          %sub3A_1270 = arith.subf %gather3A_1206, %gather3A_1269 : vector<16xf32>
          %mul3A_1271 = arith.mulf %sub3A_1270, %sub3A_1270 : vector<16xf32>
          %add3A_1272 = arith.addf %add3A_1132, %mul3A_1271 : vector<16xf32>
          %mul3A_1273 = arith.mulf %gather3A_1269, %gather3A_1269 : vector<16xf32>
          %add3A_1274 = arith.addf %add3A_1268, %mul3A_1273 : vector<16xf32>
          %gather3A_1275 = tpu.vector_load_idx %arg19[%add3A_491, %broadcast_in_dim3A_1205] : memref<2560x32xf32, #tpu.memory_space<vmem>>[vector<16xi32>, vector<16xi32>], vector<16xf32>,
          %sub3A_1276 = arith.subf %gather3A_1206, %gather3A_1275 : vector<16xf32>
          %mul3A_1277 = arith.mulf %sub3A_1276, %sub3A_1276 : vector<16xf32>
          %add3A_1278 = arith.addf %add3A_1138, %mul3A_1277 : vector<16xf32>
          %mul3A_1279 = arith.mulf %gather3A_1275, %gather3A_1275 : vector<16xf32>
          %add3A_1280 = arith.addf %add3A_1274, %mul3A_1279 : vector<16xf32>
          %gather3A_1281 = tpu.vector_load_idx %arg19[%add3A_494, %broadcast_in_dim3A_1205] : memref<2560x32xf32, #tpu.memory_space<vmem>>[vector<16xi32>, vector<16xi32>], vector<16xf32>,
          %sub3A_1282 = arith.subf %gather3A_1206, %gather3A_1281 : vector<16xf32>
          %mul3A_1283 = arith.mulf %sub3A_1282, %sub3A_1282 : vector<16xf32>
          %add3A_1284 = arith.addf %add3A_1144, %mul3A_1283 : vector<16xf32>
          %mul3A_1285 = arith.mulf %gather3A_1281, %gather3A_1281 : vector<16xf32>
          %add3A_1286 = arith.addf %add3A_1280, %mul3A_1285 : vector<16xf32>
          %gather3A_1287 = tpu.vector_load_idx %arg19[%add3A_497, %broadcast_in_dim3A_1205] : memref<2560x32xf32, #tpu.memory_space<vmem>>[vector<16xi32>, vector<16xi32>], vector<16xf32>,
          %sub3A_1288 = arith.subf %gather3A_1206, %gather3A_1287 : vector<16xf32>
          %mul3A_1289 = arith.mulf %sub3A_1288, %sub3A_1288 : vector<16xf32>
          %add3A_1290 = arith.addf %add3A_1150, %mul3A_1289 : vector<16xf32>
          %mul3A_1291 = arith.mulf %gather3A_1287, %gather3A_1287 : vector<16xf32>
          %add3A_1292 = arith.addf %add3A_1286, %mul3A_1291 : vector<16xf32>
          %gather3A_1293 = tpu.vector_load_idx %arg19[%add3A_500, %broadcast_in_dim3A_1205] : memref<2560x32xf32, #tpu.memory_space<vmem>>[vector<16xi32>, vector<16xi32>], vector<16xf32>,
          %sub3A_1294 = arith.subf %gather3A_1206, %gather3A_1293 : vector<16xf32>
          %mul3A_1295 = arith.mulf %sub3A_1294, %sub3A_1294 : vector<16xf32>
          %add3A_1296 = arith.addf %add3A_1156, %mul3A_1295 : vector<16xf32>
          %mul3A_1297 = arith.mulf %gather3A_1293, %gather3A_1293 : vector<16xf32>
          %add3A_1298 = arith.addf %add3A_1292, %mul3A_1297 : vector<16xf32>
          %gather3A_1299 = tpu.vector_load_idx %arg19[%add3A_503, %broadcast_in_dim3A_1205] : memref<2560x32xf32, #tpu.memory_space<vmem>>[vector<16xi32>, vector<16xi32>], vector<16xf32>,
          %sub3A_1300 = arith.subf %gather3A_1206, %gather3A_1299 : vector<16xf32>
          %mul3A_1301 = arith.mulf %sub3A_1300, %sub3A_1300 : vector<16xf32>
          %add3A_1302 = arith.addf %add3A_1162, %mul3A_1301 : vector<16xf32>
          %mul3A_1303 = arith.mulf %gather3A_1299, %gather3A_1299 : vector<16xf32>
          %add3A_1304 = arith.addf %add3A_1298, %mul3A_1303 : vector<16xf32>
          %gather3A_1305 = tpu.vector_load_idx %arg19[%add3A_506, %broadcast_in_dim3A_1205] : memref<2560x32xf32, #tpu.memory_space<vmem>>[vector<16xi32>, vector<16xi32>], vector<16xf32>,
          %sub3A_1306 = arith.subf %gather3A_1206, %gather3A_1305 : vector<16xf32>
          %mul3A_1307 = arith.mulf %sub3A_1306, %sub3A_1306 : vector<16xf32>
          %add3A_1308 = arith.addf %add3A_1168, %mul3A_1307 : vector<16xf32>
          %mul3A_1309 = arith.mulf %gather3A_1305, %gather3A_1305 : vector<16xf32>
          %add3A_1310 = arith.addf %add3A_1304, %mul3A_1309 : vector<16xf32>
          %gather3A_1311 = tpu.vector_load_idx %arg19[%add3A_509, %broadcast_in_dim3A_1205] : memref<2560x32xf32, #tpu.memory_space<vmem>>[vector<16xi32>, vector<16xi32>], vector<16xf32>,
          %sub3A_1312 = arith.subf %gather3A_1206, %gather3A_1311 : vector<16xf32>
          %mul3A_1313 = arith.mulf %sub3A_1312, %sub3A_1312 : vector<16xf32>
          %add3A_1314 = arith.addf %add3A_1174, %mul3A_1313 : vector<16xf32>
          %mul3A_1315 = arith.mulf %gather3A_1311, %gather3A_1311 : vector<16xf32>
          %add3A_1316 = arith.addf %add3A_1310, %mul3A_1315 : vector<16xf32>
          %gather3A_1317 = tpu.vector_load_idx %arg19[%add3A_512, %broadcast_in_dim3A_1205] : memref<2560x32xf32, #tpu.memory_space<vmem>>[vector<16xi32>, vector<16xi32>], vector<16xf32>,
          %sub3A_1318 = arith.subf %gather3A_1206, %gather3A_1317 : vector<16xf32>
          %mul3A_1319 = arith.mulf %sub3A_1318, %sub3A_1318 : vector<16xf32>
          %add3A_1320 = arith.addf %add3A_1180, %mul3A_1319 : vector<16xf32>
          %mul3A_1321 = arith.mulf %gather3A_1317, %gather3A_1317 : vector<16xf32>
          %add3A_1322 = arith.addf %add3A_1316, %mul3A_1321 : vector<16xf32>
          %gather3A_1323 = tpu.vector_load_idx %arg19[%add3A_515, %broadcast_in_dim3A_1205] : memref<2560x32xf32, #tpu.memory_space<vmem>>[vector<16xi32>, vector<16xi32>], vector<16xf32>,
          %sub3A_1324 = arith.subf %gather3A_1206, %gather3A_1323 : vector<16xf32>
          %mul3A_1325 = arith.mulf %sub3A_1324, %sub3A_1324 : vector<16xf32>
          %add3A_1326 = arith.addf %add3A_1186, %mul3A_1325 : vector<16xf32>
          %mul3A_1327 = arith.mulf %gather3A_1323, %gather3A_1323 : vector<16xf32>
          %add3A_1328 = arith.addf %add3A_1322, %mul3A_1327 : vector<16xf32>
          %gather3A_1329 = tpu.vector_load_idx %arg19[%add3A_518, %broadcast_in_dim3A_1205] : memref<2560x32xf32, #tpu.memory_space<vmem>>[vector<16xi32>, vector<16xi32>], vector<16xf32>,
          %sub3A_1330 = arith.subf %gather3A_1206, %gather3A_1329 : vector<16xf32>
          %mul3A_1331 = arith.mulf %sub3A_1330, %sub3A_1330 : vector<16xf32>
          %add3A_1332 = arith.addf %add3A_1192, %mul3A_1331 : vector<16xf32>
          %mul3A_1333 = arith.mulf %gather3A_1329, %gather3A_1329 : vector<16xf32>
          %add3A_1334 = arith.addf %add3A_1328, %mul3A_1333 : vector<16xf32>
          %gather3A_1335 = tpu.vector_load_idx %arg19[%add3A_521, %broadcast_in_dim3A_1205] : memref<2560x32xf32, #tpu.memory_space<vmem>>[vector<16xi32>, vector<16xi32>], vector<16xf32>,
          %sub3A_1336 = arith.subf %gather3A_1206, %gather3A_1335 : vector<16xf32>
          %mul3A_1337 = arith.mulf %sub3A_1336, %sub3A_1336 : vector<16xf32>
          %add3A_1338 = arith.addf %add3A_1198, %mul3A_1337 : vector<16xf32>
          %mul3A_1339 = arith.mulf %gather3A_1335, %gather3A_1335 : vector<16xf32>
          %add3A_1340 = arith.addf %add3A_1334, %mul3A_1339 : vector<16xf32>
          %mul3A_1341 = arith.constant 8 : i32
          %mul3A_1342 = arith.muli %scan3A_619, %mul3A_1341 : i32
          %add3A_1343 = arith.constant 5 : i32
          %add3A_1344 = arith.addi %mul3A_1342, %add3A_1343 : i32
          %broadcast_in_dim3A_1345 = vector.broadcast %add3A_1344 : i32 to vector<16xi32>
          %gather3A_1346 = tpu.vector_load_idx %arg16[%add3A_461, %broadcast_in_dim3A_1345] : memref<128x32xf32, #tpu.memory_space<vmem>>[vector<16xi32>, vector<16xi32>], vector<16xf32>,
          %gather3A_1347 = tpu.vector_load_idx %arg17[%add3A_461, %broadcast_in_dim3A_1345] : memref<128x32xf32, #tpu.memory_space<vmem>>[vector<16xi32>, vector<16xi32>], vector<16xf32>,
          %gather3A_1348 = tpu.vector_load_idx %arg18[%add3A_461, %broadcast_in_dim3A_1345] : memref<128x32xf32, #tpu.memory_space<vmem>>[vector<16xi32>, vector<16xi32>], vector<16xf32>,
          %sub3A_1349 = arith.subf %gather3A_1346, %gather3A_1347 : vector<16xf32>
          %sub3A_1350 = arith.subf %gather3A_1346, %gather3A_1348 : vector<16xf32>
          %mul3A_1351 = arith.mulf %sub3A_1349, %sub3A_1349 : vector<16xf32>
          %add3A_1352 = arith.addf %add3A_1212, %mul3A_1351 : vector<16xf32>
          %mul3A_1353 = arith.mulf %sub3A_1350, %sub3A_1350 : vector<16xf32>
          %add3A_1354 = arith.addf %add3A_1214, %mul3A_1353 : vector<16xf32>
          %mul3A_1355 = arith.mulf %gather3A_1346, %gather3A_1346 : vector<16xf32>
          %add3A_1356 = arith.addf %add3A_1340, %mul3A_1355 : vector<16xf32>
          %mul3A_1357 = arith.mulf %gather3A_1347, %gather3A_1347 : vector<16xf32>
          %add3A_1358 = arith.addf %add3A_1356, %mul3A_1357 : vector<16xf32>
          %mul3A_1359 = arith.mulf %gather3A_1348, %gather3A_1348 : vector<16xf32>
          %add3A_1360 = arith.addf %add3A_1358, %mul3A_1359 : vector<16xf32>
          %gather3A_1361 = tpu.vector_load_idx %arg19[%add3A_464, %broadcast_in_dim3A_1345] : memref<2560x32xf32, #tpu.memory_space<vmem>>[vector<16xi32>, vector<16xi32>], vector<16xf32>,
          %sub3A_1362 = arith.subf %gather3A_1346, %gather3A_1361 : vector<16xf32>
          %mul3A_1363 = arith.mulf %sub3A_1362, %sub3A_1362 : vector<16xf32>
          %add3A_1364 = arith.addf %add3A_1224, %mul3A_1363 : vector<16xf32>
          %mul3A_1365 = arith.mulf %gather3A_1361, %gather3A_1361 : vector<16xf32>
          %add3A_1366 = arith.addf %add3A_1360, %mul3A_1365 : vector<16xf32>
          %gather3A_1367 = tpu.vector_load_idx %arg19[%add3A_467, %broadcast_in_dim3A_1345] : memref<2560x32xf32, #tpu.memory_space<vmem>>[vector<16xi32>, vector<16xi32>], vector<16xf32>,
          %sub3A_1368 = arith.subf %gather3A_1346, %gather3A_1367 : vector<16xf32>
          %mul3A_1369 = arith.mulf %sub3A_1368, %sub3A_1368 : vector<16xf32>
          %add3A_1370 = arith.addf %add3A_1230, %mul3A_1369 : vector<16xf32>
          %mul3A_1371 = arith.mulf %gather3A_1367, %gather3A_1367 : vector<16xf32>
          %add3A_1372 = arith.addf %add3A_1366, %mul3A_1371 : vector<16xf32>
          %gather3A_1373 = tpu.vector_load_idx %arg19[%add3A_470, %broadcast_in_dim3A_1345] : memref<2560x32xf32, #tpu.memory_space<vmem>>[vector<16xi32>, vector<16xi32>], vector<16xf32>,
          %sub3A_1374 = arith.subf %gather3A_1346, %gather3A_1373 : vector<16xf32>
          %mul3A_1375 = arith.mulf %sub3A_1374, %sub3A_1374 : vector<16xf32>
          %add3A_1376 = arith.addf %add3A_1236, %mul3A_1375 : vector<16xf32>
          %mul3A_1377 = arith.mulf %gather3A_1373, %gather3A_1373 : vector<16xf32>
          %add3A_1378 = arith.addf %add3A_1372, %mul3A_1377 : vector<16xf32>
          %gather3A_1379 = tpu.vector_load_idx %arg19[%add3A_473, %broadcast_in_dim3A_1345] : memref<2560x32xf32, #tpu.memory_space<vmem>>[vector<16xi32>, vector<16xi32>], vector<16xf32>,
          %sub3A_1380 = arith.subf %gather3A_1346, %gather3A_1379 : vector<16xf32>
          %mul3A_1381 = arith.mulf %sub3A_1380, %sub3A_1380 : vector<16xf32>
          %add3A_1382 = arith.addf %add3A_1242, %mul3A_1381 : vector<16xf32>
          %mul3A_1383 = arith.mulf %gather3A_1379, %gather3A_1379 : vector<16xf32>
          %add3A_1384 = arith.addf %add3A_1378, %mul3A_1383 : vector<16xf32>
          %gather3A_1385 = tpu.vector_load_idx %arg19[%add3A_476, %broadcast_in_dim3A_1345] : memref<2560x32xf32, #tpu.memory_space<vmem>>[vector<16xi32>, vector<16xi32>], vector<16xf32>,
          %sub3A_1386 = arith.subf %gather3A_1346, %gather3A_1385 : vector<16xf32>
          %mul3A_1387 = arith.mulf %sub3A_1386, %sub3A_1386 : vector<16xf32>
          %add3A_1388 = arith.addf %add3A_1248, %mul3A_1387 : vector<16xf32>
          %mul3A_1389 = arith.mulf %gather3A_1385, %gather3A_1385 : vector<16xf32>
          %add3A_1390 = arith.addf %add3A_1384, %mul3A_1389 : vector<16xf32>
          %gather3A_1391 = tpu.vector_load_idx %arg19[%add3A_479, %broadcast_in_dim3A_1345] : memref<2560x32xf32, #tpu.memory_space<vmem>>[vector<16xi32>, vector<16xi32>], vector<16xf32>,
          %sub3A_1392 = arith.subf %gather3A_1346, %gather3A_1391 : vector<16xf32>
          %mul3A_1393 = arith.mulf %sub3A_1392, %sub3A_1392 : vector<16xf32>
          %add3A_1394 = arith.addf %add3A_1254, %mul3A_1393 : vector<16xf32>
          %mul3A_1395 = arith.mulf %gather3A_1391, %gather3A_1391 : vector<16xf32>
          %add3A_1396 = arith.addf %add3A_1390, %mul3A_1395 : vector<16xf32>
          %gather3A_1397 = tpu.vector_load_idx %arg19[%add3A_482, %broadcast_in_dim3A_1345] : memref<2560x32xf32, #tpu.memory_space<vmem>>[vector<16xi32>, vector<16xi32>], vector<16xf32>,
          %sub3A_1398 = arith.subf %gather3A_1346, %gather3A_1397 : vector<16xf32>
          %mul3A_1399 = arith.mulf %sub3A_1398, %sub3A_1398 : vector<16xf32>
          %add3A_1400 = arith.addf %add3A_1260, %mul3A_1399 : vector<16xf32>
          %mul3A_1401 = arith.mulf %gather3A_1397, %gather3A_1397 : vector<16xf32>
          %add3A_1402 = arith.addf %add3A_1396, %mul3A_1401 : vector<16xf32>
          %gather3A_1403 = tpu.vector_load_idx %arg19[%add3A_485, %broadcast_in_dim3A_1345] : memref<2560x32xf32, #tpu.memory_space<vmem>>[vector<16xi32>, vector<16xi32>], vector<16xf32>,
          %sub3A_1404 = arith.subf %gather3A_1346, %gather3A_1403 : vector<16xf32>
          %mul3A_1405 = arith.mulf %sub3A_1404, %sub3A_1404 : vector<16xf32>
          %add3A_1406 = arith.addf %add3A_1266, %mul3A_1405 : vector<16xf32>
          %mul3A_1407 = arith.mulf %gather3A_1403, %gather3A_1403 : vector<16xf32>
          %add3A_1408 = arith.addf %add3A_1402, %mul3A_1407 : vector<16xf32>
          %gather3A_1409 = tpu.vector_load_idx %arg19[%add3A_488, %broadcast_in_dim3A_1345] : memref<2560x32xf32, #tpu.memory_space<vmem>>[vector<16xi32>, vector<16xi32>], vector<16xf32>,
          %sub3A_1410 = arith.subf %gather3A_1346, %gather3A_1409 : vector<16xf32>
          %mul3A_1411 = arith.mulf %sub3A_1410, %sub3A_1410 : vector<16xf32>
          %add3A_1412 = arith.addf %add3A_1272, %mul3A_1411 : vector<16xf32>
          %mul3A_1413 = arith.mulf %gather3A_1409, %gather3A_1409 : vector<16xf32>
          %add3A_1414 = arith.addf %add3A_1408, %mul3A_1413 : vector<16xf32>
          %gather3A_1415 = tpu.vector_load_idx %arg19[%add3A_491, %broadcast_in_dim3A_1345] : memref<2560x32xf32, #tpu.memory_space<vmem>>[vector<16xi32>, vector<16xi32>], vector<16xf32>,
          %sub3A_1416 = arith.subf %gather3A_1346, %gather3A_1415 : vector<16xf32>
          %mul3A_1417 = arith.mulf %sub3A_1416, %sub3A_1416 : vector<16xf32>
          %add3A_1418 = arith.addf %add3A_1278, %mul3A_1417 : vector<16xf32>
          %mul3A_1419 = arith.mulf %gather3A_1415, %gather3A_1415 : vector<16xf32>
          %add3A_1420 = arith.addf %add3A_1414, %mul3A_1419 : vector<16xf32>
          %gather3A_1421 = tpu.vector_load_idx %arg19[%add3A_494, %broadcast_in_dim3A_1345] : memref<2560x32xf32, #tpu.memory_space<vmem>>[vector<16xi32>, vector<16xi32>], vector<16xf32>,
          %sub3A_1422 = arith.subf %gather3A_1346, %gather3A_1421 : vector<16xf32>
          %mul3A_1423 = arith.mulf %sub3A_1422, %sub3A_1422 : vector<16xf32>
          %add3A_1424 = arith.addf %add3A_1284, %mul3A_1423 : vector<16xf32>
          %mul3A_1425 = arith.mulf %gather3A_1421, %gather3A_1421 : vector<16xf32>
          %add3A_1426 = arith.addf %add3A_1420, %mul3A_1425 : vector<16xf32>
          %gather3A_1427 = tpu.vector_load_idx %arg19[%add3A_497, %broadcast_in_dim3A_1345] : memref<2560x32xf32, #tpu.memory_space<vmem>>[vector<16xi32>, vector<16xi32>], vector<16xf32>,
          %sub3A_1428 = arith.subf %gather3A_1346, %gather3A_1427 : vector<16xf32>
          %mul3A_1429 = arith.mulf %sub3A_1428, %sub3A_1428 : vector<16xf32>
          %add3A_1430 = arith.addf %add3A_1290, %mul3A_1429 : vector<16xf32>
          %mul3A_1431 = arith.mulf %gather3A_1427, %gather3A_1427 : vector<16xf32>
          %add3A_1432 = arith.addf %add3A_1426, %mul3A_1431 : vector<16xf32>
          %gather3A_1433 = tpu.vector_load_idx %arg19[%add3A_500, %broadcast_in_dim3A_1345] : memref<2560x32xf32, #tpu.memory_space<vmem>>[vector<16xi32>, vector<16xi32>], vector<16xf32>,
          %sub3A_1434 = arith.subf %gather3A_1346, %gather3A_1433 : vector<16xf32>
          %mul3A_1435 = arith.mulf %sub3A_1434, %sub3A_1434 : vector<16xf32>
          %add3A_1436 = arith.addf %add3A_1296, %mul3A_1435 : vector<16xf32>
          %mul3A_1437 = arith.mulf %gather3A_1433, %gather3A_1433 : vector<16xf32>
          %add3A_1438 = arith.addf %add3A_1432, %mul3A_1437 : vector<16xf32>
          %gather3A_1439 = tpu.vector_load_idx %arg19[%add3A_503, %broadcast_in_dim3A_1345] : memref<2560x32xf32, #tpu.memory_space<vmem>>[vector<16xi32>, vector<16xi32>], vector<16xf32>,
          %sub3A_1440 = arith.subf %gather3A_1346, %gather3A_1439 : vector<16xf32>
          %mul3A_1441 = arith.mulf %sub3A_1440, %sub3A_1440 : vector<16xf32>
          %add3A_1442 = arith.addf %add3A_1302, %mul3A_1441 : vector<16xf32>
          %mul3A_1443 = arith.mulf %gather3A_1439, %gather3A_1439 : vector<16xf32>
          %add3A_1444 = arith.addf %add3A_1438, %mul3A_1443 : vector<16xf32>
          %gather3A_1445 = tpu.vector_load_idx %arg19[%add3A_506, %broadcast_in_dim3A_1345] : memref<2560x32xf32, #tpu.memory_space<vmem>>[vector<16xi32>, vector<16xi32>], vector<16xf32>,
          %sub3A_1446 = arith.subf %gather3A_1346, %gather3A_1445 : vector<16xf32>
          %mul3A_1447 = arith.mulf %sub3A_1446, %sub3A_1446 : vector<16xf32>
          %add3A_1448 = arith.addf %add3A_1308, %mul3A_1447 : vector<16xf32>
          %mul3A_1449 = arith.mulf %gather3A_1445, %gather3A_1445 : vector<16xf32>
          %add3A_1450 = arith.addf %add3A_1444, %mul3A_1449 : vector<16xf32>
          %gather3A_1451 = tpu.vector_load_idx %arg19[%add3A_509, %broadcast_in_dim3A_1345] : memref<2560x32xf32, #tpu.memory_space<vmem>>[vector<16xi32>, vector<16xi32>], vector<16xf32>,
          %sub3A_1452 = arith.subf %gather3A_1346, %gather3A_1451 : vector<16xf32>
          %mul3A_1453 = arith.mulf %sub3A_1452, %sub3A_1452 : vector<16xf32>
          %add3A_1454 = arith.addf %add3A_1314, %mul3A_1453 : vector<16xf32>
          %mul3A_1455 = arith.mulf %gather3A_1451, %gather3A_1451 : vector<16xf32>
          %add3A_1456 = arith.addf %add3A_1450, %mul3A_1455 : vector<16xf32>
          %gather3A_1457 = tpu.vector_load_idx %arg19[%add3A_512, %broadcast_in_dim3A_1345] : memref<2560x32xf32, #tpu.memory_space<vmem>>[vector<16xi32>, vector<16xi32>], vector<16xf32>,
          %sub3A_1458 = arith.subf %gather3A_1346, %gather3A_1457 : vector<16xf32>
          %mul3A_1459 = arith.mulf %sub3A_1458, %sub3A_1458 : vector<16xf32>
          %add3A_1460 = arith.addf %add3A_1320, %mul3A_1459 : vector<16xf32>
          %mul3A_1461 = arith.mulf %gather3A_1457, %gather3A_1457 : vector<16xf32>
          %add3A_1462 = arith.addf %add3A_1456, %mul3A_1461 : vector<16xf32>
          %gather3A_1463 = tpu.vector_load_idx %arg19[%add3A_515, %broadcast_in_dim3A_1345] : memref<2560x32xf32, #tpu.memory_space<vmem>>[vector<16xi32>, vector<16xi32>], vector<16xf32>,
          %sub3A_1464 = arith.subf %gather3A_1346, %gather3A_1463 : vector<16xf32>
          %mul3A_1465 = arith.mulf %sub3A_1464, %sub3A_1464 : vector<16xf32>
          %add3A_1466 = arith.addf %add3A_1326, %mul3A_1465 : vector<16xf32>
          %mul3A_1467 = arith.mulf %gather3A_1463, %gather3A_1463 : vector<16xf32>
          %add3A_1468 = arith.addf %add3A_1462, %mul3A_1467 : vector<16xf32>
          %gather3A_1469 = tpu.vector_load_idx %arg19[%add3A_518, %broadcast_in_dim3A_1345] : memref<2560x32xf32, #tpu.memory_space<vmem>>[vector<16xi32>, vector<16xi32>], vector<16xf32>,
          %sub3A_1470 = arith.subf %gather3A_1346, %gather3A_1469 : vector<16xf32>
          %mul3A_1471 = arith.mulf %sub3A_1470, %sub3A_1470 : vector<16xf32>
          %add3A_1472 = arith.addf %add3A_1332, %mul3A_1471 : vector<16xf32>
          %mul3A_1473 = arith.mulf %gather3A_1469, %gather3A_1469 : vector<16xf32>
          %add3A_1474 = arith.addf %add3A_1468, %mul3A_1473 : vector<16xf32>
          %gather3A_1475 = tpu.vector_load_idx %arg19[%add3A_521, %broadcast_in_dim3A_1345] : memref<2560x32xf32, #tpu.memory_space<vmem>>[vector<16xi32>, vector<16xi32>], vector<16xf32>,
          %sub3A_1476 = arith.subf %gather3A_1346, %gather3A_1475 : vector<16xf32>
          %mul3A_1477 = arith.mulf %sub3A_1476, %sub3A_1476 : vector<16xf32>
          %add3A_1478 = arith.addf %add3A_1338, %mul3A_1477 : vector<16xf32>
          %mul3A_1479 = arith.mulf %gather3A_1475, %gather3A_1475 : vector<16xf32>
          %add3A_1480 = arith.addf %add3A_1474, %mul3A_1479 : vector<16xf32>
          %mul3A_1481 = arith.constant 8 : i32
          %mul3A_1482 = arith.muli %scan3A_619, %mul3A_1481 : i32
          %add3A_1483 = arith.constant 6 : i32
          %add3A_1484 = arith.addi %mul3A_1482, %add3A_1483 : i32
          %broadcast_in_dim3A_1485 = vector.broadcast %add3A_1484 : i32 to vector<16xi32>
          %gather3A_1486 = tpu.vector_load_idx %arg16[%add3A_461, %broadcast_in_dim3A_1485] : memref<128x32xf32, #tpu.memory_space<vmem>>[vector<16xi32>, vector<16xi32>], vector<16xf32>,
          %gather3A_1487 = tpu.vector_load_idx %arg17[%add3A_461, %broadcast_in_dim3A_1485] : memref<128x32xf32, #tpu.memory_space<vmem>>[vector<16xi32>, vector<16xi32>], vector<16xf32>,
          %gather3A_1488 = tpu.vector_load_idx %arg18[%add3A_461, %broadcast_in_dim3A_1485] : memref<128x32xf32, #tpu.memory_space<vmem>>[vector<16xi32>, vector<16xi32>], vector<16xf32>,
          %sub3A_1489 = arith.subf %gather3A_1486, %gather3A_1487 : vector<16xf32>
          %sub3A_1490 = arith.subf %gather3A_1486, %gather3A_1488 : vector<16xf32>
          %mul3A_1491 = arith.mulf %sub3A_1489, %sub3A_1489 : vector<16xf32>
          %add3A_1492 = arith.addf %add3A_1352, %mul3A_1491 : vector<16xf32>
          %mul3A_1493 = arith.mulf %sub3A_1490, %sub3A_1490 : vector<16xf32>
          %add3A_1494 = arith.addf %add3A_1354, %mul3A_1493 : vector<16xf32>
          %mul3A_1495 = arith.mulf %gather3A_1486, %gather3A_1486 : vector<16xf32>
          %add3A_1496 = arith.addf %add3A_1480, %mul3A_1495 : vector<16xf32>
          %mul3A_1497 = arith.mulf %gather3A_1487, %gather3A_1487 : vector<16xf32>
          %add3A_1498 = arith.addf %add3A_1496, %mul3A_1497 : vector<16xf32>
          %mul3A_1499 = arith.mulf %gather3A_1488, %gather3A_1488 : vector<16xf32>
          %add3A_1500 = arith.addf %add3A_1498, %mul3A_1499 : vector<16xf32>
          %gather3A_1501 = tpu.vector_load_idx %arg19[%add3A_464, %broadcast_in_dim3A_1485] : memref<2560x32xf32, #tpu.memory_space<vmem>>[vector<16xi32>, vector<16xi32>], vector<16xf32>,
          %sub3A_1502 = arith.subf %gather3A_1486, %gather3A_1501 : vector<16xf32>
          %mul3A_1503 = arith.mulf %sub3A_1502, %sub3A_1502 : vector<16xf32>
          %add3A_1504 = arith.addf %add3A_1364, %mul3A_1503 : vector<16xf32>
          %mul3A_1505 = arith.mulf %gather3A_1501, %gather3A_1501 : vector<16xf32>
          %add3A_1506 = arith.addf %add3A_1500, %mul3A_1505 : vector<16xf32>
          %gather3A_1507 = tpu.vector_load_idx %arg19[%add3A_467, %broadcast_in_dim3A_1485] : memref<2560x32xf32, #tpu.memory_space<vmem>>[vector<16xi32>, vector<16xi32>], vector<16xf32>,
          %sub3A_1508 = arith.subf %gather3A_1486, %gather3A_1507 : vector<16xf32>
          %mul3A_1509 = arith.mulf %sub3A_1508, %sub3A_1508 : vector<16xf32>
          %add3A_1510 = arith.addf %add3A_1370, %mul3A_1509 : vector<16xf32>
          %mul3A_1511 = arith.mulf %gather3A_1507, %gather3A_1507 : vector<16xf32>
          %add3A_1512 = arith.addf %add3A_1506, %mul3A_1511 : vector<16xf32>
          %gather3A_1513 = tpu.vector_load_idx %arg19[%add3A_470, %broadcast_in_dim3A_1485] : memref<2560x32xf32, #tpu.memory_space<vmem>>[vector<16xi32>, vector<16xi32>], vector<16xf32>,
          %sub3A_1514 = arith.subf %gather3A_1486, %gather3A_1513 : vector<16xf32>
          %mul3A_1515 = arith.mulf %sub3A_1514, %sub3A_1514 : vector<16xf32>
          %add3A_1516 = arith.addf %add3A_1376, %mul3A_1515 : vector<16xf32>
          %mul3A_1517 = arith.mulf %gather3A_1513, %gather3A_1513 : vector<16xf32>
          %add3A_1518 = arith.addf %add3A_1512, %mul3A_1517 : vector<16xf32>
          %gather3A_1519 = tpu.vector_load_idx %arg19[%add3A_473, %broadcast_in_dim3A_1485] : memref<2560x32xf32, #tpu.memory_space<vmem>>[vector<16xi32>, vector<16xi32>], vector<16xf32>,
          %sub3A_1520 = arith.subf %gather3A_1486, %gather3A_1519 : vector<16xf32>
          %mul3A_1521 = arith.mulf %sub3A_1520, %sub3A_1520 : vector<16xf32>
          %add3A_1522 = arith.addf %add3A_1382, %mul3A_1521 : vector<16xf32>
          %mul3A_1523 = arith.mulf %gather3A_1519, %gather3A_1519 : vector<16xf32>
          %add3A_1524 = arith.addf %add3A_1518, %mul3A_1523 : vector<16xf32>
          %gather3A_1525 = tpu.vector_load_idx %arg19[%add3A_476, %broadcast_in_dim3A_1485] : memref<2560x32xf32, #tpu.memory_space<vmem>>[vector<16xi32>, vector<16xi32>], vector<16xf32>,
          %sub3A_1526 = arith.subf %gather3A_1486, %gather3A_1525 : vector<16xf32>
          %mul3A_1527 = arith.mulf %sub3A_1526, %sub3A_1526 : vector<16xf32>
          %add3A_1528 = arith.addf %add3A_1388, %mul3A_1527 : vector<16xf32>
          %mul3A_1529 = arith.mulf %gather3A_1525, %gather3A_1525 : vector<16xf32>
          %add3A_1530 = arith.addf %add3A_1524, %mul3A_1529 : vector<16xf32>
          %gather3A_1531 = tpu.vector_load_idx %arg19[%add3A_479, %broadcast_in_dim3A_1485] : memref<2560x32xf32, #tpu.memory_space<vmem>>[vector<16xi32>, vector<16xi32>], vector<16xf32>,
          %sub3A_1532 = arith.subf %gather3A_1486, %gather3A_1531 : vector<16xf32>
          %mul3A_1533 = arith.mulf %sub3A_1532, %sub3A_1532 : vector<16xf32>
          %add3A_1534 = arith.addf %add3A_1394, %mul3A_1533 : vector<16xf32>
          %mul3A_1535 = arith.mulf %gather3A_1531, %gather3A_1531 : vector<16xf32>
          %add3A_1536 = arith.addf %add3A_1530, %mul3A_1535 : vector<16xf32>
          %gather3A_1537 = tpu.vector_load_idx %arg19[%add3A_482, %broadcast_in_dim3A_1485] : memref<2560x32xf32, #tpu.memory_space<vmem>>[vector<16xi32>, vector<16xi32>], vector<16xf32>,
          %sub3A_1538 = arith.subf %gather3A_1486, %gather3A_1537 : vector<16xf32>
          %mul3A_1539 = arith.mulf %sub3A_1538, %sub3A_1538 : vector<16xf32>
          %add3A_1540 = arith.addf %add3A_1400, %mul3A_1539 : vector<16xf32>
          %mul3A_1541 = arith.mulf %gather3A_1537, %gather3A_1537 : vector<16xf32>
          %add3A_1542 = arith.addf %add3A_1536, %mul3A_1541 : vector<16xf32>
          %gather3A_1543 = tpu.vector_load_idx %arg19[%add3A_485, %broadcast_in_dim3A_1485] : memref<2560x32xf32, #tpu.memory_space<vmem>>[vector<16xi32>, vector<16xi32>], vector<16xf32>,
          %sub3A_1544 = arith.subf %gather3A_1486, %gather3A_1543 : vector<16xf32>
          %mul3A_1545 = arith.mulf %sub3A_1544, %sub3A_1544 : vector<16xf32>
          %add3A_1546 = arith.addf %add3A_1406, %mul3A_1545 : vector<16xf32>
          %mul3A_1547 = arith.mulf %gather3A_1543, %gather3A_1543 : vector<16xf32>
          %add3A_1548 = arith.addf %add3A_1542, %mul3A_1547 : vector<16xf32>
          %gather3A_1549 = tpu.vector_load_idx %arg19[%add3A_488, %broadcast_in_dim3A_1485] : memref<2560x32xf32, #tpu.memory_space<vmem>>[vector<16xi32>, vector<16xi32>], vector<16xf32>,
          %sub3A_1550 = arith.subf %gather3A_1486, %gather3A_1549 : vector<16xf32>
          %mul3A_1551 = arith.mulf %sub3A_1550, %sub3A_1550 : vector<16xf32>
          %add3A_1552 = arith.addf %add3A_1412, %mul3A_1551 : vector<16xf32>
          %mul3A_1553 = arith.mulf %gather3A_1549, %gather3A_1549 : vector<16xf32>
          %add3A_1554 = arith.addf %add3A_1548, %mul3A_1553 : vector<16xf32>
          %gather3A_1555 = tpu.vector_load_idx %arg19[%add3A_491, %broadcast_in_dim3A_1485] : memref<2560x32xf32, #tpu.memory_space<vmem>>[vector<16xi32>, vector<16xi32>], vector<16xf32>,
          %sub3A_1556 = arith.subf %gather3A_1486, %gather3A_1555 : vector<16xf32>
          %mul3A_1557 = arith.mulf %sub3A_1556, %sub3A_1556 : vector<16xf32>
          %add3A_1558 = arith.addf %add3A_1418, %mul3A_1557 : vector<16xf32>
          %mul3A_1559 = arith.mulf %gather3A_1555, %gather3A_1555 : vector<16xf32>
          %add3A_1560 = arith.addf %add3A_1554, %mul3A_1559 : vector<16xf32>
          %gather3A_1561 = tpu.vector_load_idx %arg19[%add3A_494, %broadcast_in_dim3A_1485] : memref<2560x32xf32, #tpu.memory_space<vmem>>[vector<16xi32>, vector<16xi32>], vector<16xf32>,
          %sub3A_1562 = arith.subf %gather3A_1486, %gather3A_1561 : vector<16xf32>
          %mul3A_1563 = arith.mulf %sub3A_1562, %sub3A_1562 : vector<16xf32>
          %add3A_1564 = arith.addf %add3A_1424, %mul3A_1563 : vector<16xf32>
          %mul3A_1565 = arith.mulf %gather3A_1561, %gather3A_1561 : vector<16xf32>
          %add3A_1566 = arith.addf %add3A_1560, %mul3A_1565 : vector<16xf32>
          %gather3A_1567 = tpu.vector_load_idx %arg19[%add3A_497, %broadcast_in_dim3A_1485] : memref<2560x32xf32, #tpu.memory_space<vmem>>[vector<16xi32>, vector<16xi32>], vector<16xf32>,
          %sub3A_1568 = arith.subf %gather3A_1486, %gather3A_1567 : vector<16xf32>
          %mul3A_1569 = arith.mulf %sub3A_1568, %sub3A_1568 : vector<16xf32>
          %add3A_1570 = arith.addf %add3A_1430, %mul3A_1569 : vector<16xf32>
          %mul3A_1571 = arith.mulf %gather3A_1567, %gather3A_1567 : vector<16xf32>
          %add3A_1572 = arith.addf %add3A_1566, %mul3A_1571 : vector<16xf32>
          %gather3A_1573 = tpu.vector_load_idx %arg19[%add3A_500, %broadcast_in_dim3A_1485] : memref<2560x32xf32, #tpu.memory_space<vmem>>[vector<16xi32>, vector<16xi32>], vector<16xf32>,
          %sub3A_1574 = arith.subf %gather3A_1486, %gather3A_1573 : vector<16xf32>
          %mul3A_1575 = arith.mulf %sub3A_1574, %sub3A_1574 : vector<16xf32>
          %add3A_1576 = arith.addf %add3A_1436, %mul3A_1575 : vector<16xf32>
          %mul3A_1577 = arith.mulf %gather3A_1573, %gather3A_1573 : vector<16xf32>
          %add3A_1578 = arith.addf %add3A_1572, %mul3A_1577 : vector<16xf32>
          %gather3A_1579 = tpu.vector_load_idx %arg19[%add3A_503, %broadcast_in_dim3A_1485] : memref<2560x32xf32, #tpu.memory_space<vmem>>[vector<16xi32>, vector<16xi32>], vector<16xf32>,
          %sub3A_1580 = arith.subf %gather3A_1486, %gather3A_1579 : vector<16xf32>
          %mul3A_1581 = arith.mulf %sub3A_1580, %sub3A_1580 : vector<16xf32>
          %add3A_1582 = arith.addf %add3A_1442, %mul3A_1581 : vector<16xf32>
          %mul3A_1583 = arith.mulf %gather3A_1579, %gather3A_1579 : vector<16xf32>
          %add3A_1584 = arith.addf %add3A_1578, %mul3A_1583 : vector<16xf32>
          %gather3A_1585 = tpu.vector_load_idx %arg19[%add3A_506, %broadcast_in_dim3A_1485] : memref<2560x32xf32, #tpu.memory_space<vmem>>[vector<16xi32>, vector<16xi32>], vector<16xf32>,
          %sub3A_1586 = arith.subf %gather3A_1486, %gather3A_1585 : vector<16xf32>
          %mul3A_1587 = arith.mulf %sub3A_1586, %sub3A_1586 : vector<16xf32>
          %add3A_1588 = arith.addf %add3A_1448, %mul3A_1587 : vector<16xf32>
          %mul3A_1589 = arith.mulf %gather3A_1585, %gather3A_1585 : vector<16xf32>
          %add3A_1590 = arith.addf %add3A_1584, %mul3A_1589 : vector<16xf32>
          %gather3A_1591 = tpu.vector_load_idx %arg19[%add3A_509, %broadcast_in_dim3A_1485] : memref<2560x32xf32, #tpu.memory_space<vmem>>[vector<16xi32>, vector<16xi32>], vector<16xf32>,
          %sub3A_1592 = arith.subf %gather3A_1486, %gather3A_1591 : vector<16xf32>
          %mul3A_1593 = arith.mulf %sub3A_1592, %sub3A_1592 : vector<16xf32>
          %add3A_1594 = arith.addf %add3A_1454, %mul3A_1593 : vector<16xf32>
          %mul3A_1595 = arith.mulf %gather3A_1591, %gather3A_1591 : vector<16xf32>
          %add3A_1596 = arith.addf %add3A_1590, %mul3A_1595 : vector<16xf32>
          %gather3A_1597 = tpu.vector_load_idx %arg19[%add3A_512, %broadcast_in_dim3A_1485] : memref<2560x32xf32, #tpu.memory_space<vmem>>[vector<16xi32>, vector<16xi32>], vector<16xf32>,
          %sub3A_1598 = arith.subf %gather3A_1486, %gather3A_1597 : vector<16xf32>
          %mul3A_1599 = arith.mulf %sub3A_1598, %sub3A_1598 : vector<16xf32>
          %add3A_1600 = arith.addf %add3A_1460, %mul3A_1599 : vector<16xf32>
          %mul3A_1601 = arith.mulf %gather3A_1597, %gather3A_1597 : vector<16xf32>
          %add3A_1602 = arith.addf %add3A_1596, %mul3A_1601 : vector<16xf32>
          %gather3A_1603 = tpu.vector_load_idx %arg19[%add3A_515, %broadcast_in_dim3A_1485] : memref<2560x32xf32, #tpu.memory_space<vmem>>[vector<16xi32>, vector<16xi32>], vector<16xf32>,
          %sub3A_1604 = arith.subf %gather3A_1486, %gather3A_1603 : vector<16xf32>
          %mul3A_1605 = arith.mulf %sub3A_1604, %sub3A_1604 : vector<16xf32>
          %add3A_1606 = arith.addf %add3A_1466, %mul3A_1605 : vector<16xf32>
          %mul3A_1607 = arith.mulf %gather3A_1603, %gather3A_1603 : vector<16xf32>
          %add3A_1608 = arith.addf %add3A_1602, %mul3A_1607 : vector<16xf32>
          %gather3A_1609 = tpu.vector_load_idx %arg19[%add3A_518, %broadcast_in_dim3A_1485] : memref<2560x32xf32, #tpu.memory_space<vmem>>[vector<16xi32>, vector<16xi32>], vector<16xf32>,
          %sub3A_1610 = arith.subf %gather3A_1486, %gather3A_1609 : vector<16xf32>
          %mul3A_1611 = arith.mulf %sub3A_1610, %sub3A_1610 : vector<16xf32>
          %add3A_1612 = arith.addf %add3A_1472, %mul3A_1611 : vector<16xf32>
          %mul3A_1613 = arith.mulf %gather3A_1609, %gather3A_1609 : vector<16xf32>
          %add3A_1614 = arith.addf %add3A_1608, %mul3A_1613 : vector<16xf32>
          %gather3A_1615 = tpu.vector_load_idx %arg19[%add3A_521, %broadcast_in_dim3A_1485] : memref<2560x32xf32, #tpu.memory_space<vmem>>[vector<16xi32>, vector<16xi32>], vector<16xf32>,
          %sub3A_1616 = arith.subf %gather3A_1486, %gather3A_1615 : vector<16xf32>
          %mul3A_1617 = arith.mulf %sub3A_1616, %sub3A_1616 : vector<16xf32>
          %add3A_1618 = arith.addf %add3A_1478, %mul3A_1617 : vector<16xf32>
          %mul3A_1619 = arith.mulf %gather3A_1615, %gather3A_1615 : vector<16xf32>
          %add3A_1620 = arith.addf %add3A_1614, %mul3A_1619 : vector<16xf32>
          %mul3A_1621 = arith.constant 8 : i32
          %mul3A_1622 = arith.muli %scan3A_619, %mul3A_1621 : i32
          %add3A_1623 = arith.constant 7 : i32
          %add3A_1624 = arith.addi %mul3A_1622, %add3A_1623 : i32
          %broadcast_in_dim3A_1625 = vector.broadcast %add3A_1624 : i32 to vector<16xi32>
          %gather3A_1626 = tpu.vector_load_idx %arg16[%add3A_461, %broadcast_in_dim3A_1625] : memref<128x32xf32, #tpu.memory_space<vmem>>[vector<16xi32>, vector<16xi32>], vector<16xf32>,
          %gather3A_1627 = tpu.vector_load_idx %arg17[%add3A_461, %broadcast_in_dim3A_1625] : memref<128x32xf32, #tpu.memory_space<vmem>>[vector<16xi32>, vector<16xi32>], vector<16xf32>,
          %gather3A_1628 = tpu.vector_load_idx %arg18[%add3A_461, %broadcast_in_dim3A_1625] : memref<128x32xf32, #tpu.memory_space<vmem>>[vector<16xi32>, vector<16xi32>], vector<16xf32>,
          %sub3A_1629 = arith.subf %gather3A_1626, %gather3A_1627 : vector<16xf32>
          %sub3A_1630 = arith.subf %gather3A_1626, %gather3A_1628 : vector<16xf32>
          %mul3A_1631 = arith.mulf %sub3A_1629, %sub3A_1629 : vector<16xf32>
          %add3A_1632 = arith.addf %add3A_1492, %mul3A_1631 : vector<16xf32>
          %mul3A_1633 = arith.mulf %sub3A_1630, %sub3A_1630 : vector<16xf32>
          %add3A_1634 = arith.addf %add3A_1494, %mul3A_1633 : vector<16xf32>
          %mul3A_1635 = arith.mulf %gather3A_1626, %gather3A_1626 : vector<16xf32>
          %add3A_1636 = arith.addf %add3A_1620, %mul3A_1635 : vector<16xf32>
          %mul3A_1637 = arith.mulf %gather3A_1627, %gather3A_1627 : vector<16xf32>
          %add3A_1638 = arith.addf %add3A_1636, %mul3A_1637 : vector<16xf32>
          %mul3A_1639 = arith.mulf %gather3A_1628, %gather3A_1628 : vector<16xf32>
          %add3A_1640 = arith.addf %add3A_1638, %mul3A_1639 : vector<16xf32>
          %gather3A_1641 = tpu.vector_load_idx %arg19[%add3A_464, %broadcast_in_dim3A_1625] : memref<2560x32xf32, #tpu.memory_space<vmem>>[vector<16xi32>, vector<16xi32>], vector<16xf32>,
          %sub3A_1642 = arith.subf %gather3A_1626, %gather3A_1641 : vector<16xf32>
          %mul3A_1643 = arith.mulf %sub3A_1642, %sub3A_1642 : vector<16xf32>
          %add3A_1644 = arith.addf %add3A_1504, %mul3A_1643 : vector<16xf32>
          %mul3A_1645 = arith.mulf %gather3A_1641, %gather3A_1641 : vector<16xf32>
          %add3A_1646 = arith.addf %add3A_1640, %mul3A_1645 : vector<16xf32>
          %gather3A_1647 = tpu.vector_load_idx %arg19[%add3A_467, %broadcast_in_dim3A_1625] : memref<2560x32xf32, #tpu.memory_space<vmem>>[vector<16xi32>, vector<16xi32>], vector<16xf32>,
          %sub3A_1648 = arith.subf %gather3A_1626, %gather3A_1647 : vector<16xf32>
          %mul3A_1649 = arith.mulf %sub3A_1648, %sub3A_1648 : vector<16xf32>
          %add3A_1650 = arith.addf %add3A_1510, %mul3A_1649 : vector<16xf32>
          %mul3A_1651 = arith.mulf %gather3A_1647, %gather3A_1647 : vector<16xf32>
          %add3A_1652 = arith.addf %add3A_1646, %mul3A_1651 : vector<16xf32>
          %gather3A_1653 = tpu.vector_load_idx %arg19[%add3A_470, %broadcast_in_dim3A_1625] : memref<2560x32xf32, #tpu.memory_space<vmem>>[vector<16xi32>, vector<16xi32>], vector<16xf32>,
          %sub3A_1654 = arith.subf %gather3A_1626, %gather3A_1653 : vector<16xf32>
          %mul3A_1655 = arith.mulf %sub3A_1654, %sub3A_1654 : vector<16xf32>
          %add3A_1656 = arith.addf %add3A_1516, %mul3A_1655 : vector<16xf32>
          %mul3A_1657 = arith.mulf %gather3A_1653, %gather3A_1653 : vector<16xf32>
          %add3A_1658 = arith.addf %add3A_1652, %mul3A_1657 : vector<16xf32>
          %gather3A_1659 = tpu.vector_load_idx %arg19[%add3A_473, %broadcast_in_dim3A_1625] : memref<2560x32xf32, #tpu.memory_space<vmem>>[vector<16xi32>, vector<16xi32>], vector<16xf32>,
          %sub3A_1660 = arith.subf %gather3A_1626, %gather3A_1659 : vector<16xf32>
          %mul3A_1661 = arith.mulf %sub3A_1660, %sub3A_1660 : vector<16xf32>
          %add3A_1662 = arith.addf %add3A_1522, %mul3A_1661 : vector<16xf32>
          %mul3A_1663 = arith.mulf %gather3A_1659, %gather3A_1659 : vector<16xf32>
          %add3A_1664 = arith.addf %add3A_1658, %mul3A_1663 : vector<16xf32>
          %gather3A_1665 = tpu.vector_load_idx %arg19[%add3A_476, %broadcast_in_dim3A_1625] : memref<2560x32xf32, #tpu.memory_space<vmem>>[vector<16xi32>, vector<16xi32>], vector<16xf32>,
          %sub3A_1666 = arith.subf %gather3A_1626, %gather3A_1665 : vector<16xf32>
          %mul3A_1667 = arith.mulf %sub3A_1666, %sub3A_1666 : vector<16xf32>
          %add3A_1668 = arith.addf %add3A_1528, %mul3A_1667 : vector<16xf32>
          %mul3A_1669 = arith.mulf %gather3A_1665, %gather3A_1665 : vector<16xf32>
          %add3A_1670 = arith.addf %add3A_1664, %mul3A_1669 : vector<16xf32>
          %gather3A_1671 = tpu.vector_load_idx %arg19[%add3A_479, %broadcast_in_dim3A_1625] : memref<2560x32xf32, #tpu.memory_space<vmem>>[vector<16xi32>, vector<16xi32>], vector<16xf32>,
          %sub3A_1672 = arith.subf %gather3A_1626, %gather3A_1671 : vector<16xf32>
          %mul3A_1673 = arith.mulf %sub3A_1672, %sub3A_1672 : vector<16xf32>
          %add3A_1674 = arith.addf %add3A_1534, %mul3A_1673 : vector<16xf32>
          %mul3A_1675 = arith.mulf %gather3A_1671, %gather3A_1671 : vector<16xf32>
          %add3A_1676 = arith.addf %add3A_1670, %mul3A_1675 : vector<16xf32>
          %gather3A_1677 = tpu.vector_load_idx %arg19[%add3A_482, %broadcast_in_dim3A_1625] : memref<2560x32xf32, #tpu.memory_space<vmem>>[vector<16xi32>, vector<16xi32>], vector<16xf32>,
          %sub3A_1678 = arith.subf %gather3A_1626, %gather3A_1677 : vector<16xf32>
          %mul3A_1679 = arith.mulf %sub3A_1678, %sub3A_1678 : vector<16xf32>
          %add3A_1680 = arith.addf %add3A_1540, %mul3A_1679 : vector<16xf32>
          %mul3A_1681 = arith.mulf %gather3A_1677, %gather3A_1677 : vector<16xf32>
          %add3A_1682 = arith.addf %add3A_1676, %mul3A_1681 : vector<16xf32>
          %gather3A_1683 = tpu.vector_load_idx %arg19[%add3A_485, %broadcast_in_dim3A_1625] : memref<2560x32xf32, #tpu.memory_space<vmem>>[vector<16xi32>, vector<16xi32>], vector<16xf32>,
          %sub3A_1684 = arith.subf %gather3A_1626, %gather3A_1683 : vector<16xf32>
          %mul3A_1685 = arith.mulf %sub3A_1684, %sub3A_1684 : vector<16xf32>
          %add3A_1686 = arith.addf %add3A_1546, %mul3A_1685 : vector<16xf32>
          %mul3A_1687 = arith.mulf %gather3A_1683, %gather3A_1683 : vector<16xf32>
          %add3A_1688 = arith.addf %add3A_1682, %mul3A_1687 : vector<16xf32>
          %gather3A_1689 = tpu.vector_load_idx %arg19[%add3A_488, %broadcast_in_dim3A_1625] : memref<2560x32xf32, #tpu.memory_space<vmem>>[vector<16xi32>, vector<16xi32>], vector<16xf32>,
          %sub3A_1690 = arith.subf %gather3A_1626, %gather3A_1689 : vector<16xf32>
          %mul3A_1691 = arith.mulf %sub3A_1690, %sub3A_1690 : vector<16xf32>
          %add3A_1692 = arith.addf %add3A_1552, %mul3A_1691 : vector<16xf32>
          %mul3A_1693 = arith.mulf %gather3A_1689, %gather3A_1689 : vector<16xf32>
          %add3A_1694 = arith.addf %add3A_1688, %mul3A_1693 : vector<16xf32>
          %gather3A_1695 = tpu.vector_load_idx %arg19[%add3A_491, %broadcast_in_dim3A_1625] : memref<2560x32xf32, #tpu.memory_space<vmem>>[vector<16xi32>, vector<16xi32>], vector<16xf32>,
          %sub3A_1696 = arith.subf %gather3A_1626, %gather3A_1695 : vector<16xf32>
          %mul3A_1697 = arith.mulf %sub3A_1696, %sub3A_1696 : vector<16xf32>
          %add3A_1698 = arith.addf %add3A_1558, %mul3A_1697 : vector<16xf32>
          %mul3A_1699 = arith.mulf %gather3A_1695, %gather3A_1695 : vector<16xf32>
          %add3A_1700 = arith.addf %add3A_1694, %mul3A_1699 : vector<16xf32>
          %gather3A_1701 = tpu.vector_load_idx %arg19[%add3A_494, %broadcast_in_dim3A_1625] : memref<2560x32xf32, #tpu.memory_space<vmem>>[vector<16xi32>, vector<16xi32>], vector<16xf32>,
          %sub3A_1702 = arith.subf %gather3A_1626, %gather3A_1701 : vector<16xf32>
          %mul3A_1703 = arith.mulf %sub3A_1702, %sub3A_1702 : vector<16xf32>
          %add3A_1704 = arith.addf %add3A_1564, %mul3A_1703 : vector<16xf32>
          %mul3A_1705 = arith.mulf %gather3A_1701, %gather3A_1701 : vector<16xf32>
          %add3A_1706 = arith.addf %add3A_1700, %mul3A_1705 : vector<16xf32>
          %gather3A_1707 = tpu.vector_load_idx %arg19[%add3A_497, %broadcast_in_dim3A_1625] : memref<2560x32xf32, #tpu.memory_space<vmem>>[vector<16xi32>, vector<16xi32>], vector<16xf32>,
          %sub3A_1708 = arith.subf %gather3A_1626, %gather3A_1707 : vector<16xf32>
          %mul3A_1709 = arith.mulf %sub3A_1708, %sub3A_1708 : vector<16xf32>
          %add3A_1710 = arith.addf %add3A_1570, %mul3A_1709 : vector<16xf32>
          %mul3A_1711 = arith.mulf %gather3A_1707, %gather3A_1707 : vector<16xf32>
          %add3A_1712 = arith.addf %add3A_1706, %mul3A_1711 : vector<16xf32>
          %gather3A_1713 = tpu.vector_load_idx %arg19[%add3A_500, %broadcast_in_dim3A_1625] : memref<2560x32xf32, #tpu.memory_space<vmem>>[vector<16xi32>, vector<16xi32>], vector<16xf32>,
          %sub3A_1714 = arith.subf %gather3A_1626, %gather3A_1713 : vector<16xf32>
          %mul3A_1715 = arith.mulf %sub3A_1714, %sub3A_1714 : vector<16xf32>
          %add3A_1716 = arith.addf %add3A_1576, %mul3A_1715 : vector<16xf32>
          %mul3A_1717 = arith.mulf %gather3A_1713, %gather3A_1713 : vector<16xf32>
          %add3A_1718 = arith.addf %add3A_1712, %mul3A_1717 : vector<16xf32>
          %gather3A_1719 = tpu.vector_load_idx %arg19[%add3A_503, %broadcast_in_dim3A_1625] : memref<2560x32xf32, #tpu.memory_space<vmem>>[vector<16xi32>, vector<16xi32>], vector<16xf32>,
          %sub3A_1720 = arith.subf %gather3A_1626, %gather3A_1719 : vector<16xf32>
          %mul3A_1721 = arith.mulf %sub3A_1720, %sub3A_1720 : vector<16xf32>
          %add3A_1722 = arith.addf %add3A_1582, %mul3A_1721 : vector<16xf32>
          %mul3A_1723 = arith.mulf %gather3A_1719, %gather3A_1719 : vector<16xf32>
          %add3A_1724 = arith.addf %add3A_1718, %mul3A_1723 : vector<16xf32>
          %gather3A_1725 = tpu.vector_load_idx %arg19[%add3A_506, %broadcast_in_dim3A_1625] : memref<2560x32xf32, #tpu.memory_space<vmem>>[vector<16xi32>, vector<16xi32>], vector<16xf32>,
          %sub3A_1726 = arith.subf %gather3A_1626, %gather3A_1725 : vector<16xf32>
          %mul3A_1727 = arith.mulf %sub3A_1726, %sub3A_1726 : vector<16xf32>
          %add3A_1728 = arith.addf %add3A_1588, %mul3A_1727 : vector<16xf32>
          %mul3A_1729 = arith.mulf %gather3A_1725, %gather3A_1725 : vector<16xf32>
          %add3A_1730 = arith.addf %add3A_1724, %mul3A_1729 : vector<16xf32>
          %gather3A_1731 = tpu.vector_load_idx %arg19[%add3A_509, %broadcast_in_dim3A_1625] : memref<2560x32xf32, #tpu.memory_space<vmem>>[vector<16xi32>, vector<16xi32>], vector<16xf32>,
          %sub3A_1732 = arith.subf %gather3A_1626, %gather3A_1731 : vector<16xf32>
          %mul3A_1733 = arith.mulf %sub3A_1732, %sub3A_1732 : vector<16xf32>
          %add3A_1734 = arith.addf %add3A_1594, %mul3A_1733 : vector<16xf32>
          %mul3A_1735 = arith.mulf %gather3A_1731, %gather3A_1731 : vector<16xf32>
          %add3A_1736 = arith.addf %add3A_1730, %mul3A_1735 : vector<16xf32>
          %gather3A_1737 = tpu.vector_load_idx %arg19[%add3A_512, %broadcast_in_dim3A_1625] : memref<2560x32xf32, #tpu.memory_space<vmem>>[vector<16xi32>, vector<16xi32>], vector<16xf32>,
          %sub3A_1738 = arith.subf %gather3A_1626, %gather3A_1737 : vector<16xf32>
          %mul3A_1739 = arith.mulf %sub3A_1738, %sub3A_1738 : vector<16xf32>
          %add3A_1740 = arith.addf %add3A_1600, %mul3A_1739 : vector<16xf32>
          %mul3A_1741 = arith.mulf %gather3A_1737, %gather3A_1737 : vector<16xf32>
          %add3A_1742 = arith.addf %add3A_1736, %mul3A_1741 : vector<16xf32>
          %gather3A_1743 = tpu.vector_load_idx %arg19[%add3A_515, %broadcast_in_dim3A_1625] : memref<2560x32xf32, #tpu.memory_space<vmem>>[vector<16xi32>, vector<16xi32>], vector<16xf32>,
          %sub3A_1744 = arith.subf %gather3A_1626, %gather3A_1743 : vector<16xf32>
          %mul3A_1745 = arith.mulf %sub3A_1744, %sub3A_1744 : vector<16xf32>
          %add3A_1746 = arith.addf %add3A_1606, %mul3A_1745 : vector<16xf32>
          %mul3A_1747 = arith.mulf %gather3A_1743, %gather3A_1743 : vector<16xf32>
          %add3A_1748 = arith.addf %add3A_1742, %mul3A_1747 : vector<16xf32>
          %gather3A_1749 = tpu.vector_load_idx %arg19[%add3A_518, %broadcast_in_dim3A_1625] : memref<2560x32xf32, #tpu.memory_space<vmem>>[vector<16xi32>, vector<16xi32>], vector<16xf32>,
          %sub3A_1750 = arith.subf %gather3A_1626, %gather3A_1749 : vector<16xf32>
          %mul3A_1751 = arith.mulf %sub3A_1750, %sub3A_1750 : vector<16xf32>
          %add3A_1752 = arith.addf %add3A_1612, %mul3A_1751 : vector<16xf32>
          %mul3A_1753 = arith.mulf %gather3A_1749, %gather3A_1749 : vector<16xf32>
          %add3A_1754 = arith.addf %add3A_1748, %mul3A_1753 : vector<16xf32>
          %gather3A_1755 = tpu.vector_load_idx %arg19[%add3A_521, %broadcast_in_dim3A_1625] : memref<2560x32xf32, #tpu.memory_space<vmem>>[vector<16xi32>, vector<16xi32>], vector<16xf32>,
          %sub3A_1756 = arith.subf %gather3A_1626, %gather3A_1755 : vector<16xf32>
          %mul3A_1757 = arith.mulf %sub3A_1756, %sub3A_1756 : vector<16xf32>
          %add3A_1758 = arith.addf %add3A_1618, %mul3A_1757 : vector<16xf32>
          %mul3A_1759 = arith.mulf %gather3A_1755, %gather3A_1755 : vector<16xf32>
          %add3A_1760 = arith.addf %add3A_1754, %mul3A_1759 : vector<16xf32>
          scf.yield %add3A_1632, %add3A_1634, %add3A_1760, %add3A_1644, %add3A_1650, %add3A_1656, %add3A_1662, %add3A_1668, %add3A_1674, %add3A_1680, %add3A_1686, %add3A_1692, %add3A_1698, %add3A_1704, %add3A_1710, %add3A_1716, %add3A_1722, %add3A_1728, %add3A_1734, %add3A_1740, %add3A_1746, %add3A_1752, %add3A_1758 : vector<16xf32>, vector<16xf32>, vector<16xf32>, vector<16xf32>, vector<16xf32>, vector<16xf32>, vector<16xf32>, vector<16xf32>, vector<16xf32>, vector<16xf32>, vector<16xf32>, vector<16xf32>, vector<16xf32>, vector<16xf32>, vector<16xf32>, vector<16xf32>, vector<16xf32>, vector<16xf32>, vector<16xf32>, vector<16xf32>, vector<16xf32>, vector<16xf32>, vector<16xf32>
        }
        %scan3A_528 = arith.constant 4 : i32
        %mul3A_529 = arith.constant 128 : i32
        %mul3A_530 = arith.muli %scan3A_27, %mul3A_529 : i32
        %mul3A_531 = arith.constant 16 : i32
        %mul3A_532 = arith.muli %scan3A_457, %mul3A_531 : i32
        %add3A_533 = arith.addi %mul3A_530, %mul3A_532 : i32
        %swap3A = arith.index_cast %add3A_533 : i32 to index
        %swap3A_534 = tpu.vector_load %arg20[%swap3A] {strides = array<i32>} : memref<512xf32, #tpu.memory_space<vmem>>, vector<16xf32>,
        tpu.vector_store %arg20[%swap3A], %scan3A_527#0 {strides = array<i32>} : memref<512xf32, #tpu.memory_space<vmem>>, vector<16xf32>,
        %swap3A_535 = arith.index_cast %add3A_533 : i32 to index
        %swap3A_536 = tpu.vector_load %arg21[%swap3A_535] {strides = array<i32>} : memref<512xf32, #tpu.memory_space<vmem>>, vector<16xf32>,
        tpu.vector_store %arg21[%swap3A_535], %scan3A_527#1 {strides = array<i32>} : memref<512xf32, #tpu.memory_space<vmem>>, vector<16xf32>,
        %swap3A_537 = arith.index_cast %add3A_533 : i32 to index
        %swap3A_538 = tpu.vector_load %arg22[%swap3A_537] {strides = array<i32>} : memref<512xf32, #tpu.memory_space<vmem>>, vector<16xf32>,
        tpu.vector_store %arg22[%swap3A_537], %scan3A_527#2 {strides = array<i32>} : memref<512xf32, #tpu.memory_space<vmem>>, vector<16xf32>,
        %add3A_539 = arith.constant 0 : i32
        %add3A_540 = arith.addi %add3A_539, %add3A_533 : i32
        %swap3A_541 = arith.index_cast %add3A_540 : i32 to index
        %swap3A_542 = tpu.vector_load %arg23[%swap3A_541] {strides = array<i32>} : memref<10240xf32, #tpu.memory_space<vmem>>, vector<16xf32>,
        tpu.vector_store %arg23[%swap3A_541], %scan3A_527#3 {strides = array<i32>} : memref<10240xf32, #tpu.memory_space<vmem>>, vector<16xf32>,
        %add3A_543 = arith.constant 512 : i32
        %add3A_544 = arith.addi %add3A_543, %add3A_533 : i32
        %swap3A_545 = arith.index_cast %add3A_544 : i32 to index
        %swap3A_546 = tpu.vector_load %arg23[%swap3A_545] {strides = array<i32>} : memref<10240xf32, #tpu.memory_space<vmem>>, vector<16xf32>,
        tpu.vector_store %arg23[%swap3A_545], %scan3A_527#4 {strides = array<i32>} : memref<10240xf32, #tpu.memory_space<vmem>>, vector<16xf32>,
        %add3A_547 = arith.constant 1024 : i32
        %add3A_548 = arith.addi %add3A_547, %add3A_533 : i32
        %swap3A_549 = arith.index_cast %add3A_548 : i32 to index
        %swap3A_550 = tpu.vector_load %arg23[%swap3A_549] {strides = array<i32>} : memref<10240xf32, #tpu.memory_space<vmem>>, vector<16xf32>,
        tpu.vector_store %arg23[%swap3A_549], %scan3A_527#5 {strides = array<i32>} : memref<10240xf32, #tpu.memory_space<vmem>>, vector<16xf32>,
        %add3A_551 = arith.constant 1536 : i32
        %add3A_552 = arith.addi %add3A_551, %add3A_533 : i32
        %swap3A_553 = arith.index_cast %add3A_552 : i32 to index
        %swap3A_554 = tpu.vector_load %arg23[%swap3A_553] {strides = array<i32>} : memref<10240xf32, #tpu.memory_space<vmem>>, vector<16xf32>,
        tpu.vector_store %arg23[%swap3A_553], %scan3A_527#6 {strides = array<i32>} : memref<10240xf32, #tpu.memory_space<vmem>>, vector<16xf32>,
        %add3A_555 = arith.constant 2048 : i32
        %add3A_556 = arith.addi %add3A_555, %add3A_533 : i32
        %swap3A_557 = arith.index_cast %add3A_556 : i32 to index
        %swap3A_558 = tpu.vector_load %arg23[%swap3A_557] {strides = array<i32>} : memref<10240xf32, #tpu.memory_space<vmem>>, vector<16xf32>,
        tpu.vector_store %arg23[%swap3A_557], %scan3A_527#7 {strides = array<i32>} : memref<10240xf32, #tpu.memory_space<vmem>>, vector<16xf32>,
        %add3A_559 = arith.constant 2560 : i32
        %add3A_560 = arith.addi %add3A_559, %add3A_533 : i32
        %swap3A_561 = arith.index_cast %add3A_560 : i32 to index
        %swap3A_562 = tpu.vector_load %arg23[%swap3A_561] {strides = array<i32>} : memref<10240xf32, #tpu.memory_space<vmem>>, vector<16xf32>,
        tpu.vector_store %arg23[%swap3A_561], %scan3A_527#8 {strides = array<i32>} : memref<10240xf32, #tpu.memory_space<vmem>>, vector<16xf32>,
        %add3A_563 = arith.constant 3072 : i32
        %add3A_564 = arith.addi %add3A_563, %add3A_533 : i32
        %swap3A_565 = arith.index_cast %add3A_564 : i32 to index
        %swap3A_566 = tpu.vector_load %arg23[%swap3A_565] {strides = array<i32>} : memref<10240xf32, #tpu.memory_space<vmem>>, vector<16xf32>,
        tpu.vector_store %arg23[%swap3A_565], %scan3A_527#9 {strides = array<i32>} : memref<10240xf32, #tpu.memory_space<vmem>>, vector<16xf32>,
        %add3A_567 = arith.constant 3584 : i32
        %add3A_568 = arith.addi %add3A_567, %add3A_533 : i32
        %swap3A_569 = arith.index_cast %add3A_568 : i32 to index
        %swap3A_570 = tpu.vector_load %arg23[%swap3A_569] {strides = array<i32>} : memref<10240xf32, #tpu.memory_space<vmem>>, vector<16xf32>,
        tpu.vector_store %arg23[%swap3A_569], %scan3A_527#10 {strides = array<i32>} : memref<10240xf32, #tpu.memory_space<vmem>>, vector<16xf32>,
        %add3A_571 = arith.constant 4096 : i32
        %add3A_572 = arith.addi %add3A_571, %add3A_533 : i32
        %swap3A_573 = arith.index_cast %add3A_572 : i32 to index
        %swap3A_574 = tpu.vector_load %arg23[%swap3A_573] {strides = array<i32>} : memref<10240xf32, #tpu.memory_space<vmem>>, vector<16xf32>,
        tpu.vector_store %arg23[%swap3A_573], %scan3A_527#11 {strides = array<i32>} : memref<10240xf32, #tpu.memory_space<vmem>>, vector<16xf32>,
        %add3A_575 = arith.constant 4608 : i32
        %add3A_576 = arith.addi %add3A_575, %add3A_533 : i32
        %swap3A_577 = arith.index_cast %add3A_576 : i32 to index
        %swap3A_578 = tpu.vector_load %arg23[%swap3A_577] {strides = array<i32>} : memref<10240xf32, #tpu.memory_space<vmem>>, vector<16xf32>,
        tpu.vector_store %arg23[%swap3A_577], %scan3A_527#12 {strides = array<i32>} : memref<10240xf32, #tpu.memory_space<vmem>>, vector<16xf32>,
        %add3A_579 = arith.constant 5120 : i32
        %add3A_580 = arith.addi %add3A_579, %add3A_533 : i32
        %swap3A_581 = arith.index_cast %add3A_580 : i32 to index
        %swap3A_582 = tpu.vector_load %arg23[%swap3A_581] {strides = array<i32>} : memref<10240xf32, #tpu.memory_space<vmem>>, vector<16xf32>,
        tpu.vector_store %arg23[%swap3A_581], %scan3A_527#13 {strides = array<i32>} : memref<10240xf32, #tpu.memory_space<vmem>>, vector<16xf32>,
        %add3A_583 = arith.constant 5632 : i32
        %add3A_584 = arith.addi %add3A_583, %add3A_533 : i32
        %swap3A_585 = arith.index_cast %add3A_584 : i32 to index
        %swap3A_586 = tpu.vector_load %arg23[%swap3A_585] {strides = array<i32>} : memref<10240xf32, #tpu.memory_space<vmem>>, vector<16xf32>,
        tpu.vector_store %arg23[%swap3A_585], %scan3A_527#14 {strides = array<i32>} : memref<10240xf32, #tpu.memory_space<vmem>>, vector<16xf32>,
        %add3A_587 = arith.constant 6144 : i32
        %add3A_588 = arith.addi %add3A_587, %add3A_533 : i32
        %swap3A_589 = arith.index_cast %add3A_588 : i32 to index
        %swap3A_590 = tpu.vector_load %arg23[%swap3A_589] {strides = array<i32>} : memref<10240xf32, #tpu.memory_space<vmem>>, vector<16xf32>,
        tpu.vector_store %arg23[%swap3A_589], %scan3A_527#15 {strides = array<i32>} : memref<10240xf32, #tpu.memory_space<vmem>>, vector<16xf32>,
        %add3A_591 = arith.constant 6656 : i32
        %add3A_592 = arith.addi %add3A_591, %add3A_533 : i32
        %swap3A_593 = arith.index_cast %add3A_592 : i32 to index
        %swap3A_594 = tpu.vector_load %arg23[%swap3A_593] {strides = array<i32>} : memref<10240xf32, #tpu.memory_space<vmem>>, vector<16xf32>,
        tpu.vector_store %arg23[%swap3A_593], %scan3A_527#16 {strides = array<i32>} : memref<10240xf32, #tpu.memory_space<vmem>>, vector<16xf32>,
        %add3A_595 = arith.constant 7168 : i32
        %add3A_596 = arith.addi %add3A_595, %add3A_533 : i32
        %swap3A_597 = arith.index_cast %add3A_596 : i32 to index
        %swap3A_598 = tpu.vector_load %arg23[%swap3A_597] {strides = array<i32>} : memref<10240xf32, #tpu.memory_space<vmem>>, vector<16xf32>,
        tpu.vector_store %arg23[%swap3A_597], %scan3A_527#17 {strides = array<i32>} : memref<10240xf32, #tpu.memory_space<vmem>>, vector<16xf32>,
        %add3A_599 = arith.constant 7680 : i32
        %add3A_600 = arith.addi %add3A_599, %add3A_533 : i32
        %swap3A_601 = arith.index_cast %add3A_600 : i32 to index
        %swap3A_602 = tpu.vector_load %arg23[%swap3A_601] {strides = array<i32>} : memref<10240xf32, #tpu.memory_space<vmem>>, vector<16xf32>,
        tpu.vector_store %arg23[%swap3A_601], %scan3A_527#18 {strides = array<i32>} : memref<10240xf32, #tpu.memory_space<vmem>>, vector<16xf32>,
        %add3A_603 = arith.constant 8192 : i32
        %add3A_604 = arith.addi %add3A_603, %add3A_533 : i32
        %swap3A_605 = arith.index_cast %add3A_604 : i32 to index
        %swap3A_606 = tpu.vector_load %arg23[%swap3A_605] {strides = array<i32>} : memref<10240xf32, #tpu.memory_space<vmem>>, vector<16xf32>,
        tpu.vector_store %arg23[%swap3A_605], %scan3A_527#19 {strides = array<i32>} : memref<10240xf32, #tpu.memory_space<vmem>>, vector<16xf32>,
        %add3A_607 = arith.constant 8704 : i32
        %add3A_608 = arith.addi %add3A_607, %add3A_533 : i32
        %swap3A_609 = arith.index_cast %add3A_608 : i32 to index
        %swap3A_610 = tpu.vector_load %arg23[%swap3A_609] {strides = array<i32>} : memref<10240xf32, #tpu.memory_space<vmem>>, vector<16xf32>,
        tpu.vector_store %arg23[%swap3A_609], %scan3A_527#20 {strides = array<i32>} : memref<10240xf32, #tpu.memory_space<vmem>>, vector<16xf32>,
        %add3A_611 = arith.constant 9216 : i32
        %add3A_612 = arith.addi %add3A_611, %add3A_533 : i32
        %swap3A_613 = arith.index_cast %add3A_612 : i32 to index
        %swap3A_614 = tpu.vector_load %arg23[%swap3A_613] {strides = array<i32>} : memref<10240xf32, #tpu.memory_space<vmem>>, vector<16xf32>,
        tpu.vector_store %arg23[%swap3A_613], %scan3A_527#21 {strides = array<i32>} : memref<10240xf32, #tpu.memory_space<vmem>>, vector<16xf32>,
        %add3A_615 = arith.constant 9728 : i32
        %add3A_616 = arith.addi %add3A_615, %add3A_533 : i32
        %swap3A_617 = arith.index_cast %add3A_616 : i32 to index
        %swap3A_618 = tpu.vector_load %arg23[%swap3A_617] {strides = array<i32>} : memref<10240xf32, #tpu.memory_space<vmem>>, vector<16xf32>,
        tpu.vector_store %arg23[%swap3A_617], %scan3A_527#22 {strides = array<i32>} : memref<10240xf32, #tpu.memory_space<vmem>>, vector<16xf32>,
      }
      %scan3A_456 = arith.constant 8 : i32
    }
    %scan3A_5 = arith.constant 4 : i32
    %mul3A_6 = arith.constant 512 : i32
    %mul3A_7 = arith.muli %add3A, %mul3A_6 : i32
    "tpu.region"() ({
      %run_scoped3A_27 = tpu.sem_alloc : memref<!tpu.dma_semaphore, #tpu.memory_space<semaphore_mem>>
      %dma_start3A = tpu.memref_slice %arg8[%mul3A_7] : memref<16384xf32, #tpu.memory_space<hbm>> -> memref<512xf32, #tpu.memory_space<hbm>>
      %dma_start3A_28 = tpu.memref_slice %arg8[%mul3A_7] : memref<16384xf32, #tpu.memory_space<hbm>> -> memref<512xf32, #tpu.memory_space<hbm>>
      tpu.enqueue_dma source(%arg20 : memref<512xf32, #tpu.memory_space<vmem>>) target(%dma_start3A_28 : memref<512xf32, #tpu.memory_space<hbm>>) target_semaphore(%run_scoped3A_27 : memref<!tpu.dma_semaphore, #tpu.memory_space<semaphore_mem>>)
      %dma_wait3A = tpu.memref_slice %arg8[%mul3A_7] : memref<16384xf32, #tpu.memory_space<hbm>> -> memref<512xf32, #tpu.memory_space<hbm>>
      %dma_wait3A_29 = tpu.memref_slice %arg8[%mul3A_7] : memref<16384xf32, #tpu.memory_space<hbm>> -> memref<512xf32, #tpu.memory_space<hbm>>
      tpu.wait_dma2 semaphore(%run_scoped3A_27 : memref<!tpu.dma_semaphore, #tpu.memory_space<semaphore_mem>>) src(%arg20 : memref<512xf32, #tpu.memory_space<vmem>>) dst(%dma_wait3A_29 : memref<512xf32, #tpu.memory_space<hbm>>)
      tpu.yield
    }) : () -> ()
    "tpu.region"() ({
      %run_scoped3A_27 = tpu.sem_alloc : memref<!tpu.dma_semaphore, #tpu.memory_space<semaphore_mem>>
      %dma_start3A = tpu.memref_slice %arg9[%mul3A_7] : memref<16384xf32, #tpu.memory_space<hbm>> -> memref<512xf32, #tpu.memory_space<hbm>>
      %dma_start3A_28 = tpu.memref_slice %arg9[%mul3A_7] : memref<16384xf32, #tpu.memory_space<hbm>> -> memref<512xf32, #tpu.memory_space<hbm>>
      tpu.enqueue_dma source(%arg21 : memref<512xf32, #tpu.memory_space<vmem>>) target(%dma_start3A_28 : memref<512xf32, #tpu.memory_space<hbm>>) target_semaphore(%run_scoped3A_27 : memref<!tpu.dma_semaphore, #tpu.memory_space<semaphore_mem>>)
      %dma_wait3A = tpu.memref_slice %arg9[%mul3A_7] : memref<16384xf32, #tpu.memory_space<hbm>> -> memref<512xf32, #tpu.memory_space<hbm>>
      %dma_wait3A_29 = tpu.memref_slice %arg9[%mul3A_7] : memref<16384xf32, #tpu.memory_space<hbm>> -> memref<512xf32, #tpu.memory_space<hbm>>
      tpu.wait_dma2 semaphore(%run_scoped3A_27 : memref<!tpu.dma_semaphore, #tpu.memory_space<semaphore_mem>>) src(%arg21 : memref<512xf32, #tpu.memory_space<vmem>>) dst(%dma_wait3A_29 : memref<512xf32, #tpu.memory_space<hbm>>)
      tpu.yield
    }) : () -> ()
    "tpu.region"() ({
      %run_scoped3A_27 = tpu.sem_alloc : memref<!tpu.dma_semaphore, #tpu.memory_space<semaphore_mem>>
      %dma_start3A = tpu.memref_slice %arg10[%mul3A_7] : memref<16384xf32, #tpu.memory_space<hbm>> -> memref<512xf32, #tpu.memory_space<hbm>>
      %dma_start3A_28 = tpu.memref_slice %arg10[%mul3A_7] : memref<16384xf32, #tpu.memory_space<hbm>> -> memref<512xf32, #tpu.memory_space<hbm>>
      tpu.enqueue_dma source(%arg22 : memref<512xf32, #tpu.memory_space<vmem>>) target(%dma_start3A_28 : memref<512xf32, #tpu.memory_space<hbm>>) target_semaphore(%run_scoped3A_27 : memref<!tpu.dma_semaphore, #tpu.memory_space<semaphore_mem>>)
      %dma_wait3A = tpu.memref_slice %arg10[%mul3A_7] : memref<16384xf32, #tpu.memory_space<hbm>> -> memref<512xf32, #tpu.memory_space<hbm>>
      %dma_wait3A_29 = tpu.memref_slice %arg10[%mul3A_7] : memref<16384xf32, #tpu.memory_space<hbm>> -> memref<512xf32, #tpu.memory_space<hbm>>
      tpu.wait_dma2 semaphore(%run_scoped3A_27 : memref<!tpu.dma_semaphore, #tpu.memory_space<semaphore_mem>>) src(%arg22 : memref<512xf32, #tpu.memory_space<vmem>>) dst(%dma_wait3A_29 : memref<512xf32, #tpu.memory_space<hbm>>)
      tpu.yield
    }) : () -> ()
    %run_scoped3A = arith.constant 0 : i32
    "tpu.region"() ({
      %run_scoped3A_27 = tpu.sem_alloc : memref<!tpu.dma_semaphore, #tpu.memory_space<semaphore_mem>>
      %dma_start3A = arith.constant 0 : i32
      %dma_start3A_28 = tpu.memref_slice %arg23[%dma_start3A] : memref<10240xf32, #tpu.memory_space<vmem>> -> memref<512xf32, #tpu.memory_space<vmem>>
      %dma_start3A_29 = tpu.memref_slice %arg11[%run_scoped3A, %mul3A_7] : memref<20x16384xf32, #tpu.memory_space<hbm>> -> memref<1x512xf32, #tpu.memory_space<hbm>>
      %dma_start3A_30 = tpu.memref_squeeze %dma_start3A_29 : memref<1x512xf32, #tpu.memory_space<hbm>> -> memref<512xf32, #tpu.memory_space<hbm>>
      %dma_start3A_31 = tpu.memref_slice %arg11[%run_scoped3A, %mul3A_7] : memref<20x16384xf32, #tpu.memory_space<hbm>> -> memref<1x512xf32, #tpu.memory_space<hbm>>
      %dma_start3A_32 = tpu.memref_squeeze %dma_start3A_31 : memref<1x512xf32, #tpu.memory_space<hbm>> -> memref<512xf32, #tpu.memory_space<hbm>>
      %dma_start3A_33 = arith.constant 0 : i32
      %dma_start3A_34 = tpu.memref_slice %arg23[%dma_start3A_33] : memref<10240xf32, #tpu.memory_space<vmem>> -> memref<512xf32, #tpu.memory_space<vmem>>
      tpu.enqueue_dma source(%dma_start3A_34 : memref<512xf32, #tpu.memory_space<vmem>>) target(%dma_start3A_32 : memref<512xf32, #tpu.memory_space<hbm>>) target_semaphore(%run_scoped3A_27 : memref<!tpu.dma_semaphore, #tpu.memory_space<semaphore_mem>>)
      %dma_wait3A = arith.constant 0 : i32
      %dma_wait3A_35 = tpu.memref_slice %arg23[%dma_wait3A] : memref<10240xf32, #tpu.memory_space<vmem>> -> memref<512xf32, #tpu.memory_space<vmem>>
      %dma_wait3A_36 = tpu.memref_slice %arg11[%run_scoped3A, %mul3A_7] : memref<20x16384xf32, #tpu.memory_space<hbm>> -> memref<1x512xf32, #tpu.memory_space<hbm>>
      %dma_wait3A_37 = tpu.memref_squeeze %dma_wait3A_36 : memref<1x512xf32, #tpu.memory_space<hbm>> -> memref<512xf32, #tpu.memory_space<hbm>>
      %dma_wait3A_38 = tpu.memref_slice %arg11[%run_scoped3A, %mul3A_7] : memref<20x16384xf32, #tpu.memory_space<hbm>> -> memref<1x512xf32, #tpu.memory_space<hbm>>
      %dma_wait3A_39 = tpu.memref_squeeze %dma_wait3A_38 : memref<1x512xf32, #tpu.memory_space<hbm>> -> memref<512xf32, #tpu.memory_space<hbm>>
      %dma_wait3A_40 = arith.constant 0 : i32
      %dma_wait3A_41 = tpu.memref_slice %arg23[%dma_wait3A_40] : memref<10240xf32, #tpu.memory_space<vmem>> -> memref<512xf32, #tpu.memory_space<vmem>>
      tpu.wait_dma2 semaphore(%run_scoped3A_27 : memref<!tpu.dma_semaphore, #tpu.memory_space<semaphore_mem>>) src(%dma_wait3A_41 : memref<512xf32, #tpu.memory_space<vmem>>) dst(%dma_wait3A_39 : memref<512xf32, #tpu.memory_space<hbm>>)
      tpu.yield
    }) : () -> ()
    %run_scoped3A_8 = arith.constant 1 : i32
    "tpu.region"() ({
      %run_scoped3A_27 = tpu.sem_alloc : memref<!tpu.dma_semaphore, #tpu.memory_space<semaphore_mem>>
      %dma_start3A = arith.constant 512 : i32
      %dma_start3A_28 = tpu.memref_slice %arg23[%dma_start3A] : memref<10240xf32, #tpu.memory_space<vmem>> -> memref<512xf32, #tpu.memory_space<vmem>>
      %dma_start3A_29 = tpu.memref_slice %arg11[%run_scoped3A_8, %mul3A_7] : memref<20x16384xf32, #tpu.memory_space<hbm>> -> memref<1x512xf32, #tpu.memory_space<hbm>>
      %dma_start3A_30 = tpu.memref_squeeze %dma_start3A_29 : memref<1x512xf32, #tpu.memory_space<hbm>> -> memref<512xf32, #tpu.memory_space<hbm>>
      %dma_start3A_31 = tpu.memref_slice %arg11[%run_scoped3A_8, %mul3A_7] : memref<20x16384xf32, #tpu.memory_space<hbm>> -> memref<1x512xf32, #tpu.memory_space<hbm>>
      %dma_start3A_32 = tpu.memref_squeeze %dma_start3A_31 : memref<1x512xf32, #tpu.memory_space<hbm>> -> memref<512xf32, #tpu.memory_space<hbm>>
      %dma_start3A_33 = arith.constant 512 : i32
      %dma_start3A_34 = tpu.memref_slice %arg23[%dma_start3A_33] : memref<10240xf32, #tpu.memory_space<vmem>> -> memref<512xf32, #tpu.memory_space<vmem>>
      tpu.enqueue_dma source(%dma_start3A_34 : memref<512xf32, #tpu.memory_space<vmem>>) target(%dma_start3A_32 : memref<512xf32, #tpu.memory_space<hbm>>) target_semaphore(%run_scoped3A_27 : memref<!tpu.dma_semaphore, #tpu.memory_space<semaphore_mem>>)
      %dma_wait3A = arith.constant 512 : i32
      %dma_wait3A_35 = tpu.memref_slice %arg23[%dma_wait3A] : memref<10240xf32, #tpu.memory_space<vmem>> -> memref<512xf32, #tpu.memory_space<vmem>>
      %dma_wait3A_36 = tpu.memref_slice %arg11[%run_scoped3A_8, %mul3A_7] : memref<20x16384xf32, #tpu.memory_space<hbm>> -> memref<1x512xf32, #tpu.memory_space<hbm>>
      %dma_wait3A_37 = tpu.memref_squeeze %dma_wait3A_36 : memref<1x512xf32, #tpu.memory_space<hbm>> -> memref<512xf32, #tpu.memory_space<hbm>>
      %dma_wait3A_38 = tpu.memref_slice %arg11[%run_scoped3A_8, %mul3A_7] : memref<20x16384xf32, #tpu.memory_space<hbm>> -> memref<1x512xf32, #tpu.memory_space<hbm>>
      %dma_wait3A_39 = tpu.memref_squeeze %dma_wait3A_38 : memref<1x512xf32, #tpu.memory_space<hbm>> -> memref<512xf32, #tpu.memory_space<hbm>>
      %dma_wait3A_40 = arith.constant 512 : i32
      %dma_wait3A_41 = tpu.memref_slice %arg23[%dma_wait3A_40] : memref<10240xf32, #tpu.memory_space<vmem>> -> memref<512xf32, #tpu.memory_space<vmem>>
      tpu.wait_dma2 semaphore(%run_scoped3A_27 : memref<!tpu.dma_semaphore, #tpu.memory_space<semaphore_mem>>) src(%dma_wait3A_41 : memref<512xf32, #tpu.memory_space<vmem>>) dst(%dma_wait3A_39 : memref<512xf32, #tpu.memory_space<hbm>>)
      tpu.yield
    }) : () -> ()
    %run_scoped3A_9 = arith.constant 2 : i32
    "tpu.region"() ({
      %run_scoped3A_27 = tpu.sem_alloc : memref<!tpu.dma_semaphore, #tpu.memory_space<semaphore_mem>>
      %dma_start3A = arith.constant 1024 : i32
      %dma_start3A_28 = tpu.memref_slice %arg23[%dma_start3A] : memref<10240xf32, #tpu.memory_space<vmem>> -> memref<512xf32, #tpu.memory_space<vmem>>
      %dma_start3A_29 = tpu.memref_slice %arg11[%run_scoped3A_9, %mul3A_7] : memref<20x16384xf32, #tpu.memory_space<hbm>> -> memref<1x512xf32, #tpu.memory_space<hbm>>
      %dma_start3A_30 = tpu.memref_squeeze %dma_start3A_29 : memref<1x512xf32, #tpu.memory_space<hbm>> -> memref<512xf32, #tpu.memory_space<hbm>>
      %dma_start3A_31 = tpu.memref_slice %arg11[%run_scoped3A_9, %mul3A_7] : memref<20x16384xf32, #tpu.memory_space<hbm>> -> memref<1x512xf32, #tpu.memory_space<hbm>>
      %dma_start3A_32 = tpu.memref_squeeze %dma_start3A_31 : memref<1x512xf32, #tpu.memory_space<hbm>> -> memref<512xf32, #tpu.memory_space<hbm>>
      %dma_start3A_33 = arith.constant 1024 : i32
      %dma_start3A_34 = tpu.memref_slice %arg23[%dma_start3A_33] : memref<10240xf32, #tpu.memory_space<vmem>> -> memref<512xf32, #tpu.memory_space<vmem>>
      tpu.enqueue_dma source(%dma_start3A_34 : memref<512xf32, #tpu.memory_space<vmem>>) target(%dma_start3A_32 : memref<512xf32, #tpu.memory_space<hbm>>) target_semaphore(%run_scoped3A_27 : memref<!tpu.dma_semaphore, #tpu.memory_space<semaphore_mem>>)
      %dma_wait3A = arith.constant 1024 : i32
      %dma_wait3A_35 = tpu.memref_slice %arg23[%dma_wait3A] : memref<10240xf32, #tpu.memory_space<vmem>> -> memref<512xf32, #tpu.memory_space<vmem>>
      %dma_wait3A_36 = tpu.memref_slice %arg11[%run_scoped3A_9, %mul3A_7] : memref<20x16384xf32, #tpu.memory_space<hbm>> -> memref<1x512xf32, #tpu.memory_space<hbm>>
      %dma_wait3A_37 = tpu.memref_squeeze %dma_wait3A_36 : memref<1x512xf32, #tpu.memory_space<hbm>> -> memref<512xf32, #tpu.memory_space<hbm>>
      %dma_wait3A_38 = tpu.memref_slice %arg11[%run_scoped3A_9, %mul3A_7] : memref<20x16384xf32, #tpu.memory_space<hbm>> -> memref<1x512xf32, #tpu.memory_space<hbm>>
      %dma_wait3A_39 = tpu.memref_squeeze %dma_wait3A_38 : memref<1x512xf32, #tpu.memory_space<hbm>> -> memref<512xf32, #tpu.memory_space<hbm>>
      %dma_wait3A_40 = arith.constant 1024 : i32
      %dma_wait3A_41 = tpu.memref_slice %arg23[%dma_wait3A_40] : memref<10240xf32, #tpu.memory_space<vmem>> -> memref<512xf32, #tpu.memory_space<vmem>>
      tpu.wait_dma2 semaphore(%run_scoped3A_27 : memref<!tpu.dma_semaphore, #tpu.memory_space<semaphore_mem>>) src(%dma_wait3A_41 : memref<512xf32, #tpu.memory_space<vmem>>) dst(%dma_wait3A_39 : memref<512xf32, #tpu.memory_space<hbm>>)
      tpu.yield
    }) : () -> ()
    %run_scoped3A_10 = arith.constant 3 : i32
    "tpu.region"() ({
      %run_scoped3A_27 = tpu.sem_alloc : memref<!tpu.dma_semaphore, #tpu.memory_space<semaphore_mem>>
      %dma_start3A = arith.constant 1536 : i32
      %dma_start3A_28 = tpu.memref_slice %arg23[%dma_start3A] : memref<10240xf32, #tpu.memory_space<vmem>> -> memref<512xf32, #tpu.memory_space<vmem>>
      %dma_start3A_29 = tpu.memref_slice %arg11[%run_scoped3A_10, %mul3A_7] : memref<20x16384xf32, #tpu.memory_space<hbm>> -> memref<1x512xf32, #tpu.memory_space<hbm>>
      %dma_start3A_30 = tpu.memref_squeeze %dma_start3A_29 : memref<1x512xf32, #tpu.memory_space<hbm>> -> memref<512xf32, #tpu.memory_space<hbm>>
      %dma_start3A_31 = tpu.memref_slice %arg11[%run_scoped3A_10, %mul3A_7] : memref<20x16384xf32, #tpu.memory_space<hbm>> -> memref<1x512xf32, #tpu.memory_space<hbm>>
      %dma_start3A_32 = tpu.memref_squeeze %dma_start3A_31 : memref<1x512xf32, #tpu.memory_space<hbm>> -> memref<512xf32, #tpu.memory_space<hbm>>
      %dma_start3A_33 = arith.constant 1536 : i32
      %dma_start3A_34 = tpu.memref_slice %arg23[%dma_start3A_33] : memref<10240xf32, #tpu.memory_space<vmem>> -> memref<512xf32, #tpu.memory_space<vmem>>
      tpu.enqueue_dma source(%dma_start3A_34 : memref<512xf32, #tpu.memory_space<vmem>>) target(%dma_start3A_32 : memref<512xf32, #tpu.memory_space<hbm>>) target_semaphore(%run_scoped3A_27 : memref<!tpu.dma_semaphore, #tpu.memory_space<semaphore_mem>>)
      %dma_wait3A = arith.constant 1536 : i32
      %dma_wait3A_35 = tpu.memref_slice %arg23[%dma_wait3A] : memref<10240xf32, #tpu.memory_space<vmem>> -> memref<512xf32, #tpu.memory_space<vmem>>
      %dma_wait3A_36 = tpu.memref_slice %arg11[%run_scoped3A_10, %mul3A_7] : memref<20x16384xf32, #tpu.memory_space<hbm>> -> memref<1x512xf32, #tpu.memory_space<hbm>>
      %dma_wait3A_37 = tpu.memref_squeeze %dma_wait3A_36 : memref<1x512xf32, #tpu.memory_space<hbm>> -> memref<512xf32, #tpu.memory_space<hbm>>
      %dma_wait3A_38 = tpu.memref_slice %arg11[%run_scoped3A_10, %mul3A_7] : memref<20x16384xf32, #tpu.memory_space<hbm>> -> memref<1x512xf32, #tpu.memory_space<hbm>>
      %dma_wait3A_39 = tpu.memref_squeeze %dma_wait3A_38 : memref<1x512xf32, #tpu.memory_space<hbm>> -> memref<512xf32, #tpu.memory_space<hbm>>
      %dma_wait3A_40 = arith.constant 1536 : i32
      %dma_wait3A_41 = tpu.memref_slice %arg23[%dma_wait3A_40] : memref<10240xf32, #tpu.memory_space<vmem>> -> memref<512xf32, #tpu.memory_space<vmem>>
      tpu.wait_dma2 semaphore(%run_scoped3A_27 : memref<!tpu.dma_semaphore, #tpu.memory_space<semaphore_mem>>) src(%dma_wait3A_41 : memref<512xf32, #tpu.memory_space<vmem>>) dst(%dma_wait3A_39 : memref<512xf32, #tpu.memory_space<hbm>>)
      tpu.yield
    }) : () -> ()
    %run_scoped3A_11 = arith.constant 4 : i32
    "tpu.region"() ({
      %run_scoped3A_27 = tpu.sem_alloc : memref<!tpu.dma_semaphore, #tpu.memory_space<semaphore_mem>>
      %dma_start3A = arith.constant 2048 : i32
      %dma_start3A_28 = tpu.memref_slice %arg23[%dma_start3A] : memref<10240xf32, #tpu.memory_space<vmem>> -> memref<512xf32, #tpu.memory_space<vmem>>
      %dma_start3A_29 = tpu.memref_slice %arg11[%run_scoped3A_11, %mul3A_7] : memref<20x16384xf32, #tpu.memory_space<hbm>> -> memref<1x512xf32, #tpu.memory_space<hbm>>
      %dma_start3A_30 = tpu.memref_squeeze %dma_start3A_29 : memref<1x512xf32, #tpu.memory_space<hbm>> -> memref<512xf32, #tpu.memory_space<hbm>>
      %dma_start3A_31 = tpu.memref_slice %arg11[%run_scoped3A_11, %mul3A_7] : memref<20x16384xf32, #tpu.memory_space<hbm>> -> memref<1x512xf32, #tpu.memory_space<hbm>>
      %dma_start3A_32 = tpu.memref_squeeze %dma_start3A_31 : memref<1x512xf32, #tpu.memory_space<hbm>> -> memref<512xf32, #tpu.memory_space<hbm>>
      %dma_start3A_33 = arith.constant 2048 : i32
      %dma_start3A_34 = tpu.memref_slice %arg23[%dma_start3A_33] : memref<10240xf32, #tpu.memory_space<vmem>> -> memref<512xf32, #tpu.memory_space<vmem>>
      tpu.enqueue_dma source(%dma_start3A_34 : memref<512xf32, #tpu.memory_space<vmem>>) target(%dma_start3A_32 : memref<512xf32, #tpu.memory_space<hbm>>) target_semaphore(%run_scoped3A_27 : memref<!tpu.dma_semaphore, #tpu.memory_space<semaphore_mem>>)
      %dma_wait3A = arith.constant 2048 : i32
      %dma_wait3A_35 = tpu.memref_slice %arg23[%dma_wait3A] : memref<10240xf32, #tpu.memory_space<vmem>> -> memref<512xf32, #tpu.memory_space<vmem>>
      %dma_wait3A_36 = tpu.memref_slice %arg11[%run_scoped3A_11, %mul3A_7] : memref<20x16384xf32, #tpu.memory_space<hbm>> -> memref<1x512xf32, #tpu.memory_space<hbm>>
      %dma_wait3A_37 = tpu.memref_squeeze %dma_wait3A_36 : memref<1x512xf32, #tpu.memory_space<hbm>> -> memref<512xf32, #tpu.memory_space<hbm>>
      %dma_wait3A_38 = tpu.memref_slice %arg11[%run_scoped3A_11, %mul3A_7] : memref<20x16384xf32, #tpu.memory_space<hbm>> -> memref<1x512xf32, #tpu.memory_space<hbm>>
      %dma_wait3A_39 = tpu.memref_squeeze %dma_wait3A_38 : memref<1x512xf32, #tpu.memory_space<hbm>> -> memref<512xf32, #tpu.memory_space<hbm>>
      %dma_wait3A_40 = arith.constant 2048 : i32
      %dma_wait3A_41 = tpu.memref_slice %arg23[%dma_wait3A_40] : memref<10240xf32, #tpu.memory_space<vmem>> -> memref<512xf32, #tpu.memory_space<vmem>>
      tpu.wait_dma2 semaphore(%run_scoped3A_27 : memref<!tpu.dma_semaphore, #tpu.memory_space<semaphore_mem>>) src(%dma_wait3A_41 : memref<512xf32, #tpu.memory_space<vmem>>) dst(%dma_wait3A_39 : memref<512xf32, #tpu.memory_space<hbm>>)
      tpu.yield
    }) : () -> ()
    %run_scoped3A_12 = arith.constant 5 : i32
    "tpu.region"() ({
      %run_scoped3A_27 = tpu.sem_alloc : memref<!tpu.dma_semaphore, #tpu.memory_space<semaphore_mem>>
      %dma_start3A = arith.constant 2560 : i32
      %dma_start3A_28 = tpu.memref_slice %arg23[%dma_start3A] : memref<10240xf32, #tpu.memory_space<vmem>> -> memref<512xf32, #tpu.memory_space<vmem>>
      %dma_start3A_29 = tpu.memref_slice %arg11[%run_scoped3A_12, %mul3A_7] : memref<20x16384xf32, #tpu.memory_space<hbm>> -> memref<1x512xf32, #tpu.memory_space<hbm>>
      %dma_start3A_30 = tpu.memref_squeeze %dma_start3A_29 : memref<1x512xf32, #tpu.memory_space<hbm>> -> memref<512xf32, #tpu.memory_space<hbm>>
      %dma_start3A_31 = tpu.memref_slice %arg11[%run_scoped3A_12, %mul3A_7] : memref<20x16384xf32, #tpu.memory_space<hbm>> -> memref<1x512xf32, #tpu.memory_space<hbm>>
      %dma_start3A_32 = tpu.memref_squeeze %dma_start3A_31 : memref<1x512xf32, #tpu.memory_space<hbm>> -> memref<512xf32, #tpu.memory_space<hbm>>
      %dma_start3A_33 = arith.constant 2560 : i32
      %dma_start3A_34 = tpu.memref_slice %arg23[%dma_start3A_33] : memref<10240xf32, #tpu.memory_space<vmem>> -> memref<512xf32, #tpu.memory_space<vmem>>
      tpu.enqueue_dma source(%dma_start3A_34 : memref<512xf32, #tpu.memory_space<vmem>>) target(%dma_start3A_32 : memref<512xf32, #tpu.memory_space<hbm>>) target_semaphore(%run_scoped3A_27 : memref<!tpu.dma_semaphore, #tpu.memory_space<semaphore_mem>>)
      %dma_wait3A = arith.constant 2560 : i32
      %dma_wait3A_35 = tpu.memref_slice %arg23[%dma_wait3A] : memref<10240xf32, #tpu.memory_space<vmem>> -> memref<512xf32, #tpu.memory_space<vmem>>
      %dma_wait3A_36 = tpu.memref_slice %arg11[%run_scoped3A_12, %mul3A_7] : memref<20x16384xf32, #tpu.memory_space<hbm>> -> memref<1x512xf32, #tpu.memory_space<hbm>>
      %dma_wait3A_37 = tpu.memref_squeeze %dma_wait3A_36 : memref<1x512xf32, #tpu.memory_space<hbm>> -> memref<512xf32, #tpu.memory_space<hbm>>
      %dma_wait3A_38 = tpu.memref_slice %arg11[%run_scoped3A_12, %mul3A_7] : memref<20x16384xf32, #tpu.memory_space<hbm>> -> memref<1x512xf32, #tpu.memory_space<hbm>>
      %dma_wait3A_39 = tpu.memref_squeeze %dma_wait3A_38 : memref<1x512xf32, #tpu.memory_space<hbm>> -> memref<512xf32, #tpu.memory_space<hbm>>
      %dma_wait3A_40 = arith.constant 2560 : i32
      %dma_wait3A_41 = tpu.memref_slice %arg23[%dma_wait3A_40] : memref<10240xf32, #tpu.memory_space<vmem>> -> memref<512xf32, #tpu.memory_space<vmem>>
      tpu.wait_dma2 semaphore(%run_scoped3A_27 : memref<!tpu.dma_semaphore, #tpu.memory_space<semaphore_mem>>) src(%dma_wait3A_41 : memref<512xf32, #tpu.memory_space<vmem>>) dst(%dma_wait3A_39 : memref<512xf32, #tpu.memory_space<hbm>>)
      tpu.yield
    }) : () -> ()
    %run_scoped3A_13 = arith.constant 6 : i32
    "tpu.region"() ({
      %run_scoped3A_27 = tpu.sem_alloc : memref<!tpu.dma_semaphore, #tpu.memory_space<semaphore_mem>>
      %dma_start3A = arith.constant 3072 : i32
      %dma_start3A_28 = tpu.memref_slice %arg23[%dma_start3A] : memref<10240xf32, #tpu.memory_space<vmem>> -> memref<512xf32, #tpu.memory_space<vmem>>
      %dma_start3A_29 = tpu.memref_slice %arg11[%run_scoped3A_13, %mul3A_7] : memref<20x16384xf32, #tpu.memory_space<hbm>> -> memref<1x512xf32, #tpu.memory_space<hbm>>
      %dma_start3A_30 = tpu.memref_squeeze %dma_start3A_29 : memref<1x512xf32, #tpu.memory_space<hbm>> -> memref<512xf32, #tpu.memory_space<hbm>>
      %dma_start3A_31 = tpu.memref_slice %arg11[%run_scoped3A_13, %mul3A_7] : memref<20x16384xf32, #tpu.memory_space<hbm>> -> memref<1x512xf32, #tpu.memory_space<hbm>>
      %dma_start3A_32 = tpu.memref_squeeze %dma_start3A_31 : memref<1x512xf32, #tpu.memory_space<hbm>> -> memref<512xf32, #tpu.memory_space<hbm>>
      %dma_start3A_33 = arith.constant 3072 : i32
      %dma_start3A_34 = tpu.memref_slice %arg23[%dma_start3A_33] : memref<10240xf32, #tpu.memory_space<vmem>> -> memref<512xf32, #tpu.memory_space<vmem>>
      tpu.enqueue_dma source(%dma_start3A_34 : memref<512xf32, #tpu.memory_space<vmem>>) target(%dma_start3A_32 : memref<512xf32, #tpu.memory_space<hbm>>) target_semaphore(%run_scoped3A_27 : memref<!tpu.dma_semaphore, #tpu.memory_space<semaphore_mem>>)
      %dma_wait3A = arith.constant 3072 : i32
      %dma_wait3A_35 = tpu.memref_slice %arg23[%dma_wait3A] : memref<10240xf32, #tpu.memory_space<vmem>> -> memref<512xf32, #tpu.memory_space<vmem>>
      %dma_wait3A_36 = tpu.memref_slice %arg11[%run_scoped3A_13, %mul3A_7] : memref<20x16384xf32, #tpu.memory_space<hbm>> -> memref<1x512xf32, #tpu.memory_space<hbm>>
      %dma_wait3A_37 = tpu.memref_squeeze %dma_wait3A_36 : memref<1x512xf32, #tpu.memory_space<hbm>> -> memref<512xf32, #tpu.memory_space<hbm>>
      %dma_wait3A_38 = tpu.memref_slice %arg11[%run_scoped3A_13, %mul3A_7] : memref<20x16384xf32, #tpu.memory_space<hbm>> -> memref<1x512xf32, #tpu.memory_space<hbm>>
      %dma_wait3A_39 = tpu.memref_squeeze %dma_wait3A_38 : memref<1x512xf32, #tpu.memory_space<hbm>> -> memref<512xf32, #tpu.memory_space<hbm>>
      %dma_wait3A_40 = arith.constant 3072 : i32
      %dma_wait3A_41 = tpu.memref_slice %arg23[%dma_wait3A_40] : memref<10240xf32, #tpu.memory_space<vmem>> -> memref<512xf32, #tpu.memory_space<vmem>>
      tpu.wait_dma2 semaphore(%run_scoped3A_27 : memref<!tpu.dma_semaphore, #tpu.memory_space<semaphore_mem>>) src(%dma_wait3A_41 : memref<512xf32, #tpu.memory_space<vmem>>) dst(%dma_wait3A_39 : memref<512xf32, #tpu.memory_space<hbm>>)
      tpu.yield
    }) : () -> ()
    %run_scoped3A_14 = arith.constant 7 : i32
    "tpu.region"() ({
      %run_scoped3A_27 = tpu.sem_alloc : memref<!tpu.dma_semaphore, #tpu.memory_space<semaphore_mem>>
      %dma_start3A = arith.constant 3584 : i32
      %dma_start3A_28 = tpu.memref_slice %arg23[%dma_start3A] : memref<10240xf32, #tpu.memory_space<vmem>> -> memref<512xf32, #tpu.memory_space<vmem>>
      %dma_start3A_29 = tpu.memref_slice %arg11[%run_scoped3A_14, %mul3A_7] : memref<20x16384xf32, #tpu.memory_space<hbm>> -> memref<1x512xf32, #tpu.memory_space<hbm>>
      %dma_start3A_30 = tpu.memref_squeeze %dma_start3A_29 : memref<1x512xf32, #tpu.memory_space<hbm>> -> memref<512xf32, #tpu.memory_space<hbm>>
      %dma_start3A_31 = tpu.memref_slice %arg11[%run_scoped3A_14, %mul3A_7] : memref<20x16384xf32, #tpu.memory_space<hbm>> -> memref<1x512xf32, #tpu.memory_space<hbm>>
      %dma_start3A_32 = tpu.memref_squeeze %dma_start3A_31 : memref<1x512xf32, #tpu.memory_space<hbm>> -> memref<512xf32, #tpu.memory_space<hbm>>
      %dma_start3A_33 = arith.constant 3584 : i32
      %dma_start3A_34 = tpu.memref_slice %arg23[%dma_start3A_33] : memref<10240xf32, #tpu.memory_space<vmem>> -> memref<512xf32, #tpu.memory_space<vmem>>
      tpu.enqueue_dma source(%dma_start3A_34 : memref<512xf32, #tpu.memory_space<vmem>>) target(%dma_start3A_32 : memref<512xf32, #tpu.memory_space<hbm>>) target_semaphore(%run_scoped3A_27 : memref<!tpu.dma_semaphore, #tpu.memory_space<semaphore_mem>>)
      %dma_wait3A = arith.constant 3584 : i32
      %dma_wait3A_35 = tpu.memref_slice %arg23[%dma_wait3A] : memref<10240xf32, #tpu.memory_space<vmem>> -> memref<512xf32, #tpu.memory_space<vmem>>
      %dma_wait3A_36 = tpu.memref_slice %arg11[%run_scoped3A_14, %mul3A_7] : memref<20x16384xf32, #tpu.memory_space<hbm>> -> memref<1x512xf32, #tpu.memory_space<hbm>>
      %dma_wait3A_37 = tpu.memref_squeeze %dma_wait3A_36 : memref<1x512xf32, #tpu.memory_space<hbm>> -> memref<512xf32, #tpu.memory_space<hbm>>
      %dma_wait3A_38 = tpu.memref_slice %arg11[%run_scoped3A_14, %mul3A_7] : memref<20x16384xf32, #tpu.memory_space<hbm>> -> memref<1x512xf32, #tpu.memory_space<hbm>>
      %dma_wait3A_39 = tpu.memref_squeeze %dma_wait3A_38 : memref<1x512xf32, #tpu.memory_space<hbm>> -> memref<512xf32, #tpu.memory_space<hbm>>
      %dma_wait3A_40 = arith.constant 3584 : i32
      %dma_wait3A_41 = tpu.memref_slice %arg23[%dma_wait3A_40] : memref<10240xf32, #tpu.memory_space<vmem>> -> memref<512xf32, #tpu.memory_space<vmem>>
      tpu.wait_dma2 semaphore(%run_scoped3A_27 : memref<!tpu.dma_semaphore, #tpu.memory_space<semaphore_mem>>) src(%dma_wait3A_41 : memref<512xf32, #tpu.memory_space<vmem>>) dst(%dma_wait3A_39 : memref<512xf32, #tpu.memory_space<hbm>>)
      tpu.yield
    }) : () -> ()
    %run_scoped3A_15 = arith.constant 8 : i32
    "tpu.region"() ({
      %run_scoped3A_27 = tpu.sem_alloc : memref<!tpu.dma_semaphore, #tpu.memory_space<semaphore_mem>>
      %dma_start3A = arith.constant 4096 : i32
      %dma_start3A_28 = tpu.memref_slice %arg23[%dma_start3A] : memref<10240xf32, #tpu.memory_space<vmem>> -> memref<512xf32, #tpu.memory_space<vmem>>
      %dma_start3A_29 = tpu.memref_slice %arg11[%run_scoped3A_15, %mul3A_7] : memref<20x16384xf32, #tpu.memory_space<hbm>> -> memref<1x512xf32, #tpu.memory_space<hbm>>
      %dma_start3A_30 = tpu.memref_squeeze %dma_start3A_29 : memref<1x512xf32, #tpu.memory_space<hbm>> -> memref<512xf32, #tpu.memory_space<hbm>>
      %dma_start3A_31 = tpu.memref_slice %arg11[%run_scoped3A_15, %mul3A_7] : memref<20x16384xf32, #tpu.memory_space<hbm>> -> memref<1x512xf32, #tpu.memory_space<hbm>>
      %dma_start3A_32 = tpu.memref_squeeze %dma_start3A_31 : memref<1x512xf32, #tpu.memory_space<hbm>> -> memref<512xf32, #tpu.memory_space<hbm>>
      %dma_start3A_33 = arith.constant 4096 : i32
      %dma_start3A_34 = tpu.memref_slice %arg23[%dma_start3A_33] : memref<10240xf32, #tpu.memory_space<vmem>> -> memref<512xf32, #tpu.memory_space<vmem>>
      tpu.enqueue_dma source(%dma_start3A_34 : memref<512xf32, #tpu.memory_space<vmem>>) target(%dma_start3A_32 : memref<512xf32, #tpu.memory_space<hbm>>) target_semaphore(%run_scoped3A_27 : memref<!tpu.dma_semaphore, #tpu.memory_space<semaphore_mem>>)
      %dma_wait3A = arith.constant 4096 : i32
      %dma_wait3A_35 = tpu.memref_slice %arg23[%dma_wait3A] : memref<10240xf32, #tpu.memory_space<vmem>> -> memref<512xf32, #tpu.memory_space<vmem>>
      %dma_wait3A_36 = tpu.memref_slice %arg11[%run_scoped3A_15, %mul3A_7] : memref<20x16384xf32, #tpu.memory_space<hbm>> -> memref<1x512xf32, #tpu.memory_space<hbm>>
      %dma_wait3A_37 = tpu.memref_squeeze %dma_wait3A_36 : memref<1x512xf32, #tpu.memory_space<hbm>> -> memref<512xf32, #tpu.memory_space<hbm>>
      %dma_wait3A_38 = tpu.memref_slice %arg11[%run_scoped3A_15, %mul3A_7] : memref<20x16384xf32, #tpu.memory_space<hbm>> -> memref<1x512xf32, #tpu.memory_space<hbm>>
      %dma_wait3A_39 = tpu.memref_squeeze %dma_wait3A_38 : memref<1x512xf32, #tpu.memory_space<hbm>> -> memref<512xf32, #tpu.memory_space<hbm>>
      %dma_wait3A_40 = arith.constant 4096 : i32
      %dma_wait3A_41 = tpu.memref_slice %arg23[%dma_wait3A_40] : memref<10240xf32, #tpu.memory_space<vmem>> -> memref<512xf32, #tpu.memory_space<vmem>>
      tpu.wait_dma2 semaphore(%run_scoped3A_27 : memref<!tpu.dma_semaphore, #tpu.memory_space<semaphore_mem>>) src(%dma_wait3A_41 : memref<512xf32, #tpu.memory_space<vmem>>) dst(%dma_wait3A_39 : memref<512xf32, #tpu.memory_space<hbm>>)
      tpu.yield
    }) : () -> ()
    %run_scoped3A_16 = arith.constant 9 : i32
    "tpu.region"() ({
      %run_scoped3A_27 = tpu.sem_alloc : memref<!tpu.dma_semaphore, #tpu.memory_space<semaphore_mem>>
      %dma_start3A = arith.constant 4608 : i32
      %dma_start3A_28 = tpu.memref_slice %arg23[%dma_start3A] : memref<10240xf32, #tpu.memory_space<vmem>> -> memref<512xf32, #tpu.memory_space<vmem>>
      %dma_start3A_29 = tpu.memref_slice %arg11[%run_scoped3A_16, %mul3A_7] : memref<20x16384xf32, #tpu.memory_space<hbm>> -> memref<1x512xf32, #tpu.memory_space<hbm>>
      %dma_start3A_30 = tpu.memref_squeeze %dma_start3A_29 : memref<1x512xf32, #tpu.memory_space<hbm>> -> memref<512xf32, #tpu.memory_space<hbm>>
      %dma_start3A_31 = tpu.memref_slice %arg11[%run_scoped3A_16, %mul3A_7] : memref<20x16384xf32, #tpu.memory_space<hbm>> -> memref<1x512xf32, #tpu.memory_space<hbm>>
      %dma_start3A_32 = tpu.memref_squeeze %dma_start3A_31 : memref<1x512xf32, #tpu.memory_space<hbm>> -> memref<512xf32, #tpu.memory_space<hbm>>
      %dma_start3A_33 = arith.constant 4608 : i32
      %dma_start3A_34 = tpu.memref_slice %arg23[%dma_start3A_33] : memref<10240xf32, #tpu.memory_space<vmem>> -> memref<512xf32, #tpu.memory_space<vmem>>
      tpu.enqueue_dma source(%dma_start3A_34 : memref<512xf32, #tpu.memory_space<vmem>>) target(%dma_start3A_32 : memref<512xf32, #tpu.memory_space<hbm>>) target_semaphore(%run_scoped3A_27 : memref<!tpu.dma_semaphore, #tpu.memory_space<semaphore_mem>>)
      %dma_wait3A = arith.constant 4608 : i32
      %dma_wait3A_35 = tpu.memref_slice %arg23[%dma_wait3A] : memref<10240xf32, #tpu.memory_space<vmem>> -> memref<512xf32, #tpu.memory_space<vmem>>
      %dma_wait3A_36 = tpu.memref_slice %arg11[%run_scoped3A_16, %mul3A_7] : memref<20x16384xf32, #tpu.memory_space<hbm>> -> memref<1x512xf32, #tpu.memory_space<hbm>>
      %dma_wait3A_37 = tpu.memref_squeeze %dma_wait3A_36 : memref<1x512xf32, #tpu.memory_space<hbm>> -> memref<512xf32, #tpu.memory_space<hbm>>
      %dma_wait3A_38 = tpu.memref_slice %arg11[%run_scoped3A_16, %mul3A_7] : memref<20x16384xf32, #tpu.memory_space<hbm>> -> memref<1x512xf32, #tpu.memory_space<hbm>>
      %dma_wait3A_39 = tpu.memref_squeeze %dma_wait3A_38 : memref<1x512xf32, #tpu.memory_space<hbm>> -> memref<512xf32, #tpu.memory_space<hbm>>
      %dma_wait3A_40 = arith.constant 4608 : i32
      %dma_wait3A_41 = tpu.memref_slice %arg23[%dma_wait3A_40] : memref<10240xf32, #tpu.memory_space<vmem>> -> memref<512xf32, #tpu.memory_space<vmem>>
      tpu.wait_dma2 semaphore(%run_scoped3A_27 : memref<!tpu.dma_semaphore, #tpu.memory_space<semaphore_mem>>) src(%dma_wait3A_41 : memref<512xf32, #tpu.memory_space<vmem>>) dst(%dma_wait3A_39 : memref<512xf32, #tpu.memory_space<hbm>>)
      tpu.yield
    }) : () -> ()
    %run_scoped3A_17 = arith.constant 10 : i32
    "tpu.region"() ({
      %run_scoped3A_27 = tpu.sem_alloc : memref<!tpu.dma_semaphore, #tpu.memory_space<semaphore_mem>>
      %dma_start3A = arith.constant 5120 : i32
      %dma_start3A_28 = tpu.memref_slice %arg23[%dma_start3A] : memref<10240xf32, #tpu.memory_space<vmem>> -> memref<512xf32, #tpu.memory_space<vmem>>
      %dma_start3A_29 = tpu.memref_slice %arg11[%run_scoped3A_17, %mul3A_7] : memref<20x16384xf32, #tpu.memory_space<hbm>> -> memref<1x512xf32, #tpu.memory_space<hbm>>
      %dma_start3A_30 = tpu.memref_squeeze %dma_start3A_29 : memref<1x512xf32, #tpu.memory_space<hbm>> -> memref<512xf32, #tpu.memory_space<hbm>>
      %dma_start3A_31 = tpu.memref_slice %arg11[%run_scoped3A_17, %mul3A_7] : memref<20x16384xf32, #tpu.memory_space<hbm>> -> memref<1x512xf32, #tpu.memory_space<hbm>>
      %dma_start3A_32 = tpu.memref_squeeze %dma_start3A_31 : memref<1x512xf32, #tpu.memory_space<hbm>> -> memref<512xf32, #tpu.memory_space<hbm>>
      %dma_start3A_33 = arith.constant 5120 : i32
      %dma_start3A_34 = tpu.memref_slice %arg23[%dma_start3A_33] : memref<10240xf32, #tpu.memory_space<vmem>> -> memref<512xf32, #tpu.memory_space<vmem>>
      tpu.enqueue_dma source(%dma_start3A_34 : memref<512xf32, #tpu.memory_space<vmem>>) target(%dma_start3A_32 : memref<512xf32, #tpu.memory_space<hbm>>) target_semaphore(%run_scoped3A_27 : memref<!tpu.dma_semaphore, #tpu.memory_space<semaphore_mem>>)
      %dma_wait3A = arith.constant 5120 : i32
      %dma_wait3A_35 = tpu.memref_slice %arg23[%dma_wait3A] : memref<10240xf32, #tpu.memory_space<vmem>> -> memref<512xf32, #tpu.memory_space<vmem>>
      %dma_wait3A_36 = tpu.memref_slice %arg11[%run_scoped3A_17, %mul3A_7] : memref<20x16384xf32, #tpu.memory_space<hbm>> -> memref<1x512xf32, #tpu.memory_space<hbm>>
      %dma_wait3A_37 = tpu.memref_squeeze %dma_wait3A_36 : memref<1x512xf32, #tpu.memory_space<hbm>> -> memref<512xf32, #tpu.memory_space<hbm>>
      %dma_wait3A_38 = tpu.memref_slice %arg11[%run_scoped3A_17, %mul3A_7] : memref<20x16384xf32, #tpu.memory_space<hbm>> -> memref<1x512xf32, #tpu.memory_space<hbm>>
      %dma_wait3A_39 = tpu.memref_squeeze %dma_wait3A_38 : memref<1x512xf32, #tpu.memory_space<hbm>> -> memref<512xf32, #tpu.memory_space<hbm>>
      %dma_wait3A_40 = arith.constant 5120 : i32
      %dma_wait3A_41 = tpu.memref_slice %arg23[%dma_wait3A_40] : memref<10240xf32, #tpu.memory_space<vmem>> -> memref<512xf32, #tpu.memory_space<vmem>>
      tpu.wait_dma2 semaphore(%run_scoped3A_27 : memref<!tpu.dma_semaphore, #tpu.memory_space<semaphore_mem>>) src(%dma_wait3A_41 : memref<512xf32, #tpu.memory_space<vmem>>) dst(%dma_wait3A_39 : memref<512xf32, #tpu.memory_space<hbm>>)
      tpu.yield
    }) : () -> ()
    %run_scoped3A_18 = arith.constant 11 : i32
    "tpu.region"() ({
      %run_scoped3A_27 = tpu.sem_alloc : memref<!tpu.dma_semaphore, #tpu.memory_space<semaphore_mem>>
      %dma_start3A = arith.constant 5632 : i32
      %dma_start3A_28 = tpu.memref_slice %arg23[%dma_start3A] : memref<10240xf32, #tpu.memory_space<vmem>> -> memref<512xf32, #tpu.memory_space<vmem>>
      %dma_start3A_29 = tpu.memref_slice %arg11[%run_scoped3A_18, %mul3A_7] : memref<20x16384xf32, #tpu.memory_space<hbm>> -> memref<1x512xf32, #tpu.memory_space<hbm>>
      %dma_start3A_30 = tpu.memref_squeeze %dma_start3A_29 : memref<1x512xf32, #tpu.memory_space<hbm>> -> memref<512xf32, #tpu.memory_space<hbm>>
      %dma_start3A_31 = tpu.memref_slice %arg11[%run_scoped3A_18, %mul3A_7] : memref<20x16384xf32, #tpu.memory_space<hbm>> -> memref<1x512xf32, #tpu.memory_space<hbm>>
      %dma_start3A_32 = tpu.memref_squeeze %dma_start3A_31 : memref<1x512xf32, #tpu.memory_space<hbm>> -> memref<512xf32, #tpu.memory_space<hbm>>
      %dma_start3A_33 = arith.constant 5632 : i32
      %dma_start3A_34 = tpu.memref_slice %arg23[%dma_start3A_33] : memref<10240xf32, #tpu.memory_space<vmem>> -> memref<512xf32, #tpu.memory_space<vmem>>
      tpu.enqueue_dma source(%dma_start3A_34 : memref<512xf32, #tpu.memory_space<vmem>>) target(%dma_start3A_32 : memref<512xf32, #tpu.memory_space<hbm>>) target_semaphore(%run_scoped3A_27 : memref<!tpu.dma_semaphore, #tpu.memory_space<semaphore_mem>>)
      %dma_wait3A = arith.constant 5632 : i32
      %dma_wait3A_35 = tpu.memref_slice %arg23[%dma_wait3A] : memref<10240xf32, #tpu.memory_space<vmem>> -> memref<512xf32, #tpu.memory_space<vmem>>
      %dma_wait3A_36 = tpu.memref_slice %arg11[%run_scoped3A_18, %mul3A_7] : memref<20x16384xf32, #tpu.memory_space<hbm>> -> memref<1x512xf32, #tpu.memory_space<hbm>>
      %dma_wait3A_37 = tpu.memref_squeeze %dma_wait3A_36 : memref<1x512xf32, #tpu.memory_space<hbm>> -> memref<512xf32, #tpu.memory_space<hbm>>
      %dma_wait3A_38 = tpu.memref_slice %arg11[%run_scoped3A_18, %mul3A_7] : memref<20x16384xf32, #tpu.memory_space<hbm>> -> memref<1x512xf32, #tpu.memory_space<hbm>>
      %dma_wait3A_39 = tpu.memref_squeeze %dma_wait3A_38 : memref<1x512xf32, #tpu.memory_space<hbm>> -> memref<512xf32, #tpu.memory_space<hbm>>
      %dma_wait3A_40 = arith.constant 5632 : i32
      %dma_wait3A_41 = tpu.memref_slice %arg23[%dma_wait3A_40] : memref<10240xf32, #tpu.memory_space<vmem>> -> memref<512xf32, #tpu.memory_space<vmem>>
      tpu.wait_dma2 semaphore(%run_scoped3A_27 : memref<!tpu.dma_semaphore, #tpu.memory_space<semaphore_mem>>) src(%dma_wait3A_41 : memref<512xf32, #tpu.memory_space<vmem>>) dst(%dma_wait3A_39 : memref<512xf32, #tpu.memory_space<hbm>>)
      tpu.yield
    }) : () -> ()
    %run_scoped3A_19 = arith.constant 12 : i32
    "tpu.region"() ({
      %run_scoped3A_27 = tpu.sem_alloc : memref<!tpu.dma_semaphore, #tpu.memory_space<semaphore_mem>>
      %dma_start3A = arith.constant 6144 : i32
      %dma_start3A_28 = tpu.memref_slice %arg23[%dma_start3A] : memref<10240xf32, #tpu.memory_space<vmem>> -> memref<512xf32, #tpu.memory_space<vmem>>
      %dma_start3A_29 = tpu.memref_slice %arg11[%run_scoped3A_19, %mul3A_7] : memref<20x16384xf32, #tpu.memory_space<hbm>> -> memref<1x512xf32, #tpu.memory_space<hbm>>
      %dma_start3A_30 = tpu.memref_squeeze %dma_start3A_29 : memref<1x512xf32, #tpu.memory_space<hbm>> -> memref<512xf32, #tpu.memory_space<hbm>>
      %dma_start3A_31 = tpu.memref_slice %arg11[%run_scoped3A_19, %mul3A_7] : memref<20x16384xf32, #tpu.memory_space<hbm>> -> memref<1x512xf32, #tpu.memory_space<hbm>>
      %dma_start3A_32 = tpu.memref_squeeze %dma_start3A_31 : memref<1x512xf32, #tpu.memory_space<hbm>> -> memref<512xf32, #tpu.memory_space<hbm>>
      %dma_start3A_33 = arith.constant 6144 : i32
      %dma_start3A_34 = tpu.memref_slice %arg23[%dma_start3A_33] : memref<10240xf32, #tpu.memory_space<vmem>> -> memref<512xf32, #tpu.memory_space<vmem>>
      tpu.enqueue_dma source(%dma_start3A_34 : memref<512xf32, #tpu.memory_space<vmem>>) target(%dma_start3A_32 : memref<512xf32, #tpu.memory_space<hbm>>) target_semaphore(%run_scoped3A_27 : memref<!tpu.dma_semaphore, #tpu.memory_space<semaphore_mem>>)
      %dma_wait3A = arith.constant 6144 : i32
      %dma_wait3A_35 = tpu.memref_slice %arg23[%dma_wait3A] : memref<10240xf32, #tpu.memory_space<vmem>> -> memref<512xf32, #tpu.memory_space<vmem>>
      %dma_wait3A_36 = tpu.memref_slice %arg11[%run_scoped3A_19, %mul3A_7] : memref<20x16384xf32, #tpu.memory_space<hbm>> -> memref<1x512xf32, #tpu.memory_space<hbm>>
      %dma_wait3A_37 = tpu.memref_squeeze %dma_wait3A_36 : memref<1x512xf32, #tpu.memory_space<hbm>> -> memref<512xf32, #tpu.memory_space<hbm>>
      %dma_wait3A_38 = tpu.memref_slice %arg11[%run_scoped3A_19, %mul3A_7] : memref<20x16384xf32, #tpu.memory_space<hbm>> -> memref<1x512xf32, #tpu.memory_space<hbm>>
      %dma_wait3A_39 = tpu.memref_squeeze %dma_wait3A_38 : memref<1x512xf32, #tpu.memory_space<hbm>> -> memref<512xf32, #tpu.memory_space<hbm>>
      %dma_wait3A_40 = arith.constant 6144 : i32
      %dma_wait3A_41 = tpu.memref_slice %arg23[%dma_wait3A_40] : memref<10240xf32, #tpu.memory_space<vmem>> -> memref<512xf32, #tpu.memory_space<vmem>>
      tpu.wait_dma2 semaphore(%run_scoped3A_27 : memref<!tpu.dma_semaphore, #tpu.memory_space<semaphore_mem>>) src(%dma_wait3A_41 : memref<512xf32, #tpu.memory_space<vmem>>) dst(%dma_wait3A_39 : memref<512xf32, #tpu.memory_space<hbm>>)
      tpu.yield
    }) : () -> ()
    %run_scoped3A_20 = arith.constant 13 : i32
    "tpu.region"() ({
      %run_scoped3A_27 = tpu.sem_alloc : memref<!tpu.dma_semaphore, #tpu.memory_space<semaphore_mem>>
      %dma_start3A = arith.constant 6656 : i32
      %dma_start3A_28 = tpu.memref_slice %arg23[%dma_start3A] : memref<10240xf32, #tpu.memory_space<vmem>> -> memref<512xf32, #tpu.memory_space<vmem>>
      %dma_start3A_29 = tpu.memref_slice %arg11[%run_scoped3A_20, %mul3A_7] : memref<20x16384xf32, #tpu.memory_space<hbm>> -> memref<1x512xf32, #tpu.memory_space<hbm>>
      %dma_start3A_30 = tpu.memref_squeeze %dma_start3A_29 : memref<1x512xf32, #tpu.memory_space<hbm>> -> memref<512xf32, #tpu.memory_space<hbm>>
      %dma_start3A_31 = tpu.memref_slice %arg11[%run_scoped3A_20, %mul3A_7] : memref<20x16384xf32, #tpu.memory_space<hbm>> -> memref<1x512xf32, #tpu.memory_space<hbm>>
      %dma_start3A_32 = tpu.memref_squeeze %dma_start3A_31 : memref<1x512xf32, #tpu.memory_space<hbm>> -> memref<512xf32, #tpu.memory_space<hbm>>
      %dma_start3A_33 = arith.constant 6656 : i32
      %dma_start3A_34 = tpu.memref_slice %arg23[%dma_start3A_33] : memref<10240xf32, #tpu.memory_space<vmem>> -> memref<512xf32, #tpu.memory_space<vmem>>
      tpu.enqueue_dma source(%dma_start3A_34 : memref<512xf32, #tpu.memory_space<vmem>>) target(%dma_start3A_32 : memref<512xf32, #tpu.memory_space<hbm>>) target_semaphore(%run_scoped3A_27 : memref<!tpu.dma_semaphore, #tpu.memory_space<semaphore_mem>>)
      %dma_wait3A = arith.constant 6656 : i32
      %dma_wait3A_35 = tpu.memref_slice %arg23[%dma_wait3A] : memref<10240xf32, #tpu.memory_space<vmem>> -> memref<512xf32, #tpu.memory_space<vmem>>
      %dma_wait3A_36 = tpu.memref_slice %arg11[%run_scoped3A_20, %mul3A_7] : memref<20x16384xf32, #tpu.memory_space<hbm>> -> memref<1x512xf32, #tpu.memory_space<hbm>>
      %dma_wait3A_37 = tpu.memref_squeeze %dma_wait3A_36 : memref<1x512xf32, #tpu.memory_space<hbm>> -> memref<512xf32, #tpu.memory_space<hbm>>
      %dma_wait3A_38 = tpu.memref_slice %arg11[%run_scoped3A_20, %mul3A_7] : memref<20x16384xf32, #tpu.memory_space<hbm>> -> memref<1x512xf32, #tpu.memory_space<hbm>>
      %dma_wait3A_39 = tpu.memref_squeeze %dma_wait3A_38 : memref<1x512xf32, #tpu.memory_space<hbm>> -> memref<512xf32, #tpu.memory_space<hbm>>
      %dma_wait3A_40 = arith.constant 6656 : i32
      %dma_wait3A_41 = tpu.memref_slice %arg23[%dma_wait3A_40] : memref<10240xf32, #tpu.memory_space<vmem>> -> memref<512xf32, #tpu.memory_space<vmem>>
      tpu.wait_dma2 semaphore(%run_scoped3A_27 : memref<!tpu.dma_semaphore, #tpu.memory_space<semaphore_mem>>) src(%dma_wait3A_41 : memref<512xf32, #tpu.memory_space<vmem>>) dst(%dma_wait3A_39 : memref<512xf32, #tpu.memory_space<hbm>>)
      tpu.yield
    }) : () -> ()
    %run_scoped3A_21 = arith.constant 14 : i32
    "tpu.region"() ({
      %run_scoped3A_27 = tpu.sem_alloc : memref<!tpu.dma_semaphore, #tpu.memory_space<semaphore_mem>>
      %dma_start3A = arith.constant 7168 : i32
      %dma_start3A_28 = tpu.memref_slice %arg23[%dma_start3A] : memref<10240xf32, #tpu.memory_space<vmem>> -> memref<512xf32, #tpu.memory_space<vmem>>
      %dma_start3A_29 = tpu.memref_slice %arg11[%run_scoped3A_21, %mul3A_7] : memref<20x16384xf32, #tpu.memory_space<hbm>> -> memref<1x512xf32, #tpu.memory_space<hbm>>
      %dma_start3A_30 = tpu.memref_squeeze %dma_start3A_29 : memref<1x512xf32, #tpu.memory_space<hbm>> -> memref<512xf32, #tpu.memory_space<hbm>>
      %dma_start3A_31 = tpu.memref_slice %arg11[%run_scoped3A_21, %mul3A_7] : memref<20x16384xf32, #tpu.memory_space<hbm>> -> memref<1x512xf32, #tpu.memory_space<hbm>>
      %dma_start3A_32 = tpu.memref_squeeze %dma_start3A_31 : memref<1x512xf32, #tpu.memory_space<hbm>> -> memref<512xf32, #tpu.memory_space<hbm>>
      %dma_start3A_33 = arith.constant 7168 : i32
      %dma_start3A_34 = tpu.memref_slice %arg23[%dma_start3A_33] : memref<10240xf32, #tpu.memory_space<vmem>> -> memref<512xf32, #tpu.memory_space<vmem>>
      tpu.enqueue_dma source(%dma_start3A_34 : memref<512xf32, #tpu.memory_space<vmem>>) target(%dma_start3A_32 : memref<512xf32, #tpu.memory_space<hbm>>) target_semaphore(%run_scoped3A_27 : memref<!tpu.dma_semaphore, #tpu.memory_space<semaphore_mem>>)
      %dma_wait3A = arith.constant 7168 : i32
      %dma_wait3A_35 = tpu.memref_slice %arg23[%dma_wait3A] : memref<10240xf32, #tpu.memory_space<vmem>> -> memref<512xf32, #tpu.memory_space<vmem>>
      %dma_wait3A_36 = tpu.memref_slice %arg11[%run_scoped3A_21, %mul3A_7] : memref<20x16384xf32, #tpu.memory_space<hbm>> -> memref<1x512xf32, #tpu.memory_space<hbm>>
      %dma_wait3A_37 = tpu.memref_squeeze %dma_wait3A_36 : memref<1x512xf32, #tpu.memory_space<hbm>> -> memref<512xf32, #tpu.memory_space<hbm>>
      %dma_wait3A_38 = tpu.memref_slice %arg11[%run_scoped3A_21, %mul3A_7] : memref<20x16384xf32, #tpu.memory_space<hbm>> -> memref<1x512xf32, #tpu.memory_space<hbm>>
      %dma_wait3A_39 = tpu.memref_squeeze %dma_wait3A_38 : memref<1x512xf32, #tpu.memory_space<hbm>> -> memref<512xf32, #tpu.memory_space<hbm>>
      %dma_wait3A_40 = arith.constant 7168 : i32
      %dma_wait3A_41 = tpu.memref_slice %arg23[%dma_wait3A_40] : memref<10240xf32, #tpu.memory_space<vmem>> -> memref<512xf32, #tpu.memory_space<vmem>>
      tpu.wait_dma2 semaphore(%run_scoped3A_27 : memref<!tpu.dma_semaphore, #tpu.memory_space<semaphore_mem>>) src(%dma_wait3A_41 : memref<512xf32, #tpu.memory_space<vmem>>) dst(%dma_wait3A_39 : memref<512xf32, #tpu.memory_space<hbm>>)
      tpu.yield
    }) : () -> ()
    %run_scoped3A_22 = arith.constant 15 : i32
    "tpu.region"() ({
      %run_scoped3A_27 = tpu.sem_alloc : memref<!tpu.dma_semaphore, #tpu.memory_space<semaphore_mem>>
      %dma_start3A = arith.constant 7680 : i32
      %dma_start3A_28 = tpu.memref_slice %arg23[%dma_start3A] : memref<10240xf32, #tpu.memory_space<vmem>> -> memref<512xf32, #tpu.memory_space<vmem>>
      %dma_start3A_29 = tpu.memref_slice %arg11[%run_scoped3A_22, %mul3A_7] : memref<20x16384xf32, #tpu.memory_space<hbm>> -> memref<1x512xf32, #tpu.memory_space<hbm>>
      %dma_start3A_30 = tpu.memref_squeeze %dma_start3A_29 : memref<1x512xf32, #tpu.memory_space<hbm>> -> memref<512xf32, #tpu.memory_space<hbm>>
      %dma_start3A_31 = tpu.memref_slice %arg11[%run_scoped3A_22, %mul3A_7] : memref<20x16384xf32, #tpu.memory_space<hbm>> -> memref<1x512xf32, #tpu.memory_space<hbm>>
      %dma_start3A_32 = tpu.memref_squeeze %dma_start3A_31 : memref<1x512xf32, #tpu.memory_space<hbm>> -> memref<512xf32, #tpu.memory_space<hbm>>
      %dma_start3A_33 = arith.constant 7680 : i32
      %dma_start3A_34 = tpu.memref_slice %arg23[%dma_start3A_33] : memref<10240xf32, #tpu.memory_space<vmem>> -> memref<512xf32, #tpu.memory_space<vmem>>
      tpu.enqueue_dma source(%dma_start3A_34 : memref<512xf32, #tpu.memory_space<vmem>>) target(%dma_start3A_32 : memref<512xf32, #tpu.memory_space<hbm>>) target_semaphore(%run_scoped3A_27 : memref<!tpu.dma_semaphore, #tpu.memory_space<semaphore_mem>>)
      %dma_wait3A = arith.constant 7680 : i32
      %dma_wait3A_35 = tpu.memref_slice %arg23[%dma_wait3A] : memref<10240xf32, #tpu.memory_space<vmem>> -> memref<512xf32, #tpu.memory_space<vmem>>
      %dma_wait3A_36 = tpu.memref_slice %arg11[%run_scoped3A_22, %mul3A_7] : memref<20x16384xf32, #tpu.memory_space<hbm>> -> memref<1x512xf32, #tpu.memory_space<hbm>>
      %dma_wait3A_37 = tpu.memref_squeeze %dma_wait3A_36 : memref<1x512xf32, #tpu.memory_space<hbm>> -> memref<512xf32, #tpu.memory_space<hbm>>
      %dma_wait3A_38 = tpu.memref_slice %arg11[%run_scoped3A_22, %mul3A_7] : memref<20x16384xf32, #tpu.memory_space<hbm>> -> memref<1x512xf32, #tpu.memory_space<hbm>>
      %dma_wait3A_39 = tpu.memref_squeeze %dma_wait3A_38 : memref<1x512xf32, #tpu.memory_space<hbm>> -> memref<512xf32, #tpu.memory_space<hbm>>
      %dma_wait3A_40 = arith.constant 7680 : i32
      %dma_wait3A_41 = tpu.memref_slice %arg23[%dma_wait3A_40] : memref<10240xf32, #tpu.memory_space<vmem>> -> memref<512xf32, #tpu.memory_space<vmem>>
      tpu.wait_dma2 semaphore(%run_scoped3A_27 : memref<!tpu.dma_semaphore, #tpu.memory_space<semaphore_mem>>) src(%dma_wait3A_41 : memref<512xf32, #tpu.memory_space<vmem>>) dst(%dma_wait3A_39 : memref<512xf32, #tpu.memory_space<hbm>>)
      tpu.yield
    }) : () -> ()
    %run_scoped3A_23 = arith.constant 16 : i32
    "tpu.region"() ({
      %run_scoped3A_27 = tpu.sem_alloc : memref<!tpu.dma_semaphore, #tpu.memory_space<semaphore_mem>>
      %dma_start3A = arith.constant 8192 : i32
      %dma_start3A_28 = tpu.memref_slice %arg23[%dma_start3A] : memref<10240xf32, #tpu.memory_space<vmem>> -> memref<512xf32, #tpu.memory_space<vmem>>
      %dma_start3A_29 = tpu.memref_slice %arg11[%run_scoped3A_23, %mul3A_7] : memref<20x16384xf32, #tpu.memory_space<hbm>> -> memref<1x512xf32, #tpu.memory_space<hbm>>
      %dma_start3A_30 = tpu.memref_squeeze %dma_start3A_29 : memref<1x512xf32, #tpu.memory_space<hbm>> -> memref<512xf32, #tpu.memory_space<hbm>>
      %dma_start3A_31 = tpu.memref_slice %arg11[%run_scoped3A_23, %mul3A_7] : memref<20x16384xf32, #tpu.memory_space<hbm>> -> memref<1x512xf32, #tpu.memory_space<hbm>>
      %dma_start3A_32 = tpu.memref_squeeze %dma_start3A_31 : memref<1x512xf32, #tpu.memory_space<hbm>> -> memref<512xf32, #tpu.memory_space<hbm>>
      %dma_start3A_33 = arith.constant 8192 : i32
      %dma_start3A_34 = tpu.memref_slice %arg23[%dma_start3A_33] : memref<10240xf32, #tpu.memory_space<vmem>> -> memref<512xf32, #tpu.memory_space<vmem>>
      tpu.enqueue_dma source(%dma_start3A_34 : memref<512xf32, #tpu.memory_space<vmem>>) target(%dma_start3A_32 : memref<512xf32, #tpu.memory_space<hbm>>) target_semaphore(%run_scoped3A_27 : memref<!tpu.dma_semaphore, #tpu.memory_space<semaphore_mem>>)
      %dma_wait3A = arith.constant 8192 : i32
      %dma_wait3A_35 = tpu.memref_slice %arg23[%dma_wait3A] : memref<10240xf32, #tpu.memory_space<vmem>> -> memref<512xf32, #tpu.memory_space<vmem>>
      %dma_wait3A_36 = tpu.memref_slice %arg11[%run_scoped3A_23, %mul3A_7] : memref<20x16384xf32, #tpu.memory_space<hbm>> -> memref<1x512xf32, #tpu.memory_space<hbm>>
      %dma_wait3A_37 = tpu.memref_squeeze %dma_wait3A_36 : memref<1x512xf32, #tpu.memory_space<hbm>> -> memref<512xf32, #tpu.memory_space<hbm>>
      %dma_wait3A_38 = tpu.memref_slice %arg11[%run_scoped3A_23, %mul3A_7] : memref<20x16384xf32, #tpu.memory_space<hbm>> -> memref<1x512xf32, #tpu.memory_space<hbm>>
      %dma_wait3A_39 = tpu.memref_squeeze %dma_wait3A_38 : memref<1x512xf32, #tpu.memory_space<hbm>> -> memref<512xf32, #tpu.memory_space<hbm>>
      %dma_wait3A_40 = arith.constant 8192 : i32
      %dma_wait3A_41 = tpu.memref_slice %arg23[%dma_wait3A_40] : memref<10240xf32, #tpu.memory_space<vmem>> -> memref<512xf32, #tpu.memory_space<vmem>>
      tpu.wait_dma2 semaphore(%run_scoped3A_27 : memref<!tpu.dma_semaphore, #tpu.memory_space<semaphore_mem>>) src(%dma_wait3A_41 : memref<512xf32, #tpu.memory_space<vmem>>) dst(%dma_wait3A_39 : memref<512xf32, #tpu.memory_space<hbm>>)
      tpu.yield
    }) : () -> ()
    %run_scoped3A_24 = arith.constant 17 : i32
    "tpu.region"() ({
      %run_scoped3A_27 = tpu.sem_alloc : memref<!tpu.dma_semaphore, #tpu.memory_space<semaphore_mem>>
      %dma_start3A = arith.constant 8704 : i32
      %dma_start3A_28 = tpu.memref_slice %arg23[%dma_start3A] : memref<10240xf32, #tpu.memory_space<vmem>> -> memref<512xf32, #tpu.memory_space<vmem>>
      %dma_start3A_29 = tpu.memref_slice %arg11[%run_scoped3A_24, %mul3A_7] : memref<20x16384xf32, #tpu.memory_space<hbm>> -> memref<1x512xf32, #tpu.memory_space<hbm>>
      %dma_start3A_30 = tpu.memref_squeeze %dma_start3A_29 : memref<1x512xf32, #tpu.memory_space<hbm>> -> memref<512xf32, #tpu.memory_space<hbm>>
      %dma_start3A_31 = tpu.memref_slice %arg11[%run_scoped3A_24, %mul3A_7] : memref<20x16384xf32, #tpu.memory_space<hbm>> -> memref<1x512xf32, #tpu.memory_space<hbm>>
      %dma_start3A_32 = tpu.memref_squeeze %dma_start3A_31 : memref<1x512xf32, #tpu.memory_space<hbm>> -> memref<512xf32, #tpu.memory_space<hbm>>
      %dma_start3A_33 = arith.constant 8704 : i32
      %dma_start3A_34 = tpu.memref_slice %arg23[%dma_start3A_33] : memref<10240xf32, #tpu.memory_space<vmem>> -> memref<512xf32, #tpu.memory_space<vmem>>
      tpu.enqueue_dma source(%dma_start3A_34 : memref<512xf32, #tpu.memory_space<vmem>>) target(%dma_start3A_32 : memref<512xf32, #tpu.memory_space<hbm>>) target_semaphore(%run_scoped3A_27 : memref<!tpu.dma_semaphore, #tpu.memory_space<semaphore_mem>>)
      %dma_wait3A = arith.constant 8704 : i32
      %dma_wait3A_35 = tpu.memref_slice %arg23[%dma_wait3A] : memref<10240xf32, #tpu.memory_space<vmem>> -> memref<512xf32, #tpu.memory_space<vmem>>
      %dma_wait3A_36 = tpu.memref_slice %arg11[%run_scoped3A_24, %mul3A_7] : memref<20x16384xf32, #tpu.memory_space<hbm>> -> memref<1x512xf32, #tpu.memory_space<hbm>>
      %dma_wait3A_37 = tpu.memref_squeeze %dma_wait3A_36 : memref<1x512xf32, #tpu.memory_space<hbm>> -> memref<512xf32, #tpu.memory_space<hbm>>
      %dma_wait3A_38 = tpu.memref_slice %arg11[%run_scoped3A_24, %mul3A_7] : memref<20x16384xf32, #tpu.memory_space<hbm>> -> memref<1x512xf32, #tpu.memory_space<hbm>>
      %dma_wait3A_39 = tpu.memref_squeeze %dma_wait3A_38 : memref<1x512xf32, #tpu.memory_space<hbm>> -> memref<512xf32, #tpu.memory_space<hbm>>
      %dma_wait3A_40 = arith.constant 8704 : i32
      %dma_wait3A_41 = tpu.memref_slice %arg23[%dma_wait3A_40] : memref<10240xf32, #tpu.memory_space<vmem>> -> memref<512xf32, #tpu.memory_space<vmem>>
      tpu.wait_dma2 semaphore(%run_scoped3A_27 : memref<!tpu.dma_semaphore, #tpu.memory_space<semaphore_mem>>) src(%dma_wait3A_41 : memref<512xf32, #tpu.memory_space<vmem>>) dst(%dma_wait3A_39 : memref<512xf32, #tpu.memory_space<hbm>>)
      tpu.yield
    }) : () -> ()
    %run_scoped3A_25 = arith.constant 18 : i32
    "tpu.region"() ({
      %run_scoped3A_27 = tpu.sem_alloc : memref<!tpu.dma_semaphore, #tpu.memory_space<semaphore_mem>>
      %dma_start3A = arith.constant 9216 : i32
      %dma_start3A_28 = tpu.memref_slice %arg23[%dma_start3A] : memref<10240xf32, #tpu.memory_space<vmem>> -> memref<512xf32, #tpu.memory_space<vmem>>
      %dma_start3A_29 = tpu.memref_slice %arg11[%run_scoped3A_25, %mul3A_7] : memref<20x16384xf32, #tpu.memory_space<hbm>> -> memref<1x512xf32, #tpu.memory_space<hbm>>
      %dma_start3A_30 = tpu.memref_squeeze %dma_start3A_29 : memref<1x512xf32, #tpu.memory_space<hbm>> -> memref<512xf32, #tpu.memory_space<hbm>>
      %dma_start3A_31 = tpu.memref_slice %arg11[%run_scoped3A_25, %mul3A_7] : memref<20x16384xf32, #tpu.memory_space<hbm>> -> memref<1x512xf32, #tpu.memory_space<hbm>>
      %dma_start3A_32 = tpu.memref_squeeze %dma_start3A_31 : memref<1x512xf32, #tpu.memory_space<hbm>> -> memref<512xf32, #tpu.memory_space<hbm>>
      %dma_start3A_33 = arith.constant 9216 : i32
      %dma_start3A_34 = tpu.memref_slice %arg23[%dma_start3A_33] : memref<10240xf32, #tpu.memory_space<vmem>> -> memref<512xf32, #tpu.memory_space<vmem>>
      tpu.enqueue_dma source(%dma_start3A_34 : memref<512xf32, #tpu.memory_space<vmem>>) target(%dma_start3A_32 : memref<512xf32, #tpu.memory_space<hbm>>) target_semaphore(%run_scoped3A_27 : memref<!tpu.dma_semaphore, #tpu.memory_space<semaphore_mem>>)
      %dma_wait3A = arith.constant 9216 : i32
      %dma_wait3A_35 = tpu.memref_slice %arg23[%dma_wait3A] : memref<10240xf32, #tpu.memory_space<vmem>> -> memref<512xf32, #tpu.memory_space<vmem>>
      %dma_wait3A_36 = tpu.memref_slice %arg11[%run_scoped3A_25, %mul3A_7] : memref<20x16384xf32, #tpu.memory_space<hbm>> -> memref<1x512xf32, #tpu.memory_space<hbm>>
      %dma_wait3A_37 = tpu.memref_squeeze %dma_wait3A_36 : memref<1x512xf32, #tpu.memory_space<hbm>> -> memref<512xf32, #tpu.memory_space<hbm>>
      %dma_wait3A_38 = tpu.memref_slice %arg11[%run_scoped3A_25, %mul3A_7] : memref<20x16384xf32, #tpu.memory_space<hbm>> -> memref<1x512xf32, #tpu.memory_space<hbm>>
      %dma_wait3A_39 = tpu.memref_squeeze %dma_wait3A_38 : memref<1x512xf32, #tpu.memory_space<hbm>> -> memref<512xf32, #tpu.memory_space<hbm>>
      %dma_wait3A_40 = arith.constant 9216 : i32
      %dma_wait3A_41 = tpu.memref_slice %arg23[%dma_wait3A_40] : memref<10240xf32, #tpu.memory_space<vmem>> -> memref<512xf32, #tpu.memory_space<vmem>>
      tpu.wait_dma2 semaphore(%run_scoped3A_27 : memref<!tpu.dma_semaphore, #tpu.memory_space<semaphore_mem>>) src(%dma_wait3A_41 : memref<512xf32, #tpu.memory_space<vmem>>) dst(%dma_wait3A_39 : memref<512xf32, #tpu.memory_space<hbm>>)
      tpu.yield
    }) : () -> ()
    %run_scoped3A_26 = arith.constant 19 : i32
    "tpu.region"() ({
      %run_scoped3A_27 = tpu.sem_alloc : memref<!tpu.dma_semaphore, #tpu.memory_space<semaphore_mem>>
      %dma_start3A = arith.constant 9728 : i32
      %dma_start3A_28 = tpu.memref_slice %arg23[%dma_start3A] : memref<10240xf32, #tpu.memory_space<vmem>> -> memref<512xf32, #tpu.memory_space<vmem>>
      %dma_start3A_29 = tpu.memref_slice %arg11[%run_scoped3A_26, %mul3A_7] : memref<20x16384xf32, #tpu.memory_space<hbm>> -> memref<1x512xf32, #tpu.memory_space<hbm>>
      %dma_start3A_30 = tpu.memref_squeeze %dma_start3A_29 : memref<1x512xf32, #tpu.memory_space<hbm>> -> memref<512xf32, #tpu.memory_space<hbm>>
      %dma_start3A_31 = tpu.memref_slice %arg11[%run_scoped3A_26, %mul3A_7] : memref<20x16384xf32, #tpu.memory_space<hbm>> -> memref<1x512xf32, #tpu.memory_space<hbm>>
      %dma_start3A_32 = tpu.memref_squeeze %dma_start3A_31 : memref<1x512xf32, #tpu.memory_space<hbm>> -> memref<512xf32, #tpu.memory_space<hbm>>
      %dma_start3A_33 = arith.constant 9728 : i32
      %dma_start3A_34 = tpu.memref_slice %arg23[%dma_start3A_33] : memref<10240xf32, #tpu.memory_space<vmem>> -> memref<512xf32, #tpu.memory_space<vmem>>
      tpu.enqueue_dma source(%dma_start3A_34 : memref<512xf32, #tpu.memory_space<vmem>>) target(%dma_start3A_32 : memref<512xf32, #tpu.memory_space<hbm>>) target_semaphore(%run_scoped3A_27 : memref<!tpu.dma_semaphore, #tpu.memory_space<semaphore_mem>>)
      %dma_wait3A = arith.constant 9728 : i32
      %dma_wait3A_35 = tpu.memref_slice %arg23[%dma_wait3A] : memref<10240xf32, #tpu.memory_space<vmem>> -> memref<512xf32, #tpu.memory_space<vmem>>
      %dma_wait3A_36 = tpu.memref_slice %arg11[%run_scoped3A_26, %mul3A_7] : memref<20x16384xf32, #tpu.memory_space<hbm>> -> memref<1x512xf32, #tpu.memory_space<hbm>>
      %dma_wait3A_37 = tpu.memref_squeeze %dma_wait3A_36 : memref<1x512xf32, #tpu.memory_space<hbm>> -> memref<512xf32, #tpu.memory_space<hbm>>
      %dma_wait3A_38 = tpu.memref_slice %arg11[%run_scoped3A_26, %mul3A_7] : memref<20x16384xf32, #tpu.memory_space<hbm>> -> memref<1x512xf32, #tpu.memory_space<hbm>>
      %dma_wait3A_39 = tpu.memref_squeeze %dma_wait3A_38 : memref<1x512xf32, #tpu.memory_space<hbm>> -> memref<512xf32, #tpu.memory_space<hbm>>
      %dma_wait3A_40 = arith.constant 9728 : i32
      %dma_wait3A_41 = tpu.memref_slice %arg23[%dma_wait3A_40] : memref<10240xf32, #tpu.memory_space<vmem>> -> memref<512xf32, #tpu.memory_space<vmem>>
      tpu.wait_dma2 semaphore(%run_scoped3A_27 : memref<!tpu.dma_semaphore, #tpu.memory_space<semaphore_mem>>) src(%dma_wait3A_41 : memref<512xf32, #tpu.memory_space<vmem>>) dst(%dma_wait3A_39 : memref<512xf32, #tpu.memory_space<hbm>>)
      tpu.yield
    }) : () -> ()
    return
  }
}

module attributes {stable_mosaic.version = 14 : i64} {
  func.func @_tc_body(%arg0: memref<128x128xf32, #tpu.memory_space<vmem>>, %arg1: memref<128x128xf32, #tpu.memory_space<vmem>>, %arg2: memref<128x128xf32, #tpu.memory_space<vmem>>, %arg3: memref<20x128x128xf32, #tpu.memory_space<vmem>>, %arg4: memref<1x1xf32, #tpu.memory_space<vmem>>, %arg5: memref<1x1xf32, #tpu.memory_space<vmem>>) attributes {dimension_semantics = [], scalar_prefetch = 0 : i64, scratch_operands = 0 : i64, tpu.core_type = #tpu.core_type<tc>} {
    %get3A = arith.constant 0 : index
    %get3A_0 = arith.constant 0 : index
    %get3A_1 = vector.load %arg0[%get3A, %get3A_0] : memref<128x128xf32, #tpu.memory_space<vmem>>, vector<128x128xf32>
    %add3A = arith.constant 9.99999996E-13 : f32
    %add3A_2 = vector.broadcast %add3A : f32 to vector<128x128xf32>
    %add3A_3 = arith.addf %get3A_1, %add3A_2 : vector<128x128xf32>
    %sqrt3A = math.sqrt %add3A_3 : vector<128x128xf32>
    %get3A_4 = arith.constant 0 : index
    %get3A_5 = arith.constant 0 : index
    %get3A_6 = vector.load %arg1[%get3A_4, %get3A_5] : memref<128x128xf32, #tpu.memory_space<vmem>>, vector<128x128xf32>
    %add3A_7 = arith.constant 9.99999996E-13 : f32
    %add3A_8 = vector.broadcast %add3A_7 : f32 to vector<128x128xf32>
    %add3A_9 = arith.addf %get3A_6, %add3A_8 : vector<128x128xf32>
    %sqrt3A_10 = math.sqrt %add3A_9 : vector<128x128xf32>
    %get3A_11 = arith.constant 0 : index
    %get3A_12 = arith.constant 0 : index
    %get3A_13 = arith.constant 0 : index
    %get3A_14 = vector.load %arg3[%get3A_11, %get3A_12, %get3A_13] : memref<20x128x128xf32, #tpu.memory_space<vmem>>, vector<1x128x128xf32>
    %get3A_15 = vector.shape_cast %get3A_14 : vector<1x128x128xf32> to vector<128x128xf32>
    %add3A_16 = arith.constant 9.99999996E-13 : f32
    %add3A_17 = vector.broadcast %add3A_16 : f32 to vector<128x128xf32>
    %add3A_18 = arith.addf %get3A_15, %add3A_17 : vector<128x128xf32>
    %sqrt3A_19 = math.sqrt %add3A_18 : vector<128x128xf32>
    %get3A_20 = arith.constant 1 : index
    %get3A_21 = arith.constant 0 : index
    %get3A_22 = arith.constant 0 : index
    %get3A_23 = vector.load %arg3[%get3A_20, %get3A_21, %get3A_22] : memref<20x128x128xf32, #tpu.memory_space<vmem>>, vector<1x128x128xf32>
    %get3A_24 = vector.shape_cast %get3A_23 : vector<1x128x128xf32> to vector<128x128xf32>
    %add3A_25 = arith.constant 9.99999996E-13 : f32
    %add3A_26 = vector.broadcast %add3A_25 : f32 to vector<128x128xf32>
    %add3A_27 = arith.addf %get3A_24, %add3A_26 : vector<128x128xf32>
    %sqrt3A_28 = math.sqrt %add3A_27 : vector<128x128xf32>
    %add3A_29 = arith.addf %sqrt3A_19, %sqrt3A_28 : vector<128x128xf32>
    %get3A_30 = arith.constant 2 : index
    %get3A_31 = arith.constant 0 : index
    %get3A_32 = arith.constant 0 : index
    %get3A_33 = vector.load %arg3[%get3A_30, %get3A_31, %get3A_32] : memref<20x128x128xf32, #tpu.memory_space<vmem>>, vector<1x128x128xf32>
    %get3A_34 = vector.shape_cast %get3A_33 : vector<1x128x128xf32> to vector<128x128xf32>
    %add3A_35 = arith.constant 9.99999996E-13 : f32
    %add3A_36 = vector.broadcast %add3A_35 : f32 to vector<128x128xf32>
    %add3A_37 = arith.addf %get3A_34, %add3A_36 : vector<128x128xf32>
    %sqrt3A_38 = math.sqrt %add3A_37 : vector<128x128xf32>
    %add3A_39 = arith.addf %add3A_29, %sqrt3A_38 : vector<128x128xf32>
    %get3A_40 = arith.constant 3 : index
    %get3A_41 = arith.constant 0 : index
    %get3A_42 = arith.constant 0 : index
    %get3A_43 = vector.load %arg3[%get3A_40, %get3A_41, %get3A_42] : memref<20x128x128xf32, #tpu.memory_space<vmem>>, vector<1x128x128xf32>
    %get3A_44 = vector.shape_cast %get3A_43 : vector<1x128x128xf32> to vector<128x128xf32>
    %add3A_45 = arith.constant 9.99999996E-13 : f32
    %add3A_46 = vector.broadcast %add3A_45 : f32 to vector<128x128xf32>
    %add3A_47 = arith.addf %get3A_44, %add3A_46 : vector<128x128xf32>
    %sqrt3A_48 = math.sqrt %add3A_47 : vector<128x128xf32>
    %add3A_49 = arith.addf %add3A_39, %sqrt3A_48 : vector<128x128xf32>
    %get3A_50 = arith.constant 4 : index
    %get3A_51 = arith.constant 0 : index
    %get3A_52 = arith.constant 0 : index
    %get3A_53 = vector.load %arg3[%get3A_50, %get3A_51, %get3A_52] : memref<20x128x128xf32, #tpu.memory_space<vmem>>, vector<1x128x128xf32>
    %get3A_54 = vector.shape_cast %get3A_53 : vector<1x128x128xf32> to vector<128x128xf32>
    %add3A_55 = arith.constant 9.99999996E-13 : f32
    %add3A_56 = vector.broadcast %add3A_55 : f32 to vector<128x128xf32>
    %add3A_57 = arith.addf %get3A_54, %add3A_56 : vector<128x128xf32>
    %sqrt3A_58 = math.sqrt %add3A_57 : vector<128x128xf32>
    %add3A_59 = arith.addf %add3A_49, %sqrt3A_58 : vector<128x128xf32>
    %get3A_60 = arith.constant 5 : index
    %get3A_61 = arith.constant 0 : index
    %get3A_62 = arith.constant 0 : index
    %get3A_63 = vector.load %arg3[%get3A_60, %get3A_61, %get3A_62] : memref<20x128x128xf32, #tpu.memory_space<vmem>>, vector<1x128x128xf32>
    %get3A_64 = vector.shape_cast %get3A_63 : vector<1x128x128xf32> to vector<128x128xf32>
    %add3A_65 = arith.constant 9.99999996E-13 : f32
    %add3A_66 = vector.broadcast %add3A_65 : f32 to vector<128x128xf32>
    %add3A_67 = arith.addf %get3A_64, %add3A_66 : vector<128x128xf32>
    %sqrt3A_68 = math.sqrt %add3A_67 : vector<128x128xf32>
    %add3A_69 = arith.addf %add3A_59, %sqrt3A_68 : vector<128x128xf32>
    %get3A_70 = arith.constant 6 : index
    %get3A_71 = arith.constant 0 : index
    %get3A_72 = arith.constant 0 : index
    %get3A_73 = vector.load %arg3[%get3A_70, %get3A_71, %get3A_72] : memref<20x128x128xf32, #tpu.memory_space<vmem>>, vector<1x128x128xf32>
    %get3A_74 = vector.shape_cast %get3A_73 : vector<1x128x128xf32> to vector<128x128xf32>
    %add3A_75 = arith.constant 9.99999996E-13 : f32
    %add3A_76 = vector.broadcast %add3A_75 : f32 to vector<128x128xf32>
    %add3A_77 = arith.addf %get3A_74, %add3A_76 : vector<128x128xf32>
    %sqrt3A_78 = math.sqrt %add3A_77 : vector<128x128xf32>
    %add3A_79 = arith.addf %add3A_69, %sqrt3A_78 : vector<128x128xf32>
    %get3A_80 = arith.constant 7 : index
    %get3A_81 = arith.constant 0 : index
    %get3A_82 = arith.constant 0 : index
    %get3A_83 = vector.load %arg3[%get3A_80, %get3A_81, %get3A_82] : memref<20x128x128xf32, #tpu.memory_space<vmem>>, vector<1x128x128xf32>
    %get3A_84 = vector.shape_cast %get3A_83 : vector<1x128x128xf32> to vector<128x128xf32>
    %add3A_85 = arith.constant 9.99999996E-13 : f32
    %add3A_86 = vector.broadcast %add3A_85 : f32 to vector<128x128xf32>
    %add3A_87 = arith.addf %get3A_84, %add3A_86 : vector<128x128xf32>
    %sqrt3A_88 = math.sqrt %add3A_87 : vector<128x128xf32>
    %add3A_89 = arith.addf %add3A_79, %sqrt3A_88 : vector<128x128xf32>
    %get3A_90 = arith.constant 8 : index
    %get3A_91 = arith.constant 0 : index
    %get3A_92 = arith.constant 0 : index
    %get3A_93 = vector.load %arg3[%get3A_90, %get3A_91, %get3A_92] : memref<20x128x128xf32, #tpu.memory_space<vmem>>, vector<1x128x128xf32>
    %get3A_94 = vector.shape_cast %get3A_93 : vector<1x128x128xf32> to vector<128x128xf32>
    %add3A_95 = arith.constant 9.99999996E-13 : f32
    %add3A_96 = vector.broadcast %add3A_95 : f32 to vector<128x128xf32>
    %add3A_97 = arith.addf %get3A_94, %add3A_96 : vector<128x128xf32>
    %sqrt3A_98 = math.sqrt %add3A_97 : vector<128x128xf32>
    %add3A_99 = arith.addf %add3A_89, %sqrt3A_98 : vector<128x128xf32>
    %get3A_100 = arith.constant 9 : index
    %get3A_101 = arith.constant 0 : index
    %get3A_102 = arith.constant 0 : index
    %get3A_103 = vector.load %arg3[%get3A_100, %get3A_101, %get3A_102] : memref<20x128x128xf32, #tpu.memory_space<vmem>>, vector<1x128x128xf32>
    %get3A_104 = vector.shape_cast %get3A_103 : vector<1x128x128xf32> to vector<128x128xf32>
    %add3A_105 = arith.constant 9.99999996E-13 : f32
    %add3A_106 = vector.broadcast %add3A_105 : f32 to vector<128x128xf32>
    %add3A_107 = arith.addf %get3A_104, %add3A_106 : vector<128x128xf32>
    %sqrt3A_108 = math.sqrt %add3A_107 : vector<128x128xf32>
    %add3A_109 = arith.addf %add3A_99, %sqrt3A_108 : vector<128x128xf32>
    %get3A_110 = arith.constant 10 : index
    %get3A_111 = arith.constant 0 : index
    %get3A_112 = arith.constant 0 : index
    %get3A_113 = vector.load %arg3[%get3A_110, %get3A_111, %get3A_112] : memref<20x128x128xf32, #tpu.memory_space<vmem>>, vector<1x128x128xf32>
    %get3A_114 = vector.shape_cast %get3A_113 : vector<1x128x128xf32> to vector<128x128xf32>
    %add3A_115 = arith.constant 9.99999996E-13 : f32
    %add3A_116 = vector.broadcast %add3A_115 : f32 to vector<128x128xf32>
    %add3A_117 = arith.addf %get3A_114, %add3A_116 : vector<128x128xf32>
    %sqrt3A_118 = math.sqrt %add3A_117 : vector<128x128xf32>
    %add3A_119 = arith.addf %add3A_109, %sqrt3A_118 : vector<128x128xf32>
    %get3A_120 = arith.constant 11 : index
    %get3A_121 = arith.constant 0 : index
    %get3A_122 = arith.constant 0 : index
    %get3A_123 = vector.load %arg3[%get3A_120, %get3A_121, %get3A_122] : memref<20x128x128xf32, #tpu.memory_space<vmem>>, vector<1x128x128xf32>
    %get3A_124 = vector.shape_cast %get3A_123 : vector<1x128x128xf32> to vector<128x128xf32>
    %add3A_125 = arith.constant 9.99999996E-13 : f32
    %add3A_126 = vector.broadcast %add3A_125 : f32 to vector<128x128xf32>
    %add3A_127 = arith.addf %get3A_124, %add3A_126 : vector<128x128xf32>
    %sqrt3A_128 = math.sqrt %add3A_127 : vector<128x128xf32>
    %add3A_129 = arith.addf %add3A_119, %sqrt3A_128 : vector<128x128xf32>
    %get3A_130 = arith.constant 12 : index
    %get3A_131 = arith.constant 0 : index
    %get3A_132 = arith.constant 0 : index
    %get3A_133 = vector.load %arg3[%get3A_130, %get3A_131, %get3A_132] : memref<20x128x128xf32, #tpu.memory_space<vmem>>, vector<1x128x128xf32>
    %get3A_134 = vector.shape_cast %get3A_133 : vector<1x128x128xf32> to vector<128x128xf32>
    %add3A_135 = arith.constant 9.99999996E-13 : f32
    %add3A_136 = vector.broadcast %add3A_135 : f32 to vector<128x128xf32>
    %add3A_137 = arith.addf %get3A_134, %add3A_136 : vector<128x128xf32>
    %sqrt3A_138 = math.sqrt %add3A_137 : vector<128x128xf32>
    %add3A_139 = arith.addf %add3A_129, %sqrt3A_138 : vector<128x128xf32>
    %get3A_140 = arith.constant 13 : index
    %get3A_141 = arith.constant 0 : index
    %get3A_142 = arith.constant 0 : index
    %get3A_143 = vector.load %arg3[%get3A_140, %get3A_141, %get3A_142] : memref<20x128x128xf32, #tpu.memory_space<vmem>>, vector<1x128x128xf32>
    %get3A_144 = vector.shape_cast %get3A_143 : vector<1x128x128xf32> to vector<128x128xf32>
    %add3A_145 = arith.constant 9.99999996E-13 : f32
    %add3A_146 = vector.broadcast %add3A_145 : f32 to vector<128x128xf32>
    %add3A_147 = arith.addf %get3A_144, %add3A_146 : vector<128x128xf32>
    %sqrt3A_148 = math.sqrt %add3A_147 : vector<128x128xf32>
    %add3A_149 = arith.addf %add3A_139, %sqrt3A_148 : vector<128x128xf32>
    %get3A_150 = arith.constant 14 : index
    %get3A_151 = arith.constant 0 : index
    %get3A_152 = arith.constant 0 : index
    %get3A_153 = vector.load %arg3[%get3A_150, %get3A_151, %get3A_152] : memref<20x128x128xf32, #tpu.memory_space<vmem>>, vector<1x128x128xf32>
    %get3A_154 = vector.shape_cast %get3A_153 : vector<1x128x128xf32> to vector<128x128xf32>
    %add3A_155 = arith.constant 9.99999996E-13 : f32
    %add3A_156 = vector.broadcast %add3A_155 : f32 to vector<128x128xf32>
    %add3A_157 = arith.addf %get3A_154, %add3A_156 : vector<128x128xf32>
    %sqrt3A_158 = math.sqrt %add3A_157 : vector<128x128xf32>
    %add3A_159 = arith.addf %add3A_149, %sqrt3A_158 : vector<128x128xf32>
    %get3A_160 = arith.constant 15 : index
    %get3A_161 = arith.constant 0 : index
    %get3A_162 = arith.constant 0 : index
    %get3A_163 = vector.load %arg3[%get3A_160, %get3A_161, %get3A_162] : memref<20x128x128xf32, #tpu.memory_space<vmem>>, vector<1x128x128xf32>
    %get3A_164 = vector.shape_cast %get3A_163 : vector<1x128x128xf32> to vector<128x128xf32>
    %add3A_165 = arith.constant 9.99999996E-13 : f32
    %add3A_166 = vector.broadcast %add3A_165 : f32 to vector<128x128xf32>
    %add3A_167 = arith.addf %get3A_164, %add3A_166 : vector<128x128xf32>
    %sqrt3A_168 = math.sqrt %add3A_167 : vector<128x128xf32>
    %add3A_169 = arith.addf %add3A_159, %sqrt3A_168 : vector<128x128xf32>
    %get3A_170 = arith.constant 16 : index
    %get3A_171 = arith.constant 0 : index
    %get3A_172 = arith.constant 0 : index
    %get3A_173 = vector.load %arg3[%get3A_170, %get3A_171, %get3A_172] : memref<20x128x128xf32, #tpu.memory_space<vmem>>, vector<1x128x128xf32>
    %get3A_174 = vector.shape_cast %get3A_173 : vector<1x128x128xf32> to vector<128x128xf32>
    %add3A_175 = arith.constant 9.99999996E-13 : f32
    %add3A_176 = vector.broadcast %add3A_175 : f32 to vector<128x128xf32>
    %add3A_177 = arith.addf %get3A_174, %add3A_176 : vector<128x128xf32>
    %sqrt3A_178 = math.sqrt %add3A_177 : vector<128x128xf32>
    %add3A_179 = arith.addf %add3A_169, %sqrt3A_178 : vector<128x128xf32>
    %get3A_180 = arith.constant 17 : index
    %get3A_181 = arith.constant 0 : index
    %get3A_182 = arith.constant 0 : index
    %get3A_183 = vector.load %arg3[%get3A_180, %get3A_181, %get3A_182] : memref<20x128x128xf32, #tpu.memory_space<vmem>>, vector<1x128x128xf32>
    %get3A_184 = vector.shape_cast %get3A_183 : vector<1x128x128xf32> to vector<128x128xf32>
    %add3A_185 = arith.constant 9.99999996E-13 : f32
    %add3A_186 = vector.broadcast %add3A_185 : f32 to vector<128x128xf32>
    %add3A_187 = arith.addf %get3A_184, %add3A_186 : vector<128x128xf32>
    %sqrt3A_188 = math.sqrt %add3A_187 : vector<128x128xf32>
    %add3A_189 = arith.addf %add3A_179, %sqrt3A_188 : vector<128x128xf32>
    %get3A_190 = arith.constant 18 : index
    %get3A_191 = arith.constant 0 : index
    %get3A_192 = arith.constant 0 : index
    %get3A_193 = vector.load %arg3[%get3A_190, %get3A_191, %get3A_192] : memref<20x128x128xf32, #tpu.memory_space<vmem>>, vector<1x128x128xf32>
    %get3A_194 = vector.shape_cast %get3A_193 : vector<1x128x128xf32> to vector<128x128xf32>
    %add3A_195 = arith.constant 9.99999996E-13 : f32
    %add3A_196 = vector.broadcast %add3A_195 : f32 to vector<128x128xf32>
    %add3A_197 = arith.addf %get3A_194, %add3A_196 : vector<128x128xf32>
    %sqrt3A_198 = math.sqrt %add3A_197 : vector<128x128xf32>
    %add3A_199 = arith.addf %add3A_189, %sqrt3A_198 : vector<128x128xf32>
    %get3A_200 = arith.constant 19 : index
    %get3A_201 = arith.constant 0 : index
    %get3A_202 = arith.constant 0 : index
    %get3A_203 = vector.load %arg3[%get3A_200, %get3A_201, %get3A_202] : memref<20x128x128xf32, #tpu.memory_space<vmem>>, vector<1x128x128xf32>
    %get3A_204 = vector.shape_cast %get3A_203 : vector<1x128x128xf32> to vector<128x128xf32>
    %add3A_205 = arith.constant 9.99999996E-13 : f32
    %add3A_206 = vector.broadcast %add3A_205 : f32 to vector<128x128xf32>
    %add3A_207 = arith.addf %get3A_204, %add3A_206 : vector<128x128xf32>
    %sqrt3A_208 = math.sqrt %add3A_207 : vector<128x128xf32>
    %add3A_209 = arith.addf %add3A_199, %sqrt3A_208 : vector<128x128xf32>
    %add3A_210 = arith.constant 1.000000e+00 : f32
    %add3A_211 = vector.broadcast %add3A_210 : f32 to vector<128x128xf32>
    %add3A_212 = arith.addf %sqrt3A, %add3A_211 : vector<128x128xf32>
    %mul3A = arith.constant 5.000000e-02 : f32
    %mul3A_213 = vector.broadcast %mul3A : f32 to vector<128x128xf32>
    %mul3A_214 = arith.mulf %add3A_209, %mul3A_213 : vector<128x128xf32>
    %sub3A = arith.subf %add3A_212, %mul3A_214 : vector<128x128xf32>
    %mul3A_215 = arith.constant 1.000000e+05 : f32
    %mul3A_216 = vector.broadcast %mul3A_215 : f32 to vector<128x128xf32>
    %mul3A_217 = arith.mulf %sub3A, %mul3A_216 : vector<128x128xf32>
    %add3A_218 = arith.constant 1.000000e+00 : f32
    %add3A_219 = vector.broadcast %add3A_218 : f32 to vector<128x128xf32>
    %add3A_220 = arith.addf %mul3A_217, %add3A_219 : vector<128x128xf32>
    %log3A = math.log %add3A_220 : vector<128x128xf32>
    %add3A_221 = arith.constant 1.000000e+00 : f32
    %add3A_222 = vector.broadcast %add3A_221 : f32 to vector<128x128xf32>
    %add3A_223 = arith.addf %add3A_222, %sqrt3A : vector<128x128xf32>
    %sub3A_224 = arith.subf %add3A_223, %sqrt3A_10 : vector<128x128xf32>
    %max3A = arith.constant 0.000000e+00 : f32
    %max3A_225 = vector.broadcast %max3A : f32 to vector<128x128xf32>
    %max3A_226 = arith.maximumf %sub3A_224, %max3A_225 : vector<128x128xf32>
    %mul3A_227 = arith.mulf %log3A, %max3A_226 : vector<128x128xf32>
    %reduce_sum3A = vector.shape_cast %mul3A_227 : vector<128x128xf32> to vector<1x128x128xf32>
    %reduce_sum3A_228 = arith.constant dense<0.000000e+00> : vector<1xf32>
    %reduce_sum3A_229 = vector.multi_reduction <add>, %reduce_sum3A, %reduce_sum3A_228 [1, 2] : vector<1x128x128xf32> to vector<1xf32>
    %reduce_sum3A_230 = vector.shape_cast %reduce_sum3A_229 : vector<1xf32> to vector<1x1x1xf32>
    %reduce_sum3A_231 = vector.extract %reduce_sum3A_230[0, 0, 0] : f32 from vector<1x1x1xf32>
    %reshape3A = vector.broadcast %reduce_sum3A_231 : f32 to vector<1x1xf32>
    %swap3A = arith.constant 0 : index
    %swap3A_232 = arith.constant 0 : index
    %swap3A_233 = vector.load %arg4[%swap3A, %swap3A_232] : memref<1x1xf32, #tpu.memory_space<vmem>>, vector<1x1xf32>
    tpu.vector_store %arg4[%swap3A, %swap3A_232], %reshape3A {strides = array<i32>} : memref<1x1xf32, #tpu.memory_space<vmem>>, vector<1x1xf32>,
    %get3A_234 = arith.constant 0 : index
    %get3A_235 = arith.constant 0 : index
    %get3A_236 = vector.load %arg2[%get3A_234, %get3A_235] : memref<128x128xf32, #tpu.memory_space<vmem>>, vector<128x128xf32>
    %reduce_sum3A_237 = vector.shape_cast %get3A_236 : vector<128x128xf32> to vector<1x128x128xf32>
    %reduce_sum3A_238 = arith.constant dense<0.000000e+00> : vector<1xf32>
    %reduce_sum3A_239 = vector.multi_reduction <add>, %reduce_sum3A_237, %reduce_sum3A_238 [1, 2] : vector<1x128x128xf32> to vector<1xf32>
    %reduce_sum3A_240 = vector.shape_cast %reduce_sum3A_239 : vector<1xf32> to vector<1x1x1xf32>
    %reduce_sum3A_241 = vector.extract %reduce_sum3A_240[0, 0, 0] : f32 from vector<1x1x1xf32>
    %mul3A_242 = arith.constant 5.000000e-03 : f32
    %mul3A_243 = arith.mulf %mul3A_242, %reduce_sum3A_241 : f32
    %reshape3A_244 = vector.broadcast %mul3A_243 : f32 to vector<1x1xf32>
    %swap3A_245 = arith.constant 0 : index
    %swap3A_246 = arith.constant 0 : index
    %swap3A_247 = vector.load %arg5[%swap3A_245, %swap3A_246] : memref<1x1xf32, #tpu.memory_space<vmem>>, vector<1x1xf32>
    tpu.vector_store %arg5[%swap3A_245, %swap3A_246], %reshape3A_244 {strides = array<i32>} : memref<1x1xf32, #tpu.memory_space<vmem>>, vector<1x1xf32>,
    return
  }
}

</mosaic_0001>

<sc_bundles>
// kernel: kernel.4.cloned.1.call-start
scs
__scs_entry_jumppad:
0x0: {  	(pc) =	sbr.rel $0x88, $3  }
0x1: {  	(tag) =	ssettag $0x0;
	lr =	simm.s32 $0x1  }
0x2: {  	[smem:$0x3F9B] =	sst lr;
	_ =	strace $0xD0000000  }
0x3: {  	_ = 	snop  }
0x4: {  	_ = 	snop  }
0x5: {  	_ = 	snop  }
0x6: {  	_ = 	snop  }
0x7: {  	_ = 	snop  }
__scs_overlays_trampoline_lowered:
0x8: {  	[smem:$0x3FAA] =	sst s0  }
0x9: {  	[smem:$0x3FAB] =	sst s1  }
0xa: {  	[smem:$0x3FAC] =	sst s2  }
0xb: {  	[smem:$0x3FAD] =	sst s3  }
0xc: {  	[smem:$0x3FAE] =	sst s4  }
0xd: {  	[smem:$0x3FAF] =	sst s5  }
0xe: {  	[smem:$0x3FB0] =	sst s6  }
0xf: {  	[smem:$0x3FB1] =	sst s7  }
0x10: {  	[smem:$0x3FB2] =	sst s8  }
0x11: {  	[smem:$0x3FB3] =	sst s9;
	s0 =	simm.s32 @!p0 $0x0  }
0x12: {  	s1 =	sld [smem:$0x3F99];
	s0 =	simm.s32 @p0 $0x1  }
0x13: {  	[smem:$0x3FB4] =	sst s0;
	s0 =	simm.s32 @!p1 $0x0  }
0x14: {  	s2 =	sld [smem:$0x3F98];
	s0 =	simm.s32 @p1 $0x1  }
0x15: {  	[smem:$0x3FB5] =	sst s0;
	s0 =	simm.s32 @!p2 $0x0  }
0x16: {  	s3 =	sld [smem:$0x3FDB];
	s0 =	simm.s32 @p2 $0x1  }
0x17: {  	s4 =	simm.s32 $0x1BF5;
	[smem:$0x3FB7] =	sst s0  }
0x18: {  	s0 =	sld [smem:$0x3F9A];
	_ =	swait.ge [sflag:s4], $0x0  }
0x19: {  	s7 =	sld [smem:$0x3F9B]  }
0x1a: {  	s8 =	sadd.s32 $0xFFFFE003, lr  }
0x1b: {  	s9 =	sadd.s32 $0xFFFFFEF7, lr;
	s5 =	simm.s32 $0xFFFFFFFF;
	p2 =	slt.u32 s8, $0xFFFFF086  }
0x1c: {  	p1 =	slt.u32 s9, $0xF7A;
	s5 =	simm.s32 @!p2 $0x0  }
0x1d: {  	s5 =	simm.s32 @p1 $0x1;
	p0 =	seq.s32 s7, s2  }
0x1e: {  	s7 =	smul.u32 @!p0 $0xF7A, s2;
	p2 =	seq.s32 @!p0 s5, $0x0  }
0x1f: {  	s9 =	smul.u32 $0xF7A, s1;
	s8 =	simm.s32 @!p0 $0x1BF5;
	p2 =	por !p2, p0  }
0x20: {  	[sflag:s8] =	ssyncset.s32 @!p0 $0xFFFFF086;
	s6 =	sadd.s32 @!p0 s3, s7;
	s7 =	simm.s32 @!p0 $0x108  }
0x21: {  	s3 =	sadd.s32 s3, s9;
	s6 =	sadd.s32 @!p0 $0x88, s6;
	s7 =	simm.s32 @p2 $0x1082  }
0x22: {  	[simem:s7], [sflag:s8] =	dma.local @!p0 [hbm:s6], $0xF7A  }
0x23: {  	s9 =	sor.u32 $0xD0000000, s2;
	s6 =	simm.s32 $0x108;
	_ =	swait.ge @!p0 [sflag:s8], $0x0  }
0x24: {  	s3 =	sadd.s32 $0x88, s3;
	s6 =	simm.s32 @!p1 $0x1082;
	[sflag:s4] =	ssyncset.s32 $0xFFFFF086  }
0x25: {  	[simem:s6], [sflag:s4] =	dma.local [hbm:s3], $0xF7A  }
0x26: {  	[smem:$0x3F9B] =	sst s1;
	(tag) =	ssettag s2;
	_ =	strace s9  }
0x27: {  	s1 =	sld [smem:$0x3FAB]  }
0x28: {  	s2 =	sld [smem:$0x3FAC]  }
0x29: {  	s4 =	sld [smem:$0x3FAE]  }
0x2a: {  	p0 =	seq.s32 s5, $0x0;
	s5 =	sld [smem:$0x3FAF]  }
0x2b: {  	s6 =	sld [smem:$0x3FB0]  }
0x2c: {  	s7 =	sld [smem:$0x3FB1]  }
0x2d: {  	s3 =	simm.s32 $0x108;
	s8 =	sld [smem:$0x3FB2]  }
0x2e: {  	s3 =	simm.s32 @!p0 $0x1082;
	s9 =	sld [smem:$0x3FB3]  }
0x2f: {  	lr =	sadd.s32 s0, s3;
	s0 =	sld [smem:$0x3FAA]  }
0x30: {  	s3 =	sld [smem:$0x3FAD]  }
0x31: {  	[smem:$0x3FB6] =	sst s10  }
0x32: {  	s10 =	sld [smem:$0x3FB4];
	_ =	sdelay $0x3  }
0x33: {  	p0 =	seq.s32 s10, $0x1;
	s10 =	sld [smem:$0x3FB6];
	_ =	sdelay $0x3  }
0x34: {  	[smem:$0x3FB6] =	sst s10  }
0x35: {  	s10 =	sld [smem:$0x3FB5];
	_ =	sdelay $0x3  }
0x36: {  	p1 =	seq.s32 s10, $0x1;
	s10 =	sld [smem:$0x3FB6];
	_ =	sdelay $0x3  }
0x37: {  	[smem:$0x3FB6] =	sst s10  }
0x38: {  	s10 =	sld [smem:$0x3FB7]  }
0x39: {  	_ = 	snop;
	(pc) =	sbr.ind lr, $3  }
0x3a: {  	_ = 	snop  }
0x3b: {  	_ = 	snop  }
0x3c: {  	p2 =	seq.s32 s10, $0x1;
	s10 =	sld [smem:$0x3FB6]  }
0x3d: {  	_ =	shalt  }
0x3e: {  	_ =	shalt  }
0x3f: {  	_ =	shalt  }
0x40: {  	_ =	shalt  }
0x41: {  	_ =	shalt  }
0x42: {  	_ =	shalt  }
0x43: {  	_ =	shalt  }
0x44: {  	_ =	shalt  }
0x45: {  	_ =	shalt  }
0x46: {  	_ =	shalt  }
0x47: {  	_ =	shalt  }
0x48: {  	_ =	shalt  }
0x49: {  	_ =	shalt  }
0x4a: {  	_ =	shalt  }
0x4b: {  	_ =	shalt  }
0x4c: {  	_ =	shalt  }
0x4d: {  	_ =	shalt  }
0x4e: {  	_ =	shalt  }
0x4f: {  	_ =	shalt  }
0x50: {  	_ =	shalt  }
0x51: {  	_ =	shalt  }
0x52: {  	_ =	shalt  }
0x53: {  	_ =	shalt  }
0x54: {  	_ =	shalt  }
0x55: {  	_ =	shalt  }
0x56: {  	_ =	shalt  }
0x57: {  	_ =	shalt  }
0x58: {  	_ =	shalt  }
0x59: {  	_ =	shalt  }
0x5a: {  	_ =	shalt  }
0x5b: {  	_ =	shalt  }
0x5c: {  	_ =	shalt  }
0x5d: {  	_ =	shalt  }
0x5e: {  	_ =	shalt  }
0x5f: {  	_ =	shalt  }
0x60: {  	_ =	shalt  }
0x61: {  	_ =	shalt  }
0x62: {  	_ =	shalt  }
0x63: {  	_ =	shalt  }
0x64: {  	_ =	shalt  }
0x65: {  	_ =	shalt  }
0x66: {  	_ =	shalt  }
0x67: {  	_ =	shalt  }
0x68: {  	_ =	shalt  }
0x69: {  	_ =	shalt  }
0x6a: {  	_ =	shalt  }
0x6b: {  	_ =	shalt  }
0x6c: {  	_ =	shalt  }
0x6d: {  	_ =	shalt  }
0x6e: {  	_ =	shalt  }
0x6f: {  	_ =	shalt  }
0x70: {  	_ =	shalt  }
0x71: {  	_ =	shalt  }
0x72: {  	_ =	shalt  }
0x73: {  	_ =	shalt  }
0x74: {  	_ =	shalt  }
0x75: {  	_ =	shalt  }
0x76: {  	_ =	shalt  }
0x77: {  	_ =	shalt  }
0x78: {  	_ =	shalt  }
0x79: {  	_ =	shalt  }
0x7a: {  	_ =	shalt  }
0x7b: {  	_ =	shalt  }
0x7c: {  	_ =	shalt  }
0x7d: {  	_ =	shalt  }
0x7e: {  	_ =	shalt  }
0x7f: {  	_ =	shalt  }
0x80: {  	_ =	shalt  }
0x81: {  	_ =	shalt  }
0x82: {  	_ =	shalt  }
0x83: {  	_ =	shalt  }
0x84: {  	_ =	shalt  }
0x85: {  	_ =	shalt  }
0x86: {  	_ =	shalt  }
0x87: {  	_ =	shalt  }
.Lfunc_end0:
.L_simem_size_0:
called_computation_lowered:
.L_overlay_start_0:
0x88: {  	s2 =	sld [smem:$0x3FD9]  }
0x89: {  	s3 =	sld [smem:$0x3FFE];
	_ =	sdelay $0x1  }
0x8a: {  	s1 =	srdreg.scid  }
0x8b: {  	s0 =	sand.u32 $0x1, s1  }
0x8c: {  	s17 =	sshll.u32 s0, $0xA;
	s2 =	sadd.s32 s3, s2  }
0x8d: {  	s2 =	sadd.s32 s2, s17  }
0x8e: {  	[smem:$0x3FC2] =	sst s2  }
0x8f: {  	_ = 	snop  }
0x90: {  	s2 =	sld [smem:$0x3FC9]  }
0x91: {  	s18 =	sld [smem:$0x3FC8]  }
0x92: {  	s4 =	sld [smem:$0x3FC7];
	(tm) =	ssettm $0x1  }
0x93: {  	s5 =	sld [smem:$0x3FFB];
	_ =	sdelay $0x3  }
0x94: {  	_ =	strace s5  }
0x95: {  	s5 =	sld [smem:$0x3FFC];
	_ =	sdelay $0x3  }
0x96: {  	_ =	strace s5  }
0x97: {  	s5 =	sld [smem:$0x3FFD];
	_ =	sdelay $0x3  }
0x98: {  	_ =	strace s5  }
0x99: {  	_ =	strace $0x8FFFFFFF  }
0x9a: {  	s19 =	sld [smem:$0x3FDB];
	_ =	sdelay $0x1  }
0x9b: {  	s6 =	simm.s32 $_scs_section_size  }
0x9c: {  	s7 =	simm.s32 $_size__tile_overlayer_lowered;
	s8 =	simm.s32 $_tile_overlayer_lowered  }
0x9d: {  	s22 =	simm.s32 $0x1BFF;
	s21 =	sshll.u32 s8, $0x1;
	s5 =	sadd.s32 s6, s19  }
0x9e: {  	s9 =	simm.s32 $0x0;
	s20 =	sshll.u32 s7, $0x1;
	s7 =	sadd.s32 s21, s5  }
0x9f: {  	[timem:s9], [sflag:s22] =	dma.local [hbm:s7], s20  }
0xa0: {  	_ =	swait.ge [sflag:s22], s20  }
0xa1: {  	s6 =	ssub.s32 $0x0, s20;
	[sflag:s22] =	ssyncset.done $0x0  }
0xa2: {  	[sflag:s22] =	ssyncadd.s32 s6;
	_ =	sdelay $0x1  }
0xa3: {  	s23 =	simm.s32 $0x1B8B  }
0xa4: {  	_ =	swait.ge [sflag:s23], $0x1  }
0xa5: {  	[sflag:s23] =	ssyncset.done $0x0  }
0xa6: {  	s25 =	simm.s32 $0x1B8E;
	s24 =	sld [smem:$0x3FFE];
	[sflag:s23] =	ssyncadd.s32 $0xFFFFFFFF  }
0xa7: {  	s26 =	simm.s32 $execute0_lowered;
	[smem:$0x3FD2] =	sst s25  }
0xa8: {  	s7 =	sshll.u32 s26, $0x1;
	_ =	strace $0x80000046;
	[dreg:$0x1] =	wrdreg $0xFFFFFFFF  }
0xa9: {  	s28 =	simm.s32 $_size_execute0_lowered;
	s5 =	sadd.s32 s5, s7;
	[dreg:$0x0] =	wrdreg $0x0  }
0xaa: {  	s7 =	sshll.u32 s28, $0x1;
	[dreg:$0x2] =	wrdreg s5  }
0xab: {  	[dreg:$0x3] =	wrdreg s7  }
0xac: {  	[dreg:$0x4] =	wrdreg $0xC0  }
0xad: {  	_ =	task [dreg:s9], $0x5FFFF  }
0xae: {  	[dreg:$0x1] =	wrdreg $0xFFFFFFFF  }
0xaf: {  	[dreg:$0x0] =	wrdreg $0x60  }
0xb0: {  	[dreg:$0x2] =	wrdreg s2  }
0xb1: {  	[dreg:$0x3] =	wrdreg s18  }
0xb2: {  	[dreg:$0x4] =	wrdreg s4  }
0xb3: {  	[dreg:$0x5] =	wrdreg s24  }
0xb4: {  	[dreg:$0x6] =	wrdreg $0x9  }
0xb5: {  	_ =	task.clear_ibuf [dreg:s9], $0x7FFFF;
	_ =	strace $0x90000046  }
0xb6: {  	s29 =	simm.s32 $0x9;
	_ =	strace $0x80000048  }
0xb7: {  	_ =	swait.ge [sflag:s29], $0x1  }
0xb8: {  	[sflag:s29] =	ssyncadd.s32 $0xFFFFFFFF  }
0xb9: {  	_ =	strace $0x90000048  }
0xba: {  	_ =	sfence  }
0xbb: {  	s30 =	sld [smem:$0x0];
	_ =	sdelay $0x2  }
0xbc: {  	s31 =	sshll.u32 s1, $0xD;
	s1 =	sshrl.u32 s1, $0x2  }
0xbd: {  	s3 =	sand.u32 $0x4000, s31;
	s1 =	sadd.s32 s1, s30  }
0xbe: {  	s0 =	sor.u32 s3, s0;
	s1 =	sshll.u32 s1, $0x11  }
0xbf: {  	s0 =	sor.u32 s1, s0  }
0xc0: {  	s0 =	sadd.s32 $0x8F2B, s0  }
0xc1: {  	[sflag:s0] =	ssyncadd.remote.s32 $0x1  }
0xc2: {  	_ =	sfence.sel $0xFFFF  }
0xc3: {  	[dreg:$0x0] =	wrdreg $0xFFFFFFFF;
	(pc) =	sbr.abs _section_cstart, $3  }
0xc4: {  	[dreg:$0x1] =	wrdreg $0xFFFFFFFF  }
0xc5: {  	_ =	task.clear_ibuf [dreg:s9], $0x2FFFF;
	_ =	strace $0x9FFFFFFF  }
0xc6: {  	(tm) =	ssettm $0x7FFFFFFF  }
0xc7: {  	_ =	shalt  }
tec
execute0_lowered:
.L_overlay_start_1:
0x0: {  	(tag) =	ssettag $0x1  }
0x1: {  	s1 =	srdreg.scid;
	s2 =	stileid.u32  }
0x2: {  	s1 =	sand.u32 $0x1, s1;
	s2 =	sshll.u32 s2, $0x1  }
0x3: {  	s2 =	sor.u32 s1, s2  }
0x4: {  	s0 =	rddreg [dreg:$0x3];
	s3 =	simm.s32 $0x0;
	s22 =	sshll.u32 s2, $0x6  }
0x5: {  	s6 =	sadd.s32 $0x188000, s0;
	s7 =	sadd.s32 $0xF43A00, s0;
	s0 =	sadd.s32 s22, s0  }
0x6: {  	[smem:$0x7FF] =	sst s3;
	s24 =	sadd.s32 $0x15600, s0  }
0x7: {  	_ =	strace $0x80000047;
	s25 =	sadd.s32 $0x15E00, s0;
	[dreg:$0x5] =	wrdreg s24  }
0x8: {  	s26 =	sadd.s32 $0x16600, s0;
	[dreg:$0x6] =	wrdreg s25  }
0x9: {  	s3 =	sadd.s32 $0xB600, s0;
	[dreg:$0x7] =	wrdreg s26  }
0xa: {  	s4 =	sadd.s32 $0xBE00, s0;
	[dreg:$0x8] =	wrdreg s3  }
0xb: {  	s5 =	sadd.s32 $0xC600, s0;
	[dreg:$0x9] =	wrdreg s4  }
0xc: {  	v0 =	vlaneseq.u32;
	s10 =	sadd.s32 $0xCE00, s0;
	[dreg:$0xa] =	wrdreg s5  }
0xd: {  	v0 =	vmul.u32 $0x20, v0;
	s11 =	sadd.s32 $0xD600, s0;
	[dreg:$0xb] =	wrdreg s10  }
0xe: {  	s12 =	sadd.s32 $0xDE00, s0;
	[dreg:$0xc] =	wrdreg s11  }
0xf: {  	v1 =	vor.u32 $0x13000, v0;
	[tilespmem:$0x1FFE0] =	vst v0;
	s13 =	sadd.s32 $0xE600, s0;
	[dreg:$0xd] =	wrdreg s12  }
0x10: {  	s28 =	simm.s32 $0x880;
	v47 =	vor.u32 $0x12000, v0;
	[tilespmem:$0x1FEC0] =	vst v1;
	s14 =	sadd.s32 $0xEE00, s0;
	[dreg:$0xe] =	wrdreg s13  }
0x11: {  	s29 =	simm.s32 $0x11B80;
	v48 =	vor.u32 $0x11000, v0;
	[tilespmem:$0x1FED0] =	vst v47;
	s15 =	sadd.s32 $0xF600, s0;
	[dreg:$0xf] =	wrdreg s14  }
0x12: {  	s30 =	simm.s32 $0x900;
	v49 =	vor.u32 $0x10000, v0;
	[tilespmem:$0x1FEE0] =	vst v48;
	s16 =	sadd.s32 $0xFE00, s0;
	[dreg:$0x10] =	wrdreg s15  }
0x13: {  	s31 =	simm.s32 $0x12B80;
	v50 =	vor.u32 $0xF000, v0;
	[tilespmem:$0x1FEF0] =	vst v49;
	s17 =	sadd.s32 $0x10600, s0;
	[dreg:$0x11] =	wrdreg s16  }
0x14: {  	s1 =	ssub.s32 $0x2, s1;
	v51 =	vor.u32 $0xE000, v0;
	[tilespmem:$0x1FF00] =	vst v50;
	s18 =	sadd.s32 $0x10E00, s0;
	[dreg:$0x12] =	wrdreg s17  }
0x15: {  	s23 =	sshrl.u32 s1, $0x1;
	v52 =	vor.u32 $0xD000, v0;
	[tilespmem:$0x1FF10] =	vst v51;
	s19 =	sadd.s32 $0x11600, s0;
	[dreg:$0x13] =	wrdreg s18  }
0x16: {  	s8 =	sshll.u32 s2, $0x9;
	v53 =	vor.u32 $0xC000, v0;
	[tilespmem:$0x1FF20] =	vst v52;
	s20 =	sadd.s32 $0x11E00, s0;
	[dreg:$0x14] =	wrdreg s19  }
0x17: {  	s2 =	simm.s32 $0x15B80;
	v54 =	vor.u32 $0xB000, v0;
	[tilespmem:$0x1FF30] =	vst v53;
	s21 =	sadd.s32 $0x12600, s0;
	[dreg:$0x15] =	wrdreg s20  }
0x18: {  	v55 =	vor.u32 $0xA000, v0;
	s1 =	ssub.s32 s1, s23;
	[tilespmem:$0x1FF40] =	vst v54;
	s22 =	sadd.s32 $0x12E00, s0;
	[dreg:$0x16] =	wrdreg s21  }
0x19: {  	v56 =	vor.u32 $0x9000, v0;
	[tilespmem:$0x1FF50] =	vst v55;
	s9 =	sadd.s32 $0x1600, s0;
	s23 =	sadd.s32 $0x13600, s0;
	[dreg:$0x17] =	wrdreg s22  }
0x1a: {  	v57 =	vor.u32 $0x8000, v0;
	[tilespmem:$0x1FF60] =	vst v56;
	[dreg:$0x18] =	wrdreg s23;
	s24 =	sadd.s32 $0x13E00, s0;
	s25 =	sadd.s32 $0x14600, s0  }
0x1b: {  	v58 =	vor.u32 $0x7000, v0;
	[tilespmem:$0x1FF70] =	vst v57;
	s0 =	sadd.s32 $0x14E00, s0;
	s26 =	smax.u32 s1, $0x1;
	s11 =	simm.s32 $0x2  }
0x1c: {  	v59 =	vor.u32 $0x6000, v0;
	[tilespmem:$0x1FF80] =	vst v58;
	s12 =	simm.s32 $0x80;
	s13 =	simm.s32 $0x100;
	s15 =	simm.s32 $0x180  }
0x1d: {  	v60 =	vor.u32 $0x5000, v0;
	[tilespmem:$0x1FF90] =	vst v59;
	s16 =	simm.s32 $0xB80;
	s17 =	simm.s32 $0x1B80;
	s18 =	simm.s32 $0x2B80  }
0x1e: {  	v61 =	vor.u32 $0x4000, v0;
	[tilespmem:$0x1FFA0] =	vst v60;
	s19 =	simm.s32 $0x3B80;
	s4 =	simm.s32 $0x13B80;
	s10 =	simm.s32 $0xA00  }
0x1f: {  	v62 =	vor.u32 $0x3000, v0;
	[tilespmem:$0x1FFB0] =	vst v61;
	s5 =	simm.s32 $0x14B80;
	s1 =	simm.s32 $0xA80;
	[dreg:$0x19] =	wrdreg s24  }
0x20: {  	v63 =	vor.u32 $0x2000, v0;
	[tilespmem:$0x1FFC0] =	vst v62;
	s3 =	simm.s32 $0xB00;
	s14 =	simm.s32 $0x16B80;
	[dreg:$0x1a] =	wrdreg s25  }
0x21: {  	v0 =	vor.u32 $0x1000, v0;
	[tilespmem:$0x1FFD0] =	vst v63;
	s20 =	simm.s32 $0x1;
	s22 =	simm.s32 $0x0;
	[dreg:$0x1b] =	wrdreg s0  }
0x22: {  	[tilespmem:$0x1FFF0] =	vst v0;
	[dreg:$0x1c] =	wrdreg s26;
	s26 =	simm.s32 $0x10B80;
	s0 =	simm.s32 $0x980  }
.LBB2_1:
0x23: {  	[dreg:$0x1d] =	wrdreg s22;
	s21 =	simm.s32 $0x0  }
.LBB2_2:
0x24: {  	s22 =	sshll.u32 s21, $0x7  }
0x25: {  	s23 =	sadd.s32 s8, s22  }
0x26: {  	s25 =	rddreg [dreg:$0x0];
	s24 =	sshrl.u32 s23, $0x3  }
0x27: {  	s23 =	simm.s32 $0x0;
	s25 =	sadd.s32 s25, s24  }
0x28: {  	[tilespmem:s23], [sflag:$0x2] =	stream.linear.gather [hbm4b:s25+s23], $0x80, $0x38;
	[tilespmem:$0x1A980] =	vst v63  }
0x29: {  	_ =	swait.ge [sflag:s11], $0x80  }
0x2a: {  	[sflag:s11] =	ssyncset.done $0x0  }
0x2b: {  	[sflag:s11] =	ssyncadd.s32 $0xFFFFFF80  }
0x2c: {  	s25 =	rddreg [dreg:$0x1]  }
0x2d: {  	s25 =	sadd.s32 s25, s24  }
0x2e: {  	[tilespmem:s12], [sflag:$0x2] =	stream.linear.gather [hbm4b:s25+s23], $0x80, $0x38;
	[tilespmem:$0x1A980] =	vst v63  }
0x2f: {  	_ =	swait.ge [sflag:s11], $0x80  }
0x30: {  	[sflag:s11] =	ssyncset.done $0x0  }
0x31: {  	[sflag:s11] =	ssyncadd.s32 $0xFFFFFF80  }
0x32: {  	s25 =	rddreg [dreg:$0x2]  }
0x33: {  	s24 =	sadd.s32 s25, s24  }
0x34: {  	[tilespmem:s13], [sflag:$0x2] =	stream.linear.gather [hbm4b:s24+s23], $0x80, $0x38;
	[tilespmem:$0x1A980] =	vst v63  }
0x35: {  	_ =	swait.ge [sflag:s11], $0x80  }
0x36: {  	s25 =	sshll.u32 s21, $0x4;
	[sflag:s11] =	ssyncset.done $0x0  }
0x37: {  	s24 =	sadd.s32 s25, s9;
	s25 =	simm.s32 $0x4000;
	[sflag:s11] =	ssyncadd.s32 $0xFFFFFF80  }
0x38: {  	[tilespmem:s15], [sflag:$0x2] =	stream.strided.gather [hbm4b:s24+s12], $0xA00, s25, s12, $0x38;
	[tilespmem:$0x1A980] =	vst v63  }
0x39: {  	_ =	swait.ge [sflag:s11], $0xA00  }
0x3a: {  	[sflag:s11] =	ssyncset.done $0x0  }
0x3b: {  	[sflag:s11] =	ssyncadd.s32 $0xFFFFF600  }
0x3c: {  	[tilespmem:s16], [sflag:$0x1] =	stream.indirect.gather [hbm4b:s6+s12], $0x20, s23, s12, $0xb8;
	[tilespmem:$0x1A980] =	vst v63  }
0x3d: {  	_ = 	snop  }
0x3e: {  	[tilespmem:s17], [sflag:$0x1] =	stream.indirect.gather [hbm4b:s7+s12], $0x20, s12, s12, $0xb8;
	[tilespmem:$0x1A980] =	vst v63  }
0x3f: {  	_ = 	snop  }
0x40: {  	[tilespmem:s18], [sflag:$0x1] =	stream.indirect.gather [hbm4b:s7+s12], $0x20, s13, s12, $0xb8;
	[tilespmem:$0x1A980] =	vst v63  }
0x41: {  	_ = 	snop  }
0x42: {  	[tilespmem:s19], [sflag:$0x1] =	stream.indirect.gather [hbm4b:s7+s12], $0x20, s15, s12, $0xb8;
	[tilespmem:$0x1A980] =	vst v63  }
0x43: {  	s24 =	simm.s32 $0x200;
	s25 =	simm.s32 $0x4B80  }
0x44: {  	[tilespmem:s25], [sflag:$0x1] =	stream.indirect.gather [hbm4b:s7+s12], $0x20, s24, s12, $0xb8;
	[tilespmem:$0x1A980] =	vst v63  }
0x45: {  	s24 =	simm.s32 $0x280;
	s25 =	simm.s32 $0x5B80  }
0x46: {  	[tilespmem:s25], [sflag:$0x1] =	stream.indirect.gather [hbm4b:s7+s12], $0x20, s24, s12, $0xb8;
	[tilespmem:$0x1A980] =	vst v63  }
0x47: {  	s24 =	simm.s32 $0x300;
	s25 =	simm.s32 $0x6B80  }
0x48: {  	[tilespmem:s25], [sflag:$0x1] =	stream.indirect.gather [hbm4b:s7+s12], $0x20, s24, s12, $0xb8;
	[tilespmem:$0x1A980] =	vst v63  }
0x49: {  	s24 =	simm.s32 $0x380;
	s25 =	simm.s32 $0x7B80  }
0x4a: {  	[tilespmem:s25], [sflag:$0x1] =	stream.indirect.gather [hbm4b:s7+s12], $0x20, s24, s12, $0xb8;
	[tilespmem:$0x1A980] =	vst v63  }
0x4b: {  	s24 =	simm.s32 $0x400;
	s25 =	simm.s32 $0x8B80  }
0x4c: {  	[tilespmem:s25], [sflag:$0x1] =	stream.indirect.gather [hbm4b:s7+s12], $0x20, s24, s12, $0xb8;
	[tilespmem:$0x1A980] =	vst v63  }
0x4d: {  	s24 =	simm.s32 $0x480;
	s25 =	simm.s32 $0x9B80  }
0x4e: {  	[tilespmem:s25], [sflag:$0x1] =	stream.indirect.gather [hbm4b:s7+s12], $0x20, s24, s12, $0xb8;
	[tilespmem:$0x1A980] =	vst v63  }
0x4f: {  	s24 =	simm.s32 $0x500;
	s25 =	simm.s32 $0xAB80  }
0x50: {  	[tilespmem:s25], [sflag:$0x1] =	stream.indirect.gather [hbm4b:s7+s12], $0x20, s24, s12, $0xb8;
	[tilespmem:$0x1A980] =	vst v63  }
0x51: {  	s24 =	simm.s32 $0x580;
	s25 =	simm.s32 $0xBB80  }
0x52: {  	[tilespmem:s25], [sflag:$0x1] =	stream.indirect.gather [hbm4b:s7+s12], $0x20, s24, s12, $0xb8;
	[tilespmem:$0x1A980] =	vst v63  }
0x53: {  	s24 =	simm.s32 $0x600;
	s25 =	simm.s32 $0xCB80  }
0x54: {  	[tilespmem:s25], [sflag:$0x1] =	stream.indirect.gather [hbm4b:s7+s12], $0x20, s24, s12, $0xb8;
	[tilespmem:$0x1A980] =	vst v63  }
0x55: {  	s24 =	simm.s32 $0x680;
	s25 =	simm.s32 $0xDB80  }
0x56: {  	[tilespmem:s25], [sflag:$0x1] =	stream.indirect.gather [hbm4b:s7+s12], $0x20, s24, s12, $0xb8;
	[tilespmem:$0x1A980] =	vst v63  }
0x57: {  	s24 =	simm.s32 $0x700;
	s25 =	simm.s32 $0xEB80  }
0x58: {  	[tilespmem:s25], [sflag:$0x1] =	stream.indirect.gather [hbm4b:s7+s12], $0x20, s24, s12, $0xb8;
	[tilespmem:$0x1A980] =	vst v63  }
0x59: {  	s24 =	simm.s32 $0x780;
	s25 =	simm.s32 $0xFB80  }
0x5a: {  	[tilespmem:s25], [sflag:$0x1] =	stream.indirect.gather [hbm4b:s7+s12], $0x20, s24, s12, $0xb8;
	[tilespmem:$0x1A980] =	vst v63  }
0x5b: {  	s25 =	simm.s32 $0x800  }
0x5c: {  	[tilespmem:s26], [sflag:$0x1] =	stream.indirect.gather [hbm4b:s7+s12], $0x20, s25, s12, $0xb8;
	[tilespmem:$0x1A980] =	vst v63  }
0x5d: {  	_ = 	snop  }
0x5e: {  	[tilespmem:s29], [sflag:$0x1] =	stream.indirect.gather [hbm4b:s7+s12], $0x20, s28, s12, $0xb8;
	[tilespmem:$0x1A980] =	vst v63  }
0x5f: {  	_ = 	snop  }
0x60: {  	[tilespmem:s31], [sflag:$0x1] =	stream.indirect.gather [hbm4b:s7+s12], $0x20, s30, s12, $0xb8;
	[tilespmem:$0x1A980] =	vst v63  }
0x61: {  	_ = 	snop  }
0x62: {  	[tilespmem:s4], [sflag:$0x1] =	stream.indirect.gather [hbm4b:s7+s12], $0x20, s0, s12, $0xb8;
	[tilespmem:$0x1A980] =	vst v63  }
0x63: {  	_ = 	snop  }
0x64: {  	[tilespmem:s5], [sflag:$0x1] =	stream.indirect.gather [hbm4b:s7+s12], $0x20, s10, s12, $0xb8;
	[tilespmem:$0x1A980] =	vst v63  }
0x65: {  	_ = 	snop  }
0x66: {  	[tilespmem:s2], [sflag:$0x1] =	stream.indirect.gather [hbm4b:s7+s12], $0x20, s1, s12, $0xb8;
	[tilespmem:$0x1A980] =	vst v63  }
0x67: {  	_ = 	snop  }
0x68: {  	[tilespmem:s14], [sflag:$0x1] =	stream.indirect.gather [hbm4b:s7+s12], $0x20, s3, s12, $0xb8;
	[tilespmem:$0x1A980] =	vst v63  }
0x69: {  	_ =	swait.ge [sflag:s20], $0x1000  }
0x6a: {  	[sflag:s20] =	ssyncset.done $0x0  }
0x6b: {  	[sflag:s20] =	ssyncadd.s32 $0xFFFFF000  }
0x6c: {  	_ =	swait.ge [sflag:s20], $0x1000  }
0x6d: {  	[sflag:s20] =	ssyncset.done $0x0  }
0x6e: {  	[sflag:s20] =	ssyncadd.s32 $0xFFFFF000  }
0x6f: {  	_ =	swait.ge [sflag:s20], $0x1000  }
0x70: {  	[sflag:s20] =	ssyncset.done $0x0  }
0x71: {  	[sflag:s20] =	ssyncadd.s32 $0xFFFFF000  }
0x72: {  	_ =	swait.ge [sflag:s20], $0x1000  }
0x73: {  	[sflag:s20] =	ssyncset.done $0x0  }
0x74: {  	[sflag:s20] =	ssyncadd.s32 $0xFFFFF000  }
0x75: {  	_ =	swait.ge [sflag:s20], $0x1000  }
0x76: {  	[sflag:s20] =	ssyncset.done $0x0  }
0x77: {  	[sflag:s20] =	ssyncadd.s32 $0xFFFFF000  }
0x78: {  	_ =	swait.ge [sflag:s20], $0x1000  }
0x79: {  	[sflag:s20] =	ssyncset.done $0x0  }
0x7a: {  	[sflag:s20] =	ssyncadd.s32 $0xFFFFF000  }
0x7b: {  	_ =	swait.ge [sflag:s20], $0x1000  }
0x7c: {  	[sflag:s20] =	ssyncset.done $0x0  }
0x7d: {  	[sflag:s20] =	ssyncadd.s32 $0xFFFFF000  }
0x7e: {  	_ =	swait.ge [sflag:s20], $0x1000  }
0x7f: {  	[sflag:s20] =	ssyncset.done $0x0  }
0x80: {  	[sflag:s20] =	ssyncadd.s32 $0xFFFFF000  }
0x81: {  	_ =	swait.ge [sflag:s20], $0x1000  }
0x82: {  	[sflag:s20] =	ssyncset.done $0x0  }
0x83: {  	[sflag:s20] =	ssyncadd.s32 $0xFFFFF000  }
0x84: {  	_ =	swait.ge [sflag:s20], $0x1000  }
0x85: {  	[sflag:s20] =	ssyncset.done $0x0  }
0x86: {  	[sflag:s20] =	ssyncadd.s32 $0xFFFFF000  }
0x87: {  	_ =	swait.ge [sflag:s20], $0x1000  }
0x88: {  	[sflag:s20] =	ssyncset.done $0x0  }
0x89: {  	[sflag:s20] =	ssyncadd.s32 $0xFFFFF000  }
0x8a: {  	_ =	swait.ge [sflag:s20], $0x1000  }
0x8b: {  	[sflag:s20] =	ssyncset.done $0x0  }
0x8c: {  	[sflag:s20] =	ssyncadd.s32 $0xFFFFF000  }
0x8d: {  	_ =	swait.ge [sflag:s20], $0x1000  }
0x8e: {  	[sflag:s20] =	ssyncset.done $0x0  }
0x8f: {  	[sflag:s20] =	ssyncadd.s32 $0xFFFFF000  }
0x90: {  	_ =	swait.ge [sflag:s20], $0x1000  }
0x91: {  	[sflag:s20] =	ssyncset.done $0x0  }
0x92: {  	[sflag:s20] =	ssyncadd.s32 $0xFFFFF000  }
0x93: {  	_ =	swait.ge [sflag:s20], $0x1000  }
0x94: {  	[sflag:s20] =	ssyncset.done $0x0  }
0x95: {  	[sflag:s20] =	ssyncadd.s32 $0xFFFFF000  }
0x96: {  	_ =	swait.ge [sflag:s20], $0x1000  }
0x97: {  	[sflag:s20] =	ssyncset.done $0x0  }
0x98: {  	[sflag:s20] =	ssyncadd.s32 $0xFFFFF000  }
0x99: {  	_ =	swait.ge [sflag:s20], $0x1000  }
0x9a: {  	[sflag:s20] =	ssyncset.done $0x0  }
0x9b: {  	[sflag:s20] =	ssyncadd.s32 $0xFFFFF000  }
0x9c: {  	_ =	swait.ge [sflag:s20], $0x1000  }
0x9d: {  	[sflag:s20] =	ssyncset.done $0x0  }
0x9e: {  	[sflag:s20] =	ssyncadd.s32 $0xFFFFF000  }
0x9f: {  	_ =	swait.ge [sflag:s20], $0x1000  }
0xa0: {  	[sflag:s20] =	ssyncset.done $0x0  }
0xa1: {  	[sflag:s20] =	ssyncadd.s32 $0xFFFFF000  }
0xa2: {  	_ =	swait.ge [sflag:s20], $0x1000  }
0xa3: {  	[sflag:s20] =	ssyncset.done $0x0  }
0xa4: {  	[sflag:s20] =	ssyncadd.s32 $0xFFFFF000  }
0xa5: {  	_ =	swait.ge [sflag:s20], $0x1000  }
0xa6: {  	[sflag:s20] =	ssyncset.done $0x0  }
0xa7: {  	[sflag:s20] =	ssyncadd.s32 $0xFFFFF000  }
0xa8: {  	_ =	swait.ge [sflag:s20], $0x1000  }
0xa9: {  	[sflag:s20] =	ssyncset.done $0x0  }
0xaa: {  	[sflag:s20] =	ssyncadd.s32 $0xFFFFF000  }
0xab: {  	_ =	swait.ge [sflag:s20], $0x1000  }
0xac: {  	[sflag:s20] =	ssyncset.done $0x0  }
0xad: {  	[sflag:s20] =	ssyncadd.s32 $0xFFFFF000  }
.LBB2_3:
0xae: {  	v1 =	vld [tilespmem:$0x1FFE0];
	_ =	sdelay $0x1  }
0xaf: {  	s24 =	sshll.u32 s23, $0x4  }
0xb0: {  	v0 =	vmov s24  }
0xb1: {  	v0 =	vshll.u32 v0, $0x5  }
0xb2: {  	v1 =	vor.u32 v1, v0  }
0xb3: {  	v2 =	vor.u32 $0x1, v1;
	[tilespmem:$0x1F620] =	vst v1  }
0xb4: {  	[tilespmem:$0x1F5C0] =	vst v2;
	v2 =	vor.u32 $0x2, v1  }
0xb5: {  	[tilespmem:$0x1F5D0] =	vst v2;
	v2 =	vor.u32 $0x3, v1  }
0xb6: {  	[tilespmem:$0x1F5E0] =	vst v2;
	v2 =	vor.u32 $0x4, v1  }
0xb7: {  	[tilespmem:$0x1F5F0] =	vst v2;
	v2 =	vor.u32 $0x5, v1  }
0xb8: {  	[tilespmem:$0x1F600] =	vst v2;
	v2 =	vor.u32 $0x6, v1;
	v1 =	vor.u32 $0x7, v1  }
0xb9: {  	[tilespmem:$0x1F630] =	vst v1;
	v1 =	vld [tilespmem:$0x1FFF0];
	_ =	sdelay $0x4  }
0xba: {  	[tilespmem:$0x1F610] =	vst v2;
	v2 =	vor.u32 v1, v0;
	v1 =	vld [tilespmem:$0x1FFD0];
	_ =	sdelay $0x4  }
0xbb: {  	v3 =	vor.u32 v1, v0;
	v1 =	vld [tilespmem:$0x1FFC0];
	_ =	sdelay $0x4  }
0xbc: {  	v4 =	vor.u32 v1, v0;
	v1 =	vld [tilespmem:$0x1FFB0];
	_ =	sdelay $0x4  }
0xbd: {  	v31 =	vor.u32 v1, v0;
	v1 =	vld [tilespmem:$0x1FFA0];
	_ =	sdelay $0x4  }
0xbe: {  	v32 =	vor.u32 v1, v0;
	v1 =	vld [tilespmem:$0x1FF90];
	_ =	sdelay $0x4  }
0xbf: {  	v33 =	vor.u32 v1, v0;
	v1 =	vld [tilespmem:$0x1FF80];
	_ =	sdelay $0x4  }
0xc0: {  	v34 =	vor.u32 v1, v0;
	v1 =	vld [tilespmem:$0x1FF70];
	_ =	sdelay $0x4  }
0xc1: {  	v35 =	vor.u32 v1, v0;
	v1 =	vld [tilespmem:$0x1FF60];
	_ =	sdelay $0x4  }
0xc2: {  	v36 =	vor.u32 v1, v0;
	v1 =	vld [tilespmem:$0x1FF50];
	_ =	sdelay $0x4  }
0xc3: {  	v37 =	vor.u32 v1, v0;
	v1 =	vld [tilespmem:$0x1FF40];
	_ =	sdelay $0x4  }
0xc4: {  	v38 =	vor.u32 v1, v0;
	v1 =	vld [tilespmem:$0x1FF30];
	_ =	sdelay $0x4  }
0xc5: {  	v39 =	vor.u32 v1, v0;
	v1 =	vld [tilespmem:$0x1FF20];
	_ =	sdelay $0x4  }
0xc6: {  	v40 =	vor.u32 v1, v0;
	v1 =	vld [tilespmem:$0x1FF10];
	_ =	sdelay $0x4  }
0xc7: {  	v41 =	vor.u32 v1, v0;
	v1 =	vld [tilespmem:$0x1FF00];
	_ =	sdelay $0x4  }
0xc8: {  	v42 =	vor.u32 v1, v0;
	v1 =	vld [tilespmem:$0x1FEF0];
	_ =	sdelay $0x4  }
0xc9: {  	v43 =	vor.u32 v1, v0;
	v1 =	vld [tilespmem:$0x1FEE0];
	_ =	sdelay $0x4  }
0xca: {  	v44 =	vor.u32 v1, v0;
	v1 =	vld [tilespmem:$0x1FED0];
	_ =	sdelay $0x4  }
0xcb: {  	v45 =	vor.u32 v1, v0;
	v1 =	vld [tilespmem:$0x1FEC0];
	_ =	sdelay $0x2  }
0xcc: {  	[tilespmem:$0x1FD60] =	vst v2  }
0xcd: {  	[tilespmem:$0x1FD80] =	vst v3  }
0xce: {  	[tilespmem:$0x1FDA0] =	vst v4;
	v46 =	vor.u32 v1, v0;
	v0 =	vor.u32 $0x1, v2  }
0xcf: {  	[tilespmem:$0x1F640] =	vst v0;
	v0 =	vor.u32 $0x1, v3  }
0xd0: {  	[tilespmem:$0x1F650] =	vst v0;
	v0 =	vor.u32 $0x1, v4  }
0xd1: {  	[tilespmem:$0x1F660] =	vst v0;
	v0 =	vor.u32 $0x1, v31  }
0xd2: {  	[tilespmem:$0x1F670] =	vst v0;
	v0 =	vor.u32 $0x1, v32  }
0xd3: {  	[tilespmem:$0x1F680] =	vst v0;
	v0 =	vor.u32 $0x1, v33  }
0xd4: {  	[tilespmem:$0x1F690] =	vst v0;
	v0 =	vor.u32 $0x1, v34  }
0xd5: {  	[tilespmem:$0x1F6A0] =	vst v0;
	v0 =	vor.u32 $0x1, v35  }
0xd6: {  	[tilespmem:$0x1F6B0] =	vst v0;
	v0 =	vor.u32 $0x1, v36  }
0xd7: {  	[tilespmem:$0x1F6C0] =	vst v0;
	v0 =	vor.u32 $0x1, v37  }
0xd8: {  	[tilespmem:$0x1F6D0] =	vst v0;
	v0 =	vor.u32 $0x1, v38  }
0xd9: {  	[tilespmem:$0x1F6E0] =	vst v0;
	v0 =	vor.u32 $0x1, v39  }
0xda: {  	[tilespmem:$0x1F6F0] =	vst v0;
	v0 =	vor.u32 $0x1, v40  }
0xdb: {  	[tilespmem:$0x1F700] =	vst v0;
	v0 =	vor.u32 $0x1, v41  }
0xdc: {  	[tilespmem:$0x1F710] =	vst v0;
	v0 =	vor.u32 $0x1, v42  }
0xdd: {  	[tilespmem:$0x1F720] =	vst v0;
	v0 =	vor.u32 $0x1, v43  }
0xde: {  	[tilespmem:$0x1F730] =	vst v0;
	v0 =	vor.u32 $0x1, v44  }
0xdf: {  	[tilespmem:$0x1F740] =	vst v0;
	v0 =	vor.u32 $0x1, v45  }
0xe0: {  	[tilespmem:$0x1F750] =	vst v0;
	v0 =	vor.u32 $0x1, v46  }
0xe1: {  	[tilespmem:$0x1F760] =	vst v0;
	v0 =	vor.u32 $0x2, v2  }
0xe2: {  	[tilespmem:$0x1F770] =	vst v0;
	v0 =	vor.u32 $0x2, v3  }
0xe3: {  	[tilespmem:$0x1F780] =	vst v0;
	v0 =	vor.u32 $0x2, v4  }
0xe4: {  	[tilespmem:$0x1F790] =	vst v0;
	v0 =	vor.u32 $0x2, v31  }
0xe5: {  	[tilespmem:$0x1F7A0] =	vst v0;
	v0 =	vor.u32 $0x2, v32  }
0xe6: {  	[tilespmem:$0x1F7B0] =	vst v0;
	v0 =	vor.u32 $0x2, v33  }
0xe7: {  	[tilespmem:$0x1F7C0] =	vst v0;
	v0 =	vor.u32 $0x2, v34  }
0xe8: {  	[tilespmem:$0x1F7D0] =	vst v0;
	v0 =	vor.u32 $0x2, v35  }
0xe9: {  	[tilespmem:$0x1F7E0] =	vst v0;
	v0 =	vor.u32 $0x2, v36  }
0xea: {  	[tilespmem:$0x1F7F0] =	vst v0;
	v0 =	vor.u32 $0x2, v37  }
0xeb: {  	[tilespmem:$0x1F800] =	vst v0;
	v0 =	vor.u32 $0x2, v38  }
0xec: {  	[tilespmem:$0x1F810] =	vst v0;
	v0 =	vor.u32 $0x2, v39  }
0xed: {  	[tilespmem:$0x1F820] =	vst v0;
	v0 =	vor.u32 $0x2, v40  }
0xee: {  	[tilespmem:$0x1F830] =	vst v0;
	v0 =	vor.u32 $0x2, v41  }
0xef: {  	[tilespmem:$0x1F840] =	vst v0;
	v0 =	vor.u32 $0x2, v42  }
0xf0: {  	[tilespmem:$0x1F850] =	vst v0;
	v0 =	vor.u32 $0x2, v43  }
0xf1: {  	[tilespmem:$0x1F860] =	vst v0;
	v0 =	vor.u32 $0x2, v44  }
0xf2: {  	[tilespmem:$0x1F870] =	vst v0;
	v0 =	vor.u32 $0x2, v45  }
0xf3: {  	[tilespmem:$0x1F880] =	vst v0;
	v0 =	vor.u32 $0x2, v46  }
0xf4: {  	[tilespmem:$0x1F890] =	vst v0;
	v0 =	vor.u32 $0x3, v2  }
0xf5: {  	[tilespmem:$0x1F8A0] =	vst v0;
	v0 =	vor.u32 $0x3, v3  }
0xf6: {  	[tilespmem:$0x1F8B0] =	vst v0;
	v0 =	vor.u32 $0x3, v4  }
0xf7: {  	[tilespmem:$0x1F8C0] =	vst v0;
	v0 =	vor.u32 $0x3, v31  }
0xf8: {  	[tilespmem:$0x1F8D0] =	vst v0;
	v0 =	vor.u32 $0x3, v32  }
0xf9: {  	[tilespmem:$0x1F8E0] =	vst v0;
	v0 =	vor.u32 $0x3, v33  }
0xfa: {  	[tilespmem:$0x1F8F0] =	vst v0;
	v0 =	vor.u32 $0x3, v34  }
0xfb: {  	[tilespmem:$0x1F900] =	vst v0;
	v0 =	vor.u32 $0x3, v35  }
0xfc: {  	[tilespmem:$0x1F910] =	vst v0;
	v0 =	vor.u32 $0x3, v36  }
0xfd: {  	[tilespmem:$0x1F920] =	vst v0;
	v0 =	vor.u32 $0x3, v37  }
0xfe: {  	[tilespmem:$0x1F930] =	vst v0;
	v0 =	vor.u32 $0x3, v38  }
0xff: {  	[tilespmem:$0x1F940] =	vst v0;
	v0 =	vor.u32 $0x3, v39  }
0x100: {  	[tilespmem:$0x1F950] =	vst v0;
	v0 =	vor.u32 $0x3, v40  }
0x101: {  	[tilespmem:$0x1F960] =	vst v0;
	v0 =	vor.u32 $0x3, v41  }
0x102: {  	[tilespmem:$0x1F970] =	vst v0;
	v0 =	vor.u32 $0x3, v42  }
0x103: {  	[tilespmem:$0x1F980] =	vst v0;
	v0 =	vor.u32 $0x3, v43  }
0x104: {  	[tilespmem:$0x1F990] =	vst v0;
	v0 =	vor.u32 $0x3, v44  }
0x105: {  	[tilespmem:$0x1F9A0] =	vst v0;
	v0 =	vor.u32 $0x3, v45  }
0x106: {  	[tilespmem:$0x1F9B0] =	vst v0;
	v0 =	vor.u32 $0x3, v46  }
0x107: {  	[tilespmem:$0x1F9C0] =	vst v0;
	v0 =	vor.u32 $0x4, v2  }
0x108: {  	[tilespmem:$0x1F9D0] =	vst v0;
	v0 =	vor.u32 $0x4, v3  }
0x109: {  	[tilespmem:$0x1F9E0] =	vst v0;
	v0 =	vor.u32 $0x4, v4  }
0x10a: {  	[tilespmem:$0x1F9F0] =	vst v0;
	v0 =	vor.u32 $0x4, v31  }
0x10b: {  	[tilespmem:$0x1FA00] =	vst v0;
	v0 =	vor.u32 $0x4, v32  }
0x10c: {  	[tilespmem:$0x1FA10] =	vst v0;
	v0 =	vor.u32 $0x4, v33  }
0x10d: {  	[tilespmem:$0x1FA20] =	vst v0;
	v0 =	vor.u32 $0x4, v34  }
0x10e: {  	[tilespmem:$0x1FA30] =	vst v0;
	v0 =	vor.u32 $0x4, v35  }
0x10f: {  	[tilespmem:$0x1FA40] =	vst v0;
	v0 =	vor.u32 $0x4, v36  }
0x110: {  	[tilespmem:$0x1FA50] =	vst v0;
	v0 =	vor.u32 $0x4, v37  }
0x111: {  	[tilespmem:$0x1FA60] =	vst v0;
	v0 =	vor.u32 $0x4, v38  }
0x112: {  	[tilespmem:$0x1FA70] =	vst v0;
	v0 =	vor.u32 $0x4, v39  }
0x113: {  	[tilespmem:$0x1FA80] =	vst v0;
	v0 =	vor.u32 $0x4, v40  }
0x114: {  	[tilespmem:$0x1FA90] =	vst v0;
	v0 =	vor.u32 $0x4, v41  }
0x115: {  	[tilespmem:$0x1FAA0] =	vst v0;
	v0 =	vor.u32 $0x4, v42  }
0x116: {  	[tilespmem:$0x1FAB0] =	vst v0;
	v0 =	vor.u32 $0x4, v43  }
0x117: {  	[tilespmem:$0x1FAC0] =	vst v0;
	v0 =	vor.u32 $0x4, v44  }
0x118: {  	[tilespmem:$0x1FAD0] =	vst v0;
	v0 =	vor.u32 $0x4, v45  }
0x119: {  	[tilespmem:$0x1FAE0] =	vst v0;
	v0 =	vor.u32 $0x4, v46  }
0x11a: {  	[tilespmem:$0x1FAF0] =	vst v0;
	v0 =	vor.u32 $0x5, v2  }
0x11b: {  	[tilespmem:$0x1FB00] =	vst v0;
	v0 =	vor.u32 $0x5, v3  }
0x11c: {  	[tilespmem:$0x1FB10] =	vst v0;
	v0 =	vor.u32 $0x5, v4  }
0x11d: {  	[tilespmem:$0x1FB20] =	vst v0;
	v0 =	vor.u32 $0x5, v31  }
0x11e: {  	[tilespmem:$0x1FB30] =	vst v0;
	v0 =	vor.u32 $0x5, v32  }
0x11f: {  	[tilespmem:$0x1FB40] =	vst v0;
	v0 =	vor.u32 $0x5, v33  }
0x120: {  	[tilespmem:$0x1FB50] =	vst v0;
	v0 =	vor.u32 $0x5, v34  }
0x121: {  	[tilespmem:$0x1FB60] =	vst v0;
	v0 =	vor.u32 $0x5, v35  }
0x122: {  	[tilespmem:$0x1FB70] =	vst v0;
	v0 =	vor.u32 $0x5, v36  }
0x123: {  	[tilespmem:$0x1FB80] =	vst v0;
	v0 =	vor.u32 $0x5, v37  }
0x124: {  	[tilespmem:$0x1FB90] =	vst v0;
	v0 =	vor.u32 $0x5, v38  }
0x125: {  	[tilespmem:$0x1FBA0] =	vst v0;
	v0 =	vor.u32 $0x5, v39  }
0x126: {  	[tilespmem:$0x1FBB0] =	vst v0;
	v0 =	vor.u32 $0x5, v40  }
0x127: {  	[tilespmem:$0x1FBC0] =	vst v0;
	v0 =	vor.u32 $0x5, v41  }
0x128: {  	[tilespmem:$0x1FBD0] =	vst v0;
	v0 =	vor.u32 $0x5, v42  }
0x129: {  	[tilespmem:$0x1FBE0] =	vst v0;
	v0 =	vor.u32 $0x5, v43  }
0x12a: {  	[tilespmem:$0x1FBF0] =	vst v0;
	v0 =	vor.u32 $0x5, v44  }
0x12b: {  	[tilespmem:$0x1FC00] =	vst v0;
	v0 =	vor.u32 $0x5, v45  }
0x12c: {  	[tilespmem:$0x1FC10] =	vst v0;
	v0 =	vor.u32 $0x5, v46  }
0x12d: {  	[tilespmem:$0x1FC20] =	vst v0;
	v0 =	vor.u32 $0x6, v2  }
0x12e: {  	[tilespmem:$0x1FC30] =	vst v0;
	v0 =	vor.u32 $0x6, v3  }
0x12f: {  	[tilespmem:$0x1FC40] =	vst v0;
	v0 =	vor.u32 $0x6, v4  }
0x130: {  	[tilespmem:$0x1FC50] =	vst v0;
	v0 =	vor.u32 $0x6, v31  }
0x131: {  	[tilespmem:$0x1FC60] =	vst v0;
	v0 =	vor.u32 $0x6, v32  }
0x132: {  	[tilespmem:$0x1FC70] =	vst v0;
	v0 =	vor.u32 $0x6, v33  }
0x133: {  	[tilespmem:$0x1FC80] =	vst v0;
	v0 =	vor.u32 $0x6, v34  }
0x134: {  	[tilespmem:$0x1FC90] =	vst v0;
	v0 =	vor.u32 $0x6, v35  }
0x135: {  	[tilespmem:$0x1FCA0] =	vst v0;
	v0 =	vor.u32 $0x6, v36  }
0x136: {  	[tilespmem:$0x1FCB0] =	vst v0;
	v0 =	vor.u32 $0x6, v37  }
0x137: {  	[tilespmem:$0x1FCC0] =	vst v0;
	v0 =	vor.u32 $0x6, v38  }
0x138: {  	[tilespmem:$0x1FCD0] =	vst v0;
	v0 =	vor.u32 $0x6, v39  }
0x139: {  	[tilespmem:$0x1FCE0] =	vst v0;
	v0 =	vor.u32 $0x6, v40  }
0x13a: {  	[tilespmem:$0x1FCF0] =	vst v0;
	v0 =	vor.u32 $0x6, v41  }
0x13b: {  	[tilespmem:$0x1FD00] =	vst v0;
	v0 =	vor.u32 $0x6, v42  }
0x13c: {  	[tilespmem:$0x1FD10] =	vst v0;
	v0 =	vor.u32 $0x6, v43  }
0x13d: {  	[tilespmem:$0x1FD20] =	vst v0;
	v0 =	vor.u32 $0x6, v44  }
0x13e: {  	[tilespmem:$0x1FD30] =	vst v0;
	v0 =	vor.u32 $0x6, v45  }
0x13f: {  	[tilespmem:$0x1FD40] =	vst v0;
	v0 =	vor.u32 $0x6, v46  }
0x140: {  	[tilespmem:$0x1FD50] =	vst v0;
	v0 =	vor.u32 $0x7, v2  }
0x141: {  	[tilespmem:$0x1FD70] =	vst v0;
	v0 =	vor.u32 $0x7, v3  }
0x142: {  	[tilespmem:$0x1FD90] =	vst v0;
	v0 =	vor.u32 $0x7, v4  }
0x143: {  	[tilespmem:$0x1FDB0] =	vst v0;
	v0 =	vor.u32 $0x7, v31  }
0x144: {  	[tilespmem:$0x1FDC0] =	vst v0;
	v0 =	vor.u32 $0x7, v32  }
0x145: {  	[tilespmem:$0x1FDD0] =	vst v0;
	v0 =	vor.u32 $0x7, v33  }
0x146: {  	[tilespmem:$0x1FDE0] =	vst v0;
	v0 =	vor.u32 $0x7, v34  }
0x147: {  	[tilespmem:$0x1FDF0] =	vst v0;
	v0 =	vor.u32 $0x7, v35  }
0x148: {  	[tilespmem:$0x1FE00] =	vst v0;
	v0 =	vor.u32 $0x7, v36  }
0x149: {  	v49 =	vimm.f32 $0.0e+00;
	v50 =	vimm.f32 $0.0e+00;
	[tilespmem:$0x1FE10] =	vst v0;
	v0 =	vor.u32 $0x7, v37  }
0x14a: {  	v51 =	vimm.f32 $0.0e+00;
	v52 =	vimm.f32 $0.0e+00;
	[tilespmem:$0x1FE20] =	vst v0;
	v0 =	vor.u32 $0x7, v38  }
0x14b: {  	v53 =	vimm.f32 $0.0e+00;
	v55 =	vimm.f32 $0.0e+00;
	[tilespmem:$0x1FE30] =	vst v0;
	v0 =	vor.u32 $0x7, v39  }
0x14c: {  	v56 =	vimm.f32 $0.0e+00;
	v60 =	vimm.f32 $0.0e+00;
	[tilespmem:$0x1FE40] =	vst v0;
	v0 =	vor.u32 $0x7, v40  }
0x14d: {  	v58 =	vimm.f32 $0.0e+00;
	v57 =	vimm.f32 $0.0e+00;
	[tilespmem:$0x1FE50] =	vst v0;
	v0 =	vor.u32 $0x7, v41  }
0x14e: {  	v59 =	vimm.f32 $0.0e+00;
	v61 =	vimm.f32 $0.0e+00;
	[tilespmem:$0x1FE60] =	vst v0;
	v0 =	vor.u32 $0x7, v42  }
0x14f: {  	v62 =	vimm.f32 $0.0e+00;
	v63 =	vimm.f32 $0.0e+00;
	[tilespmem:$0x1FE70] =	vst v0;
	v0 =	vor.u32 $0x7, v43  }
0x150: {  	v54 =	vimm.f32 $0.0e+00;
	v8 =	vimm.f32 $0.0e+00;
	[tilespmem:$0x1FE80] =	vst v0;
	v0 =	vor.u32 $0x7, v44  }
0x151: {  	v5 =	vimm.f32 $0.0e+00;
	v6 =	vimm.f32 $0.0e+00;
	[tilespmem:$0x1FE90] =	vst v0;
	v0 =	vor.u32 $0x7, v45  }
0x152: {  	v1 =	vimm.f32 $0.0e+00;
	v2 =	vimm.f32 $0.0e+00;
	[tilespmem:$0x1FEA0] =	vst v0;
	v0 =	vor.u32 $0x7, v46  }
0x153: {  	s25 =	simm.s32 $0x0;
	v3 =	vimm.f32 $0.0e+00;
	v4 =	vimm.f32 $0.0e+00;
	[tilespmem:$0x1FEB0] =	vst v0;
	v0 =	vimm.f32 $0.0e+00  }
.LBB2_4:
0x154: {  	v7 =	vmov s25  }
0x155: {  	v7 =	vshrl.u32 v7, $0x3  }
0x156: {  	v7 =	vshll.u32 v7, $0x3  }
0x157: {  	v48 =	vbroadcast v7, $0x0;
	v7 =	vld [tilespmem:$0x1F620];
	_ =	sdelay $0x4  }
0x158: {  	v9 =	vor.u32 v7, v48;
	_ =	sdelay $0x2  }
0x159: {  	v11 =	vld [tilespmem:$0x1FD60]  }
0x15a: {  	v14 =	vld [tilespmem:$0x1FD80]  }
0x15b: {  	v7 =	vld.idx.msk [tilespmem:v9+s16+$0x0], $0xffff  }
0x15c: {  	v15 =	vld [tilespmem:$0x1FDA0]  }
0x15d: {  	v10 =	vld.idx.msk [tilespmem:v9+s17+$0x0], $0xffff  }
0x15e: {  	v11 =	vor.u32 v11, v48  }
0x15f: {  	v12 =	vld.idx.msk [tilespmem:v9+s18+$0x0], $0xffff  }
0x160: {  	v14 =	vor.u32 v14, v48;
	v13 =	vmul.f32 v7, v7  }
0x161: {  	v9 =	vld.idx.msk [tilespmem:v9+s19+$0x0], $0xffff  }
0x162: {  	v15 =	vor.u32 v15, v48;
	v20 =	vmul.f32 v10, v10;
	v8 =	vadd.f32 v13, v8  }
0x163: {  	v11 =	vld.idx.msk [tilespmem:v11+s19+$0x0], $0xffff  }
0x164: {  	v16 =	vor.u32 v31, v48;
	v21 =	vmul.f32 v12, v12;
	v8 =	vadd.f32 v20, v8  }
0x165: {  	v14 =	vld.idx.msk [tilespmem:v14+s19+$0x0], $0xffff  }
0x166: {  	v17 =	vor.u32 v32, v48;
	v22 =	vmul.f32 v9, v9;
	v8 =	vadd.f32 v21, v8  }
0x167: {  	v15 =	vld.idx.msk [tilespmem:v15+s19+$0x0], $0xffff  }
0x168: {  	v18 =	vor.u32 v33, v48;
	v23 =	vmul.f32 v11, v11;
	v8 =	vadd.f32 v22, v8  }
0x169: {  	v16 =	vld.idx.msk [tilespmem:v16+s19+$0x0], $0xffff  }
0x16a: {  	v19 =	vor.u32 v34, v48;
	v24 =	vmul.f32 v14, v14;
	v8 =	vadd.f32 v23, v8  }
0x16b: {  	v17 =	vld.idx.msk [tilespmem:v17+s19+$0x0], $0xffff  }
0x16c: {  	v25 =	vmul.f32 v15, v15;
	v21 =	vor.u32 v35, v48;
	v8 =	vadd.f32 v24, v8  }
0x16d: {  	v18 =	vld.idx.msk [tilespmem:v18+s19+$0x0], $0xffff  }
0x16e: {  	v26 =	vmul.f32 v16, v16;
	v22 =	vor.u32 v36, v48;
	v8 =	vadd.f32 v25, v8  }
0x16f: {  	v19 =	vld.idx.msk [tilespmem:v19+s19+$0x0], $0xffff  }
0x170: {  	v27 =	vmul.f32 v17, v17;
	v23 =	vor.u32 v37, v48;
	v8 =	vadd.f32 v26, v8  }
0x171: {  	v21 =	vld.idx.msk [tilespmem:v21+s19+$0x0], $0xffff  }
0x172: {  	v47 =	vmul.f32 v18, v18;
	v24 =	vor.u32 v38, v48;
	v8 =	vadd.f32 v27, v8  }
0x173: {  	v22 =	vld.idx.msk [tilespmem:v22+s19+$0x0], $0xffff  }
0x174: {  	v25 =	vor.u32 v39, v48;
	v8 =	vadd.f32 v47, v8;
	v47 =	vmul.f32 v19, v19  }
0x175: {  	v23 =	vld.idx.msk [tilespmem:v23+s19+$0x0], $0xffff  }
0x176: {  	v20 =	vmul.f32 v21, v21;
	v26 =	vor.u32 v40, v48;
	v8 =	vadd.f32 v47, v8  }
0x177: {  	v24 =	vld.idx.msk [tilespmem:v24+s19+$0x0], $0xffff  }
0x178: {  	v27 =	vor.u32 v41, v48;
	v47 =	vmul.f32 v22, v22;
	v8 =	vadd.f32 v20, v8  }
0x179: {  	v28 =	vor.u32 v44, v48;
	v10 =	vsub.f32 v7, v10;
	v25 =	vld.idx.msk [tilespmem:v25+s19+$0x0], $0xffff  }
0x17a: {  	v20 =	vmul.f32 v23, v23;
	v8 =	vadd.f32 v47, v8;
	v47 =	vor.u32 v42, v48  }
0x17b: {  	v12 =	vsub.f32 v7, v12;
	v10 =	vmul.f32 v10, v10;
	v26 =	vld.idx.msk [tilespmem:v26+s19+$0x0], $0xffff  }
0x17c: {  	v13 =	vmul.f32 v24, v24;
	v8 =	vadd.f32 v20, v8;
	v20 =	vor.u32 v43, v48  }
0x17d: {  	v6 =	vadd.f32 v10, v6;
	v27 =	vld.idx.msk [tilespmem:v27+s19+$0x0], $0xffff  }
0x17e: {  	v10 =	vmul.f32 v12, v12;
	v12 =	vld.idx.msk [tilespmem:v28+s19+$0x0], $0xffff;
	v8 =	vadd.f32 v13, v8;
	v13 =	vmul.f32 v25, v25  }
0x17f: {  	v47 =	vld.idx.msk [tilespmem:v47+s19+$0x0], $0xffff  }
0x180: {  	v28 =	vld [tilespmem:$0x1F5C0];
	v8 =	vadd.f32 v13, v8;
	v13 =	vmul.f32 v26, v26  }
0x181: {  	v29 =	vor.u32 v45, v48;
	v20 =	vld.idx.msk [tilespmem:v20+s19+$0x0], $0xffff  }
0x182: {  	v8 =	vadd.f32 v13, v8;
	v13 =	vmul.f32 v27, v27  }
0x183: {  	v30 =	vor.u32 v46, v48;
	v9 =	vsub.f32 v7, v9  }
0x184: {  	v14 =	vsub.f32 v7, v14;
	v8 =	vadd.f32 v13, v8;
	v13 =	vmul.f32 v47, v47  }
0x185: {  	v9 =	vmul.f32 v9, v9;
	v5 =	vadd.f32 v10, v5;
	v10 =	vsub.f32 v7, v11  }
0x186: {  	v11 =	vld.idx.msk [tilespmem:v29+s19+$0x0], $0xffff;
	v28 =	vadd.s32 v28, v48;
	v13 =	vadd.f32 v13, v8;
	v29 =	vmul.f32 v20, v20  }
0x187: {  	v8 =	vadd.f32 v9, v3;
	v3 =	vmul.f32 v10, v10;
	v10 =	vsub.f32 v7, v15  }
0x188: {  	v14 =	vmul.f32 v14, v14  }
0x189: {  	v16 =	vsub.f32 v7, v16;
	v15 =	vld.idx.msk [tilespmem:v30+s19+$0x0], $0xffff;
	v13 =	vadd.f32 v29, v13;
	v10 =	vmul.f32 v10, v10  }
0x18a: {  	v30 =	vld [tilespmem:$0x1F670];
	v29 =	vmul.f32 v12, v12;
	v9 =	vadd.f32 v3, v54;
	v3 =	vadd.f32 v14, v2  }
0x18b: {  	v54 =	vld.idx.msk [tilespmem:v28+s16+$0x0], $0xffff;
	v2 =	vadd.f32 v10, v4;
	v4 =	vmul.f32 v16, v16;
	v10 =	vsub.f32 v7, v17  }
0x18c: {  	v13 =	vadd.f32 v29, v13;
	v29 =	vld [tilespmem:$0x1F650]  }
0x18d: {  	v16 =	vld.idx.msk [tilespmem:v28+s17+$0x0], $0xffff;
	v1 =	vadd.f32 v4, v1;
	v4 =	vmul.f32 v10, v10;
	v10 =	vsub.f32 v7, v18  }
0x18e: {  	v18 =	vld.idx.msk [tilespmem:v28+s18+$0x0], $0xffff  }
0x18f: {  	v0 =	vadd.f32 v4, v0;
	v4 =	vmul.f32 v10, v10;
	v10 =	vsub.f32 v7, v19;
	v19 =	vld.idx.msk [tilespmem:v28+s19+$0x0], $0xffff  }
0x190: {  	v28 =	vld [tilespmem:$0x1F660]  }
0x191: {  	v29 =	vadd.s32 v29, v48  }
0x192: {  	v21 =	vsub.f32 v7, v21;
	v17 =	vld [tilespmem:$0x1F640];
	v10 =	vmul.f32 v10, v10  }
0x193: {  	v30 =	vadd.s32 v30, v48  }
0x194: {  	v62 =	vadd.f32 v10, v62;
	v10 =	vmul.f32 v21, v21;
	v21 =	vsub.f32 v7, v22  }
0x195: {  	v14 =	vmul.f32 v11, v11;
	v28 =	vadd.s32 v28, v48  }
0x196: {  	v22 =	vld.idx.msk [tilespmem:v29+s19+$0x0], $0xffff;
	v61 =	vadd.f32 v10, v61;
	v10 =	vmul.f32 v21, v21;
	v21 =	vsub.f32 v7, v23  }
0x197: {  	v13 =	vadd.f32 v14, v13;
	v14 =	vmul.f32 v15, v15;
	v17 =	vadd.s32 v17, v48;
	v29 =	vld [tilespmem:$0x1F680]  }
0x198: {  	v59 =	vadd.f32 v10, v59;
	v10 =	vmul.f32 v21, v21;
	v21 =	vsub.f32 v7, v24;
	v24 =	vld.idx.msk [tilespmem:v30+s19+$0x0], $0xffff  }
0x199: {  	v30 =	vld [tilespmem:$0x1F6A0]  }
0x19a: {  	v13 =	vadd.f32 v14, v13;
	v14 =	vmul.f32 v54, v54;
	v23 =	vld.idx.msk [tilespmem:v28+s19+$0x0], $0xffff  }
0x19b: {  	v28 =	vld [tilespmem:$0x1F690]  }
0x19c: {  	v13 =	vadd.f32 v14, v13;
	v14 =	vmul.f32 v16, v16;
	v29 =	vadd.s32 v29, v48  }
0x19d: {  	v17 =	vld.idx.msk [tilespmem:v17+s19+$0x0], $0xffff  }
0x19e: {  	v13 =	vadd.f32 v14, v13;
	v14 =	vmul.f32 v18, v18;
	v30 =	vadd.s32 v30, v48  }
0x19f: {  	v57 =	vadd.f32 v10, v57;
	v10 =	vmul.f32 v21, v21;
	v21 =	vsub.f32 v7, v25  }
0x1a0: {  	v13 =	vadd.f32 v14, v13;
	v14 =	vmul.f32 v19, v19;
	v28 =	vadd.s32 v28, v48  }
0x1a1: {  	v58 =	vadd.f32 v10, v58;
	v10 =	vmul.f32 v21, v21;
	v21 =	vsub.f32 v7, v26;
	v25 =	vld.idx.msk [tilespmem:v29+s19+$0x0], $0xffff  }
0x1a2: {  	v4 =	vadd.f32 v4, v63;
	v13 =	vadd.f32 v14, v13;
	v63 =	vmul.f32 v17, v17;
	v29 =	vld [tilespmem:$0x1F6B0]  }
0x1a3: {  	v60 =	vadd.f32 v10, v60;
	v10 =	vmul.f32 v21, v21;
	v21 =	vsub.f32 v7, v27;
	v27 =	vld.idx.msk [tilespmem:v30+s19+$0x0], $0xffff  }
0x1a4: {  	v30 =	vld [tilespmem:$0x1F6D0]  }
0x1a5: {  	v13 =	vadd.f32 v63, v13;
	v63 =	vmul.f32 v22, v22;
	v26 =	vld.idx.msk [tilespmem:v28+s19+$0x0], $0xffff  }
0x1a6: {  	v28 =	vld [tilespmem:$0x1F6C0]  }
0x1a7: {  	v13 =	vadd.f32 v63, v13;
	v63 =	vmul.f32 v23, v23  }
0x1a8: {  	v14 =	vmul.f32 v24, v24  }
0x1a9: {  	v56 =	vadd.f32 v10, v56;
	v13 =	vadd.f32 v63, v13;
	v29 =	vadd.s32 v29, v48  }
0x1aa: {  	v10 =	vmul.f32 v21, v21;
	v21 =	vsub.f32 v7, v47;
	v30 =	vadd.s32 v30, v48  }
0x1ab: {  	v13 =	vadd.f32 v14, v13;
	v63 =	vmul.f32 v25, v25;
	v28 =	vadd.s32 v28, v48  }
0x1ac: {  	v20 =	vsub.f32 v7, v20  }
0x1ad: {  	v55 =	vadd.f32 v10, v55;
	v10 =	vmul.f32 v21, v21;
	v13 =	vadd.f32 v63, v13;
	v63 =	vld [tilespmem:$0x1F6E0]  }
0x1ae: {  	v29 =	vld.idx.msk [tilespmem:v29+s19+$0x0], $0xffff  }
0x1af: {  	v53 =	vadd.f32 v10, v53;
	v10 =	vmul.f32 v20, v20;
	v20 =	vld.idx.msk [tilespmem:v30+s19+$0x0], $0xffff  }
0x1b0: {  	v14 =	vmul.f32 v26, v26;
	v21 =	vld.idx.msk [tilespmem:v28+s19+$0x0], $0xffff  }
0x1b1: {  	v12 =	vsub.f32 v7, v12;
	v28 =	vld [tilespmem:$0x1F6F0]  }
0x1b2: {  	v13 =	vadd.f32 v14, v13;
	v47 =	vadd.s32 v63, v48;
	v63 =	vmul.f32 v27, v27;
	v30 =	vld [tilespmem:$0x1F700]  }
0x1b3: {  	v11 =	vsub.f32 v7, v11;
	v52 =	vadd.f32 v10, v52;
	v10 =	vmul.f32 v12, v12  }
0x1b4: {  	v13 =	vadd.f32 v63, v13;
	v63 =	vmul.f32 v29, v29  }
0x1b5: {  	v51 =	vadd.f32 v10, v51;
	v10 =	vmul.f32 v11, v11;
	v11 =	vsub.f32 v7, v15;
	v7 =	vld [tilespmem:$0x1F720]  }
0x1b6: {  	v13 =	vadd.f32 v63, v13;
	v63 =	vld [tilespmem:$0x1F710];
	v28 =	vadd.s32 v28, v48  }
0x1b7: {  	v30 =	vadd.s32 v30, v48;
	_ =	sdelay $0x2  }
0x1b8: {  	v12 =	vld.idx.msk [tilespmem:v47+s19+$0x0], $0xffff  }
0x1b9: {  	v14 =	vmul.f32 v21, v21;
	v47 =	vadd.s32 v63, v48;
	v15 =	vld.idx.msk [tilespmem:v28+s19+$0x0], $0xffff;
	v28 =	vadd.s32 v7, v48  }
0x1ba: {  	v7 =	vadd.f32 v10, v50;
	v10 =	vmul.f32 v11, v11;
	v11 =	vsub.f32 v54, v16;
	v16 =	vld.idx.msk [tilespmem:v30+s19+$0x0], $0xffff  }
0x1bb: {  	v30 =	vld [tilespmem:$0x1F730]  }
0x1bc: {  	v13 =	vadd.f32 v14, v13;
	v63 =	vmul.f32 v20, v20  }
0x1bd: {  	v50 =	vadd.f32 v10, v49;
	v11 =	vmul.f32 v11, v11;
	v49 =	vld [tilespmem:$0x1F740]  }
0x1be: {  	v13 =	vadd.f32 v63, v13;
	v10 =	vsub.f32 v54, v18;
	v18 =	vld.idx.msk [tilespmem:v47+s19+$0x0], $0xffff  }
0x1bf: {  	v63 =	vmul.f32 v12, v12;
	v6 =	vadd.f32 v11, v6;
	v11 =	vsub.f32 v54, v19;
	v19 =	vld.idx.msk [tilespmem:v28+s19+$0x0], $0xffff  }
0x1c0: {  	v30 =	vadd.s32 v30, v48;
	v28 =	vld [tilespmem:$0x1F750]  }
0x1c1: {  	v13 =	vadd.f32 v63, v13;
	v63 =	vmul.f32 v15, v15  }
0x1c2: {  	v10 =	vmul.f32 v10, v10  }
0x1c3: {  	v47 =	vadd.s32 v49, v48;
	v13 =	vadd.f32 v63, v13;
	v63 =	vmul.f32 v16, v16  }
0x1c4: {  	v5 =	vadd.f32 v10, v5;
	v10 =	vmul.f32 v11, v11;
	v11 =	vsub.f32 v54, v17  }
0x1c5: {  	v49 =	vmul.f32 v18, v18;
	v13 =	vadd.f32 v63, v13;
	v28 =	vadd.s32 v28, v48;
	v17 =	vld.idx.msk [tilespmem:v30+s19+$0x0], $0xffff  }
0x1c6: {  	v30 =	vld [tilespmem:$0x1F760]  }
0x1c7: {  	v24 =	vsub.f32 v54, v24;
	v13 =	vadd.f32 v49, v13;
	v49 =	vld [tilespmem:$0x1F5D0]  }
0x1c8: {  	v8 =	vadd.f32 v10, v8;
	v10 =	vmul.f32 v11, v11;
	v11 =	vsub.f32 v54, v22;
	v22 =	vld.idx.msk [tilespmem:v47+s19+$0x0], $0xffff  }
0x1c9: {  	v24 =	vmul.f32 v24, v24;
	v63 =	vmul.f32 v19, v19  }
0x1ca: {  	v9 =	vadd.f32 v10, v9;
	v10 =	vmul.f32 v11, v11;
	v11 =	vsub.f32 v54, v23;
	v23 =	vld.idx.msk [tilespmem:v28+s19+$0x0], $0xffff  }
0x1cb: {  	v13 =	vadd.f32 v63, v13;
	v30 =	vadd.s32 v30, v48;
	v63 =	vmul.f32 v17, v17  }
0x1cc: {  	v3 =	vadd.f32 v10, v3;
	v10 =	vmul.f32 v11, v11;
	v11 =	vsub.f32 v54, v25  }
0x1cd: {  	v47 =	vadd.s32 v49, v48;
	v13 =	vadd.f32 v63, v13;
	v14 =	vmul.f32 v22, v22  }
0x1ce: {  	v63 =	vadd.f32 v10, v2;
	v10 =	vmul.f32 v11, v11;
	v11 =	vsub.f32 v54, v26  }
0x1cf: {  	v2 =	vadd.f32 v24, v1;
	v1 =	vadd.f32 v14, v13;
	v26 =	vmul.f32 v23, v23  }
0x1d0: {  	v25 =	vld.idx.msk [tilespmem:v30+s19+$0x0], $0xffff  }
0x1d1: {  	v13 =	vadd.f32 v26, v1;
	v1 =	vld [tilespmem:$0x1F770]  }
0x1d2: {  	v49 =	vld.idx.msk [tilespmem:v47+s16+$0x0], $0xffff;
	_ =	sdelay $0x1  }
0x1d3: {  	v0 =	vadd.f32 v10, v0;
	v10 =	vmul.f32 v11, v11;
	v11 =	vsub.f32 v54, v27;
	v14 =	vld.idx.msk [tilespmem:v47+s17+$0x0], $0xffff  }
0x1d4: {  	v24 =	vmul.f32 v25, v25  }
0x1d5: {  	v26 =	vadd.s32 v1, v48;
	v1 =	vadd.f32 v10, v4;
	v4 =	vmul.f32 v11, v11;
	v11 =	vld.idx.msk [tilespmem:v47+s18+$0x0], $0xffff  }
0x1d6: {  	v27 =	vld [tilespmem:$0x1F780];
	v13 =	vadd.f32 v24, v13;
	v24 =	vmul.f32 v49, v49  }
0x1d7: {  	v10 =	vsub.f32 v54, v29;
	v29 =	vld [tilespmem:$0x1F790]  }
0x1d8: {  	v28 =	vld.idx.msk [tilespmem:v47+s19+$0x0], $0xffff;
	v47 =	vmul.f32 v14, v14;
	v13 =	vadd.f32 v24, v13  }
0x1d9: {  	v21 =	vsub.f32 v54, v21;
	v10 =	vmul.f32 v10, v10  }
0x1da: {  	v4 =	vadd.f32 v4, v62;
	v13 =	vadd.f32 v47, v13;
	v47 =	vld [tilespmem:$0x1F7A0];
	v62 =	vmul.f32 v11, v11  }
0x1db: {  	v27 =	vadd.s32 v27, v48;
	v61 =	vadd.f32 v10, v61;
	v10 =	vmul.f32 v21, v21;
	v21 =	vld.idx.msk [tilespmem:v26+s19+$0x0], $0xffff  }
0x1dc: {  	v29 =	vadd.s32 v29, v48;
	v13 =	vadd.f32 v62, v13;
	v62 =	vld [tilespmem:$0x1F7B0];
	_ =	sdelay $0x1  }
0x1dd: {  	v20 =	vsub.f32 v54, v20  }
0x1de: {  	v24 =	vmul.f32 v28, v28;
	v59 =	vadd.f32 v10, v59  }
0x1df: {  	v10 =	vmul.f32 v20, v20;
	v20 =	vld.idx.msk [tilespmem:v27+s19+$0x0], $0xffff;
	v26 =	vadd.s32 v47, v48;
	v47 =	vsub.f32 v54, v15  }
0x1e0: {  	v13 =	vadd.f32 v24, v13;
	v15 =	vld.idx.msk [tilespmem:v29+s19+$0x0], $0xffff;
	v27 =	vadd.s32 v62, v48;
	v62 =	vmul.f32 v21, v21  }
0x1e1: {  	v12 =	vsub.f32 v54, v12;
	v29 =	vld [tilespmem:$0x1F7C0]  }
0x1e2: {  	v13 =	vadd.f32 v62, v13;
	v62 =	vld [tilespmem:$0x1F7D0]  }
0x1e3: {  	v57 =	vadd.f32 v10, v57;
	v10 =	vmul.f32 v12, v12;
	_ =	sdelay $0x1  }
0x1e4: {  	v58 =	vadd.f32 v10, v58  }
0x1e5: {  	v10 =	vmul.f32 v47, v47;
	v47 =	vsub.f32 v54, v16;
	v16 =	vld.idx.msk [tilespmem:v26+s19+$0x0], $0xffff;
	v29 =	vadd.s32 v29, v48  }
0x1e6: {  	v26 =	vadd.s32 v62, v48;
	v62 =	vld [tilespmem:$0x1F7E0]  }
0x1e7: {  	v24 =	vmul.f32 v20, v20  }
0x1e8: {  	v60 =	vadd.f32 v10, v60;
	v10 =	vmul.f32 v47, v47;
	v47 =	vsub.f32 v54, v18  }
0x1e9: {  	v13 =	vadd.f32 v24, v13;
	v24 =	vmul.f32 v15, v15;
	v18 =	vld.idx.msk [tilespmem:v27+s19+$0x0], $0xffff  }
0x1ea: {  	v56 =	vadd.f32 v10, v56;
	v10 =	vmul.f32 v47, v47;
	v47 =	vsub.f32 v54, v19;
	v19 =	vld.idx.msk [tilespmem:v29+s19+$0x0], $0xffff  }
0x1eb: {  	v13 =	vadd.f32 v24, v13;
	v29 =	vld [tilespmem:$0x1F7F0];
	v27 =	vadd.s32 v62, v48;
	v62 =	vmul.f32 v16, v16;
	_ =	sdelay $0x1  }
0x1ec: {  	v13 =	vadd.f32 v62, v13;
	v62 =	vld [tilespmem:$0x1F800];
	_ =	sdelay $0x1  }
0x1ed: {  	v55 =	vadd.f32 v10, v55;
	v10 =	vmul.f32 v47, v47  }
0x1ee: {  	v47 =	vsub.f32 v54, v17;
	v29 =	vadd.s32 v29, v48  }
0x1ef: {  	v53 =	vadd.f32 v10, v53;
	v17 =	vld.idx.msk [tilespmem:v26+s19+$0x0], $0xffff  }
0x1f0: {  	v10 =	vmul.f32 v47, v47;
	v47 =	vsub.f32 v54, v22;
	v26 =	vadd.s32 v62, v48;
	v62 =	vld [tilespmem:$0x1F810]  }
0x1f1: {  	v24 =	vmul.f32 v18, v18  }
0x1f2: {  	v52 =	vadd.f32 v10, v52;
	v10 =	vmul.f32 v47, v47  }
0x1f3: {  	v47 =	vsub.f32 v54, v23;
	v13 =	vadd.f32 v24, v13;
	v24 =	vmul.f32 v19, v19;
	v23 =	vld.idx.msk [tilespmem:v29+s19+$0x0], $0xffff  }
0x1f4: {  	v29 =	vld [tilespmem:$0x1F820]  }
0x1f5: {  	v22 =	vld.idx.msk [tilespmem:v27+s19+$0x0], $0xffff;
	v13 =	vadd.f32 v24, v13;
	v27 =	vadd.s32 v62, v48;
	v62 =	vmul.f32 v17, v17  }
0x1f6: {  	v51 =	vadd.f32 v10, v51;
	v10 =	vmul.f32 v47, v47  }
0x1f7: {  	v47 =	vsub.f32 v54, v25;
	v13 =	vadd.f32 v62, v13;
	v62 =	vld [tilespmem:$0x1F830]  }
0x1f8: {  	v7 =	vadd.f32 v10, v7  }
0x1f9: {  	v10 =	vmul.f32 v47, v47;
	v47 =	vsub.f32 v49, v14;
	v29 =	vadd.s32 v29, v48;
	_ =	sdelay $0x1  }
0x1fa: {  	v50 =	vadd.f32 v10, v50;
	v10 =	vsub.f32 v49, v11;
	v11 =	vmul.f32 v47, v47;
	v25 =	vld.idx.msk [tilespmem:v26+s19+$0x0], $0xffff  }
0x1fb: {  	v26 =	vadd.s32 v62, v48;
	v62 =	vld [tilespmem:$0x1F840]  }
0x1fc: {  	v6 =	vadd.f32 v11, v6;
	v11 =	vsub.f32 v49, v28;
	v28 =	vld [tilespmem:$0x1F860]  }
0x1fd: {  	v12 =	vld.idx.msk [tilespmem:v29+s19+$0x0], $0xffff  }
0x1fe: {  	v54 =	vmul.f32 v22, v22;
	v29 =	vld [tilespmem:$0x1F850]  }
0x1ff: {  	v10 =	vmul.f32 v10, v10;
	v14 =	vld.idx.msk [tilespmem:v27+s19+$0x0], $0xffff  }
0x200: {  	v13 =	vadd.f32 v54, v13;
	v54 =	vmul.f32 v23, v23;
	v27 =	vadd.s32 v62, v48  }
0x201: {  	v5 =	vadd.f32 v10, v5  }
0x202: {  	v28 =	vadd.s32 v28, v48;
	v47 =	vmul.f32 v25, v25;
	v13 =	vadd.f32 v54, v13  }
0x203: {  	v10 =	vmul.f32 v11, v11;
	v11 =	vsub.f32 v49, v21;
	v29 =	vadd.s32 v29, v48;
	v26 =	vld.idx.msk [tilespmem:v26+s19+$0x0], $0xffff  }
0x204: {  	v13 =	vadd.f32 v47, v13;
	v54 =	vmul.f32 v14, v14  }
0x205: {  	v8 =	vadd.f32 v10, v8;
	v10 =	vmul.f32 v11, v11;
	v11 =	vsub.f32 v49, v20;
	v21 =	vld.idx.msk [tilespmem:v27+s19+$0x0], $0xffff  }
0x206: {  	v47 =	vld [tilespmem:$0x1F870];
	v13 =	vadd.f32 v54, v13;
	v62 =	vmul.f32 v12, v12  }
0x207: {  	v9 =	vadd.f32 v10, v9;
	v10 =	vmul.f32 v11, v11;
	v11 =	vsub.f32 v49, v15;
	v15 =	vld.idx.msk [tilespmem:v28+s19+$0x0], $0xffff  }
0x208: {  	v20 =	vld.idx.msk [tilespmem:v29+s19+$0x0], $0xffff;
	v13 =	vadd.f32 v62, v13;
	v54 =	vmul.f32 v26, v26  }
0x209: {  	v29 =	vld [tilespmem:$0x1F880]  }
0x20a: {  	v28 =	vld [tilespmem:$0x1F890];
	v13 =	vadd.f32 v54, v13;
	v62 =	vmul.f32 v21, v21  }
0x20b: {  	v27 =	vadd.s32 v47, v48  }
0x20c: {  	v13 =	vadd.f32 v62, v13;
	v62 =	vld [tilespmem:$0x1F5E0];
	_ =	sdelay $0x1  }
0x20d: {  	v29 =	vadd.s32 v29, v48  }
0x20e: {  	v28 =	vadd.s32 v28, v48  }
0x20f: {  	v54 =	vadd.f32 v10, v3;
	v3 =	vmul.f32 v11, v11;
	v10 =	vsub.f32 v49, v16;
	v11 =	vld.idx.msk [tilespmem:v27+s19+$0x0], $0xffff  }
0x210: {  	v47 =	vmul.f32 v20, v20;
	v24 =	vadd.s32 v62, v48  }
0x211: {  	v62 =	vadd.f32 v3, v63;
	v3 =	vmul.f32 v10, v10;
	v10 =	vsub.f32 v49, v18  }
0x212: {  	v19 =	vsub.f32 v49, v19;
	v27 =	vmul.f32 v15, v15;
	v13 =	vadd.f32 v47, v13;
	v18 =	vld.idx.msk [tilespmem:v29+s19+$0x0], $0xffff  }
0x213: {  	v63 =	vadd.f32 v3, v2;
	v2 =	vmul.f32 v10, v10;
	v3 =	vsub.f32 v49, v17  }
0x214: {  	v47 =	vmul.f32 v11, v11;
	v13 =	vadd.f32 v27, v13;
	v17 =	vld.idx.msk [tilespmem:v28+s19+$0x0], $0xffff  }
0x215: {  	v19 =	vmul.f32 v19, v19;
	v10 =	vadd.f32 v2, v0;
	v2 =	vmul.f32 v3, v3  }
0x216: {  	v22 =	vsub.f32 v49, v22;
	v13 =	vadd.f32 v47, v13;
	v0 =	vld.idx.msk [tilespmem:v24+s16+$0x0], $0xffff  }
0x217: {  	v3 =	vadd.f32 v19, v1;
	v27 =	vmul.f32 v18, v18;
	v19 =	vld.idx.msk [tilespmem:v24+s17+$0x0], $0xffff;
	v1 =	vadd.f32 v2, v4  }
0x218: {  	v2 =	vmul.f32 v22, v22;
	v4 =	vsub.f32 v49, v23;
	v23 =	vsub.f32 v49, v25;
	v25 =	vld.idx.msk [tilespmem:v24+s18+$0x0], $0xffff  }
0x219: {  	v13 =	vadd.f32 v27, v13;
	v47 =	vmul.f32 v17, v17;
	v27 =	vld [tilespmem:$0x1F8A0]  }
0x21a: {  	v2 =	vadd.f32 v2, v61;
	v61 =	vld [tilespmem:$0x1F8B0]  }
0x21b: {  	v13 =	vadd.f32 v47, v13;
	v47 =	vmul.f32 v0, v0;
	_ =	sdelay $0x1  }
0x21c: {  	v13 =	vadd.f32 v47, v13;
	v47 =	vmul.f32 v19, v19  }
0x21d: {  	v4 =	vmul.f32 v4, v4;
	v22 =	vadd.s32 v27, v48  }
0x21e: {  	v27 =	vadd.s32 v61, v48;
	v61 =	vld [tilespmem:$0x1F8C0];
	v13 =	vadd.f32 v47, v13;
	v47 =	vmul.f32 v25, v25  }
0x21f: {  	v14 =	vsub.f32 v49, v14  }
0x220: {  	v59 =	vadd.f32 v4, v59;
	v4 =	vmul.f32 v23, v23;
	v13 =	vadd.f32 v47, v13;
	v47 =	vld [tilespmem:$0x1F8E0];
	_ =	sdelay $0x1  }
0x221: {  	v12 =	vsub.f32 v49, v12;
	v23 =	vld.idx.msk [tilespmem:v24+s19+$0x0], $0xffff;
	v57 =	vadd.f32 v4, v57;
	v4 =	vmul.f32 v14, v14  }
0x222: {  	v24 =	vadd.s32 v61, v48;
	v61 =	vld [tilespmem:$0x1F8D0]  }
0x223: {  	v58 =	vadd.f32 v4, v58;
	v4 =	vmul.f32 v12, v12;
	v12 =	vsub.f32 v49, v26;
	v26 =	vld.idx.msk [tilespmem:v27+s19+$0x0], $0xffff  }
0x224: {  	v27 =	vadd.s32 v47, v48;
	v47 =	vld [tilespmem:$0x1F8F0];
	_ =	sdelay $0x2  }
0x225: {  	v60 =	vadd.f32 v4, v60;
	v14 =	vld.idx.msk [tilespmem:v22+s19+$0x0], $0xffff  }
0x226: {  	v4 =	vmul.f32 v12, v12;
	v12 =	vsub.f32 v49, v21;
	v22 =	vadd.s32 v61, v48;
	v21 =	vld.idx.msk [tilespmem:v24+s19+$0x0], $0xffff  }
0x227: {  	v24 =	vadd.s32 v47, v48;
	v47 =	vld [tilespmem:$0x1F900];
	_ =	sdelay $0x3  }
0x228: {  	v56 =	vadd.f32 v4, v56;
	v4 =	vmul.f32 v12, v12;
	v12 =	vsub.f32 v49, v20;
	v20 =	vld.idx.msk [tilespmem:v22+s19+$0x0], $0xffff  }
0x229: {  	v22 =	vadd.s32 v47, v48;
	v47 =	vld [tilespmem:$0x1F910]  }
0x22a: {  	v16 =	vmul.f32 v23, v23;
	_ =	sdelay $0x1  }
0x22b: {  	v13 =	vadd.f32 v16, v13;
	v61 =	vmul.f32 v14, v14  }
0x22c: {  	v55 =	vadd.f32 v4, v55;
	v4 =	vmul.f32 v12, v12;
	v12 =	vsub.f32 v49, v15;
	v15 =	vld.idx.msk [tilespmem:v27+s19+$0x0], $0xffff  }
0x22d: {  	v13 =	vadd.f32 v61, v13;
	v61 =	vmul.f32 v26, v26;
	v27 =	vadd.s32 v47, v48;
	v47 =	vld [tilespmem:$0x1F920]  }
0x22e: {  	v53 =	vadd.f32 v4, v53  }
0x22f: {  	v4 =	vmul.f32 v12, v12;
	v13 =	vadd.f32 v61, v13;
	v61 =	vmul.f32 v21, v21  }
0x230: {  	v11 =	vsub.f32 v49, v11;
	v12 =	vld.idx.msk [tilespmem:v24+s19+$0x0], $0xffff  }
0x231: {  	v52 =	vadd.f32 v4, v52;
	v13 =	vadd.f32 v61, v13;
	v61 =	vmul.f32 v20, v20  }
0x232: {  	v4 =	vmul.f32 v11, v11;
	v11 =	vsub.f32 v49, v18;
	v24 =	vadd.s32 v47, v48;
	v47 =	vld [tilespmem:$0x1F930]  }
0x233: {  	v13 =	vadd.f32 v61, v13;
	v61 =	vmul.f32 v15, v15  }
0x234: {  	v51 =	vadd.f32 v4, v51;
	v4 =	vmul.f32 v11, v11  }
0x235: {  	v11 =	vsub.f32 v49, v17;
	v18 =	vld.idx.msk [tilespmem:v22+s19+$0x0], $0xffff;
	v49 =	vmul.f32 v12, v12;
	v13 =	vadd.f32 v61, v13  }
0x236: {  	v61 =	vld [tilespmem:$0x1F940]  }
0x237: {  	v13 =	vadd.f32 v49, v13;
	v49 =	vld [tilespmem:$0x1F950];
	v22 =	vadd.s32 v47, v48  }
0x238: {  	v17 =	vld.idx.msk [tilespmem:v27+s19+$0x0], $0xffff;
	_ =	sdelay $0x1  }
0x239: {  	v7 =	vadd.f32 v4, v7;
	v4 =	vmul.f32 v11, v11;
	v11 =	vsub.f32 v0, v19;
	v19 =	vld.idx.msk [tilespmem:v24+s19+$0x0], $0xffff  }
0x23a: {  	v27 =	vadd.s32 v61, v48;
	v61 =	vld [tilespmem:$0x1F960];
	v47 =	vmul.f32 v18, v18  }
0x23b: {  	v24 =	vadd.s32 v49, v48;
	v22 =	vld.idx.msk [tilespmem:v22+s19+$0x0], $0xffff  }
0x23c: {  	v49 =	vadd.f32 v4, v50;
	v50 =	vmul.f32 v17, v17;
	v13 =	vadd.f32 v47, v13;
	_ =	sdelay $0x1  }
0x23d: {  	v13 =	vadd.f32 v50, v13;
	v47 =	vmul.f32 v19, v19  }
0x23e: {  	v11 =	vmul.f32 v11, v11;
	v4 =	vsub.f32 v0, v25  }
0x23f: {  	v25 =	vadd.s32 v61, v48;
	v13 =	vadd.f32 v47, v13;
	v61 =	vmul.f32 v22, v22  }
0x240: {  	v6 =	vadd.f32 v11, v6;
	v50 =	vld [tilespmem:$0x1F970]  }
0x241: {  	v11 =	vsub.f32 v0, v23;
	v4 =	vmul.f32 v4, v4;
	v13 =	vadd.f32 v61, v13;
	v61 =	vld [tilespmem:$0x1F990];
	_ =	sdelay $0x1  }
0x242: {  	v5 =	vadd.f32 v4, v5;
	v4 =	vmul.f32 v11, v11  }
0x243: {  	v23 =	vld.idx.msk [tilespmem:v27+s19+$0x0], $0xffff;
	v11 =	vsub.f32 v0, v14  }
0x244: {  	v8 =	vadd.f32 v4, v8;
	v47 =	vld [tilespmem:$0x1F980];
	v27 =	vadd.s32 v50, v48  }
0x245: {  	v4 =	vmul.f32 v11, v11;
	v11 =	vsub.f32 v0, v26;
	v26 =	vadd.s32 v61, v48;
	v61 =	vld [tilespmem:$0x1F9A0];
	_ =	sdelay $0x2  }
0x246: {  	v14 =	vld.idx.msk [tilespmem:v24+s19+$0x0], $0xffff;
	v9 =	vadd.f32 v4, v9  }
0x247: {  	v4 =	vmul.f32 v11, v11;
	v11 =	vsub.f32 v0, v21;
	v24 =	vadd.s32 v47, v48;
	v21 =	vld.idx.msk [tilespmem:v27+s19+$0x0], $0xffff  }
0x248: {  	v27 =	vadd.s32 v61, v48;
	v61 =	vld [tilespmem:$0x1F9B0]  }
0x249: {  	v50 =	vmul.f32 v23, v23;
	_ =	sdelay $0x1  }
0x24a: {  	v13 =	vadd.f32 v50, v13  }
0x24b: {  	v50 =	vadd.f32 v4, v54;
	v4 =	vmul.f32 v11, v11;
	v11 =	vsub.f32 v0, v20;
	v20 =	vld.idx.msk [tilespmem:v24+s19+$0x0], $0xffff  }
0x24c: {  	v24 =	vadd.s32 v61, v48;
	v61 =	vld [tilespmem:$0x1F9C0]  }
0x24d: {  	v25 =	vld.idx.msk [tilespmem:v25+s19+$0x0], $0xffff;
	_ =	sdelay $0x1  }
0x24e: {  	v54 =	vadd.f32 v4, v62;
	v4 =	vmul.f32 v11, v11  }
0x24f: {  	v47 =	vmul.f32 v14, v14;
	v11 =	vsub.f32 v0, v15;
	v15 =	vld.idx.msk [tilespmem:v26+s19+$0x0], $0xffff  }
0x250: {  	v26 =	vadd.s32 v61, v48;
	v61 =	vadd.f32 v4, v63;
	v63 =	vld [tilespmem:$0x1F5F0]  }
0x251: {  	v13 =	vadd.f32 v47, v13;
	v47 =	vmul.f32 v25, v25;
	_ =	sdelay $0x1  }
0x252: {  	v13 =	vadd.f32 v47, v13;
	v47 =	vmul.f32 v21, v21  }
0x253: {  	v4 =	vmul.f32 v11, v11;
	v11 =	vsub.f32 v0, v12;
	v12 =	vld.idx.msk [tilespmem:v27+s19+$0x0], $0xffff  }
0x254: {  	v13 =	vadd.f32 v47, v13;
	v62 =	vmul.f32 v20, v20;
	v27 =	vadd.s32 v63, v48  }
0x255: {  	v10 =	vadd.f32 v4, v10;
	v4 =	vmul.f32 v11, v11;
	v11 =	vsub.f32 v0, v18;
	v18 =	vld.idx.msk [tilespmem:v24+s19+$0x0], $0xffff  }
0x256: {  	v17 =	vsub.f32 v0, v17;
	v13 =	vadd.f32 v62, v13;
	v47 =	vmul.f32 v15, v15  }
0x257: {  	v62 =	vadd.f32 v4, v3;
	v3 =	vmul.f32 v11, v11;
	v4 =	vsub.f32 v0, v19;
	v11 =	vld.idx.msk [tilespmem:v26+s19+$0x0], $0xffff  }
0x258: {  	v13 =	vadd.f32 v47, v13;
	v24 =	vmul.f32 v12, v12  }
0x259: {  	v17 =	vmul.f32 v17, v17;
	v63 =	vadd.f32 v3, v1;
	v3 =	vmul.f32 v4, v4;
	v1 =	vld.idx.msk [tilespmem:v27+s16+$0x0], $0xffff  }
0x25a: {  	v26 =	vsub.f32 v0, v22;
	v13 =	vadd.f32 v24, v13;
	v47 =	vmul.f32 v18, v18  }
0x25b: {  	v4 =	vadd.f32 v17, v2;
	v2 =	vadd.f32 v3, v59;
	v19 =	vld.idx.msk [tilespmem:v27+s17+$0x0], $0xffff  }
0x25c: {  	v3 =	vmul.f32 v26, v26;
	v26 =	vld [tilespmem:$0x1F9D0];
	v13 =	vadd.f32 v47, v13;
	v24 =	vmul.f32 v11, v11  }
0x25d: {  	v59 =	vsub.f32 v0, v23  }
0x25e: {  	v13 =	vadd.f32 v24, v13;
	v47 =	vmul.f32 v1, v1  }
0x25f: {  	v17 =	vmul.f32 v59, v59;
	v59 =	vld [tilespmem:$0x1F9E0]  }
0x260: {  	v13 =	vadd.f32 v47, v13;
	v47 =	vmul.f32 v19, v19  }
0x261: {  	v3 =	vadd.f32 v3, v57;
	v57 =	vadd.f32 v17, v58;
	v58 =	vld [tilespmem:$0x1F9F0];
	v22 =	vadd.s32 v26, v48  }
0x262: {  	v14 =	vsub.f32 v0, v14;
	v13 =	vadd.f32 v47, v13;
	v47 =	vld [tilespmem:$0x1FA00]  }
0x263: {  	v23 =	vld.idx.msk [tilespmem:v27+s18+$0x0], $0xffff  }
0x264: {  	v14 =	vmul.f32 v14, v14;
	v24 =	vadd.s32 v59, v48  }
0x265: {  	v17 =	vsub.f32 v0, v25;
	v25 =	vld.idx.msk [tilespmem:v27+s19+$0x0], $0xffff  }
0x266: {  	v26 =	vadd.s32 v58, v48;
	v58 =	vadd.f32 v14, v60;
	v60 =	vsub.f32 v0, v21;
	v21 =	vld.idx.msk [tilespmem:v22+s19+$0x0], $0xffff  }
0x267: {  	v59 =	vmul.f32 v17, v17;
	v22 =	vadd.s32 v47, v48;
	v47 =	vld [tilespmem:$0x1FA10]  }
0x268: {  	v27 =	vmul.f32 v23, v23  }
0x269: {  	v56 =	vadd.f32 v59, v56;
	v59 =	vsub.f32 v0, v20;
	v20 =	vld.idx.msk [tilespmem:v24+s19+$0x0], $0xffff  }
0x26a: {  	v14 =	vmul.f32 v60, v60;
	v60 =	vmul.f32 v25, v25;
	v13 =	vadd.f32 v27, v13  }
0x26b: {  	v15 =	vsub.f32 v0, v15;
	v59 =	vmul.f32 v59, v59;
	v17 =	vld.idx.msk [tilespmem:v26+s19+$0x0], $0xffff  }
0x26c: {  	v13 =	vadd.f32 v60, v13;
	v60 =	vmul.f32 v21, v21;
	v24 =	vadd.s32 v47, v48;
	v47 =	vld [tilespmem:$0x1FA20]  }
0x26d: {  	v53 =	vadd.f32 v59, v53  }
0x26e: {  	v59 =	vmul.f32 v15, v15;
	v27 =	vld [tilespmem:$0x1FA30];
	v13 =	vadd.f32 v60, v13;
	v60 =	vmul.f32 v20, v20;
	_ =	sdelay $0x1  }
0x26f: {  	v52 =	vadd.f32 v59, v52;
	v13 =	vadd.f32 v60, v13;
	v59 =	vmul.f32 v17, v17  }
0x270: {  	v60 =	vld [tilespmem:$0x1FA40];
	v26 =	vadd.s32 v47, v48;
	v47 =	vsub.f32 v0, v18  }
0x271: {  	v13 =	vadd.f32 v59, v13;
	v59 =	vld [tilespmem:$0x1FA50]  }
0x272: {  	v15 =	vld.idx.msk [tilespmem:v22+s19+$0x0], $0xffff;
	v22 =	vadd.s32 v27, v48;
	v27 =	vmul.f32 v47, v47  }
0x273: {  	v18 =	vld.idx.msk [tilespmem:v24+s19+$0x0], $0xffff  }
0x274: {  	v12 =	vsub.f32 v0, v12;
	v7 =	vadd.f32 v27, v7;
	v27 =	vld [tilespmem:$0x1FA60]  }
0x275: {  	v24 =	vadd.s32 v60, v48  }
0x276: {  	v12 =	vmul.f32 v12, v12;
	v0 =	vsub.f32 v0, v11;
	v16 =	vadd.s32 v59, v48;
	v11 =	vld.idx.msk [tilespmem:v26+s19+$0x0], $0xffff  }
0x277: {  	v59 =	vld [tilespmem:$0x1FA70];
	v47 =	vmul.f32 v15, v15  }
0x278: {  	v51 =	vadd.f32 v12, v51;
	v60 =	vsub.f32 v1, v19;
	v19 =	vld.idx.msk [tilespmem:v22+s19+$0x0], $0xffff;
	v0 =	vmul.f32 v0, v0  }
0x279: {  	v13 =	vadd.f32 v47, v13;
	v26 =	vmul.f32 v18, v18;
	v22 =	vadd.s32 v27, v48  }
0x27a: {  	v49 =	vadd.f32 v0, v49;
	v0 =	vsub.f32 v1, v23;
	v23 =	vld.idx.msk [tilespmem:v24+s19+$0x0], $0xffff  }
0x27b: {  	v12 =	vmul.f32 v60, v60;
	v16 =	vld.idx.msk [tilespmem:v16+s19+$0x0], $0xffff;
	v13 =	vadd.f32 v26, v13;
	v47 =	vmul.f32 v11, v11  }
0x27c: {  	v60 =	vsub.f32 v1, v25;
	v24 =	vadd.s32 v59, v48;
	v59 =	vld [tilespmem:$0x1FA80];
	v0 =	vmul.f32 v0, v0  }
0x27d: {  	v13 =	vadd.f32 v47, v13;
	v47 =	vmul.f32 v19, v19  }
0x27e: {  	v5 =	vadd.f32 v0, v5;
	v0 =	vmul.f32 v60, v60;
	v60 =	vsub.f32 v1, v21;
	v21 =	vld.idx.msk [tilespmem:v22+s19+$0x0], $0xffff  }
0x27f: {  	v27 =	vld [tilespmem:$0x1FA90];
	v26 =	vmul.f32 v23, v23;
	v13 =	vadd.f32 v47, v13;
	_ =	sdelay $0x1  }
0x280: {  	v25 =	vadd.s32 v59, v48;
	v59 =	vmul.f32 v16, v16;
	v13 =	vadd.f32 v26, v13  }
0x281: {  	v8 =	vadd.f32 v0, v8  }
0x282: {  	v0 =	vmul.f32 v60, v60;
	v60 =	vld [tilespmem:$0x1FAA0];
	v13 =	vadd.f32 v59, v13;
	v59 =	vmul.f32 v21, v21  }
0x283: {  	v22 =	vadd.s32 v27, v48  }
0x284: {  	v13 =	vadd.f32 v59, v13;
	v59 =	vld [tilespmem:$0x1FAC0];
	_ =	sdelay $0x1  }
0x285: {  	v47 =	vsub.f32 v1, v20;
	v20 =	vld.idx.msk [tilespmem:v24+s19+$0x0], $0xffff  }
0x286: {  	v9 =	vadd.f32 v0, v9;
	v24 =	vadd.s32 v60, v48;
	v60 =	vld [tilespmem:$0x1FAB0]  }
0x287: {  	v27 =	vsub.f32 v1, v15;
	v0 =	vmul.f32 v47, v47;
	v47 =	vsub.f32 v1, v17;
	v15 =	vld.idx.msk [tilespmem:v22+s19+$0x0], $0xffff  }
0x288: {  	v22 =	vadd.s32 v59, v48;
	v59 =	vld [tilespmem:$0x1FAD0]  }
0x289: {  	v17 =	vld.idx.msk [tilespmem:v25+s19+$0x0], $0xffff;
	v50 =	vadd.f32 v0, v50;
	v0 =	vmul.f32 v47, v47;
	_ =	sdelay $0x1  }
0x28a: {  	v54 =	vadd.f32 v0, v54;
	v0 =	vmul.f32 v27, v27  }
0x28b: {  	v47 =	vmul.f32 v20, v20;
	v25 =	vadd.s32 v60, v48;
	v60 =	vsub.f32 v1, v18;
	v18 =	vld.idx.msk [tilespmem:v24+s19+$0x0], $0xffff  }
0x28c: {  	v24 =	vadd.s32 v59, v48;
	v59 =	vadd.f32 v0, v61;
	v61 =	vld [tilespmem:$0x1FAE0]  }
0x28d: {  	v13 =	vadd.f32 v47, v13;
	v47 =	vmul.f32 v17, v17  }
0x28e: {  	v11 =	vsub.f32 v1, v11;
	v0 =	vmul.f32 v60, v60  }
0x28f: {  	v6 =	vadd.f32 v12, v6;
	v27 =	vld [tilespmem:$0x1FAF0];
	v13 =	vadd.f32 v47, v13  }
0x290: {  	v12 =	vld.idx.msk [tilespmem:v25+s19+$0x0], $0xffff;
	v60 =	vmul.f32 v15, v15;
	v10 =	vadd.f32 v0, v10;
	v0 =	vmul.f32 v11, v11  }
0x291: {  	v11 =	vsub.f32 v1, v19;
	v19 =	vld.idx.msk [tilespmem:v22+s19+$0x0], $0xffff;
	v25 =	vadd.s32 v61, v48  }
0x292: {  	v13 =	vadd.f32 v60, v13;
	v60 =	vadd.f32 v0, v62;
	v62 =	vld [tilespmem:$0x1F600]  }
0x293: {  	v26 =	vmul.f32 v18, v18  }
0x294: {  	v21 =	vsub.f32 v1, v21;
	v0 =	vmul.f32 v11, v11;
	v11 =	vsub.f32 v1, v23;
	v23 =	vld.idx.msk [tilespmem:v24+s19+$0x0], $0xffff  }
0x295: {  	v47 =	vmul.f32 v12, v12;
	v22 =	vadd.s32 v27, v48;
	v13 =	vadd.f32 v26, v13  }
0x296: {  	v61 =	vadd.f32 v0, v63;
	v0 =	vmul.f32 v11, v11;
	v11 =	vsub.f32 v1, v16;
	v16 =	vld.idx.msk [tilespmem:v25+s19+$0x0], $0xffff  }
0x297: {  	v13 =	vadd.f32 v47, v13;
	v47 =	vmul.f32 v19, v19;
	v24 =	vadd.s32 v62, v48  }
0x298: {  	v62 =	vadd.f32 v0, v4;
	v0 =	vmul.f32 v11, v11;
	v4 =	vsub.f32 v1, v20  }
0x299: {  	v13 =	vadd.f32 v47, v13;
	v25 =	vmul.f32 v21, v21;
	v26 =	vmul.f32 v23, v23  }
0x29a: {  	v63 =	vadd.f32 v0, v2;
	v2 =	vmul.f32 v4, v4  }
0x29b: {  	v4 =	vadd.f32 v25, v3;
	v3 =	vadd.f32 v26, v13;
	v27 =	vmul.f32 v16, v16  }
0x29c: {  	v11 =	vld.idx.msk [tilespmem:v22+s19+$0x0], $0xffff  }
0x29d: {  	v13 =	vadd.f32 v27, v3;
	v3 =	vld [tilespmem:$0x1FB00]  }
0x29e: {  	v17 =	vsub.f32 v1, v17;
	v0 =	vld.idx.msk [tilespmem:v24+s16+$0x0], $0xffff;
	_ =	sdelay $0x1  }
0x29f: {  	v15 =	vsub.f32 v1, v15;
	v47 =	vmul.f32 v17, v17;
	v17 =	vld.idx.msk [tilespmem:v24+s17+$0x0], $0xffff  }
0x2a0: {  	v2 =	vadd.f32 v2, v57;
	v57 =	vmul.f32 v11, v11;
	v27 =	vld [tilespmem:$0x1FB10]  }
0x2a1: {  	v21 =	vadd.s32 v3, v48;
	v3 =	vadd.f32 v47, v58;
	v58 =	vmul.f32 v15, v15  }
0x2a2: {  	v25 =	vsub.f32 v1, v18;
	v18 =	vld.idx.msk [tilespmem:v24+s18+$0x0], $0xffff;
	v13 =	vadd.f32 v57, v13;
	v26 =	vmul.f32 v0, v0  }
0x2a3: {  	v56 =	vadd.f32 v58, v56;
	v58 =	vld [tilespmem:$0x1FB20]  }
0x2a4: {  	v57 =	vmul.f32 v17, v17;
	v13 =	vadd.f32 v26, v13  }
0x2a5: {  	v55 =	vadd.f32 v14, v55;
	v22 =	vadd.s32 v27, v48;
	v47 =	vmul.f32 v25, v25;
	v15 =	vld.idx.msk [tilespmem:v24+s19+$0x0], $0xffff  }
0x2a6: {  	v13 =	vadd.f32 v57, v13;
	v57 =	vld [tilespmem:$0x1FB30]  }
0x2a7: {  	v27 =	vsub.f32 v1, v19;
	v55 =	vadd.f32 v47, v55;
	v47 =	vmul.f32 v18, v18  }
0x2a8: {  	v12 =	vsub.f32 v1, v12;
	v19 =	vld.idx.msk [tilespmem:v21+s19+$0x0], $0xffff;
	v24 =	vadd.s32 v58, v48  }
0x2a9: {  	v25 =	vsub.f32 v1, v23;
	v13 =	vadd.f32 v47, v13;
	v58 =	vmul.f32 v27, v27;
	v27 =	vld [tilespmem:$0x1FB40]  }
0x2aa: {  	v47 =	vsub.f32 v1, v16;
	v1 =	vsub.f32 v1, v11;
	v22 =	vld.idx.msk [tilespmem:v22+s19+$0x0], $0xffff;
	v26 =	vmul.f32 v15, v15  }
0x2ab: {  	v12 =	vmul.f32 v12, v12;
	v21 =	vadd.s32 v57, v48;
	v52 =	vadd.f32 v58, v52;
	v58 =	vld [tilespmem:$0x1FB50]  }
0x2ac: {  	v1 =	vmul.f32 v1, v1;
	v13 =	vadd.f32 v26, v13;
	v26 =	vmul.f32 v47, v47;
	v47 =	vld [tilespmem:$0x1FB60]  }
0x2ad: {  	v53 =	vadd.f32 v12, v53;
	v57 =	vmul.f32 v19, v19;
	v16 =	vld.idx.msk [tilespmem:v24+s19+$0x0], $0xffff  }
0x2ae: {  	v12 =	vmul.f32 v25, v25;
	v25 =	vld [tilespmem:$0x1FB70];
	v49 =	vadd.f32 v1, v49;
	v23 =	vadd.s32 v27, v48  }
0x2af: {  	v1 =	vsub.f32 v0, v18;
	v13 =	vadd.f32 v57, v13;
	v27 =	vmul.f32 v22, v22  }
0x2b0: {  	v11 =	vld.idx.msk [tilespmem:v21+s19+$0x0], $0xffff;
	v24 =	vadd.s32 v58, v48  }
0x2b1: {  	v1 =	vmul.f32 v1, v1;
	v13 =	vadd.f32 v27, v13;
	v27 =	vld [tilespmem:$0x1FB80]  }
0x2b2: {  	v20 =	vadd.s32 v47, v48;
	v47 =	vsub.f32 v0, v15;
	v58 =	vmul.f32 v16, v16  }
0x2b3: {  	v21 =	vadd.s32 v25, v48;
	v57 =	vsub.f32 v0, v17;
	v17 =	vld.idx.msk [tilespmem:v23+s19+$0x0], $0xffff  }
0x2b4: {  	v5 =	vadd.f32 v1, v5;
	v1 =	vmul.f32 v47, v47;
	v13 =	vadd.f32 v58, v13;
	v58 =	vld [tilespmem:$0x1FB90]  }
0x2b5: {  	v7 =	vadd.f32 v26, v7;
	v26 =	vmul.f32 v11, v11;
	v18 =	vld.idx.msk [tilespmem:v24+s19+$0x0], $0xffff;
	v24 =	vsub.f32 v0, v19  }
0x2b6: {  	v8 =	vadd.f32 v1, v8;
	v23 =	vadd.s32 v27, v48  }
0x2b7: {  	v27 =	vsub.f32 v0, v22;
	v13 =	vadd.f32 v26, v13;
	v26 =	vld [tilespmem:$0x1FBA0];
	v1 =	vmul.f32 v24, v24  }
0x2b8: {  	v51 =	vadd.f32 v12, v51;
	v12 =	vmul.f32 v57, v57;
	v15 =	vld.idx.msk [tilespmem:v20+s19+$0x0], $0xffff;
	v57 =	vmul.f32 v17, v17  }
0x2b9: {  	v19 =	vld.idx.msk [tilespmem:v21+s19+$0x0], $0xffff;
	v9 =	vadd.f32 v1, v9;
	v1 =	vmul.f32 v27, v27;
	v20 =	vadd.s32 v58, v48  }
0x2ba: {  	v13 =	vadd.f32 v57, v13;
	v25 =	vmul.f32 v18, v18;
	v57 =	vld [tilespmem:$0x1FBB0];
	v58 =	vsub.f32 v0, v16  }
0x2bb: {  	v11 =	vsub.f32 v0, v11;
	v27 =	vld [tilespmem:$0x1FBD0];
	v50 =	vadd.f32 v1, v50  }
0x2bc: {  	v21 =	vadd.s32 v26, v48;
	v13 =	vadd.f32 v25, v13;
	v25 =	vld [tilespmem:$0x1FBC0];
	v1 =	vmul.f32 v58, v58  }
0x2bd: {  	v22 =	vld.idx.msk [tilespmem:v23+s19+$0x0], $0xffff  }
0x2be: {  	v47 =	vmul.f32 v15, v15;
	v54 =	vadd.f32 v1, v54;
	v1 =	vmul.f32 v11, v11  }
0x2bf: {  	v6 =	vadd.f32 v12, v6;
	v58 =	vld [tilespmem:$0x1FBE0];
	v11 =	vsub.f32 v0, v17;
	v23 =	vadd.s32 v57, v48  }
0x2c0: {  	v24 =	vmul.f32 v19, v19;
	v13 =	vadd.f32 v47, v13;
	v16 =	vld.idx.msk [tilespmem:v20+s19+$0x0], $0xffff;
	v57 =	vadd.f32 v1, v59  }
0x2c1: {  	v1 =	vmul.f32 v11, v11;
	v11 =	vsub.f32 v0, v18;
	v20 =	vadd.s32 v25, v48;
	v12 =	vld.idx.msk [tilespmem:v21+s19+$0x0], $0xffff  }
0x2c2: {  	v26 =	vmul.f32 v22, v22;
	v13 =	vadd.f32 v24, v13;
	v21 =	vadd.s32 v27, v48;
	v25 =	vld [tilespmem:$0x1FBF0]  }
0x2c3: {  	v27 =	vld [tilespmem:$0x1FC00];
	v10 =	vadd.f32 v1, v10;
	v1 =	vmul.f32 v11, v11  }
0x2c4: {  	v13 =	vadd.f32 v26, v13;
	v17 =	vld.idx.msk [tilespmem:v23+s19+$0x0], $0xffff  }
0x2c5: {  	v47 =	vmul.f32 v16, v16;
	v23 =	vadd.s32 v58, v48;
	v58 =	vadd.f32 v1, v60;
	v60 =	vld [tilespmem:$0x1FC10]  }
0x2c6: {  	v11 =	vsub.f32 v0, v15;
	v18 =	vld.idx.msk [tilespmem:v20+s19+$0x0], $0xffff  }
0x2c7: {  	v13 =	vadd.f32 v47, v13;
	v24 =	vmul.f32 v12, v12;
	v20 =	vadd.s32 v25, v48;
	v15 =	vld.idx.msk [tilespmem:v21+s19+$0x0], $0xffff  }
0x2c8: {  	v1 =	vmul.f32 v11, v11;
	v11 =	vsub.f32 v0, v19;
	v25 =	vld [tilespmem:$0x1FC20]  }
0x2c9: {  	v21 =	vadd.s32 v27, v48;
	v27 =	vld [tilespmem:$0x1F610];
	v13 =	vadd.f32 v24, v13;
	v26 =	vmul.f32 v17, v17  }
0x2ca: {  	v59 =	vadd.f32 v1, v61;
	v1 =	vmul.f32 v11, v11;
	v19 =	vld.idx.msk [tilespmem:v23+s19+$0x0], $0xffff  }
0x2cb: {  	v23 =	vadd.s32 v60, v48;
	v13 =	vadd.f32 v26, v13;
	v47 =	vmul.f32 v18, v18  }
0x2cc: {  	v11 =	vsub.f32 v0, v22;
	v60 =	vadd.f32 v1, v62;
	v20 =	vld.idx.msk [tilespmem:v20+s19+$0x0], $0xffff  }
0x2cd: {  	v24 =	vmul.f32 v15, v15;
	v22 =	vadd.s32 v25, v48;
	v13 =	vadd.f32 v47, v13  }
0x2ce: {  	v1 =	vmul.f32 v11, v11;
	v11 =	vsub.f32 v0, v16;
	v17 =	vsub.f32 v0, v17;
	v16 =	vld.idx.msk [tilespmem:v21+s19+$0x0], $0xffff  }
0x2cf: {  	v21 =	vadd.s32 v27, v48;
	v26 =	vmul.f32 v19, v19;
	v13 =	vadd.f32 v24, v13  }
0x2d0: {  	v61 =	vadd.f32 v1, v63;
	v1 =	vmul.f32 v11, v11;
	v11 =	vsub.f32 v0, v12;
	v12 =	vld.idx.msk [tilespmem:v23+s19+$0x0], $0xffff  }
0x2d1: {  	v15 =	vsub.f32 v0, v15;
	v47 =	vmul.f32 v20, v20;
	v13 =	vadd.f32 v26, v13  }
0x2d2: {  	v62 =	vadd.f32 v1, v4;
	v1 =	vmul.f32 v11, v11;
	v4 =	vsub.f32 v0, v18;
	v18 =	vld.idx.msk [tilespmem:v22+s19+$0x0], $0xffff  }
0x2d3: {  	v11 =	vmul.f32 v17, v17;
	v22 =	vmul.f32 v16, v16;
	v13 =	vadd.f32 v47, v13  }
0x2d4: {  	v23 =	vmul.f32 v15, v15;
	v63 =	vadd.f32 v1, v2;
	v2 =	vmul.f32 v4, v4;
	v1 =	vld.idx.msk [tilespmem:v21+s16+$0x0], $0xffff  }
0x2d5: {  	v4 =	vadd.f32 v11, v3;
	v15 =	vld.idx.msk [tilespmem:v21+s17+$0x0], $0xffff;
	v11 =	vmul.f32 v12, v12;
	v3 =	vadd.f32 v22, v13  }
0x2d6: {  	v24 =	vsub.f32 v0, v19;
	v2 =	vadd.f32 v2, v56;
	v56 =	vld [tilespmem:$0x1FC40]  }
0x2d7: {  	v27 =	vsub.f32 v0, v20;
	v25 =	vmul.f32 v18, v18;
	v11 =	vadd.f32 v11, v3;
	v3 =	vld [tilespmem:$0x1FC30]  }
0x2d8: {  	v26 =	vmul.f32 v24, v24  }
0x2d9: {  	v24 =	vmul.f32 v27, v27;
	v47 =	vmul.f32 v1, v1;
	v11 =	vadd.f32 v25, v11  }
0x2da: {  	v27 =	vld [tilespmem:$0x1FC50];
	v53 =	vadd.f32 v26, v53;
	v12 =	vsub.f32 v0, v12;
	v26 =	vmul.f32 v15, v15  }
0x2db: {  	v20 =	vld.idx.msk [tilespmem:v21+s18+$0x0], $0xffff;
	v22 =	vadd.s32 v56, v48;
	v56 =	vadd.f32 v24, v52;
	v11 =	vadd.f32 v47, v11  }
0x2dc: {  	v24 =	vsub.f32 v0, v18;
	v25 =	vsub.f32 v0, v16;
	v0 =	vld [tilespmem:$0x1FC70];
	v19 =	vadd.s32 v3, v48  }
0x2dd: {  	v17 =	vadd.f32 v26, v11;
	v11 =	vld [tilespmem:$0x1FC60];
	_ =	sdelay $0x1  }
0x2de: {  	v16 =	vld.idx.msk [tilespmem:v21+s19+$0x0], $0xffff;
	v21 =	vadd.s32 v27, v48  }
0x2df: {  	v12 =	vmul.f32 v12, v12;
	v52 =	vmul.f32 v20, v20;
	v27 =	vsub.f32 v1, v15;
	v18 =	vld.idx.msk [tilespmem:v22+s19+$0x0], $0xffff  }
0x2e0: {  	v47 =	vmul.f32 v25, v25;
	v3 =	vadd.f32 v23, v55;
	v26 =	vadd.s32 v0, v48;
	v14 =	vld.idx.msk [tilespmem:v19+s19+$0x0], $0xffff  }
0x2e1: {  	v0 =	vadd.f32 v12, v7;
	v7 =	vmul.f32 v24, v24;
	v24 =	vld [tilespmem:$0x1FC90];
	v55 =	vadd.s32 v11, v48  }
0x2e2: {  	v11 =	vadd.f32 v47, v51;
	v51 =	vld [tilespmem:$0x1FC80]  }
0x2e3: {  	v13 =	vmul.f32 v27, v27;
	v25 =	vmul.f32 v16, v16;
	v15 =	vld.idx.msk [tilespmem:v21+s19+$0x0], $0xffff;
	v17 =	vadd.f32 v52, v17  }
0x2e4: {  	v12 =	vadd.f32 v7, v49;
	v7 =	vsub.f32 v1, v20;
	v49 =	vld [tilespmem:$0x1FCB0]  }
0x2e5: {  	v27 =	vld [tilespmem:$0x1FCA0];
	v6 =	vadd.f32 v13, v6;
	v17 =	vadd.f32 v25, v17;
	v47 =	vmul.f32 v14, v14  }
0x2e6: {  	v25 =	vsub.f32 v1, v16;
	v7 =	vmul.f32 v7, v7;
	v23 =	vadd.s32 v24, v48;
	v20 =	vld.idx.msk [tilespmem:v55+s19+$0x0], $0xffff  }
0x2e7: {  	v52 =	vadd.s32 v51, v48;
	v55 =	vmul.f32 v18, v18;
	v17 =	vadd.f32 v47, v17  }
0x2e8: {  	v5 =	vadd.f32 v7, v5;
	v7 =	vmul.f32 v25, v25;
	v25 =	vld [tilespmem:$0x1FCC0];
	v14 =	vsub.f32 v1, v14  }
0x2e9: {  	v16 =	vld.idx.msk [tilespmem:v26+s19+$0x0], $0xffff;
	v26 =	vmul.f32 v15, v15;
	v51 =	vadd.s32 v49, v48;
	v17 =	vadd.f32 v55, v17  }
0x2ea: {  	v13 =	vadd.f32 v7, v8;
	v8 =	vsub.f32 v1, v18;
	v7 =	vmul.f32 v14, v14  }
0x2eb: {  	v22 =	vadd.s32 v27, v48;
	v18 =	vld.idx.msk [tilespmem:v23+s19+$0x0], $0xffff;
	v17 =	vadd.f32 v26, v17;
	v47 =	vmul.f32 v20, v20  }
0x2ec: {  	v9 =	vadd.f32 v7, v9;
	v7 =	vmul.f32 v8, v8;
	v8 =	vsub.f32 v1, v15;
	v21 =	vld.idx.msk [tilespmem:v52+s19+$0x0], $0xffff  }
0x2ed: {  	v19 =	vadd.s32 v25, v48;
	v52 =	vadd.f32 v47, v17;
	v47 =	vld [tilespmem:$0x1FCD0]  }
0x2ee: {  	v14 =	vadd.f32 v7, v50;
	v7 =	vmul.f32 v8, v8;
	v8 =	vsub.f32 v1, v20;
	v20 =	vld.idx.msk [tilespmem:v51+s19+$0x0], $0xffff  }
0x2ef: {  	v51 =	vld [tilespmem:$0x1FCE0]  }
0x2f0: {  	v22 =	vld.idx.msk [tilespmem:v22+s19+$0x0], $0xffff;
	v55 =	vmul.f32 v16, v16;
	_ =	sdelay $0x1  }
0x2f1: {  	v26 =	vadd.f32 v55, v52;
	v27 =	vmul.f32 v21, v21;
	v49 =	vadd.s32 v47, v48  }
0x2f2: {  	v15 =	vadd.f32 v7, v54;
	v7 =	vmul.f32 v8, v8;
	v8 =	vsub.f32 v1, v16;
	v16 =	vld.idx.msk [tilespmem:v19+s19+$0x0], $0xffff  }
0x2f3: {  	v50 =	vmul.f32 v18, v18;
	v55 =	vld [tilespmem:$0x1FCF0];
	v52 =	vadd.s32 v51, v48;
	v17 =	vadd.f32 v27, v26  }
0x2f4: {  	v54 =	vmul.f32 v22, v22;
	v27 =	vld [tilespmem:$0x1FD00]  }
0x2f5: {  	v57 =	vadd.f32 v7, v57;
	v7 =	vmul.f32 v8, v8;
	v17 =	vadd.f32 v50, v17  }
0x2f6: {  	v8 =	vsub.f32 v1, v21;
	v21 =	vld.idx.msk [tilespmem:v49+s19+$0x0], $0xffff  }
0x2f7: {  	v10 =	vadd.f32 v7, v10;
	v26 =	vmul.f32 v20, v20;
	v17 =	vadd.f32 v54, v17;
	v49 =	vld [tilespmem:$0x1FD10]  }
0x2f8: {  	v7 =	vmul.f32 v8, v8;
	v8 =	vsub.f32 v1, v18;
	v24 =	vadd.s32 v55, v48;
	v18 =	vld.idx.msk [tilespmem:v52+s19+$0x0], $0xffff  }
0x2f9: {  	v51 =	vld [tilespmem:$0x1FD20];
	v47 =	vmul.f32 v16, v16;
	v23 =	vadd.s32 v27, v48;
	v17 =	vadd.f32 v26, v17  }
0x2fa: {  	v58 =	vadd.f32 v7, v58  }
0x2fb: {  	v7 =	vmul.f32 v8, v8;
	v54 =	vld [tilespmem:$0x1FD30];
	v17 =	vadd.f32 v47, v17;
	v50 =	vmul.f32 v21, v21  }
0x2fc: {  	v8 =	vsub.f32 v1, v22;
	v27 =	vld [tilespmem:$0x1FD40];
	v25 =	vadd.s32 v49, v48  }
0x2fd: {  	v59 =	vadd.f32 v7, v59;
	v22 =	vld.idx.msk [tilespmem:v24+s19+$0x0], $0xffff;
	v52 =	vmul.f32 v18, v18;
	v17 =	vadd.f32 v50, v17  }
0x2fe: {  	v7 =	vmul.f32 v8, v8;
	v8 =	vsub.f32 v1, v20;
	v24 =	vadd.s32 v51, v48;
	v20 =	vld.idx.msk [tilespmem:v23+s19+$0x0], $0xffff  }
0x2ff: {  	v17 =	vadd.f32 v52, v17;
	v52 =	vld [tilespmem:$0x1FD50]  }
0x300: {  	v23 =	vadd.s32 v54, v48  }
0x301: {  	v60 =	vadd.f32 v7, v60;
	v7 =	vmul.f32 v8, v8;
	v8 =	vsub.f32 v1, v16;
	v25 =	vld.idx.msk [tilespmem:v25+s19+$0x0], $0xffff  }
0x302: {  	v47 =	vadd.s32 v27, v48;
	v55 =	vmul.f32 v22, v22  }
0x303: {  	v16 =	vadd.f32 v7, v61;
	v7 =	vmul.f32 v8, v8;
	v8 =	vsub.f32 v1, v21;
	v21 =	vld.idx.msk [tilespmem:v24+s19+$0x0], $0xffff  }
0x304: {  	v51 =	vmul.f32 v20, v20;
	v19 =	vadd.f32 v55, v17;
	v54 =	vadd.s32 v52, v48  }
0x305: {  	v17 =	vadd.f32 v7, v62;
	v7 =	vmul.f32 v8, v8;
	v8 =	vsub.f32 v1, v18;
	v18 =	vld.idx.msk [tilespmem:v23+s19+$0x0], $0xffff  }
0x306: {  	v19 =	vadd.f32 v51, v19;
	v55 =	vmul.f32 v25, v25  }
0x307: {  	v62 =	vld.idx.msk [tilespmem:v47+s19+$0x0], $0xffff;
	v51 =	vadd.f32 v7, v63;
	v7 =	vmul.f32 v8, v8;
	v8 =	vsub.f32 v1, v22  }
0x308: {  	v61 =	vld [tilespmem:$0x1F630];
	v20 =	vsub.f32 v1, v20;
	v63 =	vmul.f32 v21, v21;
	v19 =	vadd.f32 v55, v19  }
0x309: {  	v49 =	vadd.f32 v7, v4;
	v4 =	vmul.f32 v8, v8;
	v47 =	vld.idx.msk [tilespmem:v54+s19+$0x0], $0xffff  }
0x30a: {  	v8 =	vmul.f32 v20, v20;
	v50 =	vmul.f32 v18, v18;
	v19 =	vadd.f32 v63, v19;
	_ =	sdelay $0x1  }
0x30b: {  	v52 =	vadd.f32 v8, v3;
	v8 =	vmul.f32 v62, v62;
	v3 =	vadd.f32 v50, v19  }
0x30c: {  	v7 =	vsub.f32 v1, v25  }
0x30d: {  	v24 =	vadd.s32 v61, v48;
	v3 =	vadd.f32 v8, v3;
	v8 =	vmul.f32 v47, v47  }
0x30e: {  	v55 =	vadd.f32 v4, v2;
	v2 =	vmul.f32 v7, v7;
	v4 =	vsub.f32 v1, v21  }
0x30f: {  	v3 =	vadd.f32 v8, v3;
	v8 =	vld [tilespmem:$0x1FD90]  }
0x310: {  	v61 =	vld [tilespmem:$0x1FD70];
	v53 =	vadd.f32 v2, v53;
	v2 =	vmul.f32 v4, v4;
	v4 =	vsub.f32 v1, v18;
	_ =	sdelay $0x1  }
0x311: {  	v7 =	vld.idx.msk [tilespmem:v24+s16+$0x0], $0xffff;
	v50 =	vadd.f32 v2, v56;
	v2 =	vmul.f32 v4, v4  }
0x312: {  	v54 =	vld.idx.msk [tilespmem:v24+s17+$0x0], $0xffff  }
0x313: {  	v26 =	vadd.s32 v8, v48;
	v8 =	vadd.f32 v2, v11;
	v11 =	vld [tilespmem:$0x1FDB0]  }
0x314: {  	v19 =	vadd.s32 v61, v48  }
0x315: {  	v4 =	vsub.f32 v1, v62;
	v62 =	vld.idx.msk [tilespmem:v24+s18+$0x0], $0xffff  }
0x316: {  	v63 =	vmul.f32 v7, v7  }
0x317: {  	v1 =	vsub.f32 v1, v47;
	v2 =	vmul.f32 v4, v4;
	v4 =	vld.idx.msk [tilespmem:v24+s19+$0x0], $0xffff  }
0x318: {  	v27 =	vmul.f32 v54, v54;
	v3 =	vadd.f32 v63, v3;
	v47 =	vadd.s32 v11, v48  }
0x319: {  	v11 =	vadd.f32 v2, v0;
	v0 =	vmul.f32 v1, v1;
	v1 =	vsub.f32 v7, v54;
	v2 =	vld.idx.msk [tilespmem:v19+s19+$0x0], $0xffff  }
0x31a: {  	v56 =	vld [tilespmem:$0x1FDC0];
	v3 =	vadd.f32 v27, v3;
	v54 =	vmul.f32 v62, v62  }
0x31b: {  	v12 =	vadd.f32 v0, v12;
	v0 =	vsub.f32 v7, v62;
	v1 =	vmul.f32 v1, v1  }
0x31c: {  	v3 =	vadd.f32 v54, v3;
	v62 =	vmul.f32 v4, v4  }
0x31d: {  	v6 =	vadd.f32 v1, v6;
	v0 =	vmul.f32 v0, v0  }
0x31e: {  	v63 =	vld [tilespmem:$0x1FDD0];
	v1 =	vsub.f32 v7, v4;
	v3 =	vadd.f32 v62, v3;
	v24 =	vmul.f32 v2, v2  }
0x31f: {  	v19 =	vadd.s32 v56, v48;
	v61 =	vld.idx.msk [tilespmem:v26+s19+$0x0], $0xffff;
	v5 =	vadd.f32 v0, v5  }
0x320: {  	v0 =	vmul.f32 v1, v1;
	v1 =	vsub.f32 v7, v2;
	v2 =	vadd.f32 v24, v3;
	v3 =	vld [tilespmem:$0x1FDF0]  }
0x321: {  	v4 =	vld.idx.msk [tilespmem:v47+s19+$0x0], $0xffff;
	_ =	sdelay $0x1  }
0x322: {  	v25 =	vld [tilespmem:$0x1FDE0]  }
0x323: {  	v21 =	vadd.s32 v63, v48;
	v19 =	vld.idx.msk [tilespmem:v19+s19+$0x0], $0xffff;
	v26 =	vmul.f32 v61, v61  }
0x324: {  	v27 =	vadd.s32 v3, v48;
	v3 =	vadd.f32 v0, v13;
	v0 =	vmul.f32 v1, v1  }
0x325: {  	v2 =	vadd.f32 v26, v2;
	v63 =	vmul.f32 v4, v4;
	v1 =	vsub.f32 v7, v61  }
0x326: {  	v24 =	vld [tilespmem:$0x1FE00];
	v54 =	vadd.f32 v0, v9  }
0x327: {  	v0 =	vmul.f32 v1, v1;
	v1 =	vsub.f32 v7, v4;
	v4 =	vadd.f32 v63, v2;
	v2 =	vld [tilespmem:$0x1FE10]  }
0x328: {  	v22 =	vadd.s32 v25, v48;
	v25 =	vmul.f32 v19, v19;
	_ =	sdelay $0x1  }
0x329: {  	v18 =	vadd.f32 v25, v4;
	v4 =	vld [tilespmem:$0x1FE20];
	_ =	sdelay $0x1  }
0x32a: {  	v47 =	vld.idx.msk [tilespmem:v21+s19+$0x0], $0xffff;
	v20 =	vadd.s32 v24, v48;
	v26 =	vadd.s32 v2, v48  }
0x32b: {  	v2 =	vadd.f32 v0, v14;
	v0 =	vmul.f32 v1, v1;
	v1 =	vsub.f32 v7, v19  }
0x32c: {  	v9 =	vld.idx.msk [tilespmem:v22+s19+$0x0], $0xffff  }
0x32d: {  	v62 =	vadd.s32 v4, v48;
	v4 =	vadd.f32 v0, v15;
	v0 =	vmul.f32 v1, v1;
	v1 =	vld [tilespmem:$0x1FE30]  }
0x32e: {  	v27 =	vld.idx.msk [tilespmem:v27+s19+$0x0], $0xffff  }
0x32f: {  	v56 =	vld [tilespmem:$0x1FE40];
	v61 =	vmul.f32 v47, v47  }
0x330: {  	v13 =	vsub.f32 v7, v47;
	v15 =	vld.idx.msk [tilespmem:v20+s19+$0x0], $0xffff  }
0x331: {  	v18 =	vadd.f32 v61, v18;
	v63 =	vmul.f32 v9, v9;
	v9 =	vsub.f32 v7, v9;
	v25 =	vld.idx.msk [tilespmem:v26+s19+$0x0], $0xffff  }
0x332: {  	v24 =	vadd.s32 v1, v48;
	v1 =	vadd.f32 v0, v57;
	v0 =	vmul.f32 v13, v13;
	v57 =	vld.idx.msk [tilespmem:v62+s19+$0x0], $0xffff  }
0x333: {  	v18 =	vadd.f32 v63, v18;
	v47 =	vmul.f32 v27, v27;
	v62 =	vld [tilespmem:$0x1FE60]  }
0x334: {  	v9 =	vmul.f32 v9, v9;
	v0 =	vadd.f32 v0, v10;
	v10 =	vsub.f32 v7, v27;
	v27 =	vld [tilespmem:$0x1FE50]  }
0x335: {  	v18 =	vadd.f32 v47, v18;
	v26 =	vmul.f32 v15, v15  }
0x336: {  	v63 =	vadd.f32 v9, v58;
	v9 =	vmul.f32 v10, v10  }
0x337: {  	v21 =	vadd.s32 v56, v48;
	v18 =	vadd.f32 v26, v18;
	v10 =	vsub.f32 v7, v15  }
0x338: {  	v58 =	vmul.f32 v25, v25;
	v47 =	vld.idx.msk [tilespmem:v24+s19+$0x0], $0xffff;
	v20 =	vadd.s32 v62, v48;
	v62 =	vadd.f32 v9, v59  }
0x339: {  	v9 =	vmul.f32 v10, v10;
	v10 =	vsub.f32 v7, v25;
	v25 =	vld [tilespmem:$0x1FE70];
	v22 =	vadd.s32 v27, v48  }
0x33a: {  	v23 =	vld [tilespmem:$0x1FE90]  }
0x33b: {  	v18 =	vadd.f32 v58, v18;
	v24 =	vmul.f32 v57, v57;
	v27 =	vld [tilespmem:$0x1FE80]  }
0x33c: {  	v13 =	vld.idx.msk [tilespmem:v21+s19+$0x0], $0xffff;
	v61 =	vadd.f32 v9, v60;
	v9 =	vmul.f32 v10, v10  }
0x33d: {  	v18 =	vadd.f32 v24, v18;
	v24 =	vld [tilespmem:$0x1FEA0];
	v10 =	vsub.f32 v7, v57;
	v26 =	vmul.f32 v47, v47  }
0x33e: {  	v59 =	vadd.f32 v9, v16;
	v21 =	vadd.s32 v25, v48;
	v14 =	vld.idx.msk [tilespmem:v22+s19+$0x0], $0xffff  }
0x33f: {  	v9 =	vmul.f32 v10, v10;
	v10 =	vsub.f32 v7, v47;
	v47 =	vadd.f32 v26, v18;
	v26 =	vld [tilespmem:$0x1FEB0]  }
0x340: {  	v15 =	vld.idx.msk [tilespmem:v20+s19+$0x0], $0xffff;
	v22 =	vadd.s32 v27, v48  }
0x341: {  	v19 =	vadd.s32 v23, v48  }
0x342: {  	v60 =	vmul.f32 v13, v13;
	v13 =	vsub.f32 v7, v13  }
0x343: {  	v57 =	vadd.f32 v9, v17;
	v9 =	vmul.f32 v10, v10;
	v17 =	vadd.s32 v24, v48;
	v10 =	vld.idx.msk [tilespmem:v21+s19+$0x0], $0xffff  }
0x344: {  	v16 =	vadd.f32 v60, v47;
	v25 =	vmul.f32 v14, v14;
	v20 =	vadd.s32 v26, v48  }
0x345: {  	v47 =	vmul.f32 v15, v15;
	v15 =	vsub.f32 v7, v15;
	v14 =	vsub.f32 v7, v14;
	v27 =	vld.idx.msk [tilespmem:v22+s19+$0x0], $0xffff  }
0x346: {  	v13 =	vmul.f32 v13, v13;
	v58 =	vadd.f32 v9, v51;
	v48 =	vld.idx.msk [tilespmem:v19+s19+$0x0], $0xffff;
	v9 =	vadd.f32 v25, v16  }
0x347: {  	v19 =	vmul.f32 v15, v15;
	v14 =	vmul.f32 v14, v14  }
0x348: {  	v17 =	vld.idx.msk [tilespmem:v17+s19+$0x0], $0xffff;
	v9 =	vadd.f32 v47, v9;
	v51 =	vsub.f32 v7, v10;
	v10 =	vmul.f32 v10, v10  }
0x349: {  	v60 =	vadd.f32 v13, v49;
	v56 =	vadd.f32 v14, v55;
	v22 =	vld.idx.msk [tilespmem:v20+s19+$0x0], $0xffff  }
0x34a: {  	v55 =	vadd.f32 v19, v52;
	v9 =	vadd.f32 v10, v9;
	v10 =	vmul.f32 v27, v27  }
0x34b: {  	v24 =	vsub.f32 v7, v27;
	v25 =	vsub.f32 v7, v48  }
0x34c: {  	v23 =	vmul.f32 v51, v51;
	v9 =	vadd.f32 v10, v9;
	v10 =	vmul.f32 v48, v48  }
0x34d: {  	p0 =	sne.s32 s25, $0x18;
	v26 =	vsub.f32 v7, v17;
	v13 =	vmul.f32 v24, v24;
	v27 =	vmul.f32 v25, v25  }
.Ltmp0:
0x34e: {  	v9 =	vadd.f32 v10, v9;
	v10 =	vmul.f32 v17, v17;
	v7 =	vsub.f32 v7, v22;
	(pc) =	sbr.rel @p0 .LBB2_4-.Ltmp0, $4  }
0x34f: {  	v47 =	vmul.f32 v26, v26;
	v53 =	vadd.f32 v23, v53;
	v52 =	vadd.f32 v13, v50  }
0x350: {  	v9 =	vadd.f32 v10, v9;
	v7 =	vmul.f32 v7, v7;
	v10 =	vmul.f32 v22, v22  }
0x351: {  	v51 =	vadd.f32 v27, v8;
	v50 =	vadd.f32 v47, v11  }
0x352: {  	s25 =	sadd.s32 $0x8, s25;
	v49 =	vadd.f32 v7, v12;
	v8 =	vadd.f32 v10, v9  }
0x353: {  	s24 =	sor.u32 s22, s24  }
0x354: {  	[tilespmem:s24+$0x17B80] =	vst v6  }
0x355: {  	[tilespmem:s24+$0x17D80] =	vst v5  }
0x356: {  	[tilespmem:s24+$0x17F80] =	vst v8  }
0x357: {  	[tilespmem:s24+$0x18180] =	vst v3  }
0x358: {  	[tilespmem:s24+$0x18380] =	vst v54  }
0x359: {  	[tilespmem:s24+$0x18580] =	vst v2  }
0x35a: {  	[tilespmem:s24+$0x18780] =	vst v4  }
0x35b: {  	[tilespmem:s24+$0x18980] =	vst v1  }
0x35c: {  	[tilespmem:s24+$0x18B80] =	vst v0  }
0x35d: {  	[tilespmem:s24+$0x18D80] =	vst v63  }
0x35e: {  	[tilespmem:s24+$0x18F80] =	vst v62  }
0x35f: {  	[tilespmem:s24+$0x19180] =	vst v61  }
0x360: {  	[tilespmem:s24+$0x19380] =	vst v59  }
0x361: {  	[tilespmem:s24+$0x19580] =	vst v57  }
0x362: {  	[tilespmem:s24+$0x19780] =	vst v58  }
0x363: {  	[tilespmem:s24+$0x19980] =	vst v60  }
0x364: {  	s23 =	sadd.s32 $0x1, s23;
	[tilespmem:s24+$0x19B80] =	vst v56  }
0x365: {  	[tilespmem:s24+$0x19D80] =	vst v55;
	p0 =	sne.s32 s23, $0x8  }
.Ltmp1:
0x366: {  	[tilespmem:s24+$0x19F80] =	vst v53;
	(pc) =	sbr.rel @p0 .LBB2_3-.Ltmp1, $4  }
0x367: {  	[tilespmem:s24+$0x1A180] =	vst v52  }
0x368: {  	[tilespmem:s24+$0x1A380] =	vst v51  }
0x369: {  	[tilespmem:s24+$0x1A580] =	vst v50  }
0x36a: {  	[tilespmem:s24+$0x1A780] =	vst v49  }
0x36b: {  	s21 =	sadd.s32 $0x1, s21  }
0x36c: {  	p0 =	sne.s32 s21, $0x4  }
.Ltmp2:
0x36d: {  	_ = 	snop;
	(pc) =	sbr.rel @p0 .LBB2_2-.Ltmp2, $1  }
0x36e: {  	_ =	sdelay $0x3  }
0x36f: {  	s21 =	simm.s32 $0x0;
	s22 =	rddreg [dreg:$0x5];
	s23 =	simm.s32 $0x17B80  }
0x370: {  	[hbm4b:s22+s21] =	stream.linear.scatter [tilespmem:s23], [sflag:$0x2], $0x200, $0x38;
	[tilespmem:$0x1A980] =	vst v63  }
0x371: {  	_ =	swait.ge [sflag:s11], $0x200  }
0x372: {  	[sflag:s11] =	ssyncset.done $0x0  }
0x373: {  	s25 =	simm.s32 $0x17D80;
	s24 =	rddreg [dreg:$0x6];
	[sflag:s11] =	ssyncadd.s32 $0xFFFFFE00  }
0x374: {  	[hbm4b:s24+s21] =	stream.linear.scatter [tilespmem:s25], [sflag:$0x2], $0x200, $0x38;
	[tilespmem:$0x1A980] =	vst v63  }
0x375: {  	_ =	swait.ge [sflag:s11], $0x200  }
0x376: {  	[sflag:s11] =	ssyncset.done $0x0  }
0x377: {  	s25 =	simm.s32 $0x17F80;
	s24 =	rddreg [dreg:$0x7];
	[sflag:s11] =	ssyncadd.s32 $0xFFFFFE00  }
0x378: {  	[hbm4b:s24+s21] =	stream.linear.scatter [tilespmem:s25], [sflag:$0x2], $0x200, $0x38;
	[tilespmem:$0x1A980] =	vst v63  }
0x379: {  	_ =	swait.ge [sflag:s11], $0x200  }
0x37a: {  	[sflag:s11] =	ssyncset.done $0x0  }
0x37b: {  	s25 =	simm.s32 $0x18180;
	s24 =	rddreg [dreg:$0x8];
	[sflag:s11] =	ssyncadd.s32 $0xFFFFFE00  }
0x37c: {  	[hbm4b:s24+s21] =	stream.linear.scatter [tilespmem:s25], [sflag:$0x2], $0x200, $0x38;
	[tilespmem:$0x1A980] =	vst v63  }
0x37d: {  	_ =	swait.ge [sflag:s11], $0x200  }
0x37e: {  	[sflag:s11] =	ssyncset.done $0x0  }
0x37f: {  	s25 =	simm.s32 $0x18380;
	s24 =	rddreg [dreg:$0x9];
	[sflag:s11] =	ssyncadd.s32 $0xFFFFFE00  }
0x380: {  	[hbm4b:s24+s21] =	stream.linear.scatter [tilespmem:s25], [sflag:$0x2], $0x200, $0x38;
	[tilespmem:$0x1A980] =	vst v63  }
0x381: {  	_ =	swait.ge [sflag:s11], $0x200  }
0x382: {  	[sflag:s11] =	ssyncset.done $0x0  }
0x383: {  	s25 =	simm.s32 $0x18580;
	s24 =	rddreg [dreg:$0xa];
	[sflag:s11] =	ssyncadd.s32 $0xFFFFFE00  }
0x384: {  	[hbm4b:s24+s21] =	stream.linear.scatter [tilespmem:s25], [sflag:$0x2], $0x200, $0x38;
	[tilespmem:$0x1A980] =	vst v63  }
0x385: {  	_ =	swait.ge [sflag:s11], $0x200  }
0x386: {  	[sflag:s11] =	ssyncset.done $0x0  }
0x387: {  	s25 =	simm.s32 $0x18780;
	s24 =	rddreg [dreg:$0xb];
	[sflag:s11] =	ssyncadd.s32 $0xFFFFFE00  }
0x388: {  	[hbm4b:s24+s21] =	stream.linear.scatter [tilespmem:s25], [sflag:$0x2], $0x200, $0x38;
	[tilespmem:$0x1A980] =	vst v63  }
0x389: {  	_ =	swait.ge [sflag:s11], $0x200  }
0x38a: {  	[sflag:s11] =	ssyncset.done $0x0  }
0x38b: {  	s25 =	simm.s32 $0x18980;
	s24 =	rddreg [dreg:$0xc];
	[sflag:s11] =	ssyncadd.s32 $0xFFFFFE00  }
0x38c: {  	[hbm4b:s24+s21] =	stream.linear.scatter [tilespmem:s25], [sflag:$0x2], $0x200, $0x38;
	[tilespmem:$0x1A980] =	vst v63  }
0x38d: {  	_ =	swait.ge [sflag:s11], $0x200  }
0x38e: {  	[sflag:s11] =	ssyncset.done $0x0  }
0x38f: {  	s25 =	simm.s32 $0x18B80;
	s24 =	rddreg [dreg:$0xd];
	[sflag:s11] =	ssyncadd.s32 $0xFFFFFE00  }
0x390: {  	[hbm4b:s24+s21] =	stream.linear.scatter [tilespmem:s25], [sflag:$0x2], $0x200, $0x38;
	[tilespmem:$0x1A980] =	vst v63  }
0x391: {  	_ =	swait.ge [sflag:s11], $0x200  }
0x392: {  	[sflag:s11] =	ssyncset.done $0x0  }
0x393: {  	s25 =	simm.s32 $0x18D80;
	s24 =	rddreg [dreg:$0xe];
	[sflag:s11] =	ssyncadd.s32 $0xFFFFFE00  }
0x394: {  	[hbm4b:s24+s21] =	stream.linear.scatter [tilespmem:s25], [sflag:$0x2], $0x200, $0x38;
	[tilespmem:$0x1A980] =	vst v63  }
0x395: {  	_ =	swait.ge [sflag:s11], $0x200  }
0x396: {  	[sflag:s11] =	ssyncset.done $0x0  }
0x397: {  	s25 =	simm.s32 $0x18F80;
	s24 =	rddreg [dreg:$0xf];
	[sflag:s11] =	ssyncadd.s32 $0xFFFFFE00  }
0x398: {  	[hbm4b:s24+s21] =	stream.linear.scatter [tilespmem:s25], [sflag:$0x2], $0x200, $0x38;
	[tilespmem:$0x1A980] =	vst v63  }
0x399: {  	_ =	swait.ge [sflag:s11], $0x200  }
0x39a: {  	[sflag:s11] =	ssyncset.done $0x0  }
0x39b: {  	s25 =	simm.s32 $0x19180;
	s24 =	rddreg [dreg:$0x10];
	[sflag:s11] =	ssyncadd.s32 $0xFFFFFE00  }
0x39c: {  	[hbm4b:s24+s21] =	stream.linear.scatter [tilespmem:s25], [sflag:$0x2], $0x200, $0x38;
	[tilespmem:$0x1A980] =	vst v63  }
0x39d: {  	_ =	swait.ge [sflag:s11], $0x200  }
0x39e: {  	[sflag:s11] =	ssyncset.done $0x0  }
0x39f: {  	s25 =	simm.s32 $0x19380;
	s24 =	rddreg [dreg:$0x11];
	[sflag:s11] =	ssyncadd.s32 $0xFFFFFE00  }
0x3a0: {  	[hbm4b:s24+s21] =	stream.linear.scatter [tilespmem:s25], [sflag:$0x2], $0x200, $0x38;
	[tilespmem:$0x1A980] =	vst v63  }
0x3a1: {  	_ =	swait.ge [sflag:s11], $0x200  }
0x3a2: {  	[sflag:s11] =	ssyncset.done $0x0  }
0x3a3: {  	s25 =	simm.s32 $0x19580;
	s24 =	rddreg [dreg:$0x12];
	[sflag:s11] =	ssyncadd.s32 $0xFFFFFE00  }
0x3a4: {  	[hbm4b:s24+s21] =	stream.linear.scatter [tilespmem:s25], [sflag:$0x2], $0x200, $0x38;
	[tilespmem:$0x1A980] =	vst v63  }
0x3a5: {  	_ =	swait.ge [sflag:s11], $0x200  }
0x3a6: {  	[sflag:s11] =	ssyncset.done $0x0  }
0x3a7: {  	s25 =	simm.s32 $0x19780;
	s24 =	rddreg [dreg:$0x13];
	[sflag:s11] =	ssyncadd.s32 $0xFFFFFE00  }
0x3a8: {  	[hbm4b:s24+s21] =	stream.linear.scatter [tilespmem:s25], [sflag:$0x2], $0x200, $0x38;
	[tilespmem:$0x1A980] =	vst v63  }
0x3a9: {  	_ =	swait.ge [sflag:s11], $0x200  }
0x3aa: {  	[sflag:s11] =	ssyncset.done $0x0  }
0x3ab: {  	s25 =	simm.s32 $0x19980;
	s24 =	rddreg [dreg:$0x14];
	[sflag:s11] =	ssyncadd.s32 $0xFFFFFE00  }
0x3ac: {  	[hbm4b:s24+s21] =	stream.linear.scatter [tilespmem:s25], [sflag:$0x2], $0x200, $0x38;
	[tilespmem:$0x1A980] =	vst v63  }
0x3ad: {  	_ =	swait.ge [sflag:s11], $0x200  }
0x3ae: {  	[sflag:s11] =	ssyncset.done $0x0  }
0x3af: {  	s25 =	simm.s32 $0x19B80;
	s24 =	rddreg [dreg:$0x15];
	[sflag:s11] =	ssyncadd.s32 $0xFFFFFE00  }
0x3b0: {  	[hbm4b:s24+s21] =	stream.linear.scatter [tilespmem:s25], [sflag:$0x2], $0x200, $0x38;
	[tilespmem:$0x1A980] =	vst v63  }
0x3b1: {  	_ =	swait.ge [sflag:s11], $0x200  }
0x3b2: {  	[sflag:s11] =	ssyncset.done $0x0  }
0x3b3: {  	s25 =	simm.s32 $0x19D80;
	s24 =	rddreg [dreg:$0x16];
	[sflag:s11] =	ssyncadd.s32 $0xFFFFFE00  }
0x3b4: {  	[hbm4b:s24+s21] =	stream.linear.scatter [tilespmem:s25], [sflag:$0x2], $0x200, $0x38;
	[tilespmem:$0x1A980] =	vst v63  }
0x3b5: {  	_ =	swait.ge [sflag:s11], $0x200  }
0x3b6: {  	[sflag:s11] =	ssyncset.done $0x0  }
0x3b7: {  	s25 =	simm.s32 $0x19F80;
	s24 =	rddreg [dreg:$0x17];
	[sflag:s11] =	ssyncadd.s32 $0xFFFFFE00  }
0x3b8: {  	[hbm4b:s24+s21] =	stream.linear.scatter [tilespmem:s25], [sflag:$0x2], $0x200, $0x38;
	[tilespmem:$0x1A980] =	vst v63  }
0x3b9: {  	_ =	swait.ge [sflag:s11], $0x200  }
0x3ba: {  	[sflag:s11] =	ssyncset.done $0x0  }
0x3bb: {  	s25 =	simm.s32 $0x1A180;
	s24 =	rddreg [dreg:$0x18];
	[sflag:s11] =	ssyncadd.s32 $0xFFFFFE00  }
0x3bc: {  	[hbm4b:s24+s21] =	stream.linear.scatter [tilespmem:s25], [sflag:$0x2], $0x200, $0x38;
	[tilespmem:$0x1A980] =	vst v63  }
0x3bd: {  	_ =	swait.ge [sflag:s11], $0x200  }
0x3be: {  	[sflag:s11] =	ssyncset.done $0x0  }
0x3bf: {  	s25 =	simm.s32 $0x1A380;
	s24 =	rddreg [dreg:$0x19];
	[sflag:s11] =	ssyncadd.s32 $0xFFFFFE00  }
0x3c0: {  	[hbm4b:s24+s21] =	stream.linear.scatter [tilespmem:s25], [sflag:$0x2], $0x200, $0x38;
	[tilespmem:$0x1A980] =	vst v63  }
0x3c1: {  	_ =	swait.ge [sflag:s11], $0x200  }
0x3c2: {  	[sflag:s11] =	ssyncset.done $0x0  }
0x3c3: {  	s25 =	simm.s32 $0x1A580;
	s24 =	rddreg [dreg:$0x1a];
	[sflag:s11] =	ssyncadd.s32 $0xFFFFFE00  }
0x3c4: {  	[hbm4b:s24+s21] =	stream.linear.scatter [tilespmem:s25], [sflag:$0x2], $0x200, $0x38;
	[tilespmem:$0x1A980] =	vst v63  }
0x3c5: {  	_ =	swait.ge [sflag:s11], $0x200  }
0x3c6: {  	[sflag:s11] =	ssyncset.done $0x0  }
0x3c7: {  	s25 =	simm.s32 $0x1A780;
	s24 =	rddreg [dreg:$0x1b];
	[sflag:s11] =	ssyncadd.s32 $0xFFFFFE00  }
0x3c8: {  	[hbm4b:s24+s21] =	stream.linear.scatter [tilespmem:s25], [sflag:$0x2], $0x200, $0x38;
	[tilespmem:$0x1A980] =	vst v63  }
0x3c9: {  	_ =	swait.ge [sflag:s11], $0x200  }
0x3ca: {  	s24 =	rddreg [dreg:$0x1d]  }
0x3cb: {  	s25 =	rddreg [dreg:$0x1c];
	s22 =	sadd.s32 $0x1, s24  }
0x3cc: {  	p0 =	sne.s32 s22, s25  }
.Ltmp3:
0x3cd: {  	_ = 	snop;
	(pc) =	sbr.rel @p0 .LBB2_1-.Ltmp3, $3  }
0x3ce: {  	_ =	sdelay $0x1  }
0x3cf: {  	[sflag:s11] =	ssyncset.done $0x0  }
0x3d0: {  	[sflag:s11] =	ssyncadd.s32 $0xFFFFFE00  }
0x3d1: {  	_ =	sfence.sel $0x180000  }
0x3d2: {  	[bflag:$0x0] =	sbarrier.arrive $0xFFFF  }
0x3d3: {  	_ =	strace $0x90000047  }
0x3d4: {  	s0 =	stileid.u32;
	[bflag:$0x2] =	sbarrier.arrive $0xFFFF  }
0x3d5: {  	p0 =	sne.s32 s0, $0x0;
	s0 =	rddreg [dreg:$0x4]  }
0x3d6: {  	s0 =	sadd.s32 @!p0 $0x100000, s0  }
0x3d7: {  	[sflag:s0] =	ssyncadd.tile.s32 @!p0 $0x1;
	_ =	shalt  }
.Lfunc_end2:
_tile_overlayer_lowered:
.L_overlay_start_2:
0x3d8: {  	(tag) =	ssettag $0x2  }
0x3d9: {  	s0 =	rddreg [dreg:$0x0];
	s2 =	stileid.u32  }
0x3da: {  	s1 =	rddreg [dreg:$0x1];
	p0 =	sne.s32 s2, $0x0  }
0x3db: {  	s3 =	rddreg [dreg:$0x2];
	[bflag:$0x3] =	sbarrier.arrive $0xFFFF;
	s2 =	simm.s32 @!p0 $0x1C02  }
0x3dc: {  	[timem:s3], [sflag:s2] =	dma.local @!p0 [hbm:s0], s1  }
0x3dd: {  	s0 =	simm.s32 @!p0 $0x2  }
0x3de: {  	_ =	swait.ge @!p0 [sflag:s0], s1  }
0x3df: {  	s1 =	ssub.s32 @!p0 $0x0, s1;
	[sflag:s0] =	ssyncset.done @!p0 $0x0  }
0x3e0: {  	[sflag:s0] =	ssyncadd.s32 @!p0 s1  }
0x3e1: {  	[bflag:$0x3] =	sbarrier.arrive $0xFFFF  }
0x3e2: {  	_ =	shalt  }

</sc_bundles>
